<compile_context>
chip_gen: v7x
topology: tpu7x:2x2x1
jax: 0.10.2.dev20260603
libtpu: 0.0.44.dev20260713+nightly
codegen_flags: <defaults>
</compile_context>

<pallas_src>
import jax
import jax.numpy as jnp
import numpy as np
from jax import lax
from jax.experimental import pallas as pl
from jax.experimental.pallas import tpu as pltpu
from jax.experimental.pallas import tpu_sc as plsc

N = 10000
E = 160000
H = 256
HALF = 128
G = 64
CUTOFF = 10.0


BN = 2000


def _xf_body(x_ref, w_ref, out_ref):
    r = jnp.dot(x_ref[...], w_ref[...], preferred_element_type=jnp.float32)
    out_ref[0] = r[:, :HALF]
    out_ref[1] = r[:, HALF:]


def _xf(x, lin1_t):
    return pl.pallas_call(
        _xf_body,
        grid=(N // BN,),
        in_specs=[
            pl.BlockSpec((BN, H), lambda i: (i, 0)),
            pl.BlockSpec((H, H), lambda i: (0, 0)),
        ],
        out_specs=pl.BlockSpec((2, BN, HALF), lambda i: (0, i, 0)),
        out_shape=jax.ShapeDtypeStruct((2, N, HALF), jnp.float32),
    )(x, lin1_t)



BE = 1280


def _ssp(v):
    return jax.nn.softplus(v) - jnp.log(2.0)


def _filt_body(eat_ref, el_ref, w1_ref, b1_ref, w2_ref, b2_ref, out_ref):
    ht = jnp.dot(w1_ref[...], eat_ref[...], preferred_element_type=jnp.float32)
    ht = _ssp(ht + b1_ref[...])
    wt = jnp.dot(w2_ref[...], ht, preferred_element_type=jnp.float32) + b2_ref[...]
    el = el_ref[...]
    c = 0.5 * (jnp.cos(el * (jnp.pi / CUTOFF)) + 1.0)
    c = c * (el <= CUTOFF).astype(jnp.float32) * (el >= 0.0).astype(jnp.float32)
    wt = wt * c
    w = wt.T
    out_ref[0] = w[:, :HALF]
    out_ref[1] = w[:, HALF:]


def _filt(edge_attr_t, el2d, w1, b1, w2, b2, eg):
    return pl.pallas_call(
        _filt_body,
        grid=(eg // BE,),
        in_specs=[
            pl.BlockSpec((G, BE), lambda i: (0, i)),
            pl.BlockSpec((1, BE), lambda i: (0, i)),
            pl.BlockSpec((H, G), lambda i: (0, 0)),
            pl.BlockSpec((H, 1), lambda i: (0, 0)),
            pl.BlockSpec((H, H), lambda i: (0, 0)),
            pl.BlockSpec((H, 1), lambda i: (0, 0)),
        ],
        out_specs=pl.BlockSpec((2, BE, HALF), lambda i: (0, i, 0)),
        out_shape=jax.ShapeDtypeStruct((2, eg, HALF), jnp.float32),
    )(edge_attr_t, el2d, w1, b1, w2, b2)



B = 80
EGROUPS = (40960, 39680, 39680, 39680)
SPS = 632
NP = 16 * SPS
PK = HALF // 2


def _sc_aggregate(xf2, w2, src2, dst, eg):
    epsg = eg // 16
    nch = epsg // B

    def _sc_body(xf2, w2, src2, dst, agg2, sidxs, didx0, didx1, xr0, xr1, wr,
                 accsh, semg0, semg1, semw, semd0, semd1, semsc0, semsc1):
        c = lax.axis_index("c")
        s = lax.axis_index("s")

        pltpu.sync_copy(src2.at[pl.ds(c * eg + s * epsg, epsg)], sidxs)

        zero16 = jnp.zeros((16,), jnp.float32)

        def zrow(i, carry):
            for j in range(HALF // 16):
                xr0[i, pl.ds(j * 16, 16)] = zero16
            return carry

        lax.fori_loop(0, B, zrow, 0)
        full, rem = divmod(SPS, B)
        for t in range(full):
            pltpu.sync_copy(xr0, accsh.at[pl.ds(s * SPS + t * B, B)])
        if rem:
            pltpu.sync_copy(xr0.at[pl.ds(0, rem)],
                            accsh.at[pl.ds(s * SPS + full * B, rem)])
        plsc.subcore_barrier()

        ebase = s * epsg
        gbase = c * eg + ebase

        pltpu.async_copy(dst.at[pl.ds(ebase, B)], didx0, semd0)
        pltpu.async_copy(w2.at[pl.ds(gbase, B)], wr, semw)
        pltpu.async_copy(xf2.at[sidxs.at[pl.ds(0, B)]], xr0, semg0)

        def chunk(k, carry):
            def run(xr, semg, di, semd, semsc, xr_o, semg_o, di_o, semd_o,
                    semsc_o):
                @pl.when(k >= 1)
                def _drain_sc():
                    pltpu.make_async_copy(xr_o, accsh.at[di_o],
                                          semsc_o).wait()

                @pl.when(k + 1 < nch)
                def _issue():
                    pltpu.async_copy(
                        xf2.at[sidxs.at[pl.ds((k + 1) * B, B)]], xr_o,
                        semg_o)
                    pltpu.async_copy(
                        dst.at[pl.ds(ebase + (k + 1) * B, B)], di_o, semd_o)

                pltpu.make_async_copy(xf2.at[pl.ds(0, B)], xr, semg).wait()
                pltpu.make_async_copy(w2.at[pl.ds(0, B)], wr, semw).wait()

                @plsc.parallel_loop(0, B, 1, unroll=4)
                def mul(i):
                    for j in range(HALF // 16):
                        sl = pl.ds(j * 16, 16)
                        xr[i, sl] = xr[i, sl] * wr[i, sl]

                @pl.when(k + 1 < nch)
                def _issue_w():
                    pltpu.async_copy(
                        w2.at[pl.ds(gbase + (k + 1) * B, B)], wr, semw)

                pltpu.make_async_copy(dst.at[pl.ds(0, B)], di, semd).wait()
                pltpu.async_copy(xr, accsh.at[di], semsc, add=True)

            @pl.when(k % 2 == 0)
            def _even():
                run(xr0, semg0, didx0, semd0, semsc0,
                    xr1, semg1, didx1, semd1, semsc1)

            @pl.when(k % 2 == 1)
            def _odd():
                run(xr1, semg1, didx1, semd1, semsc1,
                    xr0, semg0, didx0, semd0, semsc0)

            return carry

        lax.fori_loop(0, nch, chunk, 0)
        if (nch - 1) % 2 == 0:
            pltpu.make_async_copy(xr0, accsh.at[didx0], semsc0).wait()
        else:
            pltpu.make_async_copy(xr1, accsh.at[didx1], semsc1).wait()
        plsc.subcore_barrier()

        pltpu.sync_copy(accsh.at[pl.ds(s * SPS, SPS)],
                        agg2.at[pl.ds(c * NP + s * SPS, SPS)])

    mesh = plsc.VectorSubcoreMesh(core_axis_name="c", subcore_axis_name="s",
                                  num_cores=2, num_subcores=16)
    return pl.kernel(
        _sc_body,
        out_type=jax.ShapeDtypeStruct((2 * NP, HALF), jnp.float32),
        mesh=mesh,
        scratch_types=[
            pltpu.VMEM((epsg,), jnp.int32),
            pltpu.VMEM((B,), jnp.int32),
            pltpu.VMEM((B,), jnp.int32),
            pltpu.VMEM((B, HALF), jnp.float32),
            pltpu.VMEM((B, HALF), jnp.float32),
            pltpu.VMEM((B, HALF), jnp.float32),
            pltpu.VMEM_SHARED((NP, HALF), jnp.float32),
            pltpu.SemaphoreType.DMA,
            pltpu.SemaphoreType.DMA,
            pltpu.SemaphoreType.DMA,
            pltpu.SemaphoreType.DMA,
            pltpu.SemaphoreType.DMA,
            pltpu.SemaphoreType.DMA,
            pltpu.SemaphoreType.DMA,
        ],
    )(xf2, w2, src2, dst)




def _out_body(*refs):
    g_refs = refs[:len(EGROUPS)]
    w2_ref, b2_ref, w_ref, b_ref, out_ref = refs[len(EGROUPS):]
    a0 = g_refs[0][0]
    a1 = g_refs[0][1]
    for g_ref in g_refs[1:]:
        a0 = a0 + g_ref[0]
        a1 = a1 + g_ref[1]
    r = (jnp.dot(a0, w2_ref[:HALF], preferred_element_type=jnp.float32)
         + jnp.dot(a1, w2_ref[HALF:], preferred_element_type=jnp.float32)
         + b2_ref[...])
    r = _ssp(r)
    out_ref[...] = jnp.dot(r, w_ref[...], preferred_element_type=jnp.float32) + b_ref[...]


def _out_mlp(aggs, lin2_t, lin2_b, lin_t, lin_b):
    return pl.pallas_call(
        _out_body,
        grid=(N // BN,),
        in_specs=[
            pl.BlockSpec((2, BN, HALF), lambda i: (0, i, 0))
            for _ in EGROUPS
        ] + [
            pl.BlockSpec((H, H), lambda i: (0, 0)),
            pl.BlockSpec((1, H), lambda i: (0, 0)),
            pl.BlockSpec((H, H), lambda i: (0, 0)),
            pl.BlockSpec((1, H), lambda i: (0, 0)),
        ],
        out_specs=pl.BlockSpec((BN, H), lambda i: (i, 0)),
        out_shape=jax.ShapeDtypeStruct((N, H), jnp.float32),
    )(*aggs, lin2_t, lin2_b, lin_t, lin_b)



_PERM = np.array(
    [32 * (c // 32) + 2 * (c % 32) if (c % 32) < 16
     else 32 * (c // 32) + 2 * ((c % 32) - 16) + 1
     for c in range(HALF)], dtype=np.int32)
_PERM_FULL = np.concatenate([_PERM, HALF + _PERM])


def kernel(x, edge_index, edge_length, edge_attr, lin1_w, mlp_w1, mlp_b1,
           mlp_w2, mlp_b2, lin2_w, lin2_b, lin_w, lin_b):
    src = edge_index[0].astype(jnp.int32)
    dst = edge_index[1].astype(jnp.int32)
    eat = edge_attr.T

    xf2 = _xf(x, lin1_w.T).reshape(2 * N, HALF)

    aggs = []
    los = [0]
    for eg in EGROUPS[:-1]:
        los.append(los[-1] + eg)
    for lo, eg in zip(los, EGROUPS):
        w2_g = _filt(eat[:, lo:lo + eg],
                     lax.dynamic_slice_in_dim(edge_length, lo, eg).reshape(1, eg),
                     mlp_w1, mlp_b1.reshape(H, 1), mlp_w2,
                     mlp_b2.reshape(H, 1), eg).reshape(2 * eg, HALF)
        src_g = lax.dynamic_slice_in_dim(src, lo, eg)
        dst_g = lax.dynamic_slice_in_dim(dst, lo, eg)
        src2_g = jnp.concatenate([src_g, src_g + N])
        aggs.append(_sc_aggregate(xf2, w2_g, src2_g, dst_g,
                                  eg).reshape(2, NP, HALF))
    out = _out_mlp(aggs, lin2_w.T, lin2_b.reshape(1, H),
                   lin_w.T, lin_b.reshape(1, H))
    return out

# --- scband reference (transcript-rebuilt; emitter-appended) ---
"""Pipeline reference for scband-interaction-block-266287973047 (READ-ONLY COPY).

The authoritative reference and input builder live on the scoring server;
editing this copy changes nothing except your own understanding.
"""

import jax, jax.numpy as jnp
import numpy as np

N = 10000
E = 160000
HIDDEN = 256
NUM_GAUSSIANS = 64
NUM_FILTERS = 256
CUTOFF = 10.0
SMOOTH = True


def setup_inputs(seed: int = 0) -> dict:
    key = jax.random.key(seed)
    ks = jax.random.split(key, 12)
    x = jax.random.normal(ks[0], (N, HIDDEN), dtype=jnp.float32)
    edge_index = jax.random.randint(ks[1], (2, E), 0, N, dtype=jnp.int64)
    edge_length = jax.random.uniform(ks[2], (E,), dtype=jnp.float32)
    edge_attr = jax.random.normal(ks[3], (E, NUM_GAUSSIANS), dtype=jnp.float32)
    # learned parameters (torch Linear convention: weight shape [out, in])
    lin1_w = jax.random.normal(ks[4], (NUM_FILTERS, HIDDEN), dtype=jnp.float32) * (1.0 / np.sqrt(HIDDEN))
    mlp_w1 = jax.random.normal(ks[5], (NUM_FILTERS, NUM_GAUSSIANS), dtype=jnp.float32) * (1.0 / np.sqrt(NUM_GAUSSIANS))
    mlp_b1 = jnp.zeros((NUM_FILTERS,), dtype=jnp.float32)
    mlp_w2 = jax.random.normal(ks[6], (NUM_FILTERS, NUM_FILTERS), dtype=jnp.float32) * (1.0 / np.sqrt(NUM_FILTERS))
    mlp_b2 = jnp.zeros((NUM_FILTERS,), dtype=jnp.float32)
    lin2_w = jax.random.normal(ks[7], (HIDDEN, NUM_FILTERS), dtype=jnp.float32) * (1.0 / np.sqrt(NUM_FILTERS))
    lin2_b = jnp.zeros((HIDDEN,), dtype=jnp.float32)
    lin_w = jax.random.normal(ks[8], (HIDDEN, HIDDEN), dtype=jnp.float32) * (1.0 / np.sqrt(HIDDEN))
    lin_b = jnp.zeros((HIDDEN,), dtype=jnp.float32)
    return {
        "x": x, "edge_index": edge_index, "edge_length": edge_length, "edge_attr": edge_attr,
        "lin1_w": lin1_w, "mlp_w1": mlp_w1, "mlp_b1": mlp_b1, "mlp_w2": mlp_w2, "mlp_b2": mlp_b2,
        "lin2_w": lin2_w, "lin2_b": lin2_b, "lin_w": lin_w, "lin_b": lin_b,
    }


def _ssp(v):
    # ShiftedSoftplus: softplus(v) - log(2)
    return jax.nn.softplus(v) - jnp.log(2.0)


def reference(x, edge_index, edge_length, edge_attr,
              lin1_w, mlp_w1, mlp_b1, mlp_w2, mlp_b2,
              lin2_w, lin2_b, lin_w, lin_b):
    # CFConv
    if SMOOTH:
        C = 0.5 * (jnp.cos(edge_length * jnp.pi / CUTOFF) + 1.0)
        C = C * (edge_length <= CUTOFF).astype(C.dtype) * (edge_length >= 0.0).astype(C.dtype)
    else:
        C = (edge_length <= CUTOFF).astype(jnp.float32)
    # filter-generating network (Linear -> ShiftedSoftplus -> Linear)
    h = edge_attr @ mlp_w1.T + mlp_b1
    h = _ssp(h)
    W = h @ mlp_w2.T + mlp_b2
    W = W * C[:, None]
    # lin1 (no bias)
    xf = x @ lin1_w.T
    # propagate with aggr='add': message = x_j * W, scatter-add to dst
    src = edge_index[0]
    dst = edge_index[1]
    msg = jnp.take(xf, src, axis=0) * W
    agg = jax.ops.segment_sum(msg, dst, num_segments=N)
    # lin2
    out = agg @ lin2_w.T + lin2_b
    # act + lin
    out = _ssp(out)
    out = out @ lin_w.T + lin_b
    return out

if __name__ == "__main__":
    import jax
    _d = setup_inputs()
    print(jax.jit(kernel)(*tuple(_d.values())))

</pallas_src>

<mosaic_0001>
#map = affine_map<(d0, d1) -> (0, 0)>
#map1 = affine_map<(d0, d1) -> (0)>
module attributes {stable_mosaic.version = 14 : i64} {
  func.func @_sc_body(%arg0: i32, %arg1: i32, %arg2: memref<20000x128xf32, #tpu.memory_space<hbm>>, %arg3: memref<79360x128xf32, #tpu.memory_space<hbm>>, %arg4: memref<79360xi32, #tpu.memory_space<hbm>>, %arg5: memref<39680xi32, #tpu.memory_space<hbm>>, %arg6: memref<20224x128xf32, #tpu.memory_space<hbm>>, %arg7: memref<2480xi32, #tpu.memory_space<vmem>>, %arg8: memref<80xi32, #tpu.memory_space<vmem>>, %arg9: memref<80xi32, #tpu.memory_space<vmem>>, %arg10: memref<80x128xf32, #tpu.memory_space<vmem>>, %arg11: memref<80x128xf32, #tpu.memory_space<vmem>>, %arg12: memref<80x128xf32, #tpu.memory_space<vmem>>, %arg13: memref<10112x128xf32, #tpu.memory_space<vmem_shared>>, %arg14: memref<!tpu.dma_semaphore, #tpu.memory_space<semaphore_mem>>, %arg15: memref<!tpu.dma_semaphore, #tpu.memory_space<semaphore_mem>>, %arg16: memref<!tpu.dma_semaphore, #tpu.memory_space<semaphore_mem>>, %arg17: memref<!tpu.dma_semaphore, #tpu.memory_space<semaphore_mem>>, %arg18: memref<!tpu.dma_semaphore, #tpu.memory_space<semaphore_mem>>, %arg19: memref<!tpu.dma_semaphore, #tpu.memory_space<semaphore_mem>>, %arg20: memref<!tpu.dma_semaphore, #tpu.memory_space<semaphore_mem>>) attributes {dimension_semantics = [#tpu.dimension_semantics<core_parallel>, #tpu.dimension_semantics<subcore_parallel>], iteration_bounds = array<i64: 2, 16>, scalar_prefetch = 0 : i64, scratch_operands = 14 : i64, tpu.core_type = #tpu.core_type<sc_vector_subcore>, window_params = [{transform_indices = #map}, {transform_indices = #map}, {transform_indices = #map1}, {transform_indices = #map1}, {transform_indices = #map}]} {
    %mul3A = arith.constant 39680 : i32
    %mul3A_0 = arith.muli %arg0, %mul3A : i32
    %mul3A_1 = arith.constant 2480 : i32
    %mul3A_2 = arith.muli %arg1, %mul3A_1 : i32
    %add3A = arith.addi %mul3A_0, %mul3A_2 : i32
    "tpu.region"() ({
      %run_scoped3A = tpu.sem_alloc : memref<!tpu.dma_semaphore, #tpu.memory_space<semaphore_mem>>
      %dma_start3A_72 = tpu.memref_slice %arg4[%add3A] : memref<79360xi32, #tpu.memory_space<hbm>> -> memref<2480xi32, #tpu.memory_space<hbm>>
      %dma_start3A_73 = tpu.memref_slice %arg4[%add3A] : memref<79360xi32, #tpu.memory_space<hbm>> -> memref<2480xi32, #tpu.memory_space<hbm>>
      tpu.enqueue_dma source(%dma_start3A_73 : memref<2480xi32, #tpu.memory_space<hbm>>) target(%arg7 : memref<2480xi32, #tpu.memory_space<vmem>>) target_semaphore(%run_scoped3A : memref<!tpu.dma_semaphore, #tpu.memory_space<semaphore_mem>>)
      %dma_wait3A_74 = tpu.memref_slice %arg4[%add3A] : memref<79360xi32, #tpu.memory_space<hbm>> -> memref<2480xi32, #tpu.memory_space<hbm>>
      %dma_wait3A_75 = tpu.memref_slice %arg4[%add3A] : memref<79360xi32, #tpu.memory_space<hbm>> -> memref<2480xi32, #tpu.memory_space<hbm>>
      tpu.wait_dma2 semaphore(%run_scoped3A : memref<!tpu.dma_semaphore, #tpu.memory_space<semaphore_mem>>) src(%dma_wait3A_75 : memref<2480xi32, #tpu.memory_space<hbm>>) dst(%arg7 : memref<2480xi32, #tpu.memory_space<vmem>>)
      tpu.yield
    }) : () -> ()
    %broadcast_in_dim3A = arith.constant 0.000000e+00 : f32
    %broadcast_in_dim3A_3 = vector.broadcast %broadcast_in_dim3A : f32 to vector<16xf32>
    %scan3A = arith.constant 0 : i32
    %scan3A_4 = arith.constant 0 : i32
    %scan3A_5 = arith.constant 80 : i32
    %scan3A_6 = arith.addi %scan3A_4, %scan3A_5 : i32
    %scan3A_7 = arith.constant 1 : i32
    scf.for %scan3A_72 = %scan3A_4 to %scan3A_6 step %scan3A_7  : i32 {
      %swap3A = arith.index_cast %scan3A_72 : i32 to index
      %swap3A_73 = arith.constant 0 : index
      %swap3A_74 = tpu.vector_load %arg10[%swap3A, %swap3A_73] {strides = array<i32>} : memref<80x128xf32, #tpu.memory_space<vmem>>, vector<1x16xf32>,
      %swap3A_75 = vector.shape_cast %swap3A_74 : vector<1x16xf32> to vector<16xf32>
      %swap3A_76 = vector.shape_cast %broadcast_in_dim3A_3 : vector<16xf32> to vector<1x16xf32>
      tpu.vector_store %arg10[%swap3A, %swap3A_73], %swap3A_76 {strides = array<i32>} : memref<80x128xf32, #tpu.memory_space<vmem>>, vector<1x16xf32>,
      %swap3A_77 = arith.index_cast %scan3A_72 : i32 to index
      %swap3A_78 = arith.constant 16 : index
      %swap3A_79 = tpu.vector_load %arg10[%swap3A_77, %swap3A_78] {strides = array<i32>} : memref<80x128xf32, #tpu.memory_space<vmem>>, vector<1x16xf32>,
      %swap3A_80 = vector.shape_cast %swap3A_79 : vector<1x16xf32> to vector<16xf32>
      %swap3A_81 = vector.shape_cast %broadcast_in_dim3A_3 : vector<16xf32> to vector<1x16xf32>
      tpu.vector_store %arg10[%swap3A_77, %swap3A_78], %swap3A_81 {strides = array<i32>} : memref<80x128xf32, #tpu.memory_space<vmem>>, vector<1x16xf32>,
      %swap3A_82 = arith.index_cast %scan3A_72 : i32 to index
      %swap3A_83 = arith.constant 32 : index
      %swap3A_84 = tpu.vector_load %arg10[%swap3A_82, %swap3A_83] {strides = array<i32>} : memref<80x128xf32, #tpu.memory_space<vmem>>, vector<1x16xf32>,
      %swap3A_85 = vector.shape_cast %swap3A_84 : vector<1x16xf32> to vector<16xf32>
      %swap3A_86 = vector.shape_cast %broadcast_in_dim3A_3 : vector<16xf32> to vector<1x16xf32>
      tpu.vector_store %arg10[%swap3A_82, %swap3A_83], %swap3A_86 {strides = array<i32>} : memref<80x128xf32, #tpu.memory_space<vmem>>, vector<1x16xf32>,
      %swap3A_87 = arith.index_cast %scan3A_72 : i32 to index
      %swap3A_88 = arith.constant 48 : index
      %swap3A_89 = tpu.vector_load %arg10[%swap3A_87, %swap3A_88] {strides = array<i32>} : memref<80x128xf32, #tpu.memory_space<vmem>>, vector<1x16xf32>,
      %swap3A_90 = vector.shape_cast %swap3A_89 : vector<1x16xf32> to vector<16xf32>
      %swap3A_91 = vector.shape_cast %broadcast_in_dim3A_3 : vector<16xf32> to vector<1x16xf32>
      tpu.vector_store %arg10[%swap3A_87, %swap3A_88], %swap3A_91 {strides = array<i32>} : memref<80x128xf32, #tpu.memory_space<vmem>>, vector<1x16xf32>,
      %swap3A_92 = arith.index_cast %scan3A_72 : i32 to index
      %swap3A_93 = arith.constant 64 : index
      %swap3A_94 = tpu.vector_load %arg10[%swap3A_92, %swap3A_93] {strides = array<i32>} : memref<80x128xf32, #tpu.memory_space<vmem>>, vector<1x16xf32>,
      %swap3A_95 = vector.shape_cast %swap3A_94 : vector<1x16xf32> to vector<16xf32>
      %swap3A_96 = vector.shape_cast %broadcast_in_dim3A_3 : vector<16xf32> to vector<1x16xf32>
      tpu.vector_store %arg10[%swap3A_92, %swap3A_93], %swap3A_96 {strides = array<i32>} : memref<80x128xf32, #tpu.memory_space<vmem>>, vector<1x16xf32>,
      %swap3A_97 = arith.index_cast %scan3A_72 : i32 to index
      %swap3A_98 = arith.constant 80 : index
      %swap3A_99 = tpu.vector_load %arg10[%swap3A_97, %swap3A_98] {strides = array<i32>} : memref<80x128xf32, #tpu.memory_space<vmem>>, vector<1x16xf32>,
      %swap3A_100 = vector.shape_cast %swap3A_99 : vector<1x16xf32> to vector<16xf32>
      %swap3A_101 = vector.shape_cast %broadcast_in_dim3A_3 : vector<16xf32> to vector<1x16xf32>
      tpu.vector_store %arg10[%swap3A_97, %swap3A_98], %swap3A_101 {strides = array<i32>} : memref<80x128xf32, #tpu.memory_space<vmem>>, vector<1x16xf32>,
      %swap3A_102 = arith.index_cast %scan3A_72 : i32 to index
      %swap3A_103 = arith.constant 96 : index
      %swap3A_104 = tpu.vector_load %arg10[%swap3A_102, %swap3A_103] {strides = array<i32>} : memref<80x128xf32, #tpu.memory_space<vmem>>, vector<1x16xf32>,
      %swap3A_105 = vector.shape_cast %swap3A_104 : vector<1x16xf32> to vector<16xf32>
      %swap3A_106 = vector.shape_cast %broadcast_in_dim3A_3 : vector<16xf32> to vector<1x16xf32>
      tpu.vector_store %arg10[%swap3A_102, %swap3A_103], %swap3A_106 {strides = array<i32>} : memref<80x128xf32, #tpu.memory_space<vmem>>, vector<1x16xf32>,
      %swap3A_107 = arith.index_cast %scan3A_72 : i32 to index
      %swap3A_108 = arith.constant 112 : index
      %swap3A_109 = tpu.vector_load %arg10[%swap3A_107, %swap3A_108] {strides = array<i32>} : memref<80x128xf32, #tpu.memory_space<vmem>>, vector<1x16xf32>,
      %swap3A_110 = vector.shape_cast %swap3A_109 : vector<1x16xf32> to vector<16xf32>
      %swap3A_111 = vector.shape_cast %broadcast_in_dim3A_3 : vector<16xf32> to vector<1x16xf32>
      tpu.vector_store %arg10[%swap3A_107, %swap3A_108], %swap3A_111 {strides = array<i32>} : memref<80x128xf32, #tpu.memory_space<vmem>>, vector<1x16xf32>,
    }
    %scan3A_8 = arith.constant 80 : i32
    %mul3A_9 = arith.constant 632 : i32
    %mul3A_10 = arith.muli %arg1, %mul3A_9 : i32
    %add3A_11 = arith.constant 0 : i32
    %add3A_12 = arith.addi %mul3A_10, %add3A_11 : i32
    "tpu.region"() ({
      %run_scoped3A = tpu.sem_alloc : memref<!tpu.dma_semaphore, #tpu.memory_space<semaphore_mem>>
      %dma_start3A_72 = arith.constant 0 : i32
      %dma_start3A_73 = tpu.memref_slice %arg13[%add3A_12, %dma_start3A_72] : memref<10112x128xf32, #tpu.memory_space<vmem_shared>> -> memref<80x128xf32, #tpu.memory_space<vmem_shared>>
      %dma_start3A_74 = arith.constant 0 : i32
      %dma_start3A_75 = tpu.memref_slice %arg13[%add3A_12, %dma_start3A_74] : memref<10112x128xf32, #tpu.memory_space<vmem_shared>> -> memref<80x128xf32, #tpu.memory_space<vmem_shared>>
      tpu.enqueue_dma source(%arg10 : memref<80x128xf32, #tpu.memory_space<vmem>>) target(%dma_start3A_75 : memref<80x128xf32, #tpu.memory_space<vmem_shared>>) target_semaphore(%run_scoped3A : memref<!tpu.dma_semaphore, #tpu.memory_space<semaphore_mem>>)
      %dma_wait3A_76 = arith.constant 0 : i32
      %dma_wait3A_77 = tpu.memref_slice %arg13[%add3A_12, %dma_wait3A_76] : memref<10112x128xf32, #tpu.memory_space<vmem_shared>> -> memref<80x128xf32, #tpu.memory_space<vmem_shared>>
      %dma_wait3A_78 = arith.constant 0 : i32
      %dma_wait3A_79 = tpu.memref_slice %arg13[%add3A_12, %dma_wait3A_78] : memref<10112x128xf32, #tpu.memory_space<vmem_shared>> -> memref<80x128xf32, #tpu.memory_space<vmem_shared>>
      tpu.wait_dma2 semaphore(%run_scoped3A : memref<!tpu.dma_semaphore, #tpu.memory_space<semaphore_mem>>) src(%arg10 : memref<80x128xf32, #tpu.memory_space<vmem>>) dst(%dma_wait3A_79 : memref<80x128xf32, #tpu.memory_space<vmem_shared>>)
      tpu.yield
    }) : () -> ()
    %mul3A_13 = arith.constant 632 : i32
    %mul3A_14 = arith.muli %arg1, %mul3A_13 : i32
    %add3A_15 = arith.constant 80 : i32
    %add3A_16 = arith.addi %mul3A_14, %add3A_15 : i32
    "tpu.region"() ({
      %run_scoped3A = tpu.sem_alloc : memref<!tpu.dma_semaphore, #tpu.memory_space<semaphore_mem>>
      %dma_start3A_72 = arith.constant 0 : i32
      %dma_start3A_73 = tpu.memref_slice %arg13[%add3A_16, %dma_start3A_72] : memref<10112x128xf32, #tpu.memory_space<vmem_shared>> -> memref<80x128xf32, #tpu.memory_space<vmem_shared>>
      %dma_start3A_74 = arith.constant 0 : i32
      %dma_start3A_75 = tpu.memref_slice %arg13[%add3A_16, %dma_start3A_74] : memref<10112x128xf32, #tpu.memory_space<vmem_shared>> -> memref<80x128xf32, #tpu.memory_space<vmem_shared>>
      tpu.enqueue_dma source(%arg10 : memref<80x128xf32, #tpu.memory_space<vmem>>) target(%dma_start3A_75 : memref<80x128xf32, #tpu.memory_space<vmem_shared>>) target_semaphore(%run_scoped3A : memref<!tpu.dma_semaphore, #tpu.memory_space<semaphore_mem>>)
      %dma_wait3A_76 = arith.constant 0 : i32
      %dma_wait3A_77 = tpu.memref_slice %arg13[%add3A_16, %dma_wait3A_76] : memref<10112x128xf32, #tpu.memory_space<vmem_shared>> -> memref<80x128xf32, #tpu.memory_space<vmem_shared>>
      %dma_wait3A_78 = arith.constant 0 : i32
      %dma_wait3A_79 = tpu.memref_slice %arg13[%add3A_16, %dma_wait3A_78] : memref<10112x128xf32, #tpu.memory_space<vmem_shared>> -> memref<80x128xf32, #tpu.memory_space<vmem_shared>>
      tpu.wait_dma2 semaphore(%run_scoped3A : memref<!tpu.dma_semaphore, #tpu.memory_space<semaphore_mem>>) src(%arg10 : memref<80x128xf32, #tpu.memory_space<vmem>>) dst(%dma_wait3A_79 : memref<80x128xf32, #tpu.memory_space<vmem_shared>>)
      tpu.yield
    }) : () -> ()
    %mul3A_17 = arith.constant 632 : i32
    %mul3A_18 = arith.muli %arg1, %mul3A_17 : i32
    %add3A_19 = arith.constant 160 : i32
    %add3A_20 = arith.addi %mul3A_18, %add3A_19 : i32
    "tpu.region"() ({
      %run_scoped3A = tpu.sem_alloc : memref<!tpu.dma_semaphore, #tpu.memory_space<semaphore_mem>>
      %dma_start3A_72 = arith.constant 0 : i32
      %dma_start3A_73 = tpu.memref_slice %arg13[%add3A_20, %dma_start3A_72] : memref<10112x128xf32, #tpu.memory_space<vmem_shared>> -> memref<80x128xf32, #tpu.memory_space<vmem_shared>>
      %dma_start3A_74 = arith.constant 0 : i32
      %dma_start3A_75 = tpu.memref_slice %arg13[%add3A_20, %dma_start3A_74] : memref<10112x128xf32, #tpu.memory_space<vmem_shared>> -> memref<80x128xf32, #tpu.memory_space<vmem_shared>>
      tpu.enqueue_dma source(%arg10 : memref<80x128xf32, #tpu.memory_space<vmem>>) target(%dma_start3A_75 : memref<80x128xf32, #tpu.memory_space<vmem_shared>>) target_semaphore(%run_scoped3A : memref<!tpu.dma_semaphore, #tpu.memory_space<semaphore_mem>>)
      %dma_wait3A_76 = arith.constant 0 : i32
      %dma_wait3A_77 = tpu.memref_slice %arg13[%add3A_20, %dma_wait3A_76] : memref<10112x128xf32, #tpu.memory_space<vmem_shared>> -> memref<80x128xf32, #tpu.memory_space<vmem_shared>>
      %dma_wait3A_78 = arith.constant 0 : i32
      %dma_wait3A_79 = tpu.memref_slice %arg13[%add3A_20, %dma_wait3A_78] : memref<10112x128xf32, #tpu.memory_space<vmem_shared>> -> memref<80x128xf32, #tpu.memory_space<vmem_shared>>
      tpu.wait_dma2 semaphore(%run_scoped3A : memref<!tpu.dma_semaphore, #tpu.memory_space<semaphore_mem>>) src(%arg10 : memref<80x128xf32, #tpu.memory_space<vmem>>) dst(%dma_wait3A_79 : memref<80x128xf32, #tpu.memory_space<vmem_shared>>)
      tpu.yield
    }) : () -> ()
    %mul3A_21 = arith.constant 632 : i32
    %mul3A_22 = arith.muli %arg1, %mul3A_21 : i32
    %add3A_23 = arith.constant 240 : i32
    %add3A_24 = arith.addi %mul3A_22, %add3A_23 : i32
    "tpu.region"() ({
      %run_scoped3A = tpu.sem_alloc : memref<!tpu.dma_semaphore, #tpu.memory_space<semaphore_mem>>
      %dma_start3A_72 = arith.constant 0 : i32
      %dma_start3A_73 = tpu.memref_slice %arg13[%add3A_24, %dma_start3A_72] : memref<10112x128xf32, #tpu.memory_space<vmem_shared>> -> memref<80x128xf32, #tpu.memory_space<vmem_shared>>
      %dma_start3A_74 = arith.constant 0 : i32
      %dma_start3A_75 = tpu.memref_slice %arg13[%add3A_24, %dma_start3A_74] : memref<10112x128xf32, #tpu.memory_space<vmem_shared>> -> memref<80x128xf32, #tpu.memory_space<vmem_shared>>
      tpu.enqueue_dma source(%arg10 : memref<80x128xf32, #tpu.memory_space<vmem>>) target(%dma_start3A_75 : memref<80x128xf32, #tpu.memory_space<vmem_shared>>) target_semaphore(%run_scoped3A : memref<!tpu.dma_semaphore, #tpu.memory_space<semaphore_mem>>)
      %dma_wait3A_76 = arith.constant 0 : i32
      %dma_wait3A_77 = tpu.memref_slice %arg13[%add3A_24, %dma_wait3A_76] : memref<10112x128xf32, #tpu.memory_space<vmem_shared>> -> memref<80x128xf32, #tpu.memory_space<vmem_shared>>
      %dma_wait3A_78 = arith.constant 0 : i32
      %dma_wait3A_79 = tpu.memref_slice %arg13[%add3A_24, %dma_wait3A_78] : memref<10112x128xf32, #tpu.memory_space<vmem_shared>> -> memref<80x128xf32, #tpu.memory_space<vmem_shared>>
      tpu.wait_dma2 semaphore(%run_scoped3A : memref<!tpu.dma_semaphore, #tpu.memory_space<semaphore_mem>>) src(%arg10 : memref<80x128xf32, #tpu.memory_space<vmem>>) dst(%dma_wait3A_79 : memref<80x128xf32, #tpu.memory_space<vmem_shared>>)
      tpu.yield
    }) : () -> ()
    %mul3A_25 = arith.constant 632 : i32
    %mul3A_26 = arith.muli %arg1, %mul3A_25 : i32
    %add3A_27 = arith.constant 320 : i32
    %add3A_28 = arith.addi %mul3A_26, %add3A_27 : i32
    "tpu.region"() ({
      %run_scoped3A = tpu.sem_alloc : memref<!tpu.dma_semaphore, #tpu.memory_space<semaphore_mem>>
      %dma_start3A_72 = arith.constant 0 : i32
      %dma_start3A_73 = tpu.memref_slice %arg13[%add3A_28, %dma_start3A_72] : memref<10112x128xf32, #tpu.memory_space<vmem_shared>> -> memref<80x128xf32, #tpu.memory_space<vmem_shared>>
      %dma_start3A_74 = arith.constant 0 : i32
      %dma_start3A_75 = tpu.memref_slice %arg13[%add3A_28, %dma_start3A_74] : memref<10112x128xf32, #tpu.memory_space<vmem_shared>> -> memref<80x128xf32, #tpu.memory_space<vmem_shared>>
      tpu.enqueue_dma source(%arg10 : memref<80x128xf32, #tpu.memory_space<vmem>>) target(%dma_start3A_75 : memref<80x128xf32, #tpu.memory_space<vmem_shared>>) target_semaphore(%run_scoped3A : memref<!tpu.dma_semaphore, #tpu.memory_space<semaphore_mem>>)
      %dma_wait3A_76 = arith.constant 0 : i32
      %dma_wait3A_77 = tpu.memref_slice %arg13[%add3A_28, %dma_wait3A_76] : memref<10112x128xf32, #tpu.memory_space<vmem_shared>> -> memref<80x128xf32, #tpu.memory_space<vmem_shared>>
      %dma_wait3A_78 = arith.constant 0 : i32
      %dma_wait3A_79 = tpu.memref_slice %arg13[%add3A_28, %dma_wait3A_78] : memref<10112x128xf32, #tpu.memory_space<vmem_shared>> -> memref<80x128xf32, #tpu.memory_space<vmem_shared>>
      tpu.wait_dma2 semaphore(%run_scoped3A : memref<!tpu.dma_semaphore, #tpu.memory_space<semaphore_mem>>) src(%arg10 : memref<80x128xf32, #tpu.memory_space<vmem>>) dst(%dma_wait3A_79 : memref<80x128xf32, #tpu.memory_space<vmem_shared>>)
      tpu.yield
    }) : () -> ()
    %mul3A_29 = arith.constant 632 : i32
    %mul3A_30 = arith.muli %arg1, %mul3A_29 : i32
    %add3A_31 = arith.constant 400 : i32
    %add3A_32 = arith.addi %mul3A_30, %add3A_31 : i32
    "tpu.region"() ({
      %run_scoped3A = tpu.sem_alloc : memref<!tpu.dma_semaphore, #tpu.memory_space<semaphore_mem>>
      %dma_start3A_72 = arith.constant 0 : i32
      %dma_start3A_73 = tpu.memref_slice %arg13[%add3A_32, %dma_start3A_72] : memref<10112x128xf32, #tpu.memory_space<vmem_shared>> -> memref<80x128xf32, #tpu.memory_space<vmem_shared>>
      %dma_start3A_74 = arith.constant 0 : i32
      %dma_start3A_75 = tpu.memref_slice %arg13[%add3A_32, %dma_start3A_74] : memref<10112x128xf32, #tpu.memory_space<vmem_shared>> -> memref<80x128xf32, #tpu.memory_space<vmem_shared>>
      tpu.enqueue_dma source(%arg10 : memref<80x128xf32, #tpu.memory_space<vmem>>) target(%dma_start3A_75 : memref<80x128xf32, #tpu.memory_space<vmem_shared>>) target_semaphore(%run_scoped3A : memref<!tpu.dma_semaphore, #tpu.memory_space<semaphore_mem>>)
      %dma_wait3A_76 = arith.constant 0 : i32
      %dma_wait3A_77 = tpu.memref_slice %arg13[%add3A_32, %dma_wait3A_76] : memref<10112x128xf32, #tpu.memory_space<vmem_shared>> -> memref<80x128xf32, #tpu.memory_space<vmem_shared>>
      %dma_wait3A_78 = arith.constant 0 : i32
      %dma_wait3A_79 = tpu.memref_slice %arg13[%add3A_32, %dma_wait3A_78] : memref<10112x128xf32, #tpu.memory_space<vmem_shared>> -> memref<80x128xf32, #tpu.memory_space<vmem_shared>>
      tpu.wait_dma2 semaphore(%run_scoped3A : memref<!tpu.dma_semaphore, #tpu.memory_space<semaphore_mem>>) src(%arg10 : memref<80x128xf32, #tpu.memory_space<vmem>>) dst(%dma_wait3A_79 : memref<80x128xf32, #tpu.memory_space<vmem_shared>>)
      tpu.yield
    }) : () -> ()
    %mul3A_33 = arith.constant 632 : i32
    %mul3A_34 = arith.muli %arg1, %mul3A_33 : i32
    %add3A_35 = arith.constant 480 : i32
    %add3A_36 = arith.addi %mul3A_34, %add3A_35 : i32
    "tpu.region"() ({
      %run_scoped3A = tpu.sem_alloc : memref<!tpu.dma_semaphore, #tpu.memory_space<semaphore_mem>>
      %dma_start3A_72 = arith.constant 0 : i32
      %dma_start3A_73 = tpu.memref_slice %arg13[%add3A_36, %dma_start3A_72] : memref<10112x128xf32, #tpu.memory_space<vmem_shared>> -> memref<80x128xf32, #tpu.memory_space<vmem_shared>>
      %dma_start3A_74 = arith.constant 0 : i32
      %dma_start3A_75 = tpu.memref_slice %arg13[%add3A_36, %dma_start3A_74] : memref<10112x128xf32, #tpu.memory_space<vmem_shared>> -> memref<80x128xf32, #tpu.memory_space<vmem_shared>>
      tpu.enqueue_dma source(%arg10 : memref<80x128xf32, #tpu.memory_space<vmem>>) target(%dma_start3A_75 : memref<80x128xf32, #tpu.memory_space<vmem_shared>>) target_semaphore(%run_scoped3A : memref<!tpu.dma_semaphore, #tpu.memory_space<semaphore_mem>>)
      %dma_wait3A_76 = arith.constant 0 : i32
      %dma_wait3A_77 = tpu.memref_slice %arg13[%add3A_36, %dma_wait3A_76] : memref<10112x128xf32, #tpu.memory_space<vmem_shared>> -> memref<80x128xf32, #tpu.memory_space<vmem_shared>>
      %dma_wait3A_78 = arith.constant 0 : i32
      %dma_wait3A_79 = tpu.memref_slice %arg13[%add3A_36, %dma_wait3A_78] : memref<10112x128xf32, #tpu.memory_space<vmem_shared>> -> memref<80x128xf32, #tpu.memory_space<vmem_shared>>
      tpu.wait_dma2 semaphore(%run_scoped3A : memref<!tpu.dma_semaphore, #tpu.memory_space<semaphore_mem>>) src(%arg10 : memref<80x128xf32, #tpu.memory_space<vmem>>) dst(%dma_wait3A_79 : memref<80x128xf32, #tpu.memory_space<vmem_shared>>)
      tpu.yield
    }) : () -> ()
    %mul3A_37 = arith.constant 632 : i32
    %mul3A_38 = arith.muli %arg1, %mul3A_37 : i32
    %add3A_39 = arith.constant 560 : i32
    %add3A_40 = arith.addi %mul3A_38, %add3A_39 : i32
    "tpu.region"() ({
      %run_scoped3A = tpu.sem_alloc : memref<!tpu.dma_semaphore, #tpu.memory_space<semaphore_mem>>
      %dma_start3A_72 = arith.constant 0 : i32
      %dma_start3A_73 = arith.constant 0 : i32
      %dma_start3A_74 = tpu.memref_slice %arg10[%dma_start3A_72, %dma_start3A_73] : memref<80x128xf32, #tpu.memory_space<vmem>> -> memref<72x128xf32, #tpu.memory_space<vmem>>
      %dma_start3A_75 = arith.constant 0 : i32
      %dma_start3A_76 = tpu.memref_slice %arg13[%add3A_40, %dma_start3A_75] : memref<10112x128xf32, #tpu.memory_space<vmem_shared>> -> memref<72x128xf32, #tpu.memory_space<vmem_shared>>
      %dma_start3A_77 = arith.constant 0 : i32
      %dma_start3A_78 = tpu.memref_slice %arg13[%add3A_40, %dma_start3A_77] : memref<10112x128xf32, #tpu.memory_space<vmem_shared>> -> memref<72x128xf32, #tpu.memory_space<vmem_shared>>
      %dma_start3A_79 = arith.constant 0 : i32
      %dma_start3A_80 = arith.constant 0 : i32
      %dma_start3A_81 = tpu.memref_slice %arg10[%dma_start3A_79, %dma_start3A_80] : memref<80x128xf32, #tpu.memory_space<vmem>> -> memref<72x128xf32, #tpu.memory_space<vmem>>
      tpu.enqueue_dma source(%dma_start3A_81 : memref<72x128xf32, #tpu.memory_space<vmem>>) target(%dma_start3A_78 : memref<72x128xf32, #tpu.memory_space<vmem_shared>>) target_semaphore(%run_scoped3A : memref<!tpu.dma_semaphore, #tpu.memory_space<semaphore_mem>>)
      %dma_wait3A_82 = arith.constant 0 : i32
      %dma_wait3A_83 = arith.constant 0 : i32
      %dma_wait3A_84 = tpu.memref_slice %arg10[%dma_wait3A_82, %dma_wait3A_83] : memref<80x128xf32, #tpu.memory_space<vmem>> -> memref<72x128xf32, #tpu.memory_space<vmem>>
      %dma_wait3A_85 = arith.constant 0 : i32
      %dma_wait3A_86 = tpu.memref_slice %arg13[%add3A_40, %dma_wait3A_85] : memref<10112x128xf32, #tpu.memory_space<vmem_shared>> -> memref<72x128xf32, #tpu.memory_space<vmem_shared>>
      %dma_wait3A_87 = arith.constant 0 : i32
      %dma_wait3A_88 = tpu.memref_slice %arg13[%add3A_40, %dma_wait3A_87] : memref<10112x128xf32, #tpu.memory_space<vmem_shared>> -> memref<72x128xf32, #tpu.memory_space<vmem_shared>>
      %dma_wait3A_89 = arith.constant 0 : i32
      %dma_wait3A_90 = arith.constant 0 : i32
      %dma_wait3A_91 = tpu.memref_slice %arg10[%dma_wait3A_89, %dma_wait3A_90] : memref<80x128xf32, #tpu.memory_space<vmem>> -> memref<72x128xf32, #tpu.memory_space<vmem>>
      tpu.wait_dma2 semaphore(%run_scoped3A : memref<!tpu.dma_semaphore, #tpu.memory_space<semaphore_mem>>) src(%dma_wait3A_91 : memref<72x128xf32, #tpu.memory_space<vmem>>) dst(%dma_wait3A_88 : memref<72x128xf32, #tpu.memory_space<vmem_shared>>)
      tpu.yield
    }) : () -> ()
    %barrier3A = arith.constant 0 : index
    tpu.barrier barrier_id(%barrier3A)
    %mul3A_41 = arith.constant 2480 : i32
    %mul3A_42 = arith.muli %arg1, %mul3A_41 : i32
    %mul3A_43 = arith.constant 39680 : i32
    %mul3A_44 = arith.muli %arg0, %mul3A_43 : i32
    %add3A_45 = arith.addi %mul3A_44, %mul3A_42 : i32
    %dma_start3A = tpu.memref_slice %arg5[%mul3A_42] : memref<39680xi32, #tpu.memory_space<hbm>> -> memref<80xi32, #tpu.memory_space<hbm>>
    %dma_start3A_46 = tpu.memref_slice %arg5[%mul3A_42] : memref<39680xi32, #tpu.memory_space<hbm>> -> memref<80xi32, #tpu.memory_space<hbm>>
    tpu.enqueue_dma source(%dma_start3A_46 : memref<80xi32, #tpu.memory_space<hbm>>) target(%arg8 : memref<80xi32, #tpu.memory_space<vmem>>) target_semaphore(%arg17 : memref<!tpu.dma_semaphore, #tpu.memory_space<semaphore_mem>>)
    %dma_start3A_47 = arith.constant 0 : i32
    %dma_start3A_48 = tpu.memref_slice %arg3[%add3A_45, %dma_start3A_47] : memref<79360x128xf32, #tpu.memory_space<hbm>> -> memref<80x128xf32, #tpu.memory_space<hbm>>
    %dma_start3A_49 = arith.constant 0 : i32
    %dma_start3A_50 = tpu.memref_slice %arg3[%add3A_45, %dma_start3A_49] : memref<79360x128xf32, #tpu.memory_space<hbm>> -> memref<80x128xf32, #tpu.memory_space<hbm>>
    tpu.enqueue_dma source(%dma_start3A_50 : memref<80x128xf32, #tpu.memory_space<hbm>>) target(%arg12 : memref<80x128xf32, #tpu.memory_space<vmem>>) target_semaphore(%arg16 : memref<!tpu.dma_semaphore, #tpu.memory_space<semaphore_mem>>)
    %dma_start3A_51 = arith.constant 0 : i32
    %dma_start3A_52 = tpu.memref_slice %arg7[%dma_start3A_51] : memref<2480xi32, #tpu.memory_space<vmem>> -> memref<80xi32, #tpu.memory_space<vmem>>
    %dma_start3A_53 = arith.constant 0 : i32
    %dma_start3A_54 = arith.constant 0 : i32
    %dma_start3A_55 = tpu.memref_slice %arg2[%dma_start3A_53, %dma_start3A_54] : memref<20000x128xf32, #tpu.memory_space<hbm>> -> memref<20000x128xf32, #tpu.memory_space<hbm>>
    tpu.enqueue_indirect_dma source(%dma_start3A_55 : memref<20000x128xf32, #tpu.memory_space<hbm>>) target(%arg10 : memref<80x128xf32, #tpu.memory_space<vmem>>) offsets(%dma_start3A_52 : memref<80xi32, #tpu.memory_space<vmem>>) semaphore(%arg14 : memref<!tpu.dma_semaphore, #tpu.memory_space<semaphore_mem>>)
    %scan3A_56 = arith.constant 0 : i32
    %scan3A_57 = arith.constant 0 : i32
    %scan3A_58 = arith.constant 31 : i32
    %scan3A_59 = arith.addi %scan3A_57, %scan3A_58 : i32
    %scan3A_60 = arith.constant 1 : i32
    scf.for %scan3A_72 = %scan3A_57 to %scan3A_59 step %scan3A_60  : i32 {
      %jit3A = arith.constant 2 : i32
      %eq3A = arith.constant 0 : i32
      %eq3A_73 = arith.cmpi eq, %jit3A, %eq3A : i32
      %jit3A_74 = arith.constant 1 : i32
      %select_n3A = arith.select %eq3A_73, %jit3A_74, %jit3A : i32
      %rem3A = arith.remsi %scan3A_72, %select_n3A : i32
      %ne3A = arith.constant 0 : i32
      %ne3A_75 = arith.cmpi ne, %rem3A, %ne3A : i32
      %lt3A = arith.constant 0 : i32
      %lt3A_76 = arith.cmpi slt, %rem3A, %lt3A : i32
      %lt3A_77 = arith.constant 0 : i32
      %lt3A_78 = arith.cmpi slt, %select_n3A, %lt3A_77 : i32
      %ne3A_79 = arith.xori %lt3A_76, %lt3A_78 : i1
      %and3A = arith.andi %ne3A_79, %ne3A_75 : i1
      %add3A_80 = arith.addi %rem3A, %select_n3A : i32
      %select_n3A_81 = arith.select %and3A, %add3A_80, %rem3A : i32
      %eq3A_82 = arith.constant 0 : i32
      %eq3A_83 = arith.cmpi eq, %select_n3A_81, %eq3A_82 : i32
      %convert_element_type3A = arith.extui %eq3A_83 : i1 to i32
      %cond3A = arith.constant 0 : i32
      %cond3A_84 = arith.cmpi ne, %convert_element_type3A, %cond3A : i32
      scf.if %cond3A_84 {
        %ge3A = arith.constant 1 : i32
        %ge3A_106 = arith.cmpi sge, %scan3A_72, %ge3A : i32
        %convert_element_type3A_107 = arith.extui %ge3A_106 : i1 to i32
        %cond3A_108 = arith.constant 0 : i32
        %cond3A_109 = arith.cmpi ne, %convert_element_type3A_107, %cond3A_108 : i32
        scf.if %cond3A_109 {
          %dma_wait3A_145 = arith.constant 0 : i32
          %dma_wait3A_146 = arith.constant 0 : i32
          %dma_wait3A_147 = tpu.memref_slice %arg13[%dma_wait3A_145, %dma_wait3A_146] : memref<10112x128xf32, #tpu.memory_space<vmem_shared>> -> memref<10112x128xf32, #tpu.memory_space<vmem_shared>>
          tpu.wait_indirect_dma semaphore(%arg20 : memref<!tpu.dma_semaphore, #tpu.memory_space<semaphore_mem>>) src(%arg11 : memref<80x128xf32, #tpu.memory_space<vmem>>) dst(%dma_wait3A_147 : memref<10112x128xf32, #tpu.memory_space<vmem_shared>>)
        } else {
        }
        %add3A_110 = arith.constant 1 : i32
        %add3A_111 = arith.addi %scan3A_72, %add3A_110 : i32
        %lt3A_112 = arith.constant 31 : i32
        %lt3A_113 = arith.cmpi slt, %add3A_111, %lt3A_112 : i32
        %convert_element_type3A_114 = arith.extui %lt3A_113 : i1 to i32
        %cond3A_115 = arith.constant 0 : i32
        %cond3A_116 = arith.cmpi ne, %convert_element_type3A_114, %cond3A_115 : i32
        scf.if %cond3A_116 {
          %add3A_145 = arith.constant 1 : i32
          %add3A_146 = arith.addi %scan3A_72, %add3A_145 : i32
          %mul3A_147 = arith.constant 80 : i32
          %mul3A_148 = arith.muli %add3A_146, %mul3A_147 : i32
          %dma_start3A_149 = tpu.memref_slice %arg7[%mul3A_148] : memref<2480xi32, #tpu.memory_space<vmem>> -> memref<80xi32, #tpu.memory_space<vmem>>
          %dma_start3A_150 = arith.constant 0 : i32
          %dma_start3A_151 = arith.constant 0 : i32
          %dma_start3A_152 = tpu.memref_slice %arg2[%dma_start3A_150, %dma_start3A_151] : memref<20000x128xf32, #tpu.memory_space<hbm>> -> memref<20000x128xf32, #tpu.memory_space<hbm>>
          tpu.enqueue_indirect_dma source(%dma_start3A_152 : memref<20000x128xf32, #tpu.memory_space<hbm>>) target(%arg11 : memref<80x128xf32, #tpu.memory_space<vmem>>) offsets(%dma_start3A_149 : memref<80xi32, #tpu.memory_space<vmem>>) semaphore(%arg15 : memref<!tpu.dma_semaphore, #tpu.memory_space<semaphore_mem>>)
          %add3A_153 = arith.constant 1 : i32
          %add3A_154 = arith.addi %scan3A_72, %add3A_153 : i32
          %mul3A_155 = arith.constant 80 : i32
          %mul3A_156 = arith.muli %add3A_154, %mul3A_155 : i32
          %add3A_157 = arith.addi %mul3A_42, %mul3A_156 : i32
          %dma_start3A_158 = tpu.memref_slice %arg5[%add3A_157] : memref<39680xi32, #tpu.memory_space<hbm>> -> memref<80xi32, #tpu.memory_space<hbm>>
          %dma_start3A_159 = tpu.memref_slice %arg5[%add3A_157] : memref<39680xi32, #tpu.memory_space<hbm>> -> memref<80xi32, #tpu.memory_space<hbm>>
          tpu.enqueue_dma source(%dma_start3A_159 : memref<80xi32, #tpu.memory_space<hbm>>) target(%arg9 : memref<80xi32, #tpu.memory_space<vmem>>) target_semaphore(%arg18 : memref<!tpu.dma_semaphore, #tpu.memory_space<semaphore_mem>>)
        } else {
        }
        %dma_wait3A_117 = arith.constant 0 : i32
        %dma_wait3A_118 = arith.constant 0 : i32
        %dma_wait3A_119 = tpu.memref_slice %arg2[%dma_wait3A_117, %dma_wait3A_118] : memref<20000x128xf32, #tpu.memory_space<hbm>> -> memref<80x128xf32, #tpu.memory_space<hbm>>
        %dma_wait3A_120 = arith.constant 0 : i32
        %dma_wait3A_121 = arith.constant 0 : i32
        %dma_wait3A_122 = tpu.memref_slice %arg2[%dma_wait3A_120, %dma_wait3A_121] : memref<20000x128xf32, #tpu.memory_space<hbm>> -> memref<80x128xf32, #tpu.memory_space<hbm>>
        tpu.wait_dma2 semaphore(%arg14 : memref<!tpu.dma_semaphore, #tpu.memory_space<semaphore_mem>>) src(%dma_wait3A_122 : memref<80x128xf32, #tpu.memory_space<hbm>>) dst(%arg10 : memref<80x128xf32, #tpu.memory_space<vmem>>)
        %dma_wait3A_123 = arith.constant 0 : i32
        %dma_wait3A_124 = arith.constant 0 : i32
        %dma_wait3A_125 = tpu.memref_slice %arg3[%dma_wait3A_123, %dma_wait3A_124] : memref<79360x128xf32, #tpu.memory_space<hbm>> -> memref<80x128xf32, #tpu.memory_space<hbm>>
        %dma_wait3A_126 = arith.constant 0 : i32
        %dma_wait3A_127 = arith.constant 0 : i32
        %dma_wait3A_128 = tpu.memref_slice %arg3[%dma_wait3A_126, %dma_wait3A_127] : memref<79360x128xf32, #tpu.memory_space<hbm>> -> memref<80x128xf32, #tpu.memory_space<hbm>>
        tpu.wait_dma2 semaphore(%arg16 : memref<!tpu.dma_semaphore, #tpu.memory_space<semaphore_mem>>) src(%dma_wait3A_128 : memref<80x128xf32, #tpu.memory_space<hbm>>) dst(%arg12 : memref<80x128xf32, #tpu.memory_space<vmem>>)
        %parallel_loop3A = arith.constant 0 : i32
        %parallel_loop3A_129 = arith.constant 80 : i32
        %parallel_loop3A_130 = arith.constant 1 : i32
        scf.for %parallel_loop3A_145 = %parallel_loop3A to %parallel_loop3A_129 step %parallel_loop3A_130  : i32 {
          %parallel_loop3A_146 = arith.index_cast %parallel_loop3A_145 : i32 to index
          %parallel_loop3A_147 = arith.constant 0 : index
          %parallel_loop3A_148 = tpu.vector_load %arg10[%parallel_loop3A_146, %parallel_loop3A_147] {strides = array<i32>} : memref<80x128xf32, #tpu.memory_space<vmem>>, vector<1x16xf32>,
          %parallel_loop3A_149 = vector.shape_cast %parallel_loop3A_148 : vector<1x16xf32> to vector<16xf32>
          %parallel_loop3A_150 = arith.index_cast %parallel_loop3A_145 : i32 to index
          %parallel_loop3A_151 = arith.constant 0 : index
          %parallel_loop3A_152 = tpu.vector_load %arg12[%parallel_loop3A_150, %parallel_loop3A_151] {strides = array<i32>} : memref<80x128xf32, #tpu.memory_space<vmem>>, vector<1x16xf32>,
          %parallel_loop3A_153 = vector.shape_cast %parallel_loop3A_152 : vector<1x16xf32> to vector<16xf32>
          %parallel_loop3A_154 = arith.mulf %parallel_loop3A_149, %parallel_loop3A_153 : vector<16xf32>
          %parallel_loop3A_155 = arith.index_cast %parallel_loop3A_145 : i32 to index
          %parallel_loop3A_156 = arith.constant 0 : index
          %parallel_loop3A_157 = tpu.vector_load %arg10[%parallel_loop3A_155, %parallel_loop3A_156] {strides = array<i32>} : memref<80x128xf32, #tpu.memory_space<vmem>>, vector<1x16xf32>,
          %parallel_loop3A_158 = vector.shape_cast %parallel_loop3A_157 : vector<1x16xf32> to vector<16xf32>
          %parallel_loop3A_159 = vector.shape_cast %parallel_loop3A_154 : vector<16xf32> to vector<1x16xf32>
          tpu.vector_store %arg10[%parallel_loop3A_155, %parallel_loop3A_156], %parallel_loop3A_159 {strides = array<i32>} : memref<80x128xf32, #tpu.memory_space<vmem>>, vector<1x16xf32>,
          %parallel_loop3A_160 = arith.index_cast %parallel_loop3A_145 : i32 to index
          %parallel_loop3A_161 = arith.constant 16 : index
          %parallel_loop3A_162 = tpu.vector_load %arg10[%parallel_loop3A_160, %parallel_loop3A_161] {strides = array<i32>} : memref<80x128xf32, #tpu.memory_space<vmem>>, vector<1x16xf32>,
          %parallel_loop3A_163 = vector.shape_cast %parallel_loop3A_162 : vector<1x16xf32> to vector<16xf32>
          %parallel_loop3A_164 = arith.index_cast %parallel_loop3A_145 : i32 to index
          %parallel_loop3A_165 = arith.constant 16 : index
          %parallel_loop3A_166 = tpu.vector_load %arg12[%parallel_loop3A_164, %parallel_loop3A_165] {strides = array<i32>} : memref<80x128xf32, #tpu.memory_space<vmem>>, vector<1x16xf32>,
          %parallel_loop3A_167 = vector.shape_cast %parallel_loop3A_166 : vector<1x16xf32> to vector<16xf32>
          %parallel_loop3A_168 = arith.mulf %parallel_loop3A_163, %parallel_loop3A_167 : vector<16xf32>
          %parallel_loop3A_169 = arith.index_cast %parallel_loop3A_145 : i32 to index
          %parallel_loop3A_170 = arith.constant 16 : index
          %parallel_loop3A_171 = tpu.vector_load %arg10[%parallel_loop3A_169, %parallel_loop3A_170] {strides = array<i32>} : memref<80x128xf32, #tpu.memory_space<vmem>>, vector<1x16xf32>,
          %parallel_loop3A_172 = vector.shape_cast %parallel_loop3A_171 : vector<1x16xf32> to vector<16xf32>
          %parallel_loop3A_173 = vector.shape_cast %parallel_loop3A_168 : vector<16xf32> to vector<1x16xf32>
          tpu.vector_store %arg10[%parallel_loop3A_169, %parallel_loop3A_170], %parallel_loop3A_173 {strides = array<i32>} : memref<80x128xf32, #tpu.memory_space<vmem>>, vector<1x16xf32>,
          %parallel_loop3A_174 = arith.index_cast %parallel_loop3A_145 : i32 to index
          %parallel_loop3A_175 = arith.constant 32 : index
          %parallel_loop3A_176 = tpu.vector_load %arg10[%parallel_loop3A_174, %parallel_loop3A_175] {strides = array<i32>} : memref<80x128xf32, #tpu.memory_space<vmem>>, vector<1x16xf32>,
          %parallel_loop3A_177 = vector.shape_cast %parallel_loop3A_176 : vector<1x16xf32> to vector<16xf32>
          %parallel_loop3A_178 = arith.index_cast %parallel_loop3A_145 : i32 to index
          %parallel_loop3A_179 = arith.constant 32 : index
          %parallel_loop3A_180 = tpu.vector_load %arg12[%parallel_loop3A_178, %parallel_loop3A_179] {strides = array<i32>} : memref<80x128xf32, #tpu.memory_space<vmem>>, vector<1x16xf32>,
          %parallel_loop3A_181 = vector.shape_cast %parallel_loop3A_180 : vector<1x16xf32> to vector<16xf32>
          %parallel_loop3A_182 = arith.mulf %parallel_loop3A_177, %parallel_loop3A_181 : vector<16xf32>
          %parallel_loop3A_183 = arith.index_cast %parallel_loop3A_145 : i32 to index
          %parallel_loop3A_184 = arith.constant 32 : index
          %parallel_loop3A_185 = tpu.vector_load %arg10[%parallel_loop3A_183, %parallel_loop3A_184] {strides = array<i32>} : memref<80x128xf32, #tpu.memory_space<vmem>>, vector<1x16xf32>,
          %parallel_loop3A_186 = vector.shape_cast %parallel_loop3A_185 : vector<1x16xf32> to vector<16xf32>
          %parallel_loop3A_187 = vector.shape_cast %parallel_loop3A_182 : vector<16xf32> to vector<1x16xf32>
          tpu.vector_store %arg10[%parallel_loop3A_183, %parallel_loop3A_184], %parallel_loop3A_187 {strides = array<i32>} : memref<80x128xf32, #tpu.memory_space<vmem>>, vector<1x16xf32>,
          %parallel_loop3A_188 = arith.index_cast %parallel_loop3A_145 : i32 to index
          %parallel_loop3A_189 = arith.constant 48 : index
          %parallel_loop3A_190 = tpu.vector_load %arg10[%parallel_loop3A_188, %parallel_loop3A_189] {strides = array<i32>} : memref<80x128xf32, #tpu.memory_space<vmem>>, vector<1x16xf32>,
          %parallel_loop3A_191 = vector.shape_cast %parallel_loop3A_190 : vector<1x16xf32> to vector<16xf32>
          %parallel_loop3A_192 = arith.index_cast %parallel_loop3A_145 : i32 to index
          %parallel_loop3A_193 = arith.constant 48 : index
          %parallel_loop3A_194 = tpu.vector_load %arg12[%parallel_loop3A_192, %parallel_loop3A_193] {strides = array<i32>} : memref<80x128xf32, #tpu.memory_space<vmem>>, vector<1x16xf32>,
          %parallel_loop3A_195 = vector.shape_cast %parallel_loop3A_194 : vector<1x16xf32> to vector<16xf32>
          %parallel_loop3A_196 = arith.mulf %parallel_loop3A_191, %parallel_loop3A_195 : vector<16xf32>
          %parallel_loop3A_197 = arith.index_cast %parallel_loop3A_145 : i32 to index
          %parallel_loop3A_198 = arith.constant 48 : index
          %parallel_loop3A_199 = tpu.vector_load %arg10[%parallel_loop3A_197, %parallel_loop3A_198] {strides = array<i32>} : memref<80x128xf32, #tpu.memory_space<vmem>>, vector<1x16xf32>,
          %parallel_loop3A_200 = vector.shape_cast %parallel_loop3A_199 : vector<1x16xf32> to vector<16xf32>
          %parallel_loop3A_201 = vector.shape_cast %parallel_loop3A_196 : vector<16xf32> to vector<1x16xf32>
          tpu.vector_store %arg10[%parallel_loop3A_197, %parallel_loop3A_198], %parallel_loop3A_201 {strides = array<i32>} : memref<80x128xf32, #tpu.memory_space<vmem>>, vector<1x16xf32>,
          %parallel_loop3A_202 = arith.index_cast %parallel_loop3A_145 : i32 to index
          %parallel_loop3A_203 = arith.constant 64 : index
          %parallel_loop3A_204 = tpu.vector_load %arg10[%parallel_loop3A_202, %parallel_loop3A_203] {strides = array<i32>} : memref<80x128xf32, #tpu.memory_space<vmem>>, vector<1x16xf32>,
          %parallel_loop3A_205 = vector.shape_cast %parallel_loop3A_204 : vector<1x16xf32> to vector<16xf32>
          %parallel_loop3A_206 = arith.index_cast %parallel_loop3A_145 : i32 to index
          %parallel_loop3A_207 = arith.constant 64 : index
          %parallel_loop3A_208 = tpu.vector_load %arg12[%parallel_loop3A_206, %parallel_loop3A_207] {strides = array<i32>} : memref<80x128xf32, #tpu.memory_space<vmem>>, vector<1x16xf32>,
          %parallel_loop3A_209 = vector.shape_cast %parallel_loop3A_208 : vector<1x16xf32> to vector<16xf32>
          %parallel_loop3A_210 = arith.mulf %parallel_loop3A_205, %parallel_loop3A_209 : vector<16xf32>
          %parallel_loop3A_211 = arith.index_cast %parallel_loop3A_145 : i32 to index
          %parallel_loop3A_212 = arith.constant 64 : index
          %parallel_loop3A_213 = tpu.vector_load %arg10[%parallel_loop3A_211, %parallel_loop3A_212] {strides = array<i32>} : memref<80x128xf32, #tpu.memory_space<vmem>>, vector<1x16xf32>,
          %parallel_loop3A_214 = vector.shape_cast %parallel_loop3A_213 : vector<1x16xf32> to vector<16xf32>
          %parallel_loop3A_215 = vector.shape_cast %parallel_loop3A_210 : vector<16xf32> to vector<1x16xf32>
          tpu.vector_store %arg10[%parallel_loop3A_211, %parallel_loop3A_212], %parallel_loop3A_215 {strides = array<i32>} : memref<80x128xf32, #tpu.memory_space<vmem>>, vector<1x16xf32>,
          %parallel_loop3A_216 = arith.index_cast %parallel_loop3A_145 : i32 to index
          %parallel_loop3A_217 = arith.constant 80 : index
          %parallel_loop3A_218 = tpu.vector_load %arg10[%parallel_loop3A_216, %parallel_loop3A_217] {strides = array<i32>} : memref<80x128xf32, #tpu.memory_space<vmem>>, vector<1x16xf32>,
          %parallel_loop3A_219 = vector.shape_cast %parallel_loop3A_218 : vector<1x16xf32> to vector<16xf32>
          %parallel_loop3A_220 = arith.index_cast %parallel_loop3A_145 : i32 to index
          %parallel_loop3A_221 = arith.constant 80 : index
          %parallel_loop3A_222 = tpu.vector_load %arg12[%parallel_loop3A_220, %parallel_loop3A_221] {strides = array<i32>} : memref<80x128xf32, #tpu.memory_space<vmem>>, vector<1x16xf32>,
          %parallel_loop3A_223 = vector.shape_cast %parallel_loop3A_222 : vector<1x16xf32> to vector<16xf32>
          %parallel_loop3A_224 = arith.mulf %parallel_loop3A_219, %parallel_loop3A_223 : vector<16xf32>
          %parallel_loop3A_225 = arith.index_cast %parallel_loop3A_145 : i32 to index
          %parallel_loop3A_226 = arith.constant 80 : index
          %parallel_loop3A_227 = tpu.vector_load %arg10[%parallel_loop3A_225, %parallel_loop3A_226] {strides = array<i32>} : memref<80x128xf32, #tpu.memory_space<vmem>>, vector<1x16xf32>,
          %parallel_loop3A_228 = vector.shape_cast %parallel_loop3A_227 : vector<1x16xf32> to vector<16xf32>
          %parallel_loop3A_229 = vector.shape_cast %parallel_loop3A_224 : vector<16xf32> to vector<1x16xf32>
          tpu.vector_store %arg10[%parallel_loop3A_225, %parallel_loop3A_226], %parallel_loop3A_229 {strides = array<i32>} : memref<80x128xf32, #tpu.memory_space<vmem>>, vector<1x16xf32>,
          %parallel_loop3A_230 = arith.index_cast %parallel_loop3A_145 : i32 to index
          %parallel_loop3A_231 = arith.constant 96 : index
          %parallel_loop3A_232 = tpu.vector_load %arg10[%parallel_loop3A_230, %parallel_loop3A_231] {strides = array<i32>} : memref<80x128xf32, #tpu.memory_space<vmem>>, vector<1x16xf32>,
          %parallel_loop3A_233 = vector.shape_cast %parallel_loop3A_232 : vector<1x16xf32> to vector<16xf32>
          %parallel_loop3A_234 = arith.index_cast %parallel_loop3A_145 : i32 to index
          %parallel_loop3A_235 = arith.constant 96 : index
          %parallel_loop3A_236 = tpu.vector_load %arg12[%parallel_loop3A_234, %parallel_loop3A_235] {strides = array<i32>} : memref<80x128xf32, #tpu.memory_space<vmem>>, vector<1x16xf32>,
          %parallel_loop3A_237 = vector.shape_cast %parallel_loop3A_236 : vector<1x16xf32> to vector<16xf32>
          %parallel_loop3A_238 = arith.mulf %parallel_loop3A_233, %parallel_loop3A_237 : vector<16xf32>
          %parallel_loop3A_239 = arith.index_cast %parallel_loop3A_145 : i32 to index
          %parallel_loop3A_240 = arith.constant 96 : index
          %parallel_loop3A_241 = tpu.vector_load %arg10[%parallel_loop3A_239, %parallel_loop3A_240] {strides = array<i32>} : memref<80x128xf32, #tpu.memory_space<vmem>>, vector<1x16xf32>,
          %parallel_loop3A_242 = vector.shape_cast %parallel_loop3A_241 : vector<1x16xf32> to vector<16xf32>
          %parallel_loop3A_243 = vector.shape_cast %parallel_loop3A_238 : vector<16xf32> to vector<1x16xf32>
          tpu.vector_store %arg10[%parallel_loop3A_239, %parallel_loop3A_240], %parallel_loop3A_243 {strides = array<i32>} : memref<80x128xf32, #tpu.memory_space<vmem>>, vector<1x16xf32>,
          %parallel_loop3A_244 = arith.index_cast %parallel_loop3A_145 : i32 to index
          %parallel_loop3A_245 = arith.constant 112 : index
          %parallel_loop3A_246 = tpu.vector_load %arg10[%parallel_loop3A_244, %parallel_loop3A_245] {strides = array<i32>} : memref<80x128xf32, #tpu.memory_space<vmem>>, vector<1x16xf32>,
          %parallel_loop3A_247 = vector.shape_cast %parallel_loop3A_246 : vector<1x16xf32> to vector<16xf32>
          %parallel_loop3A_248 = arith.index_cast %parallel_loop3A_145 : i32 to index
          %parallel_loop3A_249 = arith.constant 112 : index
          %parallel_loop3A_250 = tpu.vector_load %arg12[%parallel_loop3A_248, %parallel_loop3A_249] {strides = array<i32>} : memref<80x128xf32, #tpu.memory_space<vmem>>, vector<1x16xf32>,
          %parallel_loop3A_251 = vector.shape_cast %parallel_loop3A_250 : vector<1x16xf32> to vector<16xf32>
          %parallel_loop3A_252 = arith.mulf %parallel_loop3A_247, %parallel_loop3A_251 : vector<16xf32>
          %parallel_loop3A_253 = arith.index_cast %parallel_loop3A_145 : i32 to index
          %parallel_loop3A_254 = arith.constant 112 : index
          %parallel_loop3A_255 = tpu.vector_load %arg10[%parallel_loop3A_253, %parallel_loop3A_254] {strides = array<i32>} : memref<80x128xf32, #tpu.memory_space<vmem>>, vector<1x16xf32>,
          %parallel_loop3A_256 = vector.shape_cast %parallel_loop3A_255 : vector<1x16xf32> to vector<16xf32>
          %parallel_loop3A_257 = vector.shape_cast %parallel_loop3A_252 : vector<16xf32> to vector<1x16xf32>
          tpu.vector_store %arg10[%parallel_loop3A_253, %parallel_loop3A_254], %parallel_loop3A_257 {strides = array<i32>} : memref<80x128xf32, #tpu.memory_space<vmem>>, vector<1x16xf32>,
        } {sc.loop_unroll_factor = 4 : i64, sc.parallel_access}
        %add3A_131 = arith.constant 1 : i32
        %add3A_132 = arith.addi %scan3A_72, %add3A_131 : i32
        %lt3A_133 = arith.constant 31 : i32
        %lt3A_134 = arith.cmpi slt, %add3A_132, %lt3A_133 : i32
        %convert_element_type3A_135 = arith.extui %lt3A_134 : i1 to i32
        %cond3A_136 = arith.constant 0 : i32
        %cond3A_137 = arith.cmpi ne, %convert_element_type3A_135, %cond3A_136 : i32
        scf.if %cond3A_137 {
          %add3A_145 = arith.constant 1 : i32
          %add3A_146 = arith.addi %scan3A_72, %add3A_145 : i32
          %mul3A_147 = arith.constant 80 : i32
          %mul3A_148 = arith.muli %add3A_146, %mul3A_147 : i32
          %add3A_149 = arith.addi %add3A_45, %mul3A_148 : i32
          %dma_start3A_150 = arith.constant 0 : i32
          %dma_start3A_151 = tpu.memref_slice %arg3[%add3A_149, %dma_start3A_150] : memref<79360x128xf32, #tpu.memory_space<hbm>> -> memref<80x128xf32, #tpu.memory_space<hbm>>
          %dma_start3A_152 = arith.constant 0 : i32
          %dma_start3A_153 = tpu.memref_slice %arg3[%add3A_149, %dma_start3A_152] : memref<79360x128xf32, #tpu.memory_space<hbm>> -> memref<80x128xf32, #tpu.memory_space<hbm>>
          tpu.enqueue_dma source(%dma_start3A_153 : memref<80x128xf32, #tpu.memory_space<hbm>>) target(%arg12 : memref<80x128xf32, #tpu.memory_space<vmem>>) target_semaphore(%arg16 : memref<!tpu.dma_semaphore, #tpu.memory_space<semaphore_mem>>)
        } else {
        }
        %dma_wait3A_138 = arith.constant 0 : i32
        %dma_wait3A_139 = tpu.memref_slice %arg5[%dma_wait3A_138] : memref<39680xi32, #tpu.memory_space<hbm>> -> memref<80xi32, #tpu.memory_space<hbm>>
        %dma_wait3A_140 = arith.constant 0 : i32
        %dma_wait3A_141 = tpu.memref_slice %arg5[%dma_wait3A_140] : memref<39680xi32, #tpu.memory_space<hbm>> -> memref<80xi32, #tpu.memory_space<hbm>>
        tpu.wait_dma2 semaphore(%arg17 : memref<!tpu.dma_semaphore, #tpu.memory_space<semaphore_mem>>) src(%dma_wait3A_141 : memref<80xi32, #tpu.memory_space<hbm>>) dst(%arg8 : memref<80xi32, #tpu.memory_space<vmem>>)
        %dma_start3A_142 = arith.constant 0 : i32
        %dma_start3A_143 = arith.constant 0 : i32
        %dma_start3A_144 = tpu.memref_slice %arg13[%dma_start3A_142, %dma_start3A_143] : memref<10112x128xf32, #tpu.memory_space<vmem_shared>> -> memref<10112x128xf32, #tpu.memory_space<vmem_shared>>
        tpu.enqueue_indirect_dma source(%arg10 : memref<80x128xf32, #tpu.memory_space<vmem>>) target(%dma_start3A_144 : memref<10112x128xf32, #tpu.memory_space<vmem_shared>>) offsets(%arg8 : memref<80xi32, #tpu.memory_space<vmem>>) semaphore(%arg19 : memref<!tpu.dma_semaphore, #tpu.memory_space<semaphore_mem>>) {add = true}
      } else {
      }
      %jit3A_85 = arith.constant 2 : i32
      %eq3A_86 = arith.constant 0 : i32
      %eq3A_87 = arith.cmpi eq, %jit3A_85, %eq3A_86 : i32
      %jit3A_88 = arith.constant 1 : i32
      %select_n3A_89 = arith.select %eq3A_87, %jit3A_88, %jit3A_85 : i32
      %rem3A_90 = arith.remsi %scan3A_72, %select_n3A_89 : i32
      %ne3A_91 = arith.constant 0 : i32
      %ne3A_92 = arith.cmpi ne, %rem3A_90, %ne3A_91 : i32
      %lt3A_93 = arith.constant 0 : i32
      %lt3A_94 = arith.cmpi slt, %rem3A_90, %lt3A_93 : i32
      %lt3A_95 = arith.constant 0 : i32
      %lt3A_96 = arith.cmpi slt, %select_n3A_89, %lt3A_95 : i32
      %ne3A_97 = arith.xori %lt3A_94, %lt3A_96 : i1
      %and3A_98 = arith.andi %ne3A_97, %ne3A_92 : i1
      %add3A_99 = arith.addi %rem3A_90, %select_n3A_89 : i32
      %select_n3A_100 = arith.select %and3A_98, %add3A_99, %rem3A_90 : i32
      %eq3A_101 = arith.constant 1 : i32
      %eq3A_102 = arith.cmpi eq, %select_n3A_100, %eq3A_101 : i32
      %convert_element_type3A_103 = arith.extui %eq3A_102 : i1 to i32
      %cond3A_104 = arith.constant 0 : i32
      %cond3A_105 = arith.cmpi ne, %convert_element_type3A_103, %cond3A_104 : i32
      scf.if %cond3A_105 {
        %ge3A = arith.constant 1 : i32
        %ge3A_106 = arith.cmpi sge, %scan3A_72, %ge3A : i32
        %convert_element_type3A_107 = arith.extui %ge3A_106 : i1 to i32
        %cond3A_108 = arith.constant 0 : i32
        %cond3A_109 = arith.cmpi ne, %convert_element_type3A_107, %cond3A_108 : i32
        scf.if %cond3A_109 {
          %dma_wait3A_145 = arith.constant 0 : i32
          %dma_wait3A_146 = arith.constant 0 : i32
          %dma_wait3A_147 = tpu.memref_slice %arg13[%dma_wait3A_145, %dma_wait3A_146] : memref<10112x128xf32, #tpu.memory_space<vmem_shared>> -> memref<10112x128xf32, #tpu.memory_space<vmem_shared>>
          tpu.wait_indirect_dma semaphore(%arg19 : memref<!tpu.dma_semaphore, #tpu.memory_space<semaphore_mem>>) src(%arg10 : memref<80x128xf32, #tpu.memory_space<vmem>>) dst(%dma_wait3A_147 : memref<10112x128xf32, #tpu.memory_space<vmem_shared>>)
        } else {
        }
        %add3A_110 = arith.constant 1 : i32
        %add3A_111 = arith.addi %scan3A_72, %add3A_110 : i32
        %lt3A_112 = arith.constant 31 : i32
        %lt3A_113 = arith.cmpi slt, %add3A_111, %lt3A_112 : i32
        %convert_element_type3A_114 = arith.extui %lt3A_113 : i1 to i32
        %cond3A_115 = arith.constant 0 : i32
        %cond3A_116 = arith.cmpi ne, %convert_element_type3A_114, %cond3A_115 : i32
        scf.if %cond3A_116 {
          %add3A_145 = arith.constant 1 : i32
          %add3A_146 = arith.addi %scan3A_72, %add3A_145 : i32
          %mul3A_147 = arith.constant 80 : i32
          %mul3A_148 = arith.muli %add3A_146, %mul3A_147 : i32
          %dma_start3A_149 = tpu.memref_slice %arg7[%mul3A_148] : memref<2480xi32, #tpu.memory_space<vmem>> -> memref<80xi32, #tpu.memory_space<vmem>>
          %dma_start3A_150 = arith.constant 0 : i32
          %dma_start3A_151 = arith.constant 0 : i32
          %dma_start3A_152 = tpu.memref_slice %arg2[%dma_start3A_150, %dma_start3A_151] : memref<20000x128xf32, #tpu.memory_space<hbm>> -> memref<20000x128xf32, #tpu.memory_space<hbm>>
          tpu.enqueue_indirect_dma source(%dma_start3A_152 : memref<20000x128xf32, #tpu.memory_space<hbm>>) target(%arg10 : memref<80x128xf32, #tpu.memory_space<vmem>>) offsets(%dma_start3A_149 : memref<80xi32, #tpu.memory_space<vmem>>) semaphore(%arg14 : memref<!tpu.dma_semaphore, #tpu.memory_space<semaphore_mem>>)
          %add3A_153 = arith.constant 1 : i32
          %add3A_154 = arith.addi %scan3A_72, %add3A_153 : i32
          %mul3A_155 = arith.constant 80 : i32
          %mul3A_156 = arith.muli %add3A_154, %mul3A_155 : i32
          %add3A_157 = arith.addi %mul3A_42, %mul3A_156 : i32
          %dma_start3A_158 = tpu.memref_slice %arg5[%add3A_157] : memref<39680xi32, #tpu.memory_space<hbm>> -> memref<80xi32, #tpu.memory_space<hbm>>
          %dma_start3A_159 = tpu.memref_slice %arg5[%add3A_157] : memref<39680xi32, #tpu.memory_space<hbm>> -> memref<80xi32, #tpu.memory_space<hbm>>
          tpu.enqueue_dma source(%dma_start3A_159 : memref<80xi32, #tpu.memory_space<hbm>>) target(%arg8 : memref<80xi32, #tpu.memory_space<vmem>>) target_semaphore(%arg17 : memref<!tpu.dma_semaphore, #tpu.memory_space<semaphore_mem>>)
        } else {
        }
        %dma_wait3A_117 = arith.constant 0 : i32
        %dma_wait3A_118 = arith.constant 0 : i32
        %dma_wait3A_119 = tpu.memref_slice %arg2[%dma_wait3A_117, %dma_wait3A_118] : memref<20000x128xf32, #tpu.memory_space<hbm>> -> memref<80x128xf32, #tpu.memory_space<hbm>>
        %dma_wait3A_120 = arith.constant 0 : i32
        %dma_wait3A_121 = arith.constant 0 : i32
        %dma_wait3A_122 = tpu.memref_slice %arg2[%dma_wait3A_120, %dma_wait3A_121] : memref<20000x128xf32, #tpu.memory_space<hbm>> -> memref<80x128xf32, #tpu.memory_space<hbm>>
        tpu.wait_dma2 semaphore(%arg15 : memref<!tpu.dma_semaphore, #tpu.memory_space<semaphore_mem>>) src(%dma_wait3A_122 : memref<80x128xf32, #tpu.memory_space<hbm>>) dst(%arg11 : memref<80x128xf32, #tpu.memory_space<vmem>>)
        %dma_wait3A_123 = arith.constant 0 : i32
        %dma_wait3A_124 = arith.constant 0 : i32
        %dma_wait3A_125 = tpu.memref_slice %arg3[%dma_wait3A_123, %dma_wait3A_124] : memref<79360x128xf32, #tpu.memory_space<hbm>> -> memref<80x128xf32, #tpu.memory_space<hbm>>
        %dma_wait3A_126 = arith.constant 0 : i32
        %dma_wait3A_127 = arith.constant 0 : i32
        %dma_wait3A_128 = tpu.memref_slice %arg3[%dma_wait3A_126, %dma_wait3A_127] : memref<79360x128xf32, #tpu.memory_space<hbm>> -> memref<80x128xf32, #tpu.memory_space<hbm>>
        tpu.wait_dma2 semaphore(%arg16 : memref<!tpu.dma_semaphore, #tpu.memory_space<semaphore_mem>>) src(%dma_wait3A_128 : memref<80x128xf32, #tpu.memory_space<hbm>>) dst(%arg12 : memref<80x128xf32, #tpu.memory_space<vmem>>)
        %parallel_loop3A = arith.constant 0 : i32
        %parallel_loop3A_129 = arith.constant 80 : i32
        %parallel_loop3A_130 = arith.constant 1 : i32
        scf.for %parallel_loop3A_145 = %parallel_loop3A to %parallel_loop3A_129 step %parallel_loop3A_130  : i32 {
          %parallel_loop3A_146 = arith.index_cast %parallel_loop3A_145 : i32 to index
          %parallel_loop3A_147 = arith.constant 0 : index
          %parallel_loop3A_148 = tpu.vector_load %arg11[%parallel_loop3A_146, %parallel_loop3A_147] {strides = array<i32>} : memref<80x128xf32, #tpu.memory_space<vmem>>, vector<1x16xf32>,
          %parallel_loop3A_149 = vector.shape_cast %parallel_loop3A_148 : vector<1x16xf32> to vector<16xf32>
          %parallel_loop3A_150 = arith.index_cast %parallel_loop3A_145 : i32 to index
          %parallel_loop3A_151 = arith.constant 0 : index
          %parallel_loop3A_152 = tpu.vector_load %arg12[%parallel_loop3A_150, %parallel_loop3A_151] {strides = array<i32>} : memref<80x128xf32, #tpu.memory_space<vmem>>, vector<1x16xf32>,
          %parallel_loop3A_153 = vector.shape_cast %parallel_loop3A_152 : vector<1x16xf32> to vector<16xf32>
          %parallel_loop3A_154 = arith.mulf %parallel_loop3A_149, %parallel_loop3A_153 : vector<16xf32>
          %parallel_loop3A_155 = arith.index_cast %parallel_loop3A_145 : i32 to index
          %parallel_loop3A_156 = arith.constant 0 : index
          %parallel_loop3A_157 = tpu.vector_load %arg11[%parallel_loop3A_155, %parallel_loop3A_156] {strides = array<i32>} : memref<80x128xf32, #tpu.memory_space<vmem>>, vector<1x16xf32>,
          %parallel_loop3A_158 = vector.shape_cast %parallel_loop3A_157 : vector<1x16xf32> to vector<16xf32>
          %parallel_loop3A_159 = vector.shape_cast %parallel_loop3A_154 : vector<16xf32> to vector<1x16xf32>
          tpu.vector_store %arg11[%parallel_loop3A_155, %parallel_loop3A_156], %parallel_loop3A_159 {strides = array<i32>} : memref<80x128xf32, #tpu.memory_space<vmem>>, vector<1x16xf32>,
          %parallel_loop3A_160 = arith.index_cast %parallel_loop3A_145 : i32 to index
          %parallel_loop3A_161 = arith.constant 16 : index
          %parallel_loop3A_162 = tpu.vector_load %arg11[%parallel_loop3A_160, %parallel_loop3A_161] {strides = array<i32>} : memref<80x128xf32, #tpu.memory_space<vmem>>, vector<1x16xf32>,
          %parallel_loop3A_163 = vector.shape_cast %parallel_loop3A_162 : vector<1x16xf32> to vector<16xf32>
          %parallel_loop3A_164 = arith.index_cast %parallel_loop3A_145 : i32 to index
          %parallel_loop3A_165 = arith.constant 16 : index
          %parallel_loop3A_166 = tpu.vector_load %arg12[%parallel_loop3A_164, %parallel_loop3A_165] {strides = array<i32>} : memref<80x128xf32, #tpu.memory_space<vmem>>, vector<1x16xf32>,
          %parallel_loop3A_167 = vector.shape_cast %parallel_loop3A_166 : vector<1x16xf32> to vector<16xf32>
          %parallel_loop3A_168 = arith.mulf %parallel_loop3A_163, %parallel_loop3A_167 : vector<16xf32>
          %parallel_loop3A_169 = arith.index_cast %parallel_loop3A_145 : i32 to index
          %parallel_loop3A_170 = arith.constant 16 : index
          %parallel_loop3A_171 = tpu.vector_load %arg11[%parallel_loop3A_169, %parallel_loop3A_170] {strides = array<i32>} : memref<80x128xf32, #tpu.memory_space<vmem>>, vector<1x16xf32>,
          %parallel_loop3A_172 = vector.shape_cast %parallel_loop3A_171 : vector<1x16xf32> to vector<16xf32>
          %parallel_loop3A_173 = vector.shape_cast %parallel_loop3A_168 : vector<16xf32> to vector<1x16xf32>
          tpu.vector_store %arg11[%parallel_loop3A_169, %parallel_loop3A_170], %parallel_loop3A_173 {strides = array<i32>} : memref<80x128xf32, #tpu.memory_space<vmem>>, vector<1x16xf32>,
          %parallel_loop3A_174 = arith.index_cast %parallel_loop3A_145 : i32 to index
          %parallel_loop3A_175 = arith.constant 32 : index
          %parallel_loop3A_176 = tpu.vector_load %arg11[%parallel_loop3A_174, %parallel_loop3A_175] {strides = array<i32>} : memref<80x128xf32, #tpu.memory_space<vmem>>, vector<1x16xf32>,
          %parallel_loop3A_177 = vector.shape_cast %parallel_loop3A_176 : vector<1x16xf32> to vector<16xf32>
          %parallel_loop3A_178 = arith.index_cast %parallel_loop3A_145 : i32 to index
          %parallel_loop3A_179 = arith.constant 32 : index
          %parallel_loop3A_180 = tpu.vector_load %arg12[%parallel_loop3A_178, %parallel_loop3A_179] {strides = array<i32>} : memref<80x128xf32, #tpu.memory_space<vmem>>, vector<1x16xf32>,
          %parallel_loop3A_181 = vector.shape_cast %parallel_loop3A_180 : vector<1x16xf32> to vector<16xf32>
          %parallel_loop3A_182 = arith.mulf %parallel_loop3A_177, %parallel_loop3A_181 : vector<16xf32>
          %parallel_loop3A_183 = arith.index_cast %parallel_loop3A_145 : i32 to index
          %parallel_loop3A_184 = arith.constant 32 : index
          %parallel_loop3A_185 = tpu.vector_load %arg11[%parallel_loop3A_183, %parallel_loop3A_184] {strides = array<i32>} : memref<80x128xf32, #tpu.memory_space<vmem>>, vector<1x16xf32>,
          %parallel_loop3A_186 = vector.shape_cast %parallel_loop3A_185 : vector<1x16xf32> to vector<16xf32>
          %parallel_loop3A_187 = vector.shape_cast %parallel_loop3A_182 : vector<16xf32> to vector<1x16xf32>
          tpu.vector_store %arg11[%parallel_loop3A_183, %parallel_loop3A_184], %parallel_loop3A_187 {strides = array<i32>} : memref<80x128xf32, #tpu.memory_space<vmem>>, vector<1x16xf32>,
          %parallel_loop3A_188 = arith.index_cast %parallel_loop3A_145 : i32 to index
          %parallel_loop3A_189 = arith.constant 48 : index
          %parallel_loop3A_190 = tpu.vector_load %arg11[%parallel_loop3A_188, %parallel_loop3A_189] {strides = array<i32>} : memref<80x128xf32, #tpu.memory_space<vmem>>, vector<1x16xf32>,
          %parallel_loop3A_191 = vector.shape_cast %parallel_loop3A_190 : vector<1x16xf32> to vector<16xf32>
          %parallel_loop3A_192 = arith.index_cast %parallel_loop3A_145 : i32 to index
          %parallel_loop3A_193 = arith.constant 48 : index
          %parallel_loop3A_194 = tpu.vector_load %arg12[%parallel_loop3A_192, %parallel_loop3A_193] {strides = array<i32>} : memref<80x128xf32, #tpu.memory_space<vmem>>, vector<1x16xf32>,
          %parallel_loop3A_195 = vector.shape_cast %parallel_loop3A_194 : vector<1x16xf32> to vector<16xf32>
          %parallel_loop3A_196 = arith.mulf %parallel_loop3A_191, %parallel_loop3A_195 : vector<16xf32>
          %parallel_loop3A_197 = arith.index_cast %parallel_loop3A_145 : i32 to index
          %parallel_loop3A_198 = arith.constant 48 : index
          %parallel_loop3A_199 = tpu.vector_load %arg11[%parallel_loop3A_197, %parallel_loop3A_198] {strides = array<i32>} : memref<80x128xf32, #tpu.memory_space<vmem>>, vector<1x16xf32>,
          %parallel_loop3A_200 = vector.shape_cast %parallel_loop3A_199 : vector<1x16xf32> to vector<16xf32>
          %parallel_loop3A_201 = vector.shape_cast %parallel_loop3A_196 : vector<16xf32> to vector<1x16xf32>
          tpu.vector_store %arg11[%parallel_loop3A_197, %parallel_loop3A_198], %parallel_loop3A_201 {strides = array<i32>} : memref<80x128xf32, #tpu.memory_space<vmem>>, vector<1x16xf32>,
          %parallel_loop3A_202 = arith.index_cast %parallel_loop3A_145 : i32 to index
          %parallel_loop3A_203 = arith.constant 64 : index
          %parallel_loop3A_204 = tpu.vector_load %arg11[%parallel_loop3A_202, %parallel_loop3A_203] {strides = array<i32>} : memref<80x128xf32, #tpu.memory_space<vmem>>, vector<1x16xf32>,
          %parallel_loop3A_205 = vector.shape_cast %parallel_loop3A_204 : vector<1x16xf32> to vector<16xf32>
          %parallel_loop3A_206 = arith.index_cast %parallel_loop3A_145 : i32 to index
          %parallel_loop3A_207 = arith.constant 64 : index
          %parallel_loop3A_208 = tpu.vector_load %arg12[%parallel_loop3A_206, %parallel_loop3A_207] {strides = array<i32>} : memref<80x128xf32, #tpu.memory_space<vmem>>, vector<1x16xf32>,
          %parallel_loop3A_209 = vector.shape_cast %parallel_loop3A_208 : vector<1x16xf32> to vector<16xf32>
          %parallel_loop3A_210 = arith.mulf %parallel_loop3A_205, %parallel_loop3A_209 : vector<16xf32>
          %parallel_loop3A_211 = arith.index_cast %parallel_loop3A_145 : i32 to index
          %parallel_loop3A_212 = arith.constant 64 : index
          %parallel_loop3A_213 = tpu.vector_load %arg11[%parallel_loop3A_211, %parallel_loop3A_212] {strides = array<i32>} : memref<80x128xf32, #tpu.memory_space<vmem>>, vector<1x16xf32>,
          %parallel_loop3A_214 = vector.shape_cast %parallel_loop3A_213 : vector<1x16xf32> to vector<16xf32>
          %parallel_loop3A_215 = vector.shape_cast %parallel_loop3A_210 : vector<16xf32> to vector<1x16xf32>
          tpu.vector_store %arg11[%parallel_loop3A_211, %parallel_loop3A_212], %parallel_loop3A_215 {strides = array<i32>} : memref<80x128xf32, #tpu.memory_space<vmem>>, vector<1x16xf32>,
          %parallel_loop3A_216 = arith.index_cast %parallel_loop3A_145 : i32 to index
          %parallel_loop3A_217 = arith.constant 80 : index
          %parallel_loop3A_218 = tpu.vector_load %arg11[%parallel_loop3A_216, %parallel_loop3A_217] {strides = array<i32>} : memref<80x128xf32, #tpu.memory_space<vmem>>, vector<1x16xf32>,
          %parallel_loop3A_219 = vector.shape_cast %parallel_loop3A_218 : vector<1x16xf32> to vector<16xf32>
          %parallel_loop3A_220 = arith.index_cast %parallel_loop3A_145 : i32 to index
          %parallel_loop3A_221 = arith.constant 80 : index
          %parallel_loop3A_222 = tpu.vector_load %arg12[%parallel_loop3A_220, %parallel_loop3A_221] {strides = array<i32>} : memref<80x128xf32, #tpu.memory_space<vmem>>, vector<1x16xf32>,
          %parallel_loop3A_223 = vector.shape_cast %parallel_loop3A_222 : vector<1x16xf32> to vector<16xf32>
          %parallel_loop3A_224 = arith.mulf %parallel_loop3A_219, %parallel_loop3A_223 : vector<16xf32>
          %parallel_loop3A_225 = arith.index_cast %parallel_loop3A_145 : i32 to index
          %parallel_loop3A_226 = arith.constant 80 : index
          %parallel_loop3A_227 = tpu.vector_load %arg11[%parallel_loop3A_225, %parallel_loop3A_226] {strides = array<i32>} : memref<80x128xf32, #tpu.memory_space<vmem>>, vector<1x16xf32>,
          %parallel_loop3A_228 = vector.shape_cast %parallel_loop3A_227 : vector<1x16xf32> to vector<16xf32>
          %parallel_loop3A_229 = vector.shape_cast %parallel_loop3A_224 : vector<16xf32> to vector<1x16xf32>
          tpu.vector_store %arg11[%parallel_loop3A_225, %parallel_loop3A_226], %parallel_loop3A_229 {strides = array<i32>} : memref<80x128xf32, #tpu.memory_space<vmem>>, vector<1x16xf32>,
          %parallel_loop3A_230 = arith.index_cast %parallel_loop3A_145 : i32 to index
          %parallel_loop3A_231 = arith.constant 96 : index
          %parallel_loop3A_232 = tpu.vector_load %arg11[%parallel_loop3A_230, %parallel_loop3A_231] {strides = array<i32>} : memref<80x128xf32, #tpu.memory_space<vmem>>, vector<1x16xf32>,
          %parallel_loop3A_233 = vector.shape_cast %parallel_loop3A_232 : vector<1x16xf32> to vector<16xf32>
          %parallel_loop3A_234 = arith.index_cast %parallel_loop3A_145 : i32 to index
          %parallel_loop3A_235 = arith.constant 96 : index
          %parallel_loop3A_236 = tpu.vector_load %arg12[%parallel_loop3A_234, %parallel_loop3A_235] {strides = array<i32>} : memref<80x128xf32, #tpu.memory_space<vmem>>, vector<1x16xf32>,
          %parallel_loop3A_237 = vector.shape_cast %parallel_loop3A_236 : vector<1x16xf32> to vector<16xf32>
          %parallel_loop3A_238 = arith.mulf %parallel_loop3A_233, %parallel_loop3A_237 : vector<16xf32>
          %parallel_loop3A_239 = arith.index_cast %parallel_loop3A_145 : i32 to index
          %parallel_loop3A_240 = arith.constant 96 : index
          %parallel_loop3A_241 = tpu.vector_load %arg11[%parallel_loop3A_239, %parallel_loop3A_240] {strides = array<i32>} : memref<80x128xf32, #tpu.memory_space<vmem>>, vector<1x16xf32>,
          %parallel_loop3A_242 = vector.shape_cast %parallel_loop3A_241 : vector<1x16xf32> to vector<16xf32>
          %parallel_loop3A_243 = vector.shape_cast %parallel_loop3A_238 : vector<16xf32> to vector<1x16xf32>
          tpu.vector_store %arg11[%parallel_loop3A_239, %parallel_loop3A_240], %parallel_loop3A_243 {strides = array<i32>} : memref<80x128xf32, #tpu.memory_space<vmem>>, vector<1x16xf32>,
          %parallel_loop3A_244 = arith.index_cast %parallel_loop3A_145 : i32 to index
          %parallel_loop3A_245 = arith.constant 112 : index
          %parallel_loop3A_246 = tpu.vector_load %arg11[%parallel_loop3A_244, %parallel_loop3A_245] {strides = array<i32>} : memref<80x128xf32, #tpu.memory_space<vmem>>, vector<1x16xf32>,
          %parallel_loop3A_247 = vector.shape_cast %parallel_loop3A_246 : vector<1x16xf32> to vector<16xf32>
          %parallel_loop3A_248 = arith.index_cast %parallel_loop3A_145 : i32 to index
          %parallel_loop3A_249 = arith.constant 112 : index
          %parallel_loop3A_250 = tpu.vector_load %arg12[%parallel_loop3A_248, %parallel_loop3A_249] {strides = array<i32>} : memref<80x128xf32, #tpu.memory_space<vmem>>, vector<1x16xf32>,
          %parallel_loop3A_251 = vector.shape_cast %parallel_loop3A_250 : vector<1x16xf32> to vector<16xf32>
          %parallel_loop3A_252 = arith.mulf %parallel_loop3A_247, %parallel_loop3A_251 : vector<16xf32>
          %parallel_loop3A_253 = arith.index_cast %parallel_loop3A_145 : i32 to index
          %parallel_loop3A_254 = arith.constant 112 : index
          %parallel_loop3A_255 = tpu.vector_load %arg11[%parallel_loop3A_253, %parallel_loop3A_254] {strides = array<i32>} : memref<80x128xf32, #tpu.memory_space<vmem>>, vector<1x16xf32>,
          %parallel_loop3A_256 = vector.shape_cast %parallel_loop3A_255 : vector<1x16xf32> to vector<16xf32>
          %parallel_loop3A_257 = vector.shape_cast %parallel_loop3A_252 : vector<16xf32> to vector<1x16xf32>
          tpu.vector_store %arg11[%parallel_loop3A_253, %parallel_loop3A_254], %parallel_loop3A_257 {strides = array<i32>} : memref<80x128xf32, #tpu.memory_space<vmem>>, vector<1x16xf32>,
        } {sc.loop_unroll_factor = 4 : i64, sc.parallel_access}
        %add3A_131 = arith.constant 1 : i32
        %add3A_132 = arith.addi %scan3A_72, %add3A_131 : i32
        %lt3A_133 = arith.constant 31 : i32
        %lt3A_134 = arith.cmpi slt, %add3A_132, %lt3A_133 : i32
        %convert_element_type3A_135 = arith.extui %lt3A_134 : i1 to i32
        %cond3A_136 = arith.constant 0 : i32
        %cond3A_137 = arith.cmpi ne, %convert_element_type3A_135, %cond3A_136 : i32
        scf.if %cond3A_137 {
          %add3A_145 = arith.constant 1 : i32
          %add3A_146 = arith.addi %scan3A_72, %add3A_145 : i32
          %mul3A_147 = arith.constant 80 : i32
          %mul3A_148 = arith.muli %add3A_146, %mul3A_147 : i32
          %add3A_149 = arith.addi %add3A_45, %mul3A_148 : i32
          %dma_start3A_150 = arith.constant 0 : i32
          %dma_start3A_151 = tpu.memref_slice %arg3[%add3A_149, %dma_start3A_150] : memref<79360x128xf32, #tpu.memory_space<hbm>> -> memref<80x128xf32, #tpu.memory_space<hbm>>
          %dma_start3A_152 = arith.constant 0 : i32
          %dma_start3A_153 = tpu.memref_slice %arg3[%add3A_149, %dma_start3A_152] : memref<79360x128xf32, #tpu.memory_space<hbm>> -> memref<80x128xf32, #tpu.memory_space<hbm>>
          tpu.enqueue_dma source(%dma_start3A_153 : memref<80x128xf32, #tpu.memory_space<hbm>>) target(%arg12 : memref<80x128xf32, #tpu.memory_space<vmem>>) target_semaphore(%arg16 : memref<!tpu.dma_semaphore, #tpu.memory_space<semaphore_mem>>)
        } else {
        }
        %dma_wait3A_138 = arith.constant 0 : i32
        %dma_wait3A_139 = tpu.memref_slice %arg5[%dma_wait3A_138] : memref<39680xi32, #tpu.memory_space<hbm>> -> memref<80xi32, #tpu.memory_space<hbm>>
        %dma_wait3A_140 = arith.constant 0 : i32
        %dma_wait3A_141 = tpu.memref_slice %arg5[%dma_wait3A_140] : memref<39680xi32, #tpu.memory_space<hbm>> -> memref<80xi32, #tpu.memory_space<hbm>>
        tpu.wait_dma2 semaphore(%arg18 : memref<!tpu.dma_semaphore, #tpu.memory_space<semaphore_mem>>) src(%dma_wait3A_141 : memref<80xi32, #tpu.memory_space<hbm>>) dst(%arg9 : memref<80xi32, #tpu.memory_space<vmem>>)
        %dma_start3A_142 = arith.constant 0 : i32
        %dma_start3A_143 = arith.constant 0 : i32
        %dma_start3A_144 = tpu.memref_slice %arg13[%dma_start3A_142, %dma_start3A_143] : memref<10112x128xf32, #tpu.memory_space<vmem_shared>> -> memref<10112x128xf32, #tpu.memory_space<vmem_shared>>
        tpu.enqueue_indirect_dma source(%arg11 : memref<80x128xf32, #tpu.memory_space<vmem>>) target(%dma_start3A_144 : memref<10112x128xf32, #tpu.memory_space<vmem_shared>>) offsets(%arg9 : memref<80xi32, #tpu.memory_space<vmem>>) semaphore(%arg20 : memref<!tpu.dma_semaphore, #tpu.memory_space<semaphore_mem>>) {add = true}
      } else {
      }
    }
    %scan3A_61 = arith.constant 31 : i32
    %dma_wait3A = arith.constant 0 : i32
    %dma_wait3A_62 = arith.constant 0 : i32
    %dma_wait3A_63 = tpu.memref_slice %arg13[%dma_wait3A, %dma_wait3A_62] : memref<10112x128xf32, #tpu.memory_space<vmem_shared>> -> memref<10112x128xf32, #tpu.memory_space<vmem_shared>>
    tpu.wait_indirect_dma semaphore(%arg19 : memref<!tpu.dma_semaphore, #tpu.memory_space<semaphore_mem>>) src(%arg10 : memref<80x128xf32, #tpu.memory_space<vmem>>) dst(%dma_wait3A_63 : memref<10112x128xf32, #tpu.memory_space<vmem_shared>>)
    %barrier3A_64 = arith.constant 0 : index
    tpu.barrier barrier_id(%barrier3A_64)
    %mul3A_65 = arith.constant 632 : i32
    %mul3A_66 = arith.muli %arg1, %mul3A_65 : i32
    %mul3A_67 = arith.constant 10112 : i32
    %mul3A_68 = arith.muli %arg0, %mul3A_67 : i32
    %mul3A_69 = arith.constant 632 : i32
    %mul3A_70 = arith.muli %arg1, %mul3A_69 : i32
    %add3A_71 = arith.addi %mul3A_68, %mul3A_70 : i32
    "tpu.region"() ({
      %run_scoped3A = tpu.sem_alloc : memref<!tpu.dma_semaphore, #tpu.memory_space<semaphore_mem>>
      %dma_start3A_72 = arith.constant 0 : i32
      %dma_start3A_73 = tpu.memref_slice %arg6[%add3A_71, %dma_start3A_72] : memref<20224x128xf32, #tpu.memory_space<hbm>> -> memref<632x128xf32, #tpu.memory_space<hbm>>
      %dma_start3A_74 = arith.constant 0 : i32
      %dma_start3A_75 = tpu.memref_slice %arg13[%mul3A_66, %dma_start3A_74] : memref<10112x128xf32, #tpu.memory_space<vmem_shared>> -> memref<632x128xf32, #tpu.memory_space<vmem_shared>>
      tpu.enqueue_dma source(%dma_start3A_75 : memref<632x128xf32, #tpu.memory_space<vmem_shared>>) target(%dma_start3A_73 : memref<632x128xf32, #tpu.memory_space<hbm>>) target_semaphore(%run_scoped3A : memref<!tpu.dma_semaphore, #tpu.memory_space<semaphore_mem>>)
      %dma_wait3A_76 = arith.constant 0 : i32
      %dma_wait3A_77 = tpu.memref_slice %arg6[%add3A_71, %dma_wait3A_76] : memref<20224x128xf32, #tpu.memory_space<hbm>> -> memref<632x128xf32, #tpu.memory_space<hbm>>
      %dma_wait3A_78 = arith.constant 0 : i32
      %dma_wait3A_79 = tpu.memref_slice %arg13[%mul3A_66, %dma_wait3A_78] : memref<10112x128xf32, #tpu.memory_space<vmem_shared>> -> memref<632x128xf32, #tpu.memory_space<vmem_shared>>
      tpu.wait_dma2 semaphore(%run_scoped3A : memref<!tpu.dma_semaphore, #tpu.memory_space<semaphore_mem>>) src(%dma_wait3A_79 : memref<632x128xf32, #tpu.memory_space<vmem_shared>>) dst(%dma_wait3A_77 : memref<632x128xf32, #tpu.memory_space<hbm>>)
      tpu.yield
    }) : () -> ()
    return
  }
}

#map = affine_map<(d0, d1) -> (0, 0)>
#map1 = affine_map<(d0, d1) -> (0)>
module attributes {stable_mosaic.version = 14 : i64} {
  func.func @_sc_body(%arg0: i32, %arg1: i32, %arg2: memref<20000x128xf32, #tpu.memory_space<hbm>>, %arg3: memref<79360x128xf32, #tpu.memory_space<hbm>>, %arg4: memref<79360xi32, #tpu.memory_space<hbm>>, %arg5: memref<39680xi32, #tpu.memory_space<hbm>>, %arg6: memref<20224x128xf32, #tpu.memory_space<hbm>>, %arg7: memref<2480xi32, #tpu.memory_space<vmem>>, %arg8: memref<80xi32, #tpu.memory_space<vmem>>, %arg9: memref<80xi32, #tpu.memory_space<vmem>>, %arg10: memref<80x128xf32, #tpu.memory_space<vmem>>, %arg11: memref<80x128xf32, #tpu.memory_space<vmem>>, %arg12: memref<80x128xf32, #tpu.memory_space<vmem>>, %arg13: memref<10112x128xf32, #tpu.memory_space<vmem_shared>>, %arg14: memref<!tpu.dma_semaphore, #tpu.memory_space<semaphore_mem>>, %arg15: memref<!tpu.dma_semaphore, #tpu.memory_space<semaphore_mem>>, %arg16: memref<!tpu.dma_semaphore, #tpu.memory_space<semaphore_mem>>, %arg17: memref<!tpu.dma_semaphore, #tpu.memory_space<semaphore_mem>>, %arg18: memref<!tpu.dma_semaphore, #tpu.memory_space<semaphore_mem>>, %arg19: memref<!tpu.dma_semaphore, #tpu.memory_space<semaphore_mem>>, %arg20: memref<!tpu.dma_semaphore, #tpu.memory_space<semaphore_mem>>) attributes {dimension_semantics = [#tpu.dimension_semantics<core_parallel>, #tpu.dimension_semantics<subcore_parallel>], iteration_bounds = array<i64: 2, 16>, scalar_prefetch = 0 : i64, scratch_operands = 14 : i64, tpu.core_type = #tpu.core_type<sc_vector_subcore>, window_params = [{transform_indices = #map}, {transform_indices = #map}, {transform_indices = #map1}, {transform_indices = #map1}, {transform_indices = #map}]} {
    %mul3A = arith.constant 39680 : i32
    %mul3A_0 = arith.muli %arg0, %mul3A : i32
    %mul3A_1 = arith.constant 2480 : i32
    %mul3A_2 = arith.muli %arg1, %mul3A_1 : i32
    %add3A = arith.addi %mul3A_0, %mul3A_2 : i32
    "tpu.region"() ({
      %run_scoped3A = tpu.sem_alloc : memref<!tpu.dma_semaphore, #tpu.memory_space<semaphore_mem>>
      %dma_start3A_72 = tpu.memref_slice %arg4[%add3A] : memref<79360xi32, #tpu.memory_space<hbm>> -> memref<2480xi32, #tpu.memory_space<hbm>>
      %dma_start3A_73 = tpu.memref_slice %arg4[%add3A] : memref<79360xi32, #tpu.memory_space<hbm>> -> memref<2480xi32, #tpu.memory_space<hbm>>
      tpu.enqueue_dma source(%dma_start3A_73 : memref<2480xi32, #tpu.memory_space<hbm>>) target(%arg7 : memref<2480xi32, #tpu.memory_space<vmem>>) target_semaphore(%run_scoped3A : memref<!tpu.dma_semaphore, #tpu.memory_space<semaphore_mem>>)
      %dma_wait3A_74 = tpu.memref_slice %arg4[%add3A] : memref<79360xi32, #tpu.memory_space<hbm>> -> memref<2480xi32, #tpu.memory_space<hbm>>
      %dma_wait3A_75 = tpu.memref_slice %arg4[%add3A] : memref<79360xi32, #tpu.memory_space<hbm>> -> memref<2480xi32, #tpu.memory_space<hbm>>
      tpu.wait_dma2 semaphore(%run_scoped3A : memref<!tpu.dma_semaphore, #tpu.memory_space<semaphore_mem>>) src(%dma_wait3A_75 : memref<2480xi32, #tpu.memory_space<hbm>>) dst(%arg7 : memref<2480xi32, #tpu.memory_space<vmem>>)
      tpu.yield
    }) : () -> ()
    %broadcast_in_dim3A = arith.constant 0.000000e+00 : f32
    %broadcast_in_dim3A_3 = vector.broadcast %broadcast_in_dim3A : f32 to vector<16xf32>
    %scan3A = arith.constant 0 : i32
    %scan3A_4 = arith.constant 0 : i32
    %scan3A_5 = arith.constant 80 : i32
    %scan3A_6 = arith.addi %scan3A_4, %scan3A_5 : i32
    %scan3A_7 = arith.constant 1 : i32
    scf.for %scan3A_72 = %scan3A_4 to %scan3A_6 step %scan3A_7  : i32 {
      %swap3A = arith.index_cast %scan3A_72 : i32 to index
      %swap3A_73 = arith.constant 0 : index
      %swap3A_74 = tpu.vector_load %arg10[%swap3A, %swap3A_73] {strides = array<i32>} : memref<80x128xf32, #tpu.memory_space<vmem>>, vector<1x16xf32>,
      %swap3A_75 = vector.shape_cast %swap3A_74 : vector<1x16xf32> to vector<16xf32>
      %swap3A_76 = vector.shape_cast %broadcast_in_dim3A_3 : vector<16xf32> to vector<1x16xf32>
      tpu.vector_store %arg10[%swap3A, %swap3A_73], %swap3A_76 {strides = array<i32>} : memref<80x128xf32, #tpu.memory_space<vmem>>, vector<1x16xf32>,
      %swap3A_77 = arith.index_cast %scan3A_72 : i32 to index
      %swap3A_78 = arith.constant 16 : index
      %swap3A_79 = tpu.vector_load %arg10[%swap3A_77, %swap3A_78] {strides = array<i32>} : memref<80x128xf32, #tpu.memory_space<vmem>>, vector<1x16xf32>,
      %swap3A_80 = vector.shape_cast %swap3A_79 : vector<1x16xf32> to vector<16xf32>
      %swap3A_81 = vector.shape_cast %broadcast_in_dim3A_3 : vector<16xf32> to vector<1x16xf32>
      tpu.vector_store %arg10[%swap3A_77, %swap3A_78], %swap3A_81 {strides = array<i32>} : memref<80x128xf32, #tpu.memory_space<vmem>>, vector<1x16xf32>,
      %swap3A_82 = arith.index_cast %scan3A_72 : i32 to index
      %swap3A_83 = arith.constant 32 : index
      %swap3A_84 = tpu.vector_load %arg10[%swap3A_82, %swap3A_83] {strides = array<i32>} : memref<80x128xf32, #tpu.memory_space<vmem>>, vector<1x16xf32>,
      %swap3A_85 = vector.shape_cast %swap3A_84 : vector<1x16xf32> to vector<16xf32>
      %swap3A_86 = vector.shape_cast %broadcast_in_dim3A_3 : vector<16xf32> to vector<1x16xf32>
      tpu.vector_store %arg10[%swap3A_82, %swap3A_83], %swap3A_86 {strides = array<i32>} : memref<80x128xf32, #tpu.memory_space<vmem>>, vector<1x16xf32>,
      %swap3A_87 = arith.index_cast %scan3A_72 : i32 to index
      %swap3A_88 = arith.constant 48 : index
      %swap3A_89 = tpu.vector_load %arg10[%swap3A_87, %swap3A_88] {strides = array<i32>} : memref<80x128xf32, #tpu.memory_space<vmem>>, vector<1x16xf32>,
      %swap3A_90 = vector.shape_cast %swap3A_89 : vector<1x16xf32> to vector<16xf32>
      %swap3A_91 = vector.shape_cast %broadcast_in_dim3A_3 : vector<16xf32> to vector<1x16xf32>
      tpu.vector_store %arg10[%swap3A_87, %swap3A_88], %swap3A_91 {strides = array<i32>} : memref<80x128xf32, #tpu.memory_space<vmem>>, vector<1x16xf32>,
      %swap3A_92 = arith.index_cast %scan3A_72 : i32 to index
      %swap3A_93 = arith.constant 64 : index
      %swap3A_94 = tpu.vector_load %arg10[%swap3A_92, %swap3A_93] {strides = array<i32>} : memref<80x128xf32, #tpu.memory_space<vmem>>, vector<1x16xf32>,
      %swap3A_95 = vector.shape_cast %swap3A_94 : vector<1x16xf32> to vector<16xf32>
      %swap3A_96 = vector.shape_cast %broadcast_in_dim3A_3 : vector<16xf32> to vector<1x16xf32>
      tpu.vector_store %arg10[%swap3A_92, %swap3A_93], %swap3A_96 {strides = array<i32>} : memref<80x128xf32, #tpu.memory_space<vmem>>, vector<1x16xf32>,
      %swap3A_97 = arith.index_cast %scan3A_72 : i32 to index
      %swap3A_98 = arith.constant 80 : index
      %swap3A_99 = tpu.vector_load %arg10[%swap3A_97, %swap3A_98] {strides = array<i32>} : memref<80x128xf32, #tpu.memory_space<vmem>>, vector<1x16xf32>,
      %swap3A_100 = vector.shape_cast %swap3A_99 : vector<1x16xf32> to vector<16xf32>
      %swap3A_101 = vector.shape_cast %broadcast_in_dim3A_3 : vector<16xf32> to vector<1x16xf32>
      tpu.vector_store %arg10[%swap3A_97, %swap3A_98], %swap3A_101 {strides = array<i32>} : memref<80x128xf32, #tpu.memory_space<vmem>>, vector<1x16xf32>,
      %swap3A_102 = arith.index_cast %scan3A_72 : i32 to index
      %swap3A_103 = arith.constant 96 : index
      %swap3A_104 = tpu.vector_load %arg10[%swap3A_102, %swap3A_103] {strides = array<i32>} : memref<80x128xf32, #tpu.memory_space<vmem>>, vector<1x16xf32>,
      %swap3A_105 = vector.shape_cast %swap3A_104 : vector<1x16xf32> to vector<16xf32>
      %swap3A_106 = vector.shape_cast %broadcast_in_dim3A_3 : vector<16xf32> to vector<1x16xf32>
      tpu.vector_store %arg10[%swap3A_102, %swap3A_103], %swap3A_106 {strides = array<i32>} : memref<80x128xf32, #tpu.memory_space<vmem>>, vector<1x16xf32>,
      %swap3A_107 = arith.index_cast %scan3A_72 : i32 to index
      %swap3A_108 = arith.constant 112 : index
      %swap3A_109 = tpu.vector_load %arg10[%swap3A_107, %swap3A_108] {strides = array<i32>} : memref<80x128xf32, #tpu.memory_space<vmem>>, vector<1x16xf32>,
      %swap3A_110 = vector.shape_cast %swap3A_109 : vector<1x16xf32> to vector<16xf32>
      %swap3A_111 = vector.shape_cast %broadcast_in_dim3A_3 : vector<16xf32> to vector<1x16xf32>
      tpu.vector_store %arg10[%swap3A_107, %swap3A_108], %swap3A_111 {strides = array<i32>} : memref<80x128xf32, #tpu.memory_space<vmem>>, vector<1x16xf32>,
    }
    %scan3A_8 = arith.constant 80 : i32
    %mul3A_9 = arith.constant 632 : i32
    %mul3A_10 = arith.muli %arg1, %mul3A_9 : i32
    %add3A_11 = arith.constant 0 : i32
    %add3A_12 = arith.addi %mul3A_10, %add3A_11 : i32
    "tpu.region"() ({
      %run_scoped3A = tpu.sem_alloc : memref<!tpu.dma_semaphore, #tpu.memory_space<semaphore_mem>>
      %dma_start3A_72 = arith.constant 0 : i32
      %dma_start3A_73 = tpu.memref_slice %arg13[%add3A_12, %dma_start3A_72] : memref<10112x128xf32, #tpu.memory_space<vmem_shared>> -> memref<80x128xf32, #tpu.memory_space<vmem_shared>>
      %dma_start3A_74 = arith.constant 0 : i32
      %dma_start3A_75 = tpu.memref_slice %arg13[%add3A_12, %dma_start3A_74] : memref<10112x128xf32, #tpu.memory_space<vmem_shared>> -> memref<80x128xf32, #tpu.memory_space<vmem_shared>>
      tpu.enqueue_dma source(%arg10 : memref<80x128xf32, #tpu.memory_space<vmem>>) target(%dma_start3A_75 : memref<80x128xf32, #tpu.memory_space<vmem_shared>>) target_semaphore(%run_scoped3A : memref<!tpu.dma_semaphore, #tpu.memory_space<semaphore_mem>>)
      %dma_wait3A_76 = arith.constant 0 : i32
      %dma_wait3A_77 = tpu.memref_slice %arg13[%add3A_12, %dma_wait3A_76] : memref<10112x128xf32, #tpu.memory_space<vmem_shared>> -> memref<80x128xf32, #tpu.memory_space<vmem_shared>>
      %dma_wait3A_78 = arith.constant 0 : i32
      %dma_wait3A_79 = tpu.memref_slice %arg13[%add3A_12, %dma_wait3A_78] : memref<10112x128xf32, #tpu.memory_space<vmem_shared>> -> memref<80x128xf32, #tpu.memory_space<vmem_shared>>
      tpu.wait_dma2 semaphore(%run_scoped3A : memref<!tpu.dma_semaphore, #tpu.memory_space<semaphore_mem>>) src(%arg10 : memref<80x128xf32, #tpu.memory_space<vmem>>) dst(%dma_wait3A_79 : memref<80x128xf32, #tpu.memory_space<vmem_shared>>)
      tpu.yield
    }) : () -> ()
    %mul3A_13 = arith.constant 632 : i32
    %mul3A_14 = arith.muli %arg1, %mul3A_13 : i32
    %add3A_15 = arith.constant 80 : i32
    %add3A_16 = arith.addi %mul3A_14, %add3A_15 : i32
    "tpu.region"() ({
      %run_scoped3A = tpu.sem_alloc : memref<!tpu.dma_semaphore, #tpu.memory_space<semaphore_mem>>
      %dma_start3A_72 = arith.constant 0 : i32
      %dma_start3A_73 = tpu.memref_slice %arg13[%add3A_16, %dma_start3A_72] : memref<10112x128xf32, #tpu.memory_space<vmem_shared>> -> memref<80x128xf32, #tpu.memory_space<vmem_shared>>
      %dma_start3A_74 = arith.constant 0 : i32
      %dma_start3A_75 = tpu.memref_slice %arg13[%add3A_16, %dma_start3A_74] : memref<10112x128xf32, #tpu.memory_space<vmem_shared>> -> memref<80x128xf32, #tpu.memory_space<vmem_shared>>
      tpu.enqueue_dma source(%arg10 : memref<80x128xf32, #tpu.memory_space<vmem>>) target(%dma_start3A_75 : memref<80x128xf32, #tpu.memory_space<vmem_shared>>) target_semaphore(%run_scoped3A : memref<!tpu.dma_semaphore, #tpu.memory_space<semaphore_mem>>)
      %dma_wait3A_76 = arith.constant 0 : i32
      %dma_wait3A_77 = tpu.memref_slice %arg13[%add3A_16, %dma_wait3A_76] : memref<10112x128xf32, #tpu.memory_space<vmem_shared>> -> memref<80x128xf32, #tpu.memory_space<vmem_shared>>
      %dma_wait3A_78 = arith.constant 0 : i32
      %dma_wait3A_79 = tpu.memref_slice %arg13[%add3A_16, %dma_wait3A_78] : memref<10112x128xf32, #tpu.memory_space<vmem_shared>> -> memref<80x128xf32, #tpu.memory_space<vmem_shared>>
      tpu.wait_dma2 semaphore(%run_scoped3A : memref<!tpu.dma_semaphore, #tpu.memory_space<semaphore_mem>>) src(%arg10 : memref<80x128xf32, #tpu.memory_space<vmem>>) dst(%dma_wait3A_79 : memref<80x128xf32, #tpu.memory_space<vmem_shared>>)
      tpu.yield
    }) : () -> ()
    %mul3A_17 = arith.constant 632 : i32
    %mul3A_18 = arith.muli %arg1, %mul3A_17 : i32
    %add3A_19 = arith.constant 160 : i32
    %add3A_20 = arith.addi %mul3A_18, %add3A_19 : i32
    "tpu.region"() ({
      %run_scoped3A = tpu.sem_alloc : memref<!tpu.dma_semaphore, #tpu.memory_space<semaphore_mem>>
      %dma_start3A_72 = arith.constant 0 : i32
      %dma_start3A_73 = tpu.memref_slice %arg13[%add3A_20, %dma_start3A_72] : memref<10112x128xf32, #tpu.memory_space<vmem_shared>> -> memref<80x128xf32, #tpu.memory_space<vmem_shared>>
      %dma_start3A_74 = arith.constant 0 : i32
      %dma_start3A_75 = tpu.memref_slice %arg13[%add3A_20, %dma_start3A_74] : memref<10112x128xf32, #tpu.memory_space<vmem_shared>> -> memref<80x128xf32, #tpu.memory_space<vmem_shared>>
      tpu.enqueue_dma source(%arg10 : memref<80x128xf32, #tpu.memory_space<vmem>>) target(%dma_start3A_75 : memref<80x128xf32, #tpu.memory_space<vmem_shared>>) target_semaphore(%run_scoped3A : memref<!tpu.dma_semaphore, #tpu.memory_space<semaphore_mem>>)
      %dma_wait3A_76 = arith.constant 0 : i32
      %dma_wait3A_77 = tpu.memref_slice %arg13[%add3A_20, %dma_wait3A_76] : memref<10112x128xf32, #tpu.memory_space<vmem_shared>> -> memref<80x128xf32, #tpu.memory_space<vmem_shared>>
      %dma_wait3A_78 = arith.constant 0 : i32
      %dma_wait3A_79 = tpu.memref_slice %arg13[%add3A_20, %dma_wait3A_78] : memref<10112x128xf32, #tpu.memory_space<vmem_shared>> -> memref<80x128xf32, #tpu.memory_space<vmem_shared>>
      tpu.wait_dma2 semaphore(%run_scoped3A : memref<!tpu.dma_semaphore, #tpu.memory_space<semaphore_mem>>) src(%arg10 : memref<80x128xf32, #tpu.memory_space<vmem>>) dst(%dma_wait3A_79 : memref<80x128xf32, #tpu.memory_space<vmem_shared>>)
      tpu.yield
    }) : () -> ()
    %mul3A_21 = arith.constant 632 : i32
    %mul3A_22 = arith.muli %arg1, %mul3A_21 : i32
    %add3A_23 = arith.constant 240 : i32
    %add3A_24 = arith.addi %mul3A_22, %add3A_23 : i32
    "tpu.region"() ({
      %run_scoped3A = tpu.sem_alloc : memref<!tpu.dma_semaphore, #tpu.memory_space<semaphore_mem>>
      %dma_start3A_72 = arith.constant 0 : i32
      %dma_start3A_73 = tpu.memref_slice %arg13[%add3A_24, %dma_start3A_72] : memref<10112x128xf32, #tpu.memory_space<vmem_shared>> -> memref<80x128xf32, #tpu.memory_space<vmem_shared>>
      %dma_start3A_74 = arith.constant 0 : i32
      %dma_start3A_75 = tpu.memref_slice %arg13[%add3A_24, %dma_start3A_74] : memref<10112x128xf32, #tpu.memory_space<vmem_shared>> -> memref<80x128xf32, #tpu.memory_space<vmem_shared>>
      tpu.enqueue_dma source(%arg10 : memref<80x128xf32, #tpu.memory_space<vmem>>) target(%dma_start3A_75 : memref<80x128xf32, #tpu.memory_space<vmem_shared>>) target_semaphore(%run_scoped3A : memref<!tpu.dma_semaphore, #tpu.memory_space<semaphore_mem>>)
      %dma_wait3A_76 = arith.constant 0 : i32
      %dma_wait3A_77 = tpu.memref_slice %arg13[%add3A_24, %dma_wait3A_76] : memref<10112x128xf32, #tpu.memory_space<vmem_shared>> -> memref<80x128xf32, #tpu.memory_space<vmem_shared>>
      %dma_wait3A_78 = arith.constant 0 : i32
      %dma_wait3A_79 = tpu.memref_slice %arg13[%add3A_24, %dma_wait3A_78] : memref<10112x128xf32, #tpu.memory_space<vmem_shared>> -> memref<80x128xf32, #tpu.memory_space<vmem_shared>>
      tpu.wait_dma2 semaphore(%run_scoped3A : memref<!tpu.dma_semaphore, #tpu.memory_space<semaphore_mem>>) src(%arg10 : memref<80x128xf32, #tpu.memory_space<vmem>>) dst(%dma_wait3A_79 : memref<80x128xf32, #tpu.memory_space<vmem_shared>>)
      tpu.yield
    }) : () -> ()
    %mul3A_25 = arith.constant 632 : i32
    %mul3A_26 = arith.muli %arg1, %mul3A_25 : i32
    %add3A_27 = arith.constant 320 : i32
    %add3A_28 = arith.addi %mul3A_26, %add3A_27 : i32
    "tpu.region"() ({
      %run_scoped3A = tpu.sem_alloc : memref<!tpu.dma_semaphore, #tpu.memory_space<semaphore_mem>>
      %dma_start3A_72 = arith.constant 0 : i32
      %dma_start3A_73 = tpu.memref_slice %arg13[%add3A_28, %dma_start3A_72] : memref<10112x128xf32, #tpu.memory_space<vmem_shared>> -> memref<80x128xf32, #tpu.memory_space<vmem_shared>>
      %dma_start3A_74 = arith.constant 0 : i32
      %dma_start3A_75 = tpu.memref_slice %arg13[%add3A_28, %dma_start3A_74] : memref<10112x128xf32, #tpu.memory_space<vmem_shared>> -> memref<80x128xf32, #tpu.memory_space<vmem_shared>>
      tpu.enqueue_dma source(%arg10 : memref<80x128xf32, #tpu.memory_space<vmem>>) target(%dma_start3A_75 : memref<80x128xf32, #tpu.memory_space<vmem_shared>>) target_semaphore(%run_scoped3A : memref<!tpu.dma_semaphore, #tpu.memory_space<semaphore_mem>>)
      %dma_wait3A_76 = arith.constant 0 : i32
      %dma_wait3A_77 = tpu.memref_slice %arg13[%add3A_28, %dma_wait3A_76] : memref<10112x128xf32, #tpu.memory_space<vmem_shared>> -> memref<80x128xf32, #tpu.memory_space<vmem_shared>>
      %dma_wait3A_78 = arith.constant 0 : i32
      %dma_wait3A_79 = tpu.memref_slice %arg13[%add3A_28, %dma_wait3A_78] : memref<10112x128xf32, #tpu.memory_space<vmem_shared>> -> memref<80x128xf32, #tpu.memory_space<vmem_shared>>
      tpu.wait_dma2 semaphore(%run_scoped3A : memref<!tpu.dma_semaphore, #tpu.memory_space<semaphore_mem>>) src(%arg10 : memref<80x128xf32, #tpu.memory_space<vmem>>) dst(%dma_wait3A_79 : memref<80x128xf32, #tpu.memory_space<vmem_shared>>)
      tpu.yield
    }) : () -> ()
    %mul3A_29 = arith.constant 632 : i32
    %mul3A_30 = arith.muli %arg1, %mul3A_29 : i32
    %add3A_31 = arith.constant 400 : i32
    %add3A_32 = arith.addi %mul3A_30, %add3A_31 : i32
    "tpu.region"() ({
      %run_scoped3A = tpu.sem_alloc : memref<!tpu.dma_semaphore, #tpu.memory_space<semaphore_mem>>
      %dma_start3A_72 = arith.constant 0 : i32
      %dma_start3A_73 = tpu.memref_slice %arg13[%add3A_32, %dma_start3A_72] : memref<10112x128xf32, #tpu.memory_space<vmem_shared>> -> memref<80x128xf32, #tpu.memory_space<vmem_shared>>
      %dma_start3A_74 = arith.constant 0 : i32
      %dma_start3A_75 = tpu.memref_slice %arg13[%add3A_32, %dma_start3A_74] : memref<10112x128xf32, #tpu.memory_space<vmem_shared>> -> memref<80x128xf32, #tpu.memory_space<vmem_shared>>
      tpu.enqueue_dma source(%arg10 : memref<80x128xf32, #tpu.memory_space<vmem>>) target(%dma_start3A_75 : memref<80x128xf32, #tpu.memory_space<vmem_shared>>) target_semaphore(%run_scoped3A : memref<!tpu.dma_semaphore, #tpu.memory_space<semaphore_mem>>)
      %dma_wait3A_76 = arith.constant 0 : i32
      %dma_wait3A_77 = tpu.memref_slice %arg13[%add3A_32, %dma_wait3A_76] : memref<10112x128xf32, #tpu.memory_space<vmem_shared>> -> memref<80x128xf32, #tpu.memory_space<vmem_shared>>
      %dma_wait3A_78 = arith.constant 0 : i32
      %dma_wait3A_79 = tpu.memref_slice %arg13[%add3A_32, %dma_wait3A_78] : memref<10112x128xf32, #tpu.memory_space<vmem_shared>> -> memref<80x128xf32, #tpu.memory_space<vmem_shared>>
      tpu.wait_dma2 semaphore(%run_scoped3A : memref<!tpu.dma_semaphore, #tpu.memory_space<semaphore_mem>>) src(%arg10 : memref<80x128xf32, #tpu.memory_space<vmem>>) dst(%dma_wait3A_79 : memref<80x128xf32, #tpu.memory_space<vmem_shared>>)
      tpu.yield
    }) : () -> ()
    %mul3A_33 = arith.constant 632 : i32
    %mul3A_34 = arith.muli %arg1, %mul3A_33 : i32
    %add3A_35 = arith.constant 480 : i32
    %add3A_36 = arith.addi %mul3A_34, %add3A_35 : i32
    "tpu.region"() ({
      %run_scoped3A = tpu.sem_alloc : memref<!tpu.dma_semaphore, #tpu.memory_space<semaphore_mem>>
      %dma_start3A_72 = arith.constant 0 : i32
      %dma_start3A_73 = tpu.memref_slice %arg13[%add3A_36, %dma_start3A_72] : memref<10112x128xf32, #tpu.memory_space<vmem_shared>> -> memref<80x128xf32, #tpu.memory_space<vmem_shared>>
      %dma_start3A_74 = arith.constant 0 : i32
      %dma_start3A_75 = tpu.memref_slice %arg13[%add3A_36, %dma_start3A_74] : memref<10112x128xf32, #tpu.memory_space<vmem_shared>> -> memref<80x128xf32, #tpu.memory_space<vmem_shared>>
      tpu.enqueue_dma source(%arg10 : memref<80x128xf32, #tpu.memory_space<vmem>>) target(%dma_start3A_75 : memref<80x128xf32, #tpu.memory_space<vmem_shared>>) target_semaphore(%run_scoped3A : memref<!tpu.dma_semaphore, #tpu.memory_space<semaphore_mem>>)
      %dma_wait3A_76 = arith.constant 0 : i32
      %dma_wait3A_77 = tpu.memref_slice %arg13[%add3A_36, %dma_wait3A_76] : memref<10112x128xf32, #tpu.memory_space<vmem_shared>> -> memref<80x128xf32, #tpu.memory_space<vmem_shared>>
      %dma_wait3A_78 = arith.constant 0 : i32
      %dma_wait3A_79 = tpu.memref_slice %arg13[%add3A_36, %dma_wait3A_78] : memref<10112x128xf32, #tpu.memory_space<vmem_shared>> -> memref<80x128xf32, #tpu.memory_space<vmem_shared>>
      tpu.wait_dma2 semaphore(%run_scoped3A : memref<!tpu.dma_semaphore, #tpu.memory_space<semaphore_mem>>) src(%arg10 : memref<80x128xf32, #tpu.memory_space<vmem>>) dst(%dma_wait3A_79 : memref<80x128xf32, #tpu.memory_space<vmem_shared>>)
      tpu.yield
    }) : () -> ()
    %mul3A_37 = arith.constant 632 : i32
    %mul3A_38 = arith.muli %arg1, %mul3A_37 : i32
    %add3A_39 = arith.constant 560 : i32
    %add3A_40 = arith.addi %mul3A_38, %add3A_39 : i32
    "tpu.region"() ({
      %run_scoped3A = tpu.sem_alloc : memref<!tpu.dma_semaphore, #tpu.memory_space<semaphore_mem>>
      %dma_start3A_72 = arith.constant 0 : i32
      %dma_start3A_73 = arith.constant 0 : i32
      %dma_start3A_74 = tpu.memref_slice %arg10[%dma_start3A_72, %dma_start3A_73] : memref<80x128xf32, #tpu.memory_space<vmem>> -> memref<72x128xf32, #tpu.memory_space<vmem>>
      %dma_start3A_75 = arith.constant 0 : i32
      %dma_start3A_76 = tpu.memref_slice %arg13[%add3A_40, %dma_start3A_75] : memref<10112x128xf32, #tpu.memory_space<vmem_shared>> -> memref<72x128xf32, #tpu.memory_space<vmem_shared>>
      %dma_start3A_77 = arith.constant 0 : i32
      %dma_start3A_78 = tpu.memref_slice %arg13[%add3A_40, %dma_start3A_77] : memref<10112x128xf32, #tpu.memory_space<vmem_shared>> -> memref<72x128xf32, #tpu.memory_space<vmem_shared>>
      %dma_start3A_79 = arith.constant 0 : i32
      %dma_start3A_80 = arith.constant 0 : i32
      %dma_start3A_81 = tpu.memref_slice %arg10[%dma_start3A_79, %dma_start3A_80] : memref<80x128xf32, #tpu.memory_space<vmem>> -> memref<72x128xf32, #tpu.memory_space<vmem>>
      tpu.enqueue_dma source(%dma_start3A_81 : memref<72x128xf32, #tpu.memory_space<vmem>>) target(%dma_start3A_78 : memref<72x128xf32, #tpu.memory_space<vmem_shared>>) target_semaphore(%run_scoped3A : memref<!tpu.dma_semaphore, #tpu.memory_space<semaphore_mem>>)
      %dma_wait3A_82 = arith.constant 0 : i32
      %dma_wait3A_83 = arith.constant 0 : i32
      %dma_wait3A_84 = tpu.memref_slice %arg10[%dma_wait3A_82, %dma_wait3A_83] : memref<80x128xf32, #tpu.memory_space<vmem>> -> memref<72x128xf32, #tpu.memory_space<vmem>>
      %dma_wait3A_85 = arith.constant 0 : i32
      %dma_wait3A_86 = tpu.memref_slice %arg13[%add3A_40, %dma_wait3A_85] : memref<10112x128xf32, #tpu.memory_space<vmem_shared>> -> memref<72x128xf32, #tpu.memory_space<vmem_shared>>
      %dma_wait3A_87 = arith.constant 0 : i32
      %dma_wait3A_88 = tpu.memref_slice %arg13[%add3A_40, %dma_wait3A_87] : memref<10112x128xf32, #tpu.memory_space<vmem_shared>> -> memref<72x128xf32, #tpu.memory_space<vmem_shared>>
      %dma_wait3A_89 = arith.constant 0 : i32
      %dma_wait3A_90 = arith.constant 0 : i32
      %dma_wait3A_91 = tpu.memref_slice %arg10[%dma_wait3A_89, %dma_wait3A_90] : memref<80x128xf32, #tpu.memory_space<vmem>> -> memref<72x128xf32, #tpu.memory_space<vmem>>
      tpu.wait_dma2 semaphore(%run_scoped3A : memref<!tpu.dma_semaphore, #tpu.memory_space<semaphore_mem>>) src(%dma_wait3A_91 : memref<72x128xf32, #tpu.memory_space<vmem>>) dst(%dma_wait3A_88 : memref<72x128xf32, #tpu.memory_space<vmem_shared>>)
      tpu.yield
    }) : () -> ()
    %barrier3A = arith.constant 0 : index
    tpu.barrier barrier_id(%barrier3A)
    %mul3A_41 = arith.constant 2480 : i32
    %mul3A_42 = arith.muli %arg1, %mul3A_41 : i32
    %mul3A_43 = arith.constant 39680 : i32
    %mul3A_44 = arith.muli %arg0, %mul3A_43 : i32
    %add3A_45 = arith.addi %mul3A_44, %mul3A_42 : i32
    %dma_start3A = tpu.memref_slice %arg5[%mul3A_42] : memref<39680xi32, #tpu.memory_space<hbm>> -> memref<80xi32, #tpu.memory_space<hbm>>
    %dma_start3A_46 = tpu.memref_slice %arg5[%mul3A_42] : memref<39680xi32, #tpu.memory_space<hbm>> -> memref<80xi32, #tpu.memory_space<hbm>>
    tpu.enqueue_dma source(%dma_start3A_46 : memref<80xi32, #tpu.memory_space<hbm>>) target(%arg8 : memref<80xi32, #tpu.memory_space<vmem>>) target_semaphore(%arg17 : memref<!tpu.dma_semaphore, #tpu.memory_space<semaphore_mem>>)
    %dma_start3A_47 = arith.constant 0 : i32
    %dma_start3A_48 = tpu.memref_slice %arg3[%add3A_45, %dma_start3A_47] : memref<79360x128xf32, #tpu.memory_space<hbm>> -> memref<80x128xf32, #tpu.memory_space<hbm>>
    %dma_start3A_49 = arith.constant 0 : i32
    %dma_start3A_50 = tpu.memref_slice %arg3[%add3A_45, %dma_start3A_49] : memref<79360x128xf32, #tpu.memory_space<hbm>> -> memref<80x128xf32, #tpu.memory_space<hbm>>
    tpu.enqueue_dma source(%dma_start3A_50 : memref<80x128xf32, #tpu.memory_space<hbm>>) target(%arg12 : memref<80x128xf32, #tpu.memory_space<vmem>>) target_semaphore(%arg16 : memref<!tpu.dma_semaphore, #tpu.memory_space<semaphore_mem>>)
    %dma_start3A_51 = arith.constant 0 : i32
    %dma_start3A_52 = tpu.memref_slice %arg7[%dma_start3A_51] : memref<2480xi32, #tpu.memory_space<vmem>> -> memref<80xi32, #tpu.memory_space<vmem>>
    %dma_start3A_53 = arith.constant 0 : i32
    %dma_start3A_54 = arith.constant 0 : i32
    %dma_start3A_55 = tpu.memref_slice %arg2[%dma_start3A_53, %dma_start3A_54] : memref<20000x128xf32, #tpu.memory_space<hbm>> -> memref<20000x128xf32, #tpu.memory_space<hbm>>
    tpu.enqueue_indirect_dma source(%dma_start3A_55 : memref<20000x128xf32, #tpu.memory_space<hbm>>) target(%arg10 : memref<80x128xf32, #tpu.memory_space<vmem>>) offsets(%dma_start3A_52 : memref<80xi32, #tpu.memory_space<vmem>>) semaphore(%arg14 : memref<!tpu.dma_semaphore, #tpu.memory_space<semaphore_mem>>)
    %scan3A_56 = arith.constant 0 : i32
    %scan3A_57 = arith.constant 0 : i32
    %scan3A_58 = arith.constant 31 : i32
    %scan3A_59 = arith.addi %scan3A_57, %scan3A_58 : i32
    %scan3A_60 = arith.constant 1 : i32
    scf.for %scan3A_72 = %scan3A_57 to %scan3A_59 step %scan3A_60  : i32 {
      %jit3A = arith.constant 2 : i32
      %eq3A = arith.constant 0 : i32
      %eq3A_73 = arith.cmpi eq, %jit3A, %eq3A : i32
      %jit3A_74 = arith.constant 1 : i32
      %select_n3A = arith.select %eq3A_73, %jit3A_74, %jit3A : i32
      %rem3A = arith.remsi %scan3A_72, %select_n3A : i32
      %ne3A = arith.constant 0 : i32
      %ne3A_75 = arith.cmpi ne, %rem3A, %ne3A : i32
      %lt3A = arith.constant 0 : i32
      %lt3A_76 = arith.cmpi slt, %rem3A, %lt3A : i32
      %lt3A_77 = arith.constant 0 : i32
      %lt3A_78 = arith.cmpi slt, %select_n3A, %lt3A_77 : i32
      %ne3A_79 = arith.xori %lt3A_76, %lt3A_78 : i1
      %and3A = arith.andi %ne3A_79, %ne3A_75 : i1
      %add3A_80 = arith.addi %rem3A, %select_n3A : i32
      %select_n3A_81 = arith.select %and3A, %add3A_80, %rem3A : i32
      %eq3A_82 = arith.constant 0 : i32
      %eq3A_83 = arith.cmpi eq, %select_n3A_81, %eq3A_82 : i32
      %convert_element_type3A = arith.extui %eq3A_83 : i1 to i32
      %cond3A = arith.constant 0 : i32
      %cond3A_84 = arith.cmpi ne, %convert_element_type3A, %cond3A : i32
      scf.if %cond3A_84 {
        %ge3A = arith.constant 1 : i32
        %ge3A_106 = arith.cmpi sge, %scan3A_72, %ge3A : i32
        %convert_element_type3A_107 = arith.extui %ge3A_106 : i1 to i32
        %cond3A_108 = arith.constant 0 : i32
        %cond3A_109 = arith.cmpi ne, %convert_element_type3A_107, %cond3A_108 : i32
        scf.if %cond3A_109 {
          %dma_wait3A_145 = arith.constant 0 : i32
          %dma_wait3A_146 = arith.constant 0 : i32
          %dma_wait3A_147 = tpu.memref_slice %arg13[%dma_wait3A_145, %dma_wait3A_146] : memref<10112x128xf32, #tpu.memory_space<vmem_shared>> -> memref<10112x128xf32, #tpu.memory_space<vmem_shared>>
          tpu.wait_indirect_dma semaphore(%arg20 : memref<!tpu.dma_semaphore, #tpu.memory_space<semaphore_mem>>) src(%arg11 : memref<80x128xf32, #tpu.memory_space<vmem>>) dst(%dma_wait3A_147 : memref<10112x128xf32, #tpu.memory_space<vmem_shared>>)
        } else {
        }
        %add3A_110 = arith.constant 1 : i32
        %add3A_111 = arith.addi %scan3A_72, %add3A_110 : i32
        %lt3A_112 = arith.constant 31 : i32
        %lt3A_113 = arith.cmpi slt, %add3A_111, %lt3A_112 : i32
        %convert_element_type3A_114 = arith.extui %lt3A_113 : i1 to i32
        %cond3A_115 = arith.constant 0 : i32
        %cond3A_116 = arith.cmpi ne, %convert_element_type3A_114, %cond3A_115 : i32
        scf.if %cond3A_116 {
          %add3A_145 = arith.constant 1 : i32
          %add3A_146 = arith.addi %scan3A_72, %add3A_145 : i32
          %mul3A_147 = arith.constant 80 : i32
          %mul3A_148 = arith.muli %add3A_146, %mul3A_147 : i32
          %dma_start3A_149 = tpu.memref_slice %arg7[%mul3A_148] : memref<2480xi32, #tpu.memory_space<vmem>> -> memref<80xi32, #tpu.memory_space<vmem>>
          %dma_start3A_150 = arith.constant 0 : i32
          %dma_start3A_151 = arith.constant 0 : i32
          %dma_start3A_152 = tpu.memref_slice %arg2[%dma_start3A_150, %dma_start3A_151] : memref<20000x128xf32, #tpu.memory_space<hbm>> -> memref<20000x128xf32, #tpu.memory_space<hbm>>
          tpu.enqueue_indirect_dma source(%dma_start3A_152 : memref<20000x128xf32, #tpu.memory_space<hbm>>) target(%arg11 : memref<80x128xf32, #tpu.memory_space<vmem>>) offsets(%dma_start3A_149 : memref<80xi32, #tpu.memory_space<vmem>>) semaphore(%arg15 : memref<!tpu.dma_semaphore, #tpu.memory_space<semaphore_mem>>)
          %add3A_153 = arith.constant 1 : i32
          %add3A_154 = arith.addi %scan3A_72, %add3A_153 : i32
          %mul3A_155 = arith.constant 80 : i32
          %mul3A_156 = arith.muli %add3A_154, %mul3A_155 : i32
          %add3A_157 = arith.addi %mul3A_42, %mul3A_156 : i32
          %dma_start3A_158 = tpu.memref_slice %arg5[%add3A_157] : memref<39680xi32, #tpu.memory_space<hbm>> -> memref<80xi32, #tpu.memory_space<hbm>>
          %dma_start3A_159 = tpu.memref_slice %arg5[%add3A_157] : memref<39680xi32, #tpu.memory_space<hbm>> -> memref<80xi32, #tpu.memory_space<hbm>>
          tpu.enqueue_dma source(%dma_start3A_159 : memref<80xi32, #tpu.memory_space<hbm>>) target(%arg9 : memref<80xi32, #tpu.memory_space<vmem>>) target_semaphore(%arg18 : memref<!tpu.dma_semaphore, #tpu.memory_space<semaphore_mem>>)
        } else {
        }
        %dma_wait3A_117 = arith.constant 0 : i32
        %dma_wait3A_118 = arith.constant 0 : i32
        %dma_wait3A_119 = tpu.memref_slice %arg2[%dma_wait3A_117, %dma_wait3A_118] : memref<20000x128xf32, #tpu.memory_space<hbm>> -> memref<80x128xf32, #tpu.memory_space<hbm>>
        %dma_wait3A_120 = arith.constant 0 : i32
        %dma_wait3A_121 = arith.constant 0 : i32
        %dma_wait3A_122 = tpu.memref_slice %arg2[%dma_wait3A_120, %dma_wait3A_121] : memref<20000x128xf32, #tpu.memory_space<hbm>> -> memref<80x128xf32, #tpu.memory_space<hbm>>
        tpu.wait_dma2 semaphore(%arg14 : memref<!tpu.dma_semaphore, #tpu.memory_space<semaphore_mem>>) src(%dma_wait3A_122 : memref<80x128xf32, #tpu.memory_space<hbm>>) dst(%arg10 : memref<80x128xf32, #tpu.memory_space<vmem>>)
        %dma_wait3A_123 = arith.constant 0 : i32
        %dma_wait3A_124 = arith.constant 0 : i32
        %dma_wait3A_125 = tpu.memref_slice %arg3[%dma_wait3A_123, %dma_wait3A_124] : memref<79360x128xf32, #tpu.memory_space<hbm>> -> memref<80x128xf32, #tpu.memory_space<hbm>>
        %dma_wait3A_126 = arith.constant 0 : i32
        %dma_wait3A_127 = arith.constant 0 : i32
        %dma_wait3A_128 = tpu.memref_slice %arg3[%dma_wait3A_126, %dma_wait3A_127] : memref<79360x128xf32, #tpu.memory_space<hbm>> -> memref<80x128xf32, #tpu.memory_space<hbm>>
        tpu.wait_dma2 semaphore(%arg16 : memref<!tpu.dma_semaphore, #tpu.memory_space<semaphore_mem>>) src(%dma_wait3A_128 : memref<80x128xf32, #tpu.memory_space<hbm>>) dst(%arg12 : memref<80x128xf32, #tpu.memory_space<vmem>>)
        %parallel_loop3A = arith.constant 0 : i32
        %parallel_loop3A_129 = arith.constant 80 : i32
        %parallel_loop3A_130 = arith.constant 1 : i32
        scf.for %parallel_loop3A_145 = %parallel_loop3A to %parallel_loop3A_129 step %parallel_loop3A_130  : i32 {
          %parallel_loop3A_146 = arith.index_cast %parallel_loop3A_145 : i32 to index
          %parallel_loop3A_147 = arith.constant 0 : index
          %parallel_loop3A_148 = tpu.vector_load %arg10[%parallel_loop3A_146, %parallel_loop3A_147] {strides = array<i32>} : memref<80x128xf32, #tpu.memory_space<vmem>>, vector<1x16xf32>,
          %parallel_loop3A_149 = vector.shape_cast %parallel_loop3A_148 : vector<1x16xf32> to vector<16xf32>
          %parallel_loop3A_150 = arith.index_cast %parallel_loop3A_145 : i32 to index
          %parallel_loop3A_151 = arith.constant 0 : index
          %parallel_loop3A_152 = tpu.vector_load %arg12[%parallel_loop3A_150, %parallel_loop3A_151] {strides = array<i32>} : memref<80x128xf32, #tpu.memory_space<vmem>>, vector<1x16xf32>,
          %parallel_loop3A_153 = vector.shape_cast %parallel_loop3A_152 : vector<1x16xf32> to vector<16xf32>
          %parallel_loop3A_154 = arith.mulf %parallel_loop3A_149, %parallel_loop3A_153 : vector<16xf32>
          %parallel_loop3A_155 = arith.index_cast %parallel_loop3A_145 : i32 to index
          %parallel_loop3A_156 = arith.constant 0 : index
          %parallel_loop3A_157 = tpu.vector_load %arg10[%parallel_loop3A_155, %parallel_loop3A_156] {strides = array<i32>} : memref<80x128xf32, #tpu.memory_space<vmem>>, vector<1x16xf32>,
          %parallel_loop3A_158 = vector.shape_cast %parallel_loop3A_157 : vector<1x16xf32> to vector<16xf32>
          %parallel_loop3A_159 = vector.shape_cast %parallel_loop3A_154 : vector<16xf32> to vector<1x16xf32>
          tpu.vector_store %arg10[%parallel_loop3A_155, %parallel_loop3A_156], %parallel_loop3A_159 {strides = array<i32>} : memref<80x128xf32, #tpu.memory_space<vmem>>, vector<1x16xf32>,
          %parallel_loop3A_160 = arith.index_cast %parallel_loop3A_145 : i32 to index
          %parallel_loop3A_161 = arith.constant 16 : index
          %parallel_loop3A_162 = tpu.vector_load %arg10[%parallel_loop3A_160, %parallel_loop3A_161] {strides = array<i32>} : memref<80x128xf32, #tpu.memory_space<vmem>>, vector<1x16xf32>,
          %parallel_loop3A_163 = vector.shape_cast %parallel_loop3A_162 : vector<1x16xf32> to vector<16xf32>
          %parallel_loop3A_164 = arith.index_cast %parallel_loop3A_145 : i32 to index
          %parallel_loop3A_165 = arith.constant 16 : index
          %parallel_loop3A_166 = tpu.vector_load %arg12[%parallel_loop3A_164, %parallel_loop3A_165] {strides = array<i32>} : memref<80x128xf32, #tpu.memory_space<vmem>>, vector<1x16xf32>,
          %parallel_loop3A_167 = vector.shape_cast %parallel_loop3A_166 : vector<1x16xf32> to vector<16xf32>
          %parallel_loop3A_168 = arith.mulf %parallel_loop3A_163, %parallel_loop3A_167 : vector<16xf32>
          %parallel_loop3A_169 = arith.index_cast %parallel_loop3A_145 : i32 to index
          %parallel_loop3A_170 = arith.constant 16 : index
          %parallel_loop3A_171 = tpu.vector_load %arg10[%parallel_loop3A_169, %parallel_loop3A_170] {strides = array<i32>} : memref<80x128xf32, #tpu.memory_space<vmem>>, vector<1x16xf32>,
          %parallel_loop3A_172 = vector.shape_cast %parallel_loop3A_171 : vector<1x16xf32> to vector<16xf32>
          %parallel_loop3A_173 = vector.shape_cast %parallel_loop3A_168 : vector<16xf32> to vector<1x16xf32>
          tpu.vector_store %arg10[%parallel_loop3A_169, %parallel_loop3A_170], %parallel_loop3A_173 {strides = array<i32>} : memref<80x128xf32, #tpu.memory_space<vmem>>, vector<1x16xf32>,
          %parallel_loop3A_174 = arith.index_cast %parallel_loop3A_145 : i32 to index
          %parallel_loop3A_175 = arith.constant 32 : index
          %parallel_loop3A_176 = tpu.vector_load %arg10[%parallel_loop3A_174, %parallel_loop3A_175] {strides = array<i32>} : memref<80x128xf32, #tpu.memory_space<vmem>>, vector<1x16xf32>,
          %parallel_loop3A_177 = vector.shape_cast %parallel_loop3A_176 : vector<1x16xf32> to vector<16xf32>
          %parallel_loop3A_178 = arith.index_cast %parallel_loop3A_145 : i32 to index
          %parallel_loop3A_179 = arith.constant 32 : index
          %parallel_loop3A_180 = tpu.vector_load %arg12[%parallel_loop3A_178, %parallel_loop3A_179] {strides = array<i32>} : memref<80x128xf32, #tpu.memory_space<vmem>>, vector<1x16xf32>,
          %parallel_loop3A_181 = vector.shape_cast %parallel_loop3A_180 : vector<1x16xf32> to vector<16xf32>
          %parallel_loop3A_182 = arith.mulf %parallel_loop3A_177, %parallel_loop3A_181 : vector<16xf32>
          %parallel_loop3A_183 = arith.index_cast %parallel_loop3A_145 : i32 to index
          %parallel_loop3A_184 = arith.constant 32 : index
          %parallel_loop3A_185 = tpu.vector_load %arg10[%parallel_loop3A_183, %parallel_loop3A_184] {strides = array<i32>} : memref<80x128xf32, #tpu.memory_space<vmem>>, vector<1x16xf32>,
          %parallel_loop3A_186 = vector.shape_cast %parallel_loop3A_185 : vector<1x16xf32> to vector<16xf32>
          %parallel_loop3A_187 = vector.shape_cast %parallel_loop3A_182 : vector<16xf32> to vector<1x16xf32>
          tpu.vector_store %arg10[%parallel_loop3A_183, %parallel_loop3A_184], %parallel_loop3A_187 {strides = array<i32>} : memref<80x128xf32, #tpu.memory_space<vmem>>, vector<1x16xf32>,
          %parallel_loop3A_188 = arith.index_cast %parallel_loop3A_145 : i32 to index
          %parallel_loop3A_189 = arith.constant 48 : index
          %parallel_loop3A_190 = tpu.vector_load %arg10[%parallel_loop3A_188, %parallel_loop3A_189] {strides = array<i32>} : memref<80x128xf32, #tpu.memory_space<vmem>>, vector<1x16xf32>,
          %parallel_loop3A_191 = vector.shape_cast %parallel_loop3A_190 : vector<1x16xf32> to vector<16xf32>
          %parallel_loop3A_192 = arith.index_cast %parallel_loop3A_145 : i32 to index
          %parallel_loop3A_193 = arith.constant 48 : index
          %parallel_loop3A_194 = tpu.vector_load %arg12[%parallel_loop3A_192, %parallel_loop3A_193] {strides = array<i32>} : memref<80x128xf32, #tpu.memory_space<vmem>>, vector<1x16xf32>,
          %parallel_loop3A_195 = vector.shape_cast %parallel_loop3A_194 : vector<1x16xf32> to vector<16xf32>
          %parallel_loop3A_196 = arith.mulf %parallel_loop3A_191, %parallel_loop3A_195 : vector<16xf32>
          %parallel_loop3A_197 = arith.index_cast %parallel_loop3A_145 : i32 to index
          %parallel_loop3A_198 = arith.constant 48 : index
          %parallel_loop3A_199 = tpu.vector_load %arg10[%parallel_loop3A_197, %parallel_loop3A_198] {strides = array<i32>} : memref<80x128xf32, #tpu.memory_space<vmem>>, vector<1x16xf32>,
          %parallel_loop3A_200 = vector.shape_cast %parallel_loop3A_199 : vector<1x16xf32> to vector<16xf32>
          %parallel_loop3A_201 = vector.shape_cast %parallel_loop3A_196 : vector<16xf32> to vector<1x16xf32>
          tpu.vector_store %arg10[%parallel_loop3A_197, %parallel_loop3A_198], %parallel_loop3A_201 {strides = array<i32>} : memref<80x128xf32, #tpu.memory_space<vmem>>, vector<1x16xf32>,
          %parallel_loop3A_202 = arith.index_cast %parallel_loop3A_145 : i32 to index
          %parallel_loop3A_203 = arith.constant 64 : index
          %parallel_loop3A_204 = tpu.vector_load %arg10[%parallel_loop3A_202, %parallel_loop3A_203] {strides = array<i32>} : memref<80x128xf32, #tpu.memory_space<vmem>>, vector<1x16xf32>,
          %parallel_loop3A_205 = vector.shape_cast %parallel_loop3A_204 : vector<1x16xf32> to vector<16xf32>
          %parallel_loop3A_206 = arith.index_cast %parallel_loop3A_145 : i32 to index
          %parallel_loop3A_207 = arith.constant 64 : index
          %parallel_loop3A_208 = tpu.vector_load %arg12[%parallel_loop3A_206, %parallel_loop3A_207] {strides = array<i32>} : memref<80x128xf32, #tpu.memory_space<vmem>>, vector<1x16xf32>,
          %parallel_loop3A_209 = vector.shape_cast %parallel_loop3A_208 : vector<1x16xf32> to vector<16xf32>
          %parallel_loop3A_210 = arith.mulf %parallel_loop3A_205, %parallel_loop3A_209 : vector<16xf32>
          %parallel_loop3A_211 = arith.index_cast %parallel_loop3A_145 : i32 to index
          %parallel_loop3A_212 = arith.constant 64 : index
          %parallel_loop3A_213 = tpu.vector_load %arg10[%parallel_loop3A_211, %parallel_loop3A_212] {strides = array<i32>} : memref<80x128xf32, #tpu.memory_space<vmem>>, vector<1x16xf32>,
          %parallel_loop3A_214 = vector.shape_cast %parallel_loop3A_213 : vector<1x16xf32> to vector<16xf32>
          %parallel_loop3A_215 = vector.shape_cast %parallel_loop3A_210 : vector<16xf32> to vector<1x16xf32>
          tpu.vector_store %arg10[%parallel_loop3A_211, %parallel_loop3A_212], %parallel_loop3A_215 {strides = array<i32>} : memref<80x128xf32, #tpu.memory_space<vmem>>, vector<1x16xf32>,
          %parallel_loop3A_216 = arith.index_cast %parallel_loop3A_145 : i32 to index
          %parallel_loop3A_217 = arith.constant 80 : index
          %parallel_loop3A_218 = tpu.vector_load %arg10[%parallel_loop3A_216, %parallel_loop3A_217] {strides = array<i32>} : memref<80x128xf32, #tpu.memory_space<vmem>>, vector<1x16xf32>,
          %parallel_loop3A_219 = vector.shape_cast %parallel_loop3A_218 : vector<1x16xf32> to vector<16xf32>
          %parallel_loop3A_220 = arith.index_cast %parallel_loop3A_145 : i32 to index
          %parallel_loop3A_221 = arith.constant 80 : index
          %parallel_loop3A_222 = tpu.vector_load %arg12[%parallel_loop3A_220, %parallel_loop3A_221] {strides = array<i32>} : memref<80x128xf32, #tpu.memory_space<vmem>>, vector<1x16xf32>,
          %parallel_loop3A_223 = vector.shape_cast %parallel_loop3A_222 : vector<1x16xf32> to vector<16xf32>
          %parallel_loop3A_224 = arith.mulf %parallel_loop3A_219, %parallel_loop3A_223 : vector<16xf32>
          %parallel_loop3A_225 = arith.index_cast %parallel_loop3A_145 : i32 to index
          %parallel_loop3A_226 = arith.constant 80 : index
          %parallel_loop3A_227 = tpu.vector_load %arg10[%parallel_loop3A_225, %parallel_loop3A_226] {strides = array<i32>} : memref<80x128xf32, #tpu.memory_space<vmem>>, vector<1x16xf32>,
          %parallel_loop3A_228 = vector.shape_cast %parallel_loop3A_227 : vector<1x16xf32> to vector<16xf32>
          %parallel_loop3A_229 = vector.shape_cast %parallel_loop3A_224 : vector<16xf32> to vector<1x16xf32>
          tpu.vector_store %arg10[%parallel_loop3A_225, %parallel_loop3A_226], %parallel_loop3A_229 {strides = array<i32>} : memref<80x128xf32, #tpu.memory_space<vmem>>, vector<1x16xf32>,
          %parallel_loop3A_230 = arith.index_cast %parallel_loop3A_145 : i32 to index
          %parallel_loop3A_231 = arith.constant 96 : index
          %parallel_loop3A_232 = tpu.vector_load %arg10[%parallel_loop3A_230, %parallel_loop3A_231] {strides = array<i32>} : memref<80x128xf32, #tpu.memory_space<vmem>>, vector<1x16xf32>,
          %parallel_loop3A_233 = vector.shape_cast %parallel_loop3A_232 : vector<1x16xf32> to vector<16xf32>
          %parallel_loop3A_234 = arith.index_cast %parallel_loop3A_145 : i32 to index
          %parallel_loop3A_235 = arith.constant 96 : index
          %parallel_loop3A_236 = tpu.vector_load %arg12[%parallel_loop3A_234, %parallel_loop3A_235] {strides = array<i32>} : memref<80x128xf32, #tpu.memory_space<vmem>>, vector<1x16xf32>,
          %parallel_loop3A_237 = vector.shape_cast %parallel_loop3A_236 : vector<1x16xf32> to vector<16xf32>
          %parallel_loop3A_238 = arith.mulf %parallel_loop3A_233, %parallel_loop3A_237 : vector<16xf32>
          %parallel_loop3A_239 = arith.index_cast %parallel_loop3A_145 : i32 to index
          %parallel_loop3A_240 = arith.constant 96 : index
          %parallel_loop3A_241 = tpu.vector_load %arg10[%parallel_loop3A_239, %parallel_loop3A_240] {strides = array<i32>} : memref<80x128xf32, #tpu.memory_space<vmem>>, vector<1x16xf32>,
          %parallel_loop3A_242 = vector.shape_cast %parallel_loop3A_241 : vector<1x16xf32> to vector<16xf32>
          %parallel_loop3A_243 = vector.shape_cast %parallel_loop3A_238 : vector<16xf32> to vector<1x16xf32>
          tpu.vector_store %arg10[%parallel_loop3A_239, %parallel_loop3A_240], %parallel_loop3A_243 {strides = array<i32>} : memref<80x128xf32, #tpu.memory_space<vmem>>, vector<1x16xf32>,
          %parallel_loop3A_244 = arith.index_cast %parallel_loop3A_145 : i32 to index
          %parallel_loop3A_245 = arith.constant 112 : index
          %parallel_loop3A_246 = tpu.vector_load %arg10[%parallel_loop3A_244, %parallel_loop3A_245] {strides = array<i32>} : memref<80x128xf32, #tpu.memory_space<vmem>>, vector<1x16xf32>,
          %parallel_loop3A_247 = vector.shape_cast %parallel_loop3A_246 : vector<1x16xf32> to vector<16xf32>
          %parallel_loop3A_248 = arith.index_cast %parallel_loop3A_145 : i32 to index
          %parallel_loop3A_249 = arith.constant 112 : index
          %parallel_loop3A_250 = tpu.vector_load %arg12[%parallel_loop3A_248, %parallel_loop3A_249] {strides = array<i32>} : memref<80x128xf32, #tpu.memory_space<vmem>>, vector<1x16xf32>,
          %parallel_loop3A_251 = vector.shape_cast %parallel_loop3A_250 : vector<1x16xf32> to vector<16xf32>
          %parallel_loop3A_252 = arith.mulf %parallel_loop3A_247, %parallel_loop3A_251 : vector<16xf32>
          %parallel_loop3A_253 = arith.index_cast %parallel_loop3A_145 : i32 to index
          %parallel_loop3A_254 = arith.constant 112 : index
          %parallel_loop3A_255 = tpu.vector_load %arg10[%parallel_loop3A_253, %parallel_loop3A_254] {strides = array<i32>} : memref<80x128xf32, #tpu.memory_space<vmem>>, vector<1x16xf32>,
          %parallel_loop3A_256 = vector.shape_cast %parallel_loop3A_255 : vector<1x16xf32> to vector<16xf32>
          %parallel_loop3A_257 = vector.shape_cast %parallel_loop3A_252 : vector<16xf32> to vector<1x16xf32>
          tpu.vector_store %arg10[%parallel_loop3A_253, %parallel_loop3A_254], %parallel_loop3A_257 {strides = array<i32>} : memref<80x128xf32, #tpu.memory_space<vmem>>, vector<1x16xf32>,
        } {sc.loop_unroll_factor = 4 : i64, sc.parallel_access}
        %add3A_131 = arith.constant 1 : i32
        %add3A_132 = arith.addi %scan3A_72, %add3A_131 : i32
        %lt3A_133 = arith.constant 31 : i32
        %lt3A_134 = arith.cmpi slt, %add3A_132, %lt3A_133 : i32
        %convert_element_type3A_135 = arith.extui %lt3A_134 : i1 to i32
        %cond3A_136 = arith.constant 0 : i32
        %cond3A_137 = arith.cmpi ne, %convert_element_type3A_135, %cond3A_136 : i32
        scf.if %cond3A_137 {
          %add3A_145 = arith.constant 1 : i32
          %add3A_146 = arith.addi %scan3A_72, %add3A_145 : i32
          %mul3A_147 = arith.constant 80 : i32
          %mul3A_148 = arith.muli %add3A_146, %mul3A_147 : i32
          %add3A_149 = arith.addi %add3A_45, %mul3A_148 : i32
          %dma_start3A_150 = arith.constant 0 : i32
          %dma_start3A_151 = tpu.memref_slice %arg3[%add3A_149, %dma_start3A_150] : memref<79360x128xf32, #tpu.memory_space<hbm>> -> memref<80x128xf32, #tpu.memory_space<hbm>>
          %dma_start3A_152 = arith.constant 0 : i32
          %dma_start3A_153 = tpu.memref_slice %arg3[%add3A_149, %dma_start3A_152] : memref<79360x128xf32, #tpu.memory_space<hbm>> -> memref<80x128xf32, #tpu.memory_space<hbm>>
          tpu.enqueue_dma source(%dma_start3A_153 : memref<80x128xf32, #tpu.memory_space<hbm>>) target(%arg12 : memref<80x128xf32, #tpu.memory_space<vmem>>) target_semaphore(%arg16 : memref<!tpu.dma_semaphore, #tpu.memory_space<semaphore_mem>>)
        } else {
        }
        %dma_wait3A_138 = arith.constant 0 : i32
        %dma_wait3A_139 = tpu.memref_slice %arg5[%dma_wait3A_138] : memref<39680xi32, #tpu.memory_space<hbm>> -> memref<80xi32, #tpu.memory_space<hbm>>
        %dma_wait3A_140 = arith.constant 0 : i32
        %dma_wait3A_141 = tpu.memref_slice %arg5[%dma_wait3A_140] : memref<39680xi32, #tpu.memory_space<hbm>> -> memref<80xi32, #tpu.memory_space<hbm>>
        tpu.wait_dma2 semaphore(%arg17 : memref<!tpu.dma_semaphore, #tpu.memory_space<semaphore_mem>>) src(%dma_wait3A_141 : memref<80xi32, #tpu.memory_space<hbm>>) dst(%arg8 : memref<80xi32, #tpu.memory_space<vmem>>)
        %dma_start3A_142 = arith.constant 0 : i32
        %dma_start3A_143 = arith.constant 0 : i32
        %dma_start3A_144 = tpu.memref_slice %arg13[%dma_start3A_142, %dma_start3A_143] : memref<10112x128xf32, #tpu.memory_space<vmem_shared>> -> memref<10112x128xf32, #tpu.memory_space<vmem_shared>>
        tpu.enqueue_indirect_dma source(%arg10 : memref<80x128xf32, #tpu.memory_space<vmem>>) target(%dma_start3A_144 : memref<10112x128xf32, #tpu.memory_space<vmem_shared>>) offsets(%arg8 : memref<80xi32, #tpu.memory_space<vmem>>) semaphore(%arg19 : memref<!tpu.dma_semaphore, #tpu.memory_space<semaphore_mem>>) {add = true}
      } else {
      }
      %jit3A_85 = arith.constant 2 : i32
      %eq3A_86 = arith.constant 0 : i32
      %eq3A_87 = arith.cmpi eq, %jit3A_85, %eq3A_86 : i32
      %jit3A_88 = arith.constant 1 : i32
      %select_n3A_89 = arith.select %eq3A_87, %jit3A_88, %jit3A_85 : i32
      %rem3A_90 = arith.remsi %scan3A_72, %select_n3A_89 : i32
      %ne3A_91 = arith.constant 0 : i32
      %ne3A_92 = arith.cmpi ne, %rem3A_90, %ne3A_91 : i32
      %lt3A_93 = arith.constant 0 : i32
      %lt3A_94 = arith.cmpi slt, %rem3A_90, %lt3A_93 : i32
      %lt3A_95 = arith.constant 0 : i32
      %lt3A_96 = arith.cmpi slt, %select_n3A_89, %lt3A_95 : i32
      %ne3A_97 = arith.xori %lt3A_94, %lt3A_96 : i1
      %and3A_98 = arith.andi %ne3A_97, %ne3A_92 : i1
      %add3A_99 = arith.addi %rem3A_90, %select_n3A_89 : i32
      %select_n3A_100 = arith.select %and3A_98, %add3A_99, %rem3A_90 : i32
      %eq3A_101 = arith.constant 1 : i32
      %eq3A_102 = arith.cmpi eq, %select_n3A_100, %eq3A_101 : i32
      %convert_element_type3A_103 = arith.extui %eq3A_102 : i1 to i32
      %cond3A_104 = arith.constant 0 : i32
      %cond3A_105 = arith.cmpi ne, %convert_element_type3A_103, %cond3A_104 : i32
      scf.if %cond3A_105 {
        %ge3A = arith.constant 1 : i32
        %ge3A_106 = arith.cmpi sge, %scan3A_72, %ge3A : i32
        %convert_element_type3A_107 = arith.extui %ge3A_106 : i1 to i32
        %cond3A_108 = arith.constant 0 : i32
        %cond3A_109 = arith.cmpi ne, %convert_element_type3A_107, %cond3A_108 : i32
        scf.if %cond3A_109 {
          %dma_wait3A_145 = arith.constant 0 : i32
          %dma_wait3A_146 = arith.constant 0 : i32
          %dma_wait3A_147 = tpu.memref_slice %arg13[%dma_wait3A_145, %dma_wait3A_146] : memref<10112x128xf32, #tpu.memory_space<vmem_shared>> -> memref<10112x128xf32, #tpu.memory_space<vmem_shared>>
          tpu.wait_indirect_dma semaphore(%arg19 : memref<!tpu.dma_semaphore, #tpu.memory_space<semaphore_mem>>) src(%arg10 : memref<80x128xf32, #tpu.memory_space<vmem>>) dst(%dma_wait3A_147 : memref<10112x128xf32, #tpu.memory_space<vmem_shared>>)
        } else {
        }
        %add3A_110 = arith.constant 1 : i32
        %add3A_111 = arith.addi %scan3A_72, %add3A_110 : i32
        %lt3A_112 = arith.constant 31 : i32
        %lt3A_113 = arith.cmpi slt, %add3A_111, %lt3A_112 : i32
        %convert_element_type3A_114 = arith.extui %lt3A_113 : i1 to i32
        %cond3A_115 = arith.constant 0 : i32
        %cond3A_116 = arith.cmpi ne, %convert_element_type3A_114, %cond3A_115 : i32
        scf.if %cond3A_116 {
          %add3A_145 = arith.constant 1 : i32
          %add3A_146 = arith.addi %scan3A_72, %add3A_145 : i32
          %mul3A_147 = arith.constant 80 : i32
          %mul3A_148 = arith.muli %add3A_146, %mul3A_147 : i32
          %dma_start3A_149 = tpu.memref_slice %arg7[%mul3A_148] : memref<2480xi32, #tpu.memory_space<vmem>> -> memref<80xi32, #tpu.memory_space<vmem>>
          %dma_start3A_150 = arith.constant 0 : i32
          %dma_start3A_151 = arith.constant 0 : i32
          %dma_start3A_152 = tpu.memref_slice %arg2[%dma_start3A_150, %dma_start3A_151] : memref<20000x128xf32, #tpu.memory_space<hbm>> -> memref<20000x128xf32, #tpu.memory_space<hbm>>
          tpu.enqueue_indirect_dma source(%dma_start3A_152 : memref<20000x128xf32, #tpu.memory_space<hbm>>) target(%arg10 : memref<80x128xf32, #tpu.memory_space<vmem>>) offsets(%dma_start3A_149 : memref<80xi32, #tpu.memory_space<vmem>>) semaphore(%arg14 : memref<!tpu.dma_semaphore, #tpu.memory_space<semaphore_mem>>)
          %add3A_153 = arith.constant 1 : i32
          %add3A_154 = arith.addi %scan3A_72, %add3A_153 : i32
          %mul3A_155 = arith.constant 80 : i32
          %mul3A_156 = arith.muli %add3A_154, %mul3A_155 : i32
          %add3A_157 = arith.addi %mul3A_42, %mul3A_156 : i32
          %dma_start3A_158 = tpu.memref_slice %arg5[%add3A_157] : memref<39680xi32, #tpu.memory_space<hbm>> -> memref<80xi32, #tpu.memory_space<hbm>>
          %dma_start3A_159 = tpu.memref_slice %arg5[%add3A_157] : memref<39680xi32, #tpu.memory_space<hbm>> -> memref<80xi32, #tpu.memory_space<hbm>>
          tpu.enqueue_dma source(%dma_start3A_159 : memref<80xi32, #tpu.memory_space<hbm>>) target(%arg8 : memref<80xi32, #tpu.memory_space<vmem>>) target_semaphore(%arg17 : memref<!tpu.dma_semaphore, #tpu.memory_space<semaphore_mem>>)
        } else {
        }
        %dma_wait3A_117 = arith.constant 0 : i32
        %dma_wait3A_118 = arith.constant 0 : i32
        %dma_wait3A_119 = tpu.memref_slice %arg2[%dma_wait3A_117, %dma_wait3A_118] : memref<20000x128xf32, #tpu.memory_space<hbm>> -> memref<80x128xf32, #tpu.memory_space<hbm>>
        %dma_wait3A_120 = arith.constant 0 : i32
        %dma_wait3A_121 = arith.constant 0 : i32
        %dma_wait3A_122 = tpu.memref_slice %arg2[%dma_wait3A_120, %dma_wait3A_121] : memref<20000x128xf32, #tpu.memory_space<hbm>> -> memref<80x128xf32, #tpu.memory_space<hbm>>
        tpu.wait_dma2 semaphore(%arg15 : memref<!tpu.dma_semaphore, #tpu.memory_space<semaphore_mem>>) src(%dma_wait3A_122 : memref<80x128xf32, #tpu.memory_space<hbm>>) dst(%arg11 : memref<80x128xf32, #tpu.memory_space<vmem>>)
        %dma_wait3A_123 = arith.constant 0 : i32
        %dma_wait3A_124 = arith.constant 0 : i32
        %dma_wait3A_125 = tpu.memref_slice %arg3[%dma_wait3A_123, %dma_wait3A_124] : memref<79360x128xf32, #tpu.memory_space<hbm>> -> memref<80x128xf32, #tpu.memory_space<hbm>>
        %dma_wait3A_126 = arith.constant 0 : i32
        %dma_wait3A_127 = arith.constant 0 : i32
        %dma_wait3A_128 = tpu.memref_slice %arg3[%dma_wait3A_126, %dma_wait3A_127] : memref<79360x128xf32, #tpu.memory_space<hbm>> -> memref<80x128xf32, #tpu.memory_space<hbm>>
        tpu.wait_dma2 semaphore(%arg16 : memref<!tpu.dma_semaphore, #tpu.memory_space<semaphore_mem>>) src(%dma_wait3A_128 : memref<80x128xf32, #tpu.memory_space<hbm>>) dst(%arg12 : memref<80x128xf32, #tpu.memory_space<vmem>>)
        %parallel_loop3A = arith.constant 0 : i32
        %parallel_loop3A_129 = arith.constant 80 : i32
        %parallel_loop3A_130 = arith.constant 1 : i32
        scf.for %parallel_loop3A_145 = %parallel_loop3A to %parallel_loop3A_129 step %parallel_loop3A_130  : i32 {
          %parallel_loop3A_146 = arith.index_cast %parallel_loop3A_145 : i32 to index
          %parallel_loop3A_147 = arith.constant 0 : index
          %parallel_loop3A_148 = tpu.vector_load %arg11[%parallel_loop3A_146, %parallel_loop3A_147] {strides = array<i32>} : memref<80x128xf32, #tpu.memory_space<vmem>>, vector<1x16xf32>,
          %parallel_loop3A_149 = vector.shape_cast %parallel_loop3A_148 : vector<1x16xf32> to vector<16xf32>
          %parallel_loop3A_150 = arith.index_cast %parallel_loop3A_145 : i32 to index
          %parallel_loop3A_151 = arith.constant 0 : index
          %parallel_loop3A_152 = tpu.vector_load %arg12[%parallel_loop3A_150, %parallel_loop3A_151] {strides = array<i32>} : memref<80x128xf32, #tpu.memory_space<vmem>>, vector<1x16xf32>,
          %parallel_loop3A_153 = vector.shape_cast %parallel_loop3A_152 : vector<1x16xf32> to vector<16xf32>
          %parallel_loop3A_154 = arith.mulf %parallel_loop3A_149, %parallel_loop3A_153 : vector<16xf32>
          %parallel_loop3A_155 = arith.index_cast %parallel_loop3A_145 : i32 to index
          %parallel_loop3A_156 = arith.constant 0 : index
          %parallel_loop3A_157 = tpu.vector_load %arg11[%parallel_loop3A_155, %parallel_loop3A_156] {strides = array<i32>} : memref<80x128xf32, #tpu.memory_space<vmem>>, vector<1x16xf32>,
          %parallel_loop3A_158 = vector.shape_cast %parallel_loop3A_157 : vector<1x16xf32> to vector<16xf32>
          %parallel_loop3A_159 = vector.shape_cast %parallel_loop3A_154 : vector<16xf32> to vector<1x16xf32>
          tpu.vector_store %arg11[%parallel_loop3A_155, %parallel_loop3A_156], %parallel_loop3A_159 {strides = array<i32>} : memref<80x128xf32, #tpu.memory_space<vmem>>, vector<1x16xf32>,
          %parallel_loop3A_160 = arith.index_cast %parallel_loop3A_145 : i32 to index
          %parallel_loop3A_161 = arith.constant 16 : index
          %parallel_loop3A_162 = tpu.vector_load %arg11[%parallel_loop3A_160, %parallel_loop3A_161] {strides = array<i32>} : memref<80x128xf32, #tpu.memory_space<vmem>>, vector<1x16xf32>,
          %parallel_loop3A_163 = vector.shape_cast %parallel_loop3A_162 : vector<1x16xf32> to vector<16xf32>
          %parallel_loop3A_164 = arith.index_cast %parallel_loop3A_145 : i32 to index
          %parallel_loop3A_165 = arith.constant 16 : index
          %parallel_loop3A_166 = tpu.vector_load %arg12[%parallel_loop3A_164, %parallel_loop3A_165] {strides = array<i32>} : memref<80x128xf32, #tpu.memory_space<vmem>>, vector<1x16xf32>,
          %parallel_loop3A_167 = vector.shape_cast %parallel_loop3A_166 : vector<1x16xf32> to vector<16xf32>
          %parallel_loop3A_168 = arith.mulf %parallel_loop3A_163, %parallel_loop3A_167 : vector<16xf32>
          %parallel_loop3A_169 = arith.index_cast %parallel_loop3A_145 : i32 to index
          %parallel_loop3A_170 = arith.constant 16 : index
          %parallel_loop3A_171 = tpu.vector_load %arg11[%parallel_loop3A_169, %parallel_loop3A_170] {strides = array<i32>} : memref<80x128xf32, #tpu.memory_space<vmem>>, vector<1x16xf32>,
          %parallel_loop3A_172 = vector.shape_cast %parallel_loop3A_171 : vector<1x16xf32> to vector<16xf32>
          %parallel_loop3A_173 = vector.shape_cast %parallel_loop3A_168 : vector<16xf32> to vector<1x16xf32>
          tpu.vector_store %arg11[%parallel_loop3A_169, %parallel_loop3A_170], %parallel_loop3A_173 {strides = array<i32>} : memref<80x128xf32, #tpu.memory_space<vmem>>, vector<1x16xf32>,
          %parallel_loop3A_174 = arith.index_cast %parallel_loop3A_145 : i32 to index
          %parallel_loop3A_175 = arith.constant 32 : index
          %parallel_loop3A_176 = tpu.vector_load %arg11[%parallel_loop3A_174, %parallel_loop3A_175] {strides = array<i32>} : memref<80x128xf32, #tpu.memory_space<vmem>>, vector<1x16xf32>,
          %parallel_loop3A_177 = vector.shape_cast %parallel_loop3A_176 : vector<1x16xf32> to vector<16xf32>
          %parallel_loop3A_178 = arith.index_cast %parallel_loop3A_145 : i32 to index
          %parallel_loop3A_179 = arith.constant 32 : index
          %parallel_loop3A_180 = tpu.vector_load %arg12[%parallel_loop3A_178, %parallel_loop3A_179] {strides = array<i32>} : memref<80x128xf32, #tpu.memory_space<vmem>>, vector<1x16xf32>,
          %parallel_loop3A_181 = vector.shape_cast %parallel_loop3A_180 : vector<1x16xf32> to vector<16xf32>
          %parallel_loop3A_182 = arith.mulf %parallel_loop3A_177, %parallel_loop3A_181 : vector<16xf32>
          %parallel_loop3A_183 = arith.index_cast %parallel_loop3A_145 : i32 to index
          %parallel_loop3A_184 = arith.constant 32 : index
          %parallel_loop3A_185 = tpu.vector_load %arg11[%parallel_loop3A_183, %parallel_loop3A_184] {strides = array<i32>} : memref<80x128xf32, #tpu.memory_space<vmem>>, vector<1x16xf32>,
          %parallel_loop3A_186 = vector.shape_cast %parallel_loop3A_185 : vector<1x16xf32> to vector<16xf32>
          %parallel_loop3A_187 = vector.shape_cast %parallel_loop3A_182 : vector<16xf32> to vector<1x16xf32>
          tpu.vector_store %arg11[%parallel_loop3A_183, %parallel_loop3A_184], %parallel_loop3A_187 {strides = array<i32>} : memref<80x128xf32, #tpu.memory_space<vmem>>, vector<1x16xf32>,
          %parallel_loop3A_188 = arith.index_cast %parallel_loop3A_145 : i32 to index
          %parallel_loop3A_189 = arith.constant 48 : index
          %parallel_loop3A_190 = tpu.vector_load %arg11[%parallel_loop3A_188, %parallel_loop3A_189] {strides = array<i32>} : memref<80x128xf32, #tpu.memory_space<vmem>>, vector<1x16xf32>,
          %parallel_loop3A_191 = vector.shape_cast %parallel_loop3A_190 : vector<1x16xf32> to vector<16xf32>
          %parallel_loop3A_192 = arith.index_cast %parallel_loop3A_145 : i32 to index
          %parallel_loop3A_193 = arith.constant 48 : index
          %parallel_loop3A_194 = tpu.vector_load %arg12[%parallel_loop3A_192, %parallel_loop3A_193] {strides = array<i32>} : memref<80x128xf32, #tpu.memory_space<vmem>>, vector<1x16xf32>,
          %parallel_loop3A_195 = vector.shape_cast %parallel_loop3A_194 : vector<1x16xf32> to vector<16xf32>
          %parallel_loop3A_196 = arith.mulf %parallel_loop3A_191, %parallel_loop3A_195 : vector<16xf32>
          %parallel_loop3A_197 = arith.index_cast %parallel_loop3A_145 : i32 to index
          %parallel_loop3A_198 = arith.constant 48 : index
          %parallel_loop3A_199 = tpu.vector_load %arg11[%parallel_loop3A_197, %parallel_loop3A_198] {strides = array<i32>} : memref<80x128xf32, #tpu.memory_space<vmem>>, vector<1x16xf32>,
          %parallel_loop3A_200 = vector.shape_cast %parallel_loop3A_199 : vector<1x16xf32> to vector<16xf32>
          %parallel_loop3A_201 = vector.shape_cast %parallel_loop3A_196 : vector<16xf32> to vector<1x16xf32>
          tpu.vector_store %arg11[%parallel_loop3A_197, %parallel_loop3A_198], %parallel_loop3A_201 {strides = array<i32>} : memref<80x128xf32, #tpu.memory_space<vmem>>, vector<1x16xf32>,
          %parallel_loop3A_202 = arith.index_cast %parallel_loop3A_145 : i32 to index
          %parallel_loop3A_203 = arith.constant 64 : index
          %parallel_loop3A_204 = tpu.vector_load %arg11[%parallel_loop3A_202, %parallel_loop3A_203] {strides = array<i32>} : memref<80x128xf32, #tpu.memory_space<vmem>>, vector<1x16xf32>,
          %parallel_loop3A_205 = vector.shape_cast %parallel_loop3A_204 : vector<1x16xf32> to vector<16xf32>
          %parallel_loop3A_206 = arith.index_cast %parallel_loop3A_145 : i32 to index
          %parallel_loop3A_207 = arith.constant 64 : index
          %parallel_loop3A_208 = tpu.vector_load %arg12[%parallel_loop3A_206, %parallel_loop3A_207] {strides = array<i32>} : memref<80x128xf32, #tpu.memory_space<vmem>>, vector<1x16xf32>,
          %parallel_loop3A_209 = vector.shape_cast %parallel_loop3A_208 : vector<1x16xf32> to vector<16xf32>
          %parallel_loop3A_210 = arith.mulf %parallel_loop3A_205, %parallel_loop3A_209 : vector<16xf32>
          %parallel_loop3A_211 = arith.index_cast %parallel_loop3A_145 : i32 to index
          %parallel_loop3A_212 = arith.constant 64 : index
          %parallel_loop3A_213 = tpu.vector_load %arg11[%parallel_loop3A_211, %parallel_loop3A_212] {strides = array<i32>} : memref<80x128xf32, #tpu.memory_space<vmem>>, vector<1x16xf32>,
          %parallel_loop3A_214 = vector.shape_cast %parallel_loop3A_213 : vector<1x16xf32> to vector<16xf32>
          %parallel_loop3A_215 = vector.shape_cast %parallel_loop3A_210 : vector<16xf32> to vector<1x16xf32>
          tpu.vector_store %arg11[%parallel_loop3A_211, %parallel_loop3A_212], %parallel_loop3A_215 {strides = array<i32>} : memref<80x128xf32, #tpu.memory_space<vmem>>, vector<1x16xf32>,
          %parallel_loop3A_216 = arith.index_cast %parallel_loop3A_145 : i32 to index
          %parallel_loop3A_217 = arith.constant 80 : index
          %parallel_loop3A_218 = tpu.vector_load %arg11[%parallel_loop3A_216, %parallel_loop3A_217] {strides = array<i32>} : memref<80x128xf32, #tpu.memory_space<vmem>>, vector<1x16xf32>,
          %parallel_loop3A_219 = vector.shape_cast %parallel_loop3A_218 : vector<1x16xf32> to vector<16xf32>
          %parallel_loop3A_220 = arith.index_cast %parallel_loop3A_145 : i32 to index
          %parallel_loop3A_221 = arith.constant 80 : index
          %parallel_loop3A_222 = tpu.vector_load %arg12[%parallel_loop3A_220, %parallel_loop3A_221] {strides = array<i32>} : memref<80x128xf32, #tpu.memory_space<vmem>>, vector<1x16xf32>,
          %parallel_loop3A_223 = vector.shape_cast %parallel_loop3A_222 : vector<1x16xf32> to vector<16xf32>
          %parallel_loop3A_224 = arith.mulf %parallel_loop3A_219, %parallel_loop3A_223 : vector<16xf32>
          %parallel_loop3A_225 = arith.index_cast %parallel_loop3A_145 : i32 to index
          %parallel_loop3A_226 = arith.constant 80 : index
          %parallel_loop3A_227 = tpu.vector_load %arg11[%parallel_loop3A_225, %parallel_loop3A_226] {strides = array<i32>} : memref<80x128xf32, #tpu.memory_space<vmem>>, vector<1x16xf32>,
          %parallel_loop3A_228 = vector.shape_cast %parallel_loop3A_227 : vector<1x16xf32> to vector<16xf32>
          %parallel_loop3A_229 = vector.shape_cast %parallel_loop3A_224 : vector<16xf32> to vector<1x16xf32>
          tpu.vector_store %arg11[%parallel_loop3A_225, %parallel_loop3A_226], %parallel_loop3A_229 {strides = array<i32>} : memref<80x128xf32, #tpu.memory_space<vmem>>, vector<1x16xf32>,
          %parallel_loop3A_230 = arith.index_cast %parallel_loop3A_145 : i32 to index
          %parallel_loop3A_231 = arith.constant 96 : index
          %parallel_loop3A_232 = tpu.vector_load %arg11[%parallel_loop3A_230, %parallel_loop3A_231] {strides = array<i32>} : memref<80x128xf32, #tpu.memory_space<vmem>>, vector<1x16xf32>,
          %parallel_loop3A_233 = vector.shape_cast %parallel_loop3A_232 : vector<1x16xf32> to vector<16xf32>
          %parallel_loop3A_234 = arith.index_cast %parallel_loop3A_145 : i32 to index
          %parallel_loop3A_235 = arith.constant 96 : index
          %parallel_loop3A_236 = tpu.vector_load %arg12[%parallel_loop3A_234, %parallel_loop3A_235] {strides = array<i32>} : memref<80x128xf32, #tpu.memory_space<vmem>>, vector<1x16xf32>,
          %parallel_loop3A_237 = vector.shape_cast %parallel_loop3A_236 : vector<1x16xf32> to vector<16xf32>
          %parallel_loop3A_238 = arith.mulf %parallel_loop3A_233, %parallel_loop3A_237 : vector<16xf32>
          %parallel_loop3A_239 = arith.index_cast %parallel_loop3A_145 : i32 to index
          %parallel_loop3A_240 = arith.constant 96 : index
          %parallel_loop3A_241 = tpu.vector_load %arg11[%parallel_loop3A_239, %parallel_loop3A_240] {strides = array<i32>} : memref<80x128xf32, #tpu.memory_space<vmem>>, vector<1x16xf32>,
          %parallel_loop3A_242 = vector.shape_cast %parallel_loop3A_241 : vector<1x16xf32> to vector<16xf32>
          %parallel_loop3A_243 = vector.shape_cast %parallel_loop3A_238 : vector<16xf32> to vector<1x16xf32>
          tpu.vector_store %arg11[%parallel_loop3A_239, %parallel_loop3A_240], %parallel_loop3A_243 {strides = array<i32>} : memref<80x128xf32, #tpu.memory_space<vmem>>, vector<1x16xf32>,
          %parallel_loop3A_244 = arith.index_cast %parallel_loop3A_145 : i32 to index
          %parallel_loop3A_245 = arith.constant 112 : index
          %parallel_loop3A_246 = tpu.vector_load %arg11[%parallel_loop3A_244, %parallel_loop3A_245] {strides = array<i32>} : memref<80x128xf32, #tpu.memory_space<vmem>>, vector<1x16xf32>,
          %parallel_loop3A_247 = vector.shape_cast %parallel_loop3A_246 : vector<1x16xf32> to vector<16xf32>
          %parallel_loop3A_248 = arith.index_cast %parallel_loop3A_145 : i32 to index
          %parallel_loop3A_249 = arith.constant 112 : index
          %parallel_loop3A_250 = tpu.vector_load %arg12[%parallel_loop3A_248, %parallel_loop3A_249] {strides = array<i32>} : memref<80x128xf32, #tpu.memory_space<vmem>>, vector<1x16xf32>,
          %parallel_loop3A_251 = vector.shape_cast %parallel_loop3A_250 : vector<1x16xf32> to vector<16xf32>
          %parallel_loop3A_252 = arith.mulf %parallel_loop3A_247, %parallel_loop3A_251 : vector<16xf32>
          %parallel_loop3A_253 = arith.index_cast %parallel_loop3A_145 : i32 to index
          %parallel_loop3A_254 = arith.constant 112 : index
          %parallel_loop3A_255 = tpu.vector_load %arg11[%parallel_loop3A_253, %parallel_loop3A_254] {strides = array<i32>} : memref<80x128xf32, #tpu.memory_space<vmem>>, vector<1x16xf32>,
          %parallel_loop3A_256 = vector.shape_cast %parallel_loop3A_255 : vector<1x16xf32> to vector<16xf32>
          %parallel_loop3A_257 = vector.shape_cast %parallel_loop3A_252 : vector<16xf32> to vector<1x16xf32>
          tpu.vector_store %arg11[%parallel_loop3A_253, %parallel_loop3A_254], %parallel_loop3A_257 {strides = array<i32>} : memref<80x128xf32, #tpu.memory_space<vmem>>, vector<1x16xf32>,
        } {sc.loop_unroll_factor = 4 : i64, sc.parallel_access}
        %add3A_131 = arith.constant 1 : i32
        %add3A_132 = arith.addi %scan3A_72, %add3A_131 : i32
        %lt3A_133 = arith.constant 31 : i32
        %lt3A_134 = arith.cmpi slt, %add3A_132, %lt3A_133 : i32
        %convert_element_type3A_135 = arith.extui %lt3A_134 : i1 to i32
        %cond3A_136 = arith.constant 0 : i32
        %cond3A_137 = arith.cmpi ne, %convert_element_type3A_135, %cond3A_136 : i32
        scf.if %cond3A_137 {
          %add3A_145 = arith.constant 1 : i32
          %add3A_146 = arith.addi %scan3A_72, %add3A_145 : i32
          %mul3A_147 = arith.constant 80 : i32
          %mul3A_148 = arith.muli %add3A_146, %mul3A_147 : i32
          %add3A_149 = arith.addi %add3A_45, %mul3A_148 : i32
          %dma_start3A_150 = arith.constant 0 : i32
          %dma_start3A_151 = tpu.memref_slice %arg3[%add3A_149, %dma_start3A_150] : memref<79360x128xf32, #tpu.memory_space<hbm>> -> memref<80x128xf32, #tpu.memory_space<hbm>>
          %dma_start3A_152 = arith.constant 0 : i32
          %dma_start3A_153 = tpu.memref_slice %arg3[%add3A_149, %dma_start3A_152] : memref<79360x128xf32, #tpu.memory_space<hbm>> -> memref<80x128xf32, #tpu.memory_space<hbm>>
          tpu.enqueue_dma source(%dma_start3A_153 : memref<80x128xf32, #tpu.memory_space<hbm>>) target(%arg12 : memref<80x128xf32, #tpu.memory_space<vmem>>) target_semaphore(%arg16 : memref<!tpu.dma_semaphore, #tpu.memory_space<semaphore_mem>>)
        } else {
        }
        %dma_wait3A_138 = arith.constant 0 : i32
        %dma_wait3A_139 = tpu.memref_slice %arg5[%dma_wait3A_138] : memref<39680xi32, #tpu.memory_space<hbm>> -> memref<80xi32, #tpu.memory_space<hbm>>
        %dma_wait3A_140 = arith.constant 0 : i32
        %dma_wait3A_141 = tpu.memref_slice %arg5[%dma_wait3A_140] : memref<39680xi32, #tpu.memory_space<hbm>> -> memref<80xi32, #tpu.memory_space<hbm>>
        tpu.wait_dma2 semaphore(%arg18 : memref<!tpu.dma_semaphore, #tpu.memory_space<semaphore_mem>>) src(%dma_wait3A_141 : memref<80xi32, #tpu.memory_space<hbm>>) dst(%arg9 : memref<80xi32, #tpu.memory_space<vmem>>)
        %dma_start3A_142 = arith.constant 0 : i32
        %dma_start3A_143 = arith.constant 0 : i32
        %dma_start3A_144 = tpu.memref_slice %arg13[%dma_start3A_142, %dma_start3A_143] : memref<10112x128xf32, #tpu.memory_space<vmem_shared>> -> memref<10112x128xf32, #tpu.memory_space<vmem_shared>>
        tpu.enqueue_indirect_dma source(%arg11 : memref<80x128xf32, #tpu.memory_space<vmem>>) target(%dma_start3A_144 : memref<10112x128xf32, #tpu.memory_space<vmem_shared>>) offsets(%arg9 : memref<80xi32, #tpu.memory_space<vmem>>) semaphore(%arg20 : memref<!tpu.dma_semaphore, #tpu.memory_space<semaphore_mem>>) {add = true}
      } else {
      }
    }
    %scan3A_61 = arith.constant 31 : i32
    %dma_wait3A = arith.constant 0 : i32
    %dma_wait3A_62 = arith.constant 0 : i32
    %dma_wait3A_63 = tpu.memref_slice %arg13[%dma_wait3A, %dma_wait3A_62] : memref<10112x128xf32, #tpu.memory_space<vmem_shared>> -> memref<10112x128xf32, #tpu.memory_space<vmem_shared>>
    tpu.wait_indirect_dma semaphore(%arg19 : memref<!tpu.dma_semaphore, #tpu.memory_space<semaphore_mem>>) src(%arg10 : memref<80x128xf32, #tpu.memory_space<vmem>>) dst(%dma_wait3A_63 : memref<10112x128xf32, #tpu.memory_space<vmem_shared>>)
    %barrier3A_64 = arith.constant 0 : index
    tpu.barrier barrier_id(%barrier3A_64)
    %mul3A_65 = arith.constant 632 : i32
    %mul3A_66 = arith.muli %arg1, %mul3A_65 : i32
    %mul3A_67 = arith.constant 10112 : i32
    %mul3A_68 = arith.muli %arg0, %mul3A_67 : i32
    %mul3A_69 = arith.constant 632 : i32
    %mul3A_70 = arith.muli %arg1, %mul3A_69 : i32
    %add3A_71 = arith.addi %mul3A_68, %mul3A_70 : i32
    "tpu.region"() ({
      %run_scoped3A = tpu.sem_alloc : memref<!tpu.dma_semaphore, #tpu.memory_space<semaphore_mem>>
      %dma_start3A_72 = arith.constant 0 : i32
      %dma_start3A_73 = tpu.memref_slice %arg6[%add3A_71, %dma_start3A_72] : memref<20224x128xf32, #tpu.memory_space<hbm>> -> memref<632x128xf32, #tpu.memory_space<hbm>>
      %dma_start3A_74 = arith.constant 0 : i32
      %dma_start3A_75 = tpu.memref_slice %arg13[%mul3A_66, %dma_start3A_74] : memref<10112x128xf32, #tpu.memory_space<vmem_shared>> -> memref<632x128xf32, #tpu.memory_space<vmem_shared>>
      tpu.enqueue_dma source(%dma_start3A_75 : memref<632x128xf32, #tpu.memory_space<vmem_shared>>) target(%dma_start3A_73 : memref<632x128xf32, #tpu.memory_space<hbm>>) target_semaphore(%run_scoped3A : memref<!tpu.dma_semaphore, #tpu.memory_space<semaphore_mem>>)
      %dma_wait3A_76 = arith.constant 0 : i32
      %dma_wait3A_77 = tpu.memref_slice %arg6[%add3A_71, %dma_wait3A_76] : memref<20224x128xf32, #tpu.memory_space<hbm>> -> memref<632x128xf32, #tpu.memory_space<hbm>>
      %dma_wait3A_78 = arith.constant 0 : i32
      %dma_wait3A_79 = tpu.memref_slice %arg13[%mul3A_66, %dma_wait3A_78] : memref<10112x128xf32, #tpu.memory_space<vmem_shared>> -> memref<632x128xf32, #tpu.memory_space<vmem_shared>>
      tpu.wait_dma2 semaphore(%run_scoped3A : memref<!tpu.dma_semaphore, #tpu.memory_space<semaphore_mem>>) src(%dma_wait3A_79 : memref<632x128xf32, #tpu.memory_space<vmem_shared>>) dst(%dma_wait3A_77 : memref<632x128xf32, #tpu.memory_space<hbm>>)
      tpu.yield
    }) : () -> ()
    return
  }
}

#map = affine_map<(d0, d1) -> (0, 0)>
#map1 = affine_map<(d0, d1) -> (0)>
module attributes {stable_mosaic.version = 14 : i64} {
  func.func @_sc_body(%arg0: i32, %arg1: i32, %arg2: memref<20000x128xf32, #tpu.memory_space<hbm>>, %arg3: memref<81920x128xf32, #tpu.memory_space<hbm>>, %arg4: memref<81920xi32, #tpu.memory_space<hbm>>, %arg5: memref<40960xi32, #tpu.memory_space<hbm>>, %arg6: memref<20224x128xf32, #tpu.memory_space<hbm>>, %arg7: memref<2560xi32, #tpu.memory_space<vmem>>, %arg8: memref<80xi32, #tpu.memory_space<vmem>>, %arg9: memref<80xi32, #tpu.memory_space<vmem>>, %arg10: memref<80x128xf32, #tpu.memory_space<vmem>>, %arg11: memref<80x128xf32, #tpu.memory_space<vmem>>, %arg12: memref<80x128xf32, #tpu.memory_space<vmem>>, %arg13: memref<10112x128xf32, #tpu.memory_space<vmem_shared>>, %arg14: memref<!tpu.dma_semaphore, #tpu.memory_space<semaphore_mem>>, %arg15: memref<!tpu.dma_semaphore, #tpu.memory_space<semaphore_mem>>, %arg16: memref<!tpu.dma_semaphore, #tpu.memory_space<semaphore_mem>>, %arg17: memref<!tpu.dma_semaphore, #tpu.memory_space<semaphore_mem>>, %arg18: memref<!tpu.dma_semaphore, #tpu.memory_space<semaphore_mem>>, %arg19: memref<!tpu.dma_semaphore, #tpu.memory_space<semaphore_mem>>, %arg20: memref<!tpu.dma_semaphore, #tpu.memory_space<semaphore_mem>>) attributes {dimension_semantics = [#tpu.dimension_semantics<core_parallel>, #tpu.dimension_semantics<subcore_parallel>], iteration_bounds = array<i64: 2, 16>, scalar_prefetch = 0 : i64, scratch_operands = 14 : i64, tpu.core_type = #tpu.core_type<sc_vector_subcore>, window_params = [{transform_indices = #map}, {transform_indices = #map}, {transform_indices = #map1}, {transform_indices = #map1}, {transform_indices = #map}]} {
    %mul3A = arith.constant 40960 : i32
    %mul3A_0 = arith.muli %arg0, %mul3A : i32
    %mul3A_1 = arith.constant 2560 : i32
    %mul3A_2 = arith.muli %arg1, %mul3A_1 : i32
    %add3A = arith.addi %mul3A_0, %mul3A_2 : i32
    "tpu.region"() ({
      %run_scoped3A = tpu.sem_alloc : memref<!tpu.dma_semaphore, #tpu.memory_space<semaphore_mem>>
      %dma_start3A_72 = tpu.memref_slice %arg4[%add3A] : memref<81920xi32, #tpu.memory_space<hbm>> -> memref<2560xi32, #tpu.memory_space<hbm>>
      %dma_start3A_73 = tpu.memref_slice %arg4[%add3A] : memref<81920xi32, #tpu.memory_space<hbm>> -> memref<2560xi32, #tpu.memory_space<hbm>>
      tpu.enqueue_dma source(%dma_start3A_73 : memref<2560xi32, #tpu.memory_space<hbm>>) target(%arg7 : memref<2560xi32, #tpu.memory_space<vmem>>) target_semaphore(%run_scoped3A : memref<!tpu.dma_semaphore, #tpu.memory_space<semaphore_mem>>)
      %dma_wait3A_74 = tpu.memref_slice %arg4[%add3A] : memref<81920xi32, #tpu.memory_space<hbm>> -> memref<2560xi32, #tpu.memory_space<hbm>>
      %dma_wait3A_75 = tpu.memref_slice %arg4[%add3A] : memref<81920xi32, #tpu.memory_space<hbm>> -> memref<2560xi32, #tpu.memory_space<hbm>>
      tpu.wait_dma2 semaphore(%run_scoped3A : memref<!tpu.dma_semaphore, #tpu.memory_space<semaphore_mem>>) src(%dma_wait3A_75 : memref<2560xi32, #tpu.memory_space<hbm>>) dst(%arg7 : memref<2560xi32, #tpu.memory_space<vmem>>)
      tpu.yield
    }) : () -> ()
    %broadcast_in_dim3A = arith.constant 0.000000e+00 : f32
    %broadcast_in_dim3A_3 = vector.broadcast %broadcast_in_dim3A : f32 to vector<16xf32>
    %scan3A = arith.constant 0 : i32
    %scan3A_4 = arith.constant 0 : i32
    %scan3A_5 = arith.constant 80 : i32
    %scan3A_6 = arith.addi %scan3A_4, %scan3A_5 : i32
    %scan3A_7 = arith.constant 1 : i32
    scf.for %scan3A_72 = %scan3A_4 to %scan3A_6 step %scan3A_7  : i32 {
      %swap3A = arith.index_cast %scan3A_72 : i32 to index
      %swap3A_73 = arith.constant 0 : index
      %swap3A_74 = tpu.vector_load %arg10[%swap3A, %swap3A_73] {strides = array<i32>} : memref<80x128xf32, #tpu.memory_space<vmem>>, vector<1x16xf32>,
      %swap3A_75 = vector.shape_cast %swap3A_74 : vector<1x16xf32> to vector<16xf32>
      %swap3A_76 = vector.shape_cast %broadcast_in_dim3A_3 : vector<16xf32> to vector<1x16xf32>
      tpu.vector_store %arg10[%swap3A, %swap3A_73], %swap3A_76 {strides = array<i32>} : memref<80x128xf32, #tpu.memory_space<vmem>>, vector<1x16xf32>,
      %swap3A_77 = arith.index_cast %scan3A_72 : i32 to index
      %swap3A_78 = arith.constant 16 : index
      %swap3A_79 = tpu.vector_load %arg10[%swap3A_77, %swap3A_78] {strides = array<i32>} : memref<80x128xf32, #tpu.memory_space<vmem>>, vector<1x16xf32>,
      %swap3A_80 = vector.shape_cast %swap3A_79 : vector<1x16xf32> to vector<16xf32>
      %swap3A_81 = vector.shape_cast %broadcast_in_dim3A_3 : vector<16xf32> to vector<1x16xf32>
      tpu.vector_store %arg10[%swap3A_77, %swap3A_78], %swap3A_81 {strides = array<i32>} : memref<80x128xf32, #tpu.memory_space<vmem>>, vector<1x16xf32>,
      %swap3A_82 = arith.index_cast %scan3A_72 : i32 to index
      %swap3A_83 = arith.constant 32 : index
      %swap3A_84 = tpu.vector_load %arg10[%swap3A_82, %swap3A_83] {strides = array<i32>} : memref<80x128xf32, #tpu.memory_space<vmem>>, vector<1x16xf32>,
      %swap3A_85 = vector.shape_cast %swap3A_84 : vector<1x16xf32> to vector<16xf32>
      %swap3A_86 = vector.shape_cast %broadcast_in_dim3A_3 : vector<16xf32> to vector<1x16xf32>
      tpu.vector_store %arg10[%swap3A_82, %swap3A_83], %swap3A_86 {strides = array<i32>} : memref<80x128xf32, #tpu.memory_space<vmem>>, vector<1x16xf32>,
      %swap3A_87 = arith.index_cast %scan3A_72 : i32 to index
      %swap3A_88 = arith.constant 48 : index
      %swap3A_89 = tpu.vector_load %arg10[%swap3A_87, %swap3A_88] {strides = array<i32>} : memref<80x128xf32, #tpu.memory_space<vmem>>, vector<1x16xf32>,
      %swap3A_90 = vector.shape_cast %swap3A_89 : vector<1x16xf32> to vector<16xf32>
      %swap3A_91 = vector.shape_cast %broadcast_in_dim3A_3 : vector<16xf32> to vector<1x16xf32>
      tpu.vector_store %arg10[%swap3A_87, %swap3A_88], %swap3A_91 {strides = array<i32>} : memref<80x128xf32, #tpu.memory_space<vmem>>, vector<1x16xf32>,
      %swap3A_92 = arith.index_cast %scan3A_72 : i32 to index
      %swap3A_93 = arith.constant 64 : index
      %swap3A_94 = tpu.vector_load %arg10[%swap3A_92, %swap3A_93] {strides = array<i32>} : memref<80x128xf32, #tpu.memory_space<vmem>>, vector<1x16xf32>,
      %swap3A_95 = vector.shape_cast %swap3A_94 : vector<1x16xf32> to vector<16xf32>
      %swap3A_96 = vector.shape_cast %broadcast_in_dim3A_3 : vector<16xf32> to vector<1x16xf32>
      tpu.vector_store %arg10[%swap3A_92, %swap3A_93], %swap3A_96 {strides = array<i32>} : memref<80x128xf32, #tpu.memory_space<vmem>>, vector<1x16xf32>,
      %swap3A_97 = arith.index_cast %scan3A_72 : i32 to index
      %swap3A_98 = arith.constant 80 : index
      %swap3A_99 = tpu.vector_load %arg10[%swap3A_97, %swap3A_98] {strides = array<i32>} : memref<80x128xf32, #tpu.memory_space<vmem>>, vector<1x16xf32>,
      %swap3A_100 = vector.shape_cast %swap3A_99 : vector<1x16xf32> to vector<16xf32>
      %swap3A_101 = vector.shape_cast %broadcast_in_dim3A_3 : vector<16xf32> to vector<1x16xf32>
      tpu.vector_store %arg10[%swap3A_97, %swap3A_98], %swap3A_101 {strides = array<i32>} : memref<80x128xf32, #tpu.memory_space<vmem>>, vector<1x16xf32>,
      %swap3A_102 = arith.index_cast %scan3A_72 : i32 to index
      %swap3A_103 = arith.constant 96 : index
      %swap3A_104 = tpu.vector_load %arg10[%swap3A_102, %swap3A_103] {strides = array<i32>} : memref<80x128xf32, #tpu.memory_space<vmem>>, vector<1x16xf32>,
      %swap3A_105 = vector.shape_cast %swap3A_104 : vector<1x16xf32> to vector<16xf32>
      %swap3A_106 = vector.shape_cast %broadcast_in_dim3A_3 : vector<16xf32> to vector<1x16xf32>
      tpu.vector_store %arg10[%swap3A_102, %swap3A_103], %swap3A_106 {strides = array<i32>} : memref<80x128xf32, #tpu.memory_space<vmem>>, vector<1x16xf32>,
      %swap3A_107 = arith.index_cast %scan3A_72 : i32 to index
      %swap3A_108 = arith.constant 112 : index
      %swap3A_109 = tpu.vector_load %arg10[%swap3A_107, %swap3A_108] {strides = array<i32>} : memref<80x128xf32, #tpu.memory_space<vmem>>, vector<1x16xf32>,
      %swap3A_110 = vector.shape_cast %swap3A_109 : vector<1x16xf32> to vector<16xf32>
      %swap3A_111 = vector.shape_cast %broadcast_in_dim3A_3 : vector<16xf32> to vector<1x16xf32>
      tpu.vector_store %arg10[%swap3A_107, %swap3A_108], %swap3A_111 {strides = array<i32>} : memref<80x128xf32, #tpu.memory_space<vmem>>, vector<1x16xf32>,
    }
    %scan3A_8 = arith.constant 80 : i32
    %mul3A_9 = arith.constant 632 : i32
    %mul3A_10 = arith.muli %arg1, %mul3A_9 : i32
    %add3A_11 = arith.constant 0 : i32
    %add3A_12 = arith.addi %mul3A_10, %add3A_11 : i32
    "tpu.region"() ({
      %run_scoped3A = tpu.sem_alloc : memref<!tpu.dma_semaphore, #tpu.memory_space<semaphore_mem>>
      %dma_start3A_72 = arith.constant 0 : i32
      %dma_start3A_73 = tpu.memref_slice %arg13[%add3A_12, %dma_start3A_72] : memref<10112x128xf32, #tpu.memory_space<vmem_shared>> -> memref<80x128xf32, #tpu.memory_space<vmem_shared>>
      %dma_start3A_74 = arith.constant 0 : i32
      %dma_start3A_75 = tpu.memref_slice %arg13[%add3A_12, %dma_start3A_74] : memref<10112x128xf32, #tpu.memory_space<vmem_shared>> -> memref<80x128xf32, #tpu.memory_space<vmem_shared>>
      tpu.enqueue_dma source(%arg10 : memref<80x128xf32, #tpu.memory_space<vmem>>) target(%dma_start3A_75 : memref<80x128xf32, #tpu.memory_space<vmem_shared>>) target_semaphore(%run_scoped3A : memref<!tpu.dma_semaphore, #tpu.memory_space<semaphore_mem>>)
      %dma_wait3A_76 = arith.constant 0 : i32
      %dma_wait3A_77 = tpu.memref_slice %arg13[%add3A_12, %dma_wait3A_76] : memref<10112x128xf32, #tpu.memory_space<vmem_shared>> -> memref<80x128xf32, #tpu.memory_space<vmem_shared>>
      %dma_wait3A_78 = arith.constant 0 : i32
      %dma_wait3A_79 = tpu.memref_slice %arg13[%add3A_12, %dma_wait3A_78] : memref<10112x128xf32, #tpu.memory_space<vmem_shared>> -> memref<80x128xf32, #tpu.memory_space<vmem_shared>>
      tpu.wait_dma2 semaphore(%run_scoped3A : memref<!tpu.dma_semaphore, #tpu.memory_space<semaphore_mem>>) src(%arg10 : memref<80x128xf32, #tpu.memory_space<vmem>>) dst(%dma_wait3A_79 : memref<80x128xf32, #tpu.memory_space<vmem_shared>>)
      tpu.yield
    }) : () -> ()
    %mul3A_13 = arith.constant 632 : i32
    %mul3A_14 = arith.muli %arg1, %mul3A_13 : i32
    %add3A_15 = arith.constant 80 : i32
    %add3A_16 = arith.addi %mul3A_14, %add3A_15 : i32
    "tpu.region"() ({
      %run_scoped3A = tpu.sem_alloc : memref<!tpu.dma_semaphore, #tpu.memory_space<semaphore_mem>>
      %dma_start3A_72 = arith.constant 0 : i32
      %dma_start3A_73 = tpu.memref_slice %arg13[%add3A_16, %dma_start3A_72] : memref<10112x128xf32, #tpu.memory_space<vmem_shared>> -> memref<80x128xf32, #tpu.memory_space<vmem_shared>>
      %dma_start3A_74 = arith.constant 0 : i32
      %dma_start3A_75 = tpu.memref_slice %arg13[%add3A_16, %dma_start3A_74] : memref<10112x128xf32, #tpu.memory_space<vmem_shared>> -> memref<80x128xf32, #tpu.memory_space<vmem_shared>>
      tpu.enqueue_dma source(%arg10 : memref<80x128xf32, #tpu.memory_space<vmem>>) target(%dma_start3A_75 : memref<80x128xf32, #tpu.memory_space<vmem_shared>>) target_semaphore(%run_scoped3A : memref<!tpu.dma_semaphore, #tpu.memory_space<semaphore_mem>>)
      %dma_wait3A_76 = arith.constant 0 : i32
      %dma_wait3A_77 = tpu.memref_slice %arg13[%add3A_16, %dma_wait3A_76] : memref<10112x128xf32, #tpu.memory_space<vmem_shared>> -> memref<80x128xf32, #tpu.memory_space<vmem_shared>>
      %dma_wait3A_78 = arith.constant 0 : i32
      %dma_wait3A_79 = tpu.memref_slice %arg13[%add3A_16, %dma_wait3A_78] : memref<10112x128xf32, #tpu.memory_space<vmem_shared>> -> memref<80x128xf32, #tpu.memory_space<vmem_shared>>
      tpu.wait_dma2 semaphore(%run_scoped3A : memref<!tpu.dma_semaphore, #tpu.memory_space<semaphore_mem>>) src(%arg10 : memref<80x128xf32, #tpu.memory_space<vmem>>) dst(%dma_wait3A_79 : memref<80x128xf32, #tpu.memory_space<vmem_shared>>)
      tpu.yield
    }) : () -> ()
    %mul3A_17 = arith.constant 632 : i32
    %mul3A_18 = arith.muli %arg1, %mul3A_17 : i32
    %add3A_19 = arith.constant 160 : i32
    %add3A_20 = arith.addi %mul3A_18, %add3A_19 : i32
    "tpu.region"() ({
      %run_scoped3A = tpu.sem_alloc : memref<!tpu.dma_semaphore, #tpu.memory_space<semaphore_mem>>
      %dma_start3A_72 = arith.constant 0 : i32
      %dma_start3A_73 = tpu.memref_slice %arg13[%add3A_20, %dma_start3A_72] : memref<10112x128xf32, #tpu.memory_space<vmem_shared>> -> memref<80x128xf32, #tpu.memory_space<vmem_shared>>
      %dma_start3A_74 = arith.constant 0 : i32
      %dma_start3A_75 = tpu.memref_slice %arg13[%add3A_20, %dma_start3A_74] : memref<10112x128xf32, #tpu.memory_space<vmem_shared>> -> memref<80x128xf32, #tpu.memory_space<vmem_shared>>
      tpu.enqueue_dma source(%arg10 : memref<80x128xf32, #tpu.memory_space<vmem>>) target(%dma_start3A_75 : memref<80x128xf32, #tpu.memory_space<vmem_shared>>) target_semaphore(%run_scoped3A : memref<!tpu.dma_semaphore, #tpu.memory_space<semaphore_mem>>)
      %dma_wait3A_76 = arith.constant 0 : i32
      %dma_wait3A_77 = tpu.memref_slice %arg13[%add3A_20, %dma_wait3A_76] : memref<10112x128xf32, #tpu.memory_space<vmem_shared>> -> memref<80x128xf32, #tpu.memory_space<vmem_shared>>
      %dma_wait3A_78 = arith.constant 0 : i32
      %dma_wait3A_79 = tpu.memref_slice %arg13[%add3A_20, %dma_wait3A_78] : memref<10112x128xf32, #tpu.memory_space<vmem_shared>> -> memref<80x128xf32, #tpu.memory_space<vmem_shared>>
      tpu.wait_dma2 semaphore(%run_scoped3A : memref<!tpu.dma_semaphore, #tpu.memory_space<semaphore_mem>>) src(%arg10 : memref<80x128xf32, #tpu.memory_space<vmem>>) dst(%dma_wait3A_79 : memref<80x128xf32, #tpu.memory_space<vmem_shared>>)
      tpu.yield
    }) : () -> ()
    %mul3A_21 = arith.constant 632 : i32
    %mul3A_22 = arith.muli %arg1, %mul3A_21 : i32
    %add3A_23 = arith.constant 240 : i32
    %add3A_24 = arith.addi %mul3A_22, %add3A_23 : i32
    "tpu.region"() ({
      %run_scoped3A = tpu.sem_alloc : memref<!tpu.dma_semaphore, #tpu.memory_space<semaphore_mem>>
      %dma_start3A_72 = arith.constant 0 : i32
      %dma_start3A_73 = tpu.memref_slice %arg13[%add3A_24, %dma_start3A_72] : memref<10112x128xf32, #tpu.memory_space<vmem_shared>> -> memref<80x128xf32, #tpu.memory_space<vmem_shared>>
      %dma_start3A_74 = arith.constant 0 : i32
      %dma_start3A_75 = tpu.memref_slice %arg13[%add3A_24, %dma_start3A_74] : memref<10112x128xf32, #tpu.memory_space<vmem_shared>> -> memref<80x128xf32, #tpu.memory_space<vmem_shared>>
      tpu.enqueue_dma source(%arg10 : memref<80x128xf32, #tpu.memory_space<vmem>>) target(%dma_start3A_75 : memref<80x128xf32, #tpu.memory_space<vmem_shared>>) target_semaphore(%run_scoped3A : memref<!tpu.dma_semaphore, #tpu.memory_space<semaphore_mem>>)
      %dma_wait3A_76 = arith.constant 0 : i32
      %dma_wait3A_77 = tpu.memref_slice %arg13[%add3A_24, %dma_wait3A_76] : memref<10112x128xf32, #tpu.memory_space<vmem_shared>> -> memref<80x128xf32, #tpu.memory_space<vmem_shared>>
      %dma_wait3A_78 = arith.constant 0 : i32
      %dma_wait3A_79 = tpu.memref_slice %arg13[%add3A_24, %dma_wait3A_78] : memref<10112x128xf32, #tpu.memory_space<vmem_shared>> -> memref<80x128xf32, #tpu.memory_space<vmem_shared>>
      tpu.wait_dma2 semaphore(%run_scoped3A : memref<!tpu.dma_semaphore, #tpu.memory_space<semaphore_mem>>) src(%arg10 : memref<80x128xf32, #tpu.memory_space<vmem>>) dst(%dma_wait3A_79 : memref<80x128xf32, #tpu.memory_space<vmem_shared>>)
      tpu.yield
    }) : () -> ()
    %mul3A_25 = arith.constant 632 : i32
    %mul3A_26 = arith.muli %arg1, %mul3A_25 : i32
    %add3A_27 = arith.constant 320 : i32
    %add3A_28 = arith.addi %mul3A_26, %add3A_27 : i32
    "tpu.region"() ({
      %run_scoped3A = tpu.sem_alloc : memref<!tpu.dma_semaphore, #tpu.memory_space<semaphore_mem>>
      %dma_start3A_72 = arith.constant 0 : i32
      %dma_start3A_73 = tpu.memref_slice %arg13[%add3A_28, %dma_start3A_72] : memref<10112x128xf32, #tpu.memory_space<vmem_shared>> -> memref<80x128xf32, #tpu.memory_space<vmem_shared>>
      %dma_start3A_74 = arith.constant 0 : i32
      %dma_start3A_75 = tpu.memref_slice %arg13[%add3A_28, %dma_start3A_74] : memref<10112x128xf32, #tpu.memory_space<vmem_shared>> -> memref<80x128xf32, #tpu.memory_space<vmem_shared>>
      tpu.enqueue_dma source(%arg10 : memref<80x128xf32, #tpu.memory_space<vmem>>) target(%dma_start3A_75 : memref<80x128xf32, #tpu.memory_space<vmem_shared>>) target_semaphore(%run_scoped3A : memref<!tpu.dma_semaphore, #tpu.memory_space<semaphore_mem>>)
      %dma_wait3A_76 = arith.constant 0 : i32
      %dma_wait3A_77 = tpu.memref_slice %arg13[%add3A_28, %dma_wait3A_76] : memref<10112x128xf32, #tpu.memory_space<vmem_shared>> -> memref<80x128xf32, #tpu.memory_space<vmem_shared>>
      %dma_wait3A_78 = arith.constant 0 : i32
      %dma_wait3A_79 = tpu.memref_slice %arg13[%add3A_28, %dma_wait3A_78] : memref<10112x128xf32, #tpu.memory_space<vmem_shared>> -> memref<80x128xf32, #tpu.memory_space<vmem_shared>>
      tpu.wait_dma2 semaphore(%run_scoped3A : memref<!tpu.dma_semaphore, #tpu.memory_space<semaphore_mem>>) src(%arg10 : memref<80x128xf32, #tpu.memory_space<vmem>>) dst(%dma_wait3A_79 : memref<80x128xf32, #tpu.memory_space<vmem_shared>>)
      tpu.yield
    }) : () -> ()
    %mul3A_29 = arith.constant 632 : i32
    %mul3A_30 = arith.muli %arg1, %mul3A_29 : i32
    %add3A_31 = arith.constant 400 : i32
    %add3A_32 = arith.addi %mul3A_30, %add3A_31 : i32
    "tpu.region"() ({
      %run_scoped3A = tpu.sem_alloc : memref<!tpu.dma_semaphore, #tpu.memory_space<semaphore_mem>>
      %dma_start3A_72 = arith.constant 0 : i32
      %dma_start3A_73 = tpu.memref_slice %arg13[%add3A_32, %dma_start3A_72] : memref<10112x128xf32, #tpu.memory_space<vmem_shared>> -> memref<80x128xf32, #tpu.memory_space<vmem_shared>>
      %dma_start3A_74 = arith.constant 0 : i32
      %dma_start3A_75 = tpu.memref_slice %arg13[%add3A_32, %dma_start3A_74] : memref<10112x128xf32, #tpu.memory_space<vmem_shared>> -> memref<80x128xf32, #tpu.memory_space<vmem_shared>>
      tpu.enqueue_dma source(%arg10 : memref<80x128xf32, #tpu.memory_space<vmem>>) target(%dma_start3A_75 : memref<80x128xf32, #tpu.memory_space<vmem_shared>>) target_semaphore(%run_scoped3A : memref<!tpu.dma_semaphore, #tpu.memory_space<semaphore_mem>>)
      %dma_wait3A_76 = arith.constant 0 : i32
      %dma_wait3A_77 = tpu.memref_slice %arg13[%add3A_32, %dma_wait3A_76] : memref<10112x128xf32, #tpu.memory_space<vmem_shared>> -> memref<80x128xf32, #tpu.memory_space<vmem_shared>>
      %dma_wait3A_78 = arith.constant 0 : i32
      %dma_wait3A_79 = tpu.memref_slice %arg13[%add3A_32, %dma_wait3A_78] : memref<10112x128xf32, #tpu.memory_space<vmem_shared>> -> memref<80x128xf32, #tpu.memory_space<vmem_shared>>
      tpu.wait_dma2 semaphore(%run_scoped3A : memref<!tpu.dma_semaphore, #tpu.memory_space<semaphore_mem>>) src(%arg10 : memref<80x128xf32, #tpu.memory_space<vmem>>) dst(%dma_wait3A_79 : memref<80x128xf32, #tpu.memory_space<vmem_shared>>)
      tpu.yield
    }) : () -> ()
    %mul3A_33 = arith.constant 632 : i32
    %mul3A_34 = arith.muli %arg1, %mul3A_33 : i32
    %add3A_35 = arith.constant 480 : i32
    %add3A_36 = arith.addi %mul3A_34, %add3A_35 : i32
    "tpu.region"() ({
      %run_scoped3A = tpu.sem_alloc : memref<!tpu.dma_semaphore, #tpu.memory_space<semaphore_mem>>
      %dma_start3A_72 = arith.constant 0 : i32
      %dma_start3A_73 = tpu.memref_slice %arg13[%add3A_36, %dma_start3A_72] : memref<10112x128xf32, #tpu.memory_space<vmem_shared>> -> memref<80x128xf32, #tpu.memory_space<vmem_shared>>
      %dma_start3A_74 = arith.constant 0 : i32
      %dma_start3A_75 = tpu.memref_slice %arg13[%add3A_36, %dma_start3A_74] : memref<10112x128xf32, #tpu.memory_space<vmem_shared>> -> memref<80x128xf32, #tpu.memory_space<vmem_shared>>
      tpu.enqueue_dma source(%arg10 : memref<80x128xf32, #tpu.memory_space<vmem>>) target(%dma_start3A_75 : memref<80x128xf32, #tpu.memory_space<vmem_shared>>) target_semaphore(%run_scoped3A : memref<!tpu.dma_semaphore, #tpu.memory_space<semaphore_mem>>)
      %dma_wait3A_76 = arith.constant 0 : i32
      %dma_wait3A_77 = tpu.memref_slice %arg13[%add3A_36, %dma_wait3A_76] : memref<10112x128xf32, #tpu.memory_space<vmem_shared>> -> memref<80x128xf32, #tpu.memory_space<vmem_shared>>
      %dma_wait3A_78 = arith.constant 0 : i32
      %dma_wait3A_79 = tpu.memref_slice %arg13[%add3A_36, %dma_wait3A_78] : memref<10112x128xf32, #tpu.memory_space<vmem_shared>> -> memref<80x128xf32, #tpu.memory_space<vmem_shared>>
      tpu.wait_dma2 semaphore(%run_scoped3A : memref<!tpu.dma_semaphore, #tpu.memory_space<semaphore_mem>>) src(%arg10 : memref<80x128xf32, #tpu.memory_space<vmem>>) dst(%dma_wait3A_79 : memref<80x128xf32, #tpu.memory_space<vmem_shared>>)
      tpu.yield
    }) : () -> ()
    %mul3A_37 = arith.constant 632 : i32
    %mul3A_38 = arith.muli %arg1, %mul3A_37 : i32
    %add3A_39 = arith.constant 560 : i32
    %add3A_40 = arith.addi %mul3A_38, %add3A_39 : i32
    "tpu.region"() ({
      %run_scoped3A = tpu.sem_alloc : memref<!tpu.dma_semaphore, #tpu.memory_space<semaphore_mem>>
      %dma_start3A_72 = arith.constant 0 : i32
      %dma_start3A_73 = arith.constant 0 : i32
      %dma_start3A_74 = tpu.memref_slice %arg10[%dma_start3A_72, %dma_start3A_73] : memref<80x128xf32, #tpu.memory_space<vmem>> -> memref<72x128xf32, #tpu.memory_space<vmem>>
      %dma_start3A_75 = arith.constant 0 : i32
      %dma_start3A_76 = tpu.memref_slice %arg13[%add3A_40, %dma_start3A_75] : memref<10112x128xf32, #tpu.memory_space<vmem_shared>> -> memref<72x128xf32, #tpu.memory_space<vmem_shared>>
      %dma_start3A_77 = arith.constant 0 : i32
      %dma_start3A_78 = tpu.memref_slice %arg13[%add3A_40, %dma_start3A_77] : memref<10112x128xf32, #tpu.memory_space<vmem_shared>> -> memref<72x128xf32, #tpu.memory_space<vmem_shared>>
      %dma_start3A_79 = arith.constant 0 : i32
      %dma_start3A_80 = arith.constant 0 : i32
      %dma_start3A_81 = tpu.memref_slice %arg10[%dma_start3A_79, %dma_start3A_80] : memref<80x128xf32, #tpu.memory_space<vmem>> -> memref<72x128xf32, #tpu.memory_space<vmem>>
      tpu.enqueue_dma source(%dma_start3A_81 : memref<72x128xf32, #tpu.memory_space<vmem>>) target(%dma_start3A_78 : memref<72x128xf32, #tpu.memory_space<vmem_shared>>) target_semaphore(%run_scoped3A : memref<!tpu.dma_semaphore, #tpu.memory_space<semaphore_mem>>)
      %dma_wait3A_82 = arith.constant 0 : i32
      %dma_wait3A_83 = arith.constant 0 : i32
      %dma_wait3A_84 = tpu.memref_slice %arg10[%dma_wait3A_82, %dma_wait3A_83] : memref<80x128xf32, #tpu.memory_space<vmem>> -> memref<72x128xf32, #tpu.memory_space<vmem>>
      %dma_wait3A_85 = arith.constant 0 : i32
      %dma_wait3A_86 = tpu.memref_slice %arg13[%add3A_40, %dma_wait3A_85] : memref<10112x128xf32, #tpu.memory_space<vmem_shared>> -> memref<72x128xf32, #tpu.memory_space<vmem_shared>>
      %dma_wait3A_87 = arith.constant 0 : i32
      %dma_wait3A_88 = tpu.memref_slice %arg13[%add3A_40, %dma_wait3A_87] : memref<10112x128xf32, #tpu.memory_space<vmem_shared>> -> memref<72x128xf32, #tpu.memory_space<vmem_shared>>
      %dma_wait3A_89 = arith.constant 0 : i32
      %dma_wait3A_90 = arith.constant 0 : i32
      %dma_wait3A_91 = tpu.memref_slice %arg10[%dma_wait3A_89, %dma_wait3A_90] : memref<80x128xf32, #tpu.memory_space<vmem>> -> memref<72x128xf32, #tpu.memory_space<vmem>>
      tpu.wait_dma2 semaphore(%run_scoped3A : memref<!tpu.dma_semaphore, #tpu.memory_space<semaphore_mem>>) src(%dma_wait3A_91 : memref<72x128xf32, #tpu.memory_space<vmem>>) dst(%dma_wait3A_88 : memref<72x128xf32, #tpu.memory_space<vmem_shared>>)
      tpu.yield
    }) : () -> ()
    %barrier3A = arith.constant 0 : index
    tpu.barrier barrier_id(%barrier3A)
    %mul3A_41 = arith.constant 2560 : i32
    %mul3A_42 = arith.muli %arg1, %mul3A_41 : i32
    %mul3A_43 = arith.constant 40960 : i32
    %mul3A_44 = arith.muli %arg0, %mul3A_43 : i32
    %add3A_45 = arith.addi %mul3A_44, %mul3A_42 : i32
    %dma_start3A = tpu.memref_slice %arg5[%mul3A_42] : memref<40960xi32, #tpu.memory_space<hbm>> -> memref<80xi32, #tpu.memory_space<hbm>>
    %dma_start3A_46 = tpu.memref_slice %arg5[%mul3A_42] : memref<40960xi32, #tpu.memory_space<hbm>> -> memref<80xi32, #tpu.memory_space<hbm>>
    tpu.enqueue_dma source(%dma_start3A_46 : memref<80xi32, #tpu.memory_space<hbm>>) target(%arg8 : memref<80xi32, #tpu.memory_space<vmem>>) target_semaphore(%arg17 : memref<!tpu.dma_semaphore, #tpu.memory_space<semaphore_mem>>)
    %dma_start3A_47 = arith.constant 0 : i32
    %dma_start3A_48 = tpu.memref_slice %arg3[%add3A_45, %dma_start3A_47] : memref<81920x128xf32, #tpu.memory_space<hbm>> -> memref<80x128xf32, #tpu.memory_space<hbm>>
    %dma_start3A_49 = arith.constant 0 : i32
    %dma_start3A_50 = tpu.memref_slice %arg3[%add3A_45, %dma_start3A_49] : memref<81920x128xf32, #tpu.memory_space<hbm>> -> memref<80x128xf32, #tpu.memory_space<hbm>>
    tpu.enqueue_dma source(%dma_start3A_50 : memref<80x128xf32, #tpu.memory_space<hbm>>) target(%arg12 : memref<80x128xf32, #tpu.memory_space<vmem>>) target_semaphore(%arg16 : memref<!tpu.dma_semaphore, #tpu.memory_space<semaphore_mem>>)
    %dma_start3A_51 = arith.constant 0 : i32
    %dma_start3A_52 = tpu.memref_slice %arg7[%dma_start3A_51] : memref<2560xi32, #tpu.memory_space<vmem>> -> memref<80xi32, #tpu.memory_space<vmem>>
    %dma_start3A_53 = arith.constant 0 : i32
    %dma_start3A_54 = arith.constant 0 : i32
    %dma_start3A_55 = tpu.memref_slice %arg2[%dma_start3A_53, %dma_start3A_54] : memref<20000x128xf32, #tpu.memory_space<hbm>> -> memref<20000x128xf32, #tpu.memory_space<hbm>>
    tpu.enqueue_indirect_dma source(%dma_start3A_55 : memref<20000x128xf32, #tpu.memory_space<hbm>>) target(%arg10 : memref<80x128xf32, #tpu.memory_space<vmem>>) offsets(%dma_start3A_52 : memref<80xi32, #tpu.memory_space<vmem>>) semaphore(%arg14 : memref<!tpu.dma_semaphore, #tpu.memory_space<semaphore_mem>>)
    %scan3A_56 = arith.constant 0 : i32
    %scan3A_57 = arith.constant 0 : i32
    %scan3A_58 = arith.constant 32 : i32
    %scan3A_59 = arith.addi %scan3A_57, %scan3A_58 : i32
    %scan3A_60 = arith.constant 1 : i32
    scf.for %scan3A_72 = %scan3A_57 to %scan3A_59 step %scan3A_60  : i32 {
      %jit3A = arith.constant 2 : i32
      %eq3A = arith.constant 0 : i32
      %eq3A_73 = arith.cmpi eq, %jit3A, %eq3A : i32
      %jit3A_74 = arith.constant 1 : i32
      %select_n3A = arith.select %eq3A_73, %jit3A_74, %jit3A : i32
      %rem3A = arith.remsi %scan3A_72, %select_n3A : i32
      %ne3A = arith.constant 0 : i32
      %ne3A_75 = arith.cmpi ne, %rem3A, %ne3A : i32
      %lt3A = arith.constant 0 : i32
      %lt3A_76 = arith.cmpi slt, %rem3A, %lt3A : i32
      %lt3A_77 = arith.constant 0 : i32
      %lt3A_78 = arith.cmpi slt, %select_n3A, %lt3A_77 : i32
      %ne3A_79 = arith.xori %lt3A_76, %lt3A_78 : i1
      %and3A = arith.andi %ne3A_79, %ne3A_75 : i1
      %add3A_80 = arith.addi %rem3A, %select_n3A : i32
      %select_n3A_81 = arith.select %and3A, %add3A_80, %rem3A : i32
      %eq3A_82 = arith.constant 0 : i32
      %eq3A_83 = arith.cmpi eq, %select_n3A_81, %eq3A_82 : i32
      %convert_element_type3A = arith.extui %eq3A_83 : i1 to i32
      %cond3A = arith.constant 0 : i32
      %cond3A_84 = arith.cmpi ne, %convert_element_type3A, %cond3A : i32
      scf.if %cond3A_84 {
        %ge3A = arith.constant 1 : i32
        %ge3A_106 = arith.cmpi sge, %scan3A_72, %ge3A : i32
        %convert_element_type3A_107 = arith.extui %ge3A_106 : i1 to i32
        %cond3A_108 = arith.constant 0 : i32
        %cond3A_109 = arith.cmpi ne, %convert_element_type3A_107, %cond3A_108 : i32
        scf.if %cond3A_109 {
          %dma_wait3A_145 = arith.constant 0 : i32
          %dma_wait3A_146 = arith.constant 0 : i32
          %dma_wait3A_147 = tpu.memref_slice %arg13[%dma_wait3A_145, %dma_wait3A_146] : memref<10112x128xf32, #tpu.memory_space<vmem_shared>> -> memref<10112x128xf32, #tpu.memory_space<vmem_shared>>
          tpu.wait_indirect_dma semaphore(%arg20 : memref<!tpu.dma_semaphore, #tpu.memory_space<semaphore_mem>>) src(%arg11 : memref<80x128xf32, #tpu.memory_space<vmem>>) dst(%dma_wait3A_147 : memref<10112x128xf32, #tpu.memory_space<vmem_shared>>)
        } else {
        }
        %add3A_110 = arith.constant 1 : i32
        %add3A_111 = arith.addi %scan3A_72, %add3A_110 : i32
        %lt3A_112 = arith.constant 32 : i32
        %lt3A_113 = arith.cmpi slt, %add3A_111, %lt3A_112 : i32
        %convert_element_type3A_114 = arith.extui %lt3A_113 : i1 to i32
        %cond3A_115 = arith.constant 0 : i32
        %cond3A_116 = arith.cmpi ne, %convert_element_type3A_114, %cond3A_115 : i32
        scf.if %cond3A_116 {
          %add3A_145 = arith.constant 1 : i32
          %add3A_146 = arith.addi %scan3A_72, %add3A_145 : i32
          %mul3A_147 = arith.constant 80 : i32
          %mul3A_148 = arith.muli %add3A_146, %mul3A_147 : i32
          %dma_start3A_149 = tpu.memref_slice %arg7[%mul3A_148] : memref<2560xi32, #tpu.memory_space<vmem>> -> memref<80xi32, #tpu.memory_space<vmem>>
          %dma_start3A_150 = arith.constant 0 : i32
          %dma_start3A_151 = arith.constant 0 : i32
          %dma_start3A_152 = tpu.memref_slice %arg2[%dma_start3A_150, %dma_start3A_151] : memref<20000x128xf32, #tpu.memory_space<hbm>> -> memref<20000x128xf32, #tpu.memory_space<hbm>>
          tpu.enqueue_indirect_dma source(%dma_start3A_152 : memref<20000x128xf32, #tpu.memory_space<hbm>>) target(%arg11 : memref<80x128xf32, #tpu.memory_space<vmem>>) offsets(%dma_start3A_149 : memref<80xi32, #tpu.memory_space<vmem>>) semaphore(%arg15 : memref<!tpu.dma_semaphore, #tpu.memory_space<semaphore_mem>>)
          %add3A_153 = arith.constant 1 : i32
          %add3A_154 = arith.addi %scan3A_72, %add3A_153 : i32
          %mul3A_155 = arith.constant 80 : i32
          %mul3A_156 = arith.muli %add3A_154, %mul3A_155 : i32
          %add3A_157 = arith.addi %mul3A_42, %mul3A_156 : i32
          %dma_start3A_158 = tpu.memref_slice %arg5[%add3A_157] : memref<40960xi32, #tpu.memory_space<hbm>> -> memref<80xi32, #tpu.memory_space<hbm>>
          %dma_start3A_159 = tpu.memref_slice %arg5[%add3A_157] : memref<40960xi32, #tpu.memory_space<hbm>> -> memref<80xi32, #tpu.memory_space<hbm>>
          tpu.enqueue_dma source(%dma_start3A_159 : memref<80xi32, #tpu.memory_space<hbm>>) target(%arg9 : memref<80xi32, #tpu.memory_space<vmem>>) target_semaphore(%arg18 : memref<!tpu.dma_semaphore, #tpu.memory_space<semaphore_mem>>)
        } else {
        }
        %dma_wait3A_117 = arith.constant 0 : i32
        %dma_wait3A_118 = arith.constant 0 : i32
        %dma_wait3A_119 = tpu.memref_slice %arg2[%dma_wait3A_117, %dma_wait3A_118] : memref<20000x128xf32, #tpu.memory_space<hbm>> -> memref<80x128xf32, #tpu.memory_space<hbm>>
        %dma_wait3A_120 = arith.constant 0 : i32
        %dma_wait3A_121 = arith.constant 0 : i32
        %dma_wait3A_122 = tpu.memref_slice %arg2[%dma_wait3A_120, %dma_wait3A_121] : memref<20000x128xf32, #tpu.memory_space<hbm>> -> memref<80x128xf32, #tpu.memory_space<hbm>>
        tpu.wait_dma2 semaphore(%arg14 : memref<!tpu.dma_semaphore, #tpu.memory_space<semaphore_mem>>) src(%dma_wait3A_122 : memref<80x128xf32, #tpu.memory_space<hbm>>) dst(%arg10 : memref<80x128xf32, #tpu.memory_space<vmem>>)
        %dma_wait3A_123 = arith.constant 0 : i32
        %dma_wait3A_124 = arith.constant 0 : i32
        %dma_wait3A_125 = tpu.memref_slice %arg3[%dma_wait3A_123, %dma_wait3A_124] : memref<81920x128xf32, #tpu.memory_space<hbm>> -> memref<80x128xf32, #tpu.memory_space<hbm>>
        %dma_wait3A_126 = arith.constant 0 : i32
        %dma_wait3A_127 = arith.constant 0 : i32
        %dma_wait3A_128 = tpu.memref_slice %arg3[%dma_wait3A_126, %dma_wait3A_127] : memref<81920x128xf32, #tpu.memory_space<hbm>> -> memref<80x128xf32, #tpu.memory_space<hbm>>
        tpu.wait_dma2 semaphore(%arg16 : memref<!tpu.dma_semaphore, #tpu.memory_space<semaphore_mem>>) src(%dma_wait3A_128 : memref<80x128xf32, #tpu.memory_space<hbm>>) dst(%arg12 : memref<80x128xf32, #tpu.memory_space<vmem>>)
        %parallel_loop3A = arith.constant 0 : i32
        %parallel_loop3A_129 = arith.constant 80 : i32
        %parallel_loop3A_130 = arith.constant 1 : i32
        scf.for %parallel_loop3A_145 = %parallel_loop3A to %parallel_loop3A_129 step %parallel_loop3A_130  : i32 {
          %parallel_loop3A_146 = arith.index_cast %parallel_loop3A_145 : i32 to index
          %parallel_loop3A_147 = arith.constant 0 : index
          %parallel_loop3A_148 = tpu.vector_load %arg10[%parallel_loop3A_146, %parallel_loop3A_147] {strides = array<i32>} : memref<80x128xf32, #tpu.memory_space<vmem>>, vector<1x16xf32>,
          %parallel_loop3A_149 = vector.shape_cast %parallel_loop3A_148 : vector<1x16xf32> to vector<16xf32>
          %parallel_loop3A_150 = arith.index_cast %parallel_loop3A_145 : i32 to index
          %parallel_loop3A_151 = arith.constant 0 : index
          %parallel_loop3A_152 = tpu.vector_load %arg12[%parallel_loop3A_150, %parallel_loop3A_151] {strides = array<i32>} : memref<80x128xf32, #tpu.memory_space<vmem>>, vector<1x16xf32>,
          %parallel_loop3A_153 = vector.shape_cast %parallel_loop3A_152 : vector<1x16xf32> to vector<16xf32>
          %parallel_loop3A_154 = arith.mulf %parallel_loop3A_149, %parallel_loop3A_153 : vector<16xf32>
          %parallel_loop3A_155 = arith.index_cast %parallel_loop3A_145 : i32 to index
          %parallel_loop3A_156 = arith.constant 0 : index
          %parallel_loop3A_157 = tpu.vector_load %arg10[%parallel_loop3A_155, %parallel_loop3A_156] {strides = array<i32>} : memref<80x128xf32, #tpu.memory_space<vmem>>, vector<1x16xf32>,
          %parallel_loop3A_158 = vector.shape_cast %parallel_loop3A_157 : vector<1x16xf32> to vector<16xf32>
          %parallel_loop3A_159 = vector.shape_cast %parallel_loop3A_154 : vector<16xf32> to vector<1x16xf32>
          tpu.vector_store %arg10[%parallel_loop3A_155, %parallel_loop3A_156], %parallel_loop3A_159 {strides = array<i32>} : memref<80x128xf32, #tpu.memory_space<vmem>>, vector<1x16xf32>,
          %parallel_loop3A_160 = arith.index_cast %parallel_loop3A_145 : i32 to index
          %parallel_loop3A_161 = arith.constant 16 : index
          %parallel_loop3A_162 = tpu.vector_load %arg10[%parallel_loop3A_160, %parallel_loop3A_161] {strides = array<i32>} : memref<80x128xf32, #tpu.memory_space<vmem>>, vector<1x16xf32>,
          %parallel_loop3A_163 = vector.shape_cast %parallel_loop3A_162 : vector<1x16xf32> to vector<16xf32>
          %parallel_loop3A_164 = arith.index_cast %parallel_loop3A_145 : i32 to index
          %parallel_loop3A_165 = arith.constant 16 : index
          %parallel_loop3A_166 = tpu.vector_load %arg12[%parallel_loop3A_164, %parallel_loop3A_165] {strides = array<i32>} : memref<80x128xf32, #tpu.memory_space<vmem>>, vector<1x16xf32>,
          %parallel_loop3A_167 = vector.shape_cast %parallel_loop3A_166 : vector<1x16xf32> to vector<16xf32>
          %parallel_loop3A_168 = arith.mulf %parallel_loop3A_163, %parallel_loop3A_167 : vector<16xf32>
          %parallel_loop3A_169 = arith.index_cast %parallel_loop3A_145 : i32 to index
          %parallel_loop3A_170 = arith.constant 16 : index
          %parallel_loop3A_171 = tpu.vector_load %arg10[%parallel_loop3A_169, %parallel_loop3A_170] {strides = array<i32>} : memref<80x128xf32, #tpu.memory_space<vmem>>, vector<1x16xf32>,
          %parallel_loop3A_172 = vector.shape_cast %parallel_loop3A_171 : vector<1x16xf32> to vector<16xf32>
          %parallel_loop3A_173 = vector.shape_cast %parallel_loop3A_168 : vector<16xf32> to vector<1x16xf32>
          tpu.vector_store %arg10[%parallel_loop3A_169, %parallel_loop3A_170], %parallel_loop3A_173 {strides = array<i32>} : memref<80x128xf32, #tpu.memory_space<vmem>>, vector<1x16xf32>,
          %parallel_loop3A_174 = arith.index_cast %parallel_loop3A_145 : i32 to index
          %parallel_loop3A_175 = arith.constant 32 : index
          %parallel_loop3A_176 = tpu.vector_load %arg10[%parallel_loop3A_174, %parallel_loop3A_175] {strides = array<i32>} : memref<80x128xf32, #tpu.memory_space<vmem>>, vector<1x16xf32>,
          %parallel_loop3A_177 = vector.shape_cast %parallel_loop3A_176 : vector<1x16xf32> to vector<16xf32>
          %parallel_loop3A_178 = arith.index_cast %parallel_loop3A_145 : i32 to index
          %parallel_loop3A_179 = arith.constant 32 : index
          %parallel_loop3A_180 = tpu.vector_load %arg12[%parallel_loop3A_178, %parallel_loop3A_179] {strides = array<i32>} : memref<80x128xf32, #tpu.memory_space<vmem>>, vector<1x16xf32>,
          %parallel_loop3A_181 = vector.shape_cast %parallel_loop3A_180 : vector<1x16xf32> to vector<16xf32>
          %parallel_loop3A_182 = arith.mulf %parallel_loop3A_177, %parallel_loop3A_181 : vector<16xf32>
          %parallel_loop3A_183 = arith.index_cast %parallel_loop3A_145 : i32 to index
          %parallel_loop3A_184 = arith.constant 32 : index
          %parallel_loop3A_185 = tpu.vector_load %arg10[%parallel_loop3A_183, %parallel_loop3A_184] {strides = array<i32>} : memref<80x128xf32, #tpu.memory_space<vmem>>, vector<1x16xf32>,
          %parallel_loop3A_186 = vector.shape_cast %parallel_loop3A_185 : vector<1x16xf32> to vector<16xf32>
          %parallel_loop3A_187 = vector.shape_cast %parallel_loop3A_182 : vector<16xf32> to vector<1x16xf32>
          tpu.vector_store %arg10[%parallel_loop3A_183, %parallel_loop3A_184], %parallel_loop3A_187 {strides = array<i32>} : memref<80x128xf32, #tpu.memory_space<vmem>>, vector<1x16xf32>,
          %parallel_loop3A_188 = arith.index_cast %parallel_loop3A_145 : i32 to index
          %parallel_loop3A_189 = arith.constant 48 : index
          %parallel_loop3A_190 = tpu.vector_load %arg10[%parallel_loop3A_188, %parallel_loop3A_189] {strides = array<i32>} : memref<80x128xf32, #tpu.memory_space<vmem>>, vector<1x16xf32>,
          %parallel_loop3A_191 = vector.shape_cast %parallel_loop3A_190 : vector<1x16xf32> to vector<16xf32>
          %parallel_loop3A_192 = arith.index_cast %parallel_loop3A_145 : i32 to index
          %parallel_loop3A_193 = arith.constant 48 : index
          %parallel_loop3A_194 = tpu.vector_load %arg12[%parallel_loop3A_192, %parallel_loop3A_193] {strides = array<i32>} : memref<80x128xf32, #tpu.memory_space<vmem>>, vector<1x16xf32>,
          %parallel_loop3A_195 = vector.shape_cast %parallel_loop3A_194 : vector<1x16xf32> to vector<16xf32>
          %parallel_loop3A_196 = arith.mulf %parallel_loop3A_191, %parallel_loop3A_195 : vector<16xf32>
          %parallel_loop3A_197 = arith.index_cast %parallel_loop3A_145 : i32 to index
          %parallel_loop3A_198 = arith.constant 48 : index
          %parallel_loop3A_199 = tpu.vector_load %arg10[%parallel_loop3A_197, %parallel_loop3A_198] {strides = array<i32>} : memref<80x128xf32, #tpu.memory_space<vmem>>, vector<1x16xf32>,
          %parallel_loop3A_200 = vector.shape_cast %parallel_loop3A_199 : vector<1x16xf32> to vector<16xf32>
          %parallel_loop3A_201 = vector.shape_cast %parallel_loop3A_196 : vector<16xf32> to vector<1x16xf32>
          tpu.vector_store %arg10[%parallel_loop3A_197, %parallel_loop3A_198], %parallel_loop3A_201 {strides = array<i32>} : memref<80x128xf32, #tpu.memory_space<vmem>>, vector<1x16xf32>,
          %parallel_loop3A_202 = arith.index_cast %parallel_loop3A_145 : i32 to index
          %parallel_loop3A_203 = arith.constant 64 : index
          %parallel_loop3A_204 = tpu.vector_load %arg10[%parallel_loop3A_202, %parallel_loop3A_203] {strides = array<i32>} : memref<80x128xf32, #tpu.memory_space<vmem>>, vector<1x16xf32>,
          %parallel_loop3A_205 = vector.shape_cast %parallel_loop3A_204 : vector<1x16xf32> to vector<16xf32>
          %parallel_loop3A_206 = arith.index_cast %parallel_loop3A_145 : i32 to index
          %parallel_loop3A_207 = arith.constant 64 : index
          %parallel_loop3A_208 = tpu.vector_load %arg12[%parallel_loop3A_206, %parallel_loop3A_207] {strides = array<i32>} : memref<80x128xf32, #tpu.memory_space<vmem>>, vector<1x16xf32>,
          %parallel_loop3A_209 = vector.shape_cast %parallel_loop3A_208 : vector<1x16xf32> to vector<16xf32>
          %parallel_loop3A_210 = arith.mulf %parallel_loop3A_205, %parallel_loop3A_209 : vector<16xf32>
          %parallel_loop3A_211 = arith.index_cast %parallel_loop3A_145 : i32 to index
          %parallel_loop3A_212 = arith.constant 64 : index
          %parallel_loop3A_213 = tpu.vector_load %arg10[%parallel_loop3A_211, %parallel_loop3A_212] {strides = array<i32>} : memref<80x128xf32, #tpu.memory_space<vmem>>, vector<1x16xf32>,
          %parallel_loop3A_214 = vector.shape_cast %parallel_loop3A_213 : vector<1x16xf32> to vector<16xf32>
          %parallel_loop3A_215 = vector.shape_cast %parallel_loop3A_210 : vector<16xf32> to vector<1x16xf32>
          tpu.vector_store %arg10[%parallel_loop3A_211, %parallel_loop3A_212], %parallel_loop3A_215 {strides = array<i32>} : memref<80x128xf32, #tpu.memory_space<vmem>>, vector<1x16xf32>,
          %parallel_loop3A_216 = arith.index_cast %parallel_loop3A_145 : i32 to index
          %parallel_loop3A_217 = arith.constant 80 : index
          %parallel_loop3A_218 = tpu.vector_load %arg10[%parallel_loop3A_216, %parallel_loop3A_217] {strides = array<i32>} : memref<80x128xf32, #tpu.memory_space<vmem>>, vector<1x16xf32>,
          %parallel_loop3A_219 = vector.shape_cast %parallel_loop3A_218 : vector<1x16xf32> to vector<16xf32>
          %parallel_loop3A_220 = arith.index_cast %parallel_loop3A_145 : i32 to index
          %parallel_loop3A_221 = arith.constant 80 : index
          %parallel_loop3A_222 = tpu.vector_load %arg12[%parallel_loop3A_220, %parallel_loop3A_221] {strides = array<i32>} : memref<80x128xf32, #tpu.memory_space<vmem>>, vector<1x16xf32>,
          %parallel_loop3A_223 = vector.shape_cast %parallel_loop3A_222 : vector<1x16xf32> to vector<16xf32>
          %parallel_loop3A_224 = arith.mulf %parallel_loop3A_219, %parallel_loop3A_223 : vector<16xf32>
          %parallel_loop3A_225 = arith.index_cast %parallel_loop3A_145 : i32 to index
          %parallel_loop3A_226 = arith.constant 80 : index
          %parallel_loop3A_227 = tpu.vector_load %arg10[%parallel_loop3A_225, %parallel_loop3A_226] {strides = array<i32>} : memref<80x128xf32, #tpu.memory_space<vmem>>, vector<1x16xf32>,
          %parallel_loop3A_228 = vector.shape_cast %parallel_loop3A_227 : vector<1x16xf32> to vector<16xf32>
          %parallel_loop3A_229 = vector.shape_cast %parallel_loop3A_224 : vector<16xf32> to vector<1x16xf32>
          tpu.vector_store %arg10[%parallel_loop3A_225, %parallel_loop3A_226], %parallel_loop3A_229 {strides = array<i32>} : memref<80x128xf32, #tpu.memory_space<vmem>>, vector<1x16xf32>,
          %parallel_loop3A_230 = arith.index_cast %parallel_loop3A_145 : i32 to index
          %parallel_loop3A_231 = arith.constant 96 : index
          %parallel_loop3A_232 = tpu.vector_load %arg10[%parallel_loop3A_230, %parallel_loop3A_231] {strides = array<i32>} : memref<80x128xf32, #tpu.memory_space<vmem>>, vector<1x16xf32>,
          %parallel_loop3A_233 = vector.shape_cast %parallel_loop3A_232 : vector<1x16xf32> to vector<16xf32>
          %parallel_loop3A_234 = arith.index_cast %parallel_loop3A_145 : i32 to index
          %parallel_loop3A_235 = arith.constant 96 : index
          %parallel_loop3A_236 = tpu.vector_load %arg12[%parallel_loop3A_234, %parallel_loop3A_235] {strides = array<i32>} : memref<80x128xf32, #tpu.memory_space<vmem>>, vector<1x16xf32>,
          %parallel_loop3A_237 = vector.shape_cast %parallel_loop3A_236 : vector<1x16xf32> to vector<16xf32>
          %parallel_loop3A_238 = arith.mulf %parallel_loop3A_233, %parallel_loop3A_237 : vector<16xf32>
          %parallel_loop3A_239 = arith.index_cast %parallel_loop3A_145 : i32 to index
          %parallel_loop3A_240 = arith.constant 96 : index
          %parallel_loop3A_241 = tpu.vector_load %arg10[%parallel_loop3A_239, %parallel_loop3A_240] {strides = array<i32>} : memref<80x128xf32, #tpu.memory_space<vmem>>, vector<1x16xf32>,
          %parallel_loop3A_242 = vector.shape_cast %parallel_loop3A_241 : vector<1x16xf32> to vector<16xf32>
          %parallel_loop3A_243 = vector.shape_cast %parallel_loop3A_238 : vector<16xf32> to vector<1x16xf32>
          tpu.vector_store %arg10[%parallel_loop3A_239, %parallel_loop3A_240], %parallel_loop3A_243 {strides = array<i32>} : memref<80x128xf32, #tpu.memory_space<vmem>>, vector<1x16xf32>,
          %parallel_loop3A_244 = arith.index_cast %parallel_loop3A_145 : i32 to index
          %parallel_loop3A_245 = arith.constant 112 : index
          %parallel_loop3A_246 = tpu.vector_load %arg10[%parallel_loop3A_244, %parallel_loop3A_245] {strides = array<i32>} : memref<80x128xf32, #tpu.memory_space<vmem>>, vector<1x16xf32>,
          %parallel_loop3A_247 = vector.shape_cast %parallel_loop3A_246 : vector<1x16xf32> to vector<16xf32>
          %parallel_loop3A_248 = arith.index_cast %parallel_loop3A_145 : i32 to index
          %parallel_loop3A_249 = arith.constant 112 : index
          %parallel_loop3A_250 = tpu.vector_load %arg12[%parallel_loop3A_248, %parallel_loop3A_249] {strides = array<i32>} : memref<80x128xf32, #tpu.memory_space<vmem>>, vector<1x16xf32>,
          %parallel_loop3A_251 = vector.shape_cast %parallel_loop3A_250 : vector<1x16xf32> to vector<16xf32>
          %parallel_loop3A_252 = arith.mulf %parallel_loop3A_247, %parallel_loop3A_251 : vector<16xf32>
          %parallel_loop3A_253 = arith.index_cast %parallel_loop3A_145 : i32 to index
          %parallel_loop3A_254 = arith.constant 112 : index
          %parallel_loop3A_255 = tpu.vector_load %arg10[%parallel_loop3A_253, %parallel_loop3A_254] {strides = array<i32>} : memref<80x128xf32, #tpu.memory_space<vmem>>, vector<1x16xf32>,
          %parallel_loop3A_256 = vector.shape_cast %parallel_loop3A_255 : vector<1x16xf32> to vector<16xf32>
          %parallel_loop3A_257 = vector.shape_cast %parallel_loop3A_252 : vector<16xf32> to vector<1x16xf32>
          tpu.vector_store %arg10[%parallel_loop3A_253, %parallel_loop3A_254], %parallel_loop3A_257 {strides = array<i32>} : memref<80x128xf32, #tpu.memory_space<vmem>>, vector<1x16xf32>,
        } {sc.loop_unroll_factor = 4 : i64, sc.parallel_access}
        %add3A_131 = arith.constant 1 : i32
        %add3A_132 = arith.addi %scan3A_72, %add3A_131 : i32
        %lt3A_133 = arith.constant 32 : i32
        %lt3A_134 = arith.cmpi slt, %add3A_132, %lt3A_133 : i32
        %convert_element_type3A_135 = arith.extui %lt3A_134 : i1 to i32
        %cond3A_136 = arith.constant 0 : i32
        %cond3A_137 = arith.cmpi ne, %convert_element_type3A_135, %cond3A_136 : i32
        scf.if %cond3A_137 {
          %add3A_145 = arith.constant 1 : i32
          %add3A_146 = arith.addi %scan3A_72, %add3A_145 : i32
          %mul3A_147 = arith.constant 80 : i32
          %mul3A_148 = arith.muli %add3A_146, %mul3A_147 : i32
          %add3A_149 = arith.addi %add3A_45, %mul3A_148 : i32
          %dma_start3A_150 = arith.constant 0 : i32
          %dma_start3A_151 = tpu.memref_slice %arg3[%add3A_149, %dma_start3A_150] : memref<81920x128xf32, #tpu.memory_space<hbm>> -> memref<80x128xf32, #tpu.memory_space<hbm>>
          %dma_start3A_152 = arith.constant 0 : i32
          %dma_start3A_153 = tpu.memref_slice %arg3[%add3A_149, %dma_start3A_152] : memref<81920x128xf32, #tpu.memory_space<hbm>> -> memref<80x128xf32, #tpu.memory_space<hbm>>
          tpu.enqueue_dma source(%dma_start3A_153 : memref<80x128xf32, #tpu.memory_space<hbm>>) target(%arg12 : memref<80x128xf32, #tpu.memory_space<vmem>>) target_semaphore(%arg16 : memref<!tpu.dma_semaphore, #tpu.memory_space<semaphore_mem>>)
        } else {
        }
        %dma_wait3A_138 = arith.constant 0 : i32
        %dma_wait3A_139 = tpu.memref_slice %arg5[%dma_wait3A_138] : memref<40960xi32, #tpu.memory_space<hbm>> -> memref<80xi32, #tpu.memory_space<hbm>>
        %dma_wait3A_140 = arith.constant 0 : i32
        %dma_wait3A_141 = tpu.memref_slice %arg5[%dma_wait3A_140] : memref<40960xi32, #tpu.memory_space<hbm>> -> memref<80xi32, #tpu.memory_space<hbm>>
        tpu.wait_dma2 semaphore(%arg17 : memref<!tpu.dma_semaphore, #tpu.memory_space<semaphore_mem>>) src(%dma_wait3A_141 : memref<80xi32, #tpu.memory_space<hbm>>) dst(%arg8 : memref<80xi32, #tpu.memory_space<vmem>>)
        %dma_start3A_142 = arith.constant 0 : i32
        %dma_start3A_143 = arith.constant 0 : i32
        %dma_start3A_144 = tpu.memref_slice %arg13[%dma_start3A_142, %dma_start3A_143] : memref<10112x128xf32, #tpu.memory_space<vmem_shared>> -> memref<10112x128xf32, #tpu.memory_space<vmem_shared>>
        tpu.enqueue_indirect_dma source(%arg10 : memref<80x128xf32, #tpu.memory_space<vmem>>) target(%dma_start3A_144 : memref<10112x128xf32, #tpu.memory_space<vmem_shared>>) offsets(%arg8 : memref<80xi32, #tpu.memory_space<vmem>>) semaphore(%arg19 : memref<!tpu.dma_semaphore, #tpu.memory_space<semaphore_mem>>) {add = true}
      } else {
      }
      %jit3A_85 = arith.constant 2 : i32
      %eq3A_86 = arith.constant 0 : i32
      %eq3A_87 = arith.cmpi eq, %jit3A_85, %eq3A_86 : i32
      %jit3A_88 = arith.constant 1 : i32
      %select_n3A_89 = arith.select %eq3A_87, %jit3A_88, %jit3A_85 : i32
      %rem3A_90 = arith.remsi %scan3A_72, %select_n3A_89 : i32
      %ne3A_91 = arith.constant 0 : i32
      %ne3A_92 = arith.cmpi ne, %rem3A_90, %ne3A_91 : i32
      %lt3A_93 = arith.constant 0 : i32
      %lt3A_94 = arith.cmpi slt, %rem3A_90, %lt3A_93 : i32
      %lt3A_95 = arith.constant 0 : i32
      %lt3A_96 = arith.cmpi slt, %select_n3A_89, %lt3A_95 : i32
      %ne3A_97 = arith.xori %lt3A_94, %lt3A_96 : i1
      %and3A_98 = arith.andi %ne3A_97, %ne3A_92 : i1
      %add3A_99 = arith.addi %rem3A_90, %select_n3A_89 : i32
      %select_n3A_100 = arith.select %and3A_98, %add3A_99, %rem3A_90 : i32
      %eq3A_101 = arith.constant 1 : i32
      %eq3A_102 = arith.cmpi eq, %select_n3A_100, %eq3A_101 : i32
      %convert_element_type3A_103 = arith.extui %eq3A_102 : i1 to i32
      %cond3A_104 = arith.constant 0 : i32
      %cond3A_105 = arith.cmpi ne, %convert_element_type3A_103, %cond3A_104 : i32
      scf.if %cond3A_105 {
        %ge3A = arith.constant 1 : i32
        %ge3A_106 = arith.cmpi sge, %scan3A_72, %ge3A : i32
        %convert_element_type3A_107 = arith.extui %ge3A_106 : i1 to i32
        %cond3A_108 = arith.constant 0 : i32
        %cond3A_109 = arith.cmpi ne, %convert_element_type3A_107, %cond3A_108 : i32
        scf.if %cond3A_109 {
          %dma_wait3A_145 = arith.constant 0 : i32
          %dma_wait3A_146 = arith.constant 0 : i32
          %dma_wait3A_147 = tpu.memref_slice %arg13[%dma_wait3A_145, %dma_wait3A_146] : memref<10112x128xf32, #tpu.memory_space<vmem_shared>> -> memref<10112x128xf32, #tpu.memory_space<vmem_shared>>
          tpu.wait_indirect_dma semaphore(%arg19 : memref<!tpu.dma_semaphore, #tpu.memory_space<semaphore_mem>>) src(%arg10 : memref<80x128xf32, #tpu.memory_space<vmem>>) dst(%dma_wait3A_147 : memref<10112x128xf32, #tpu.memory_space<vmem_shared>>)
        } else {
        }
        %add3A_110 = arith.constant 1 : i32
        %add3A_111 = arith.addi %scan3A_72, %add3A_110 : i32
        %lt3A_112 = arith.constant 32 : i32
        %lt3A_113 = arith.cmpi slt, %add3A_111, %lt3A_112 : i32
        %convert_element_type3A_114 = arith.extui %lt3A_113 : i1 to i32
        %cond3A_115 = arith.constant 0 : i32
        %cond3A_116 = arith.cmpi ne, %convert_element_type3A_114, %cond3A_115 : i32
        scf.if %cond3A_116 {
          %add3A_145 = arith.constant 1 : i32
          %add3A_146 = arith.addi %scan3A_72, %add3A_145 : i32
          %mul3A_147 = arith.constant 80 : i32
          %mul3A_148 = arith.muli %add3A_146, %mul3A_147 : i32
          %dma_start3A_149 = tpu.memref_slice %arg7[%mul3A_148] : memref<2560xi32, #tpu.memory_space<vmem>> -> memref<80xi32, #tpu.memory_space<vmem>>
          %dma_start3A_150 = arith.constant 0 : i32
          %dma_start3A_151 = arith.constant 0 : i32
          %dma_start3A_152 = tpu.memref_slice %arg2[%dma_start3A_150, %dma_start3A_151] : memref<20000x128xf32, #tpu.memory_space<hbm>> -> memref<20000x128xf32, #tpu.memory_space<hbm>>
          tpu.enqueue_indirect_dma source(%dma_start3A_152 : memref<20000x128xf32, #tpu.memory_space<hbm>>) target(%arg10 : memref<80x128xf32, #tpu.memory_space<vmem>>) offsets(%dma_start3A_149 : memref<80xi32, #tpu.memory_space<vmem>>) semaphore(%arg14 : memref<!tpu.dma_semaphore, #tpu.memory_space<semaphore_mem>>)
          %add3A_153 = arith.constant 1 : i32
          %add3A_154 = arith.addi %scan3A_72, %add3A_153 : i32
          %mul3A_155 = arith.constant 80 : i32
          %mul3A_156 = arith.muli %add3A_154, %mul3A_155 : i32
          %add3A_157 = arith.addi %mul3A_42, %mul3A_156 : i32
          %dma_start3A_158 = tpu.memref_slice %arg5[%add3A_157] : memref<40960xi32, #tpu.memory_space<hbm>> -> memref<80xi32, #tpu.memory_space<hbm>>
          %dma_start3A_159 = tpu.memref_slice %arg5[%add3A_157] : memref<40960xi32, #tpu.memory_space<hbm>> -> memref<80xi32, #tpu.memory_space<hbm>>
          tpu.enqueue_dma source(%dma_start3A_159 : memref<80xi32, #tpu.memory_space<hbm>>) target(%arg8 : memref<80xi32, #tpu.memory_space<vmem>>) target_semaphore(%arg17 : memref<!tpu.dma_semaphore, #tpu.memory_space<semaphore_mem>>)
        } else {
        }
        %dma_wait3A_117 = arith.constant 0 : i32
        %dma_wait3A_118 = arith.constant 0 : i32
        %dma_wait3A_119 = tpu.memref_slice %arg2[%dma_wait3A_117, %dma_wait3A_118] : memref<20000x128xf32, #tpu.memory_space<hbm>> -> memref<80x128xf32, #tpu.memory_space<hbm>>
        %dma_wait3A_120 = arith.constant 0 : i32
        %dma_wait3A_121 = arith.constant 0 : i32
        %dma_wait3A_122 = tpu.memref_slice %arg2[%dma_wait3A_120, %dma_wait3A_121] : memref<20000x128xf32, #tpu.memory_space<hbm>> -> memref<80x128xf32, #tpu.memory_space<hbm>>
        tpu.wait_dma2 semaphore(%arg15 : memref<!tpu.dma_semaphore, #tpu.memory_space<semaphore_mem>>) src(%dma_wait3A_122 : memref<80x128xf32, #tpu.memory_space<hbm>>) dst(%arg11 : memref<80x128xf32, #tpu.memory_space<vmem>>)
        %dma_wait3A_123 = arith.constant 0 : i32
        %dma_wait3A_124 = arith.constant 0 : i32
        %dma_wait3A_125 = tpu.memref_slice %arg3[%dma_wait3A_123, %dma_wait3A_124] : memref<81920x128xf32, #tpu.memory_space<hbm>> -> memref<80x128xf32, #tpu.memory_space<hbm>>
        %dma_wait3A_126 = arith.constant 0 : i32
        %dma_wait3A_127 = arith.constant 0 : i32
        %dma_wait3A_128 = tpu.memref_slice %arg3[%dma_wait3A_126, %dma_wait3A_127] : memref<81920x128xf32, #tpu.memory_space<hbm>> -> memref<80x128xf32, #tpu.memory_space<hbm>>
        tpu.wait_dma2 semaphore(%arg16 : memref<!tpu.dma_semaphore, #tpu.memory_space<semaphore_mem>>) src(%dma_wait3A_128 : memref<80x128xf32, #tpu.memory_space<hbm>>) dst(%arg12 : memref<80x128xf32, #tpu.memory_space<vmem>>)
        %parallel_loop3A = arith.constant 0 : i32
        %parallel_loop3A_129 = arith.constant 80 : i32
        %parallel_loop3A_130 = arith.constant 1 : i32
        scf.for %parallel_loop3A_145 = %parallel_loop3A to %parallel_loop3A_129 step %parallel_loop3A_130  : i32 {
          %parallel_loop3A_146 = arith.index_cast %parallel_loop3A_145 : i32 to index
          %parallel_loop3A_147 = arith.constant 0 : index
          %parallel_loop3A_148 = tpu.vector_load %arg11[%parallel_loop3A_146, %parallel_loop3A_147] {strides = array<i32>} : memref<80x128xf32, #tpu.memory_space<vmem>>, vector<1x16xf32>,
          %parallel_loop3A_149 = vector.shape_cast %parallel_loop3A_148 : vector<1x16xf32> to vector<16xf32>
          %parallel_loop3A_150 = arith.index_cast %parallel_loop3A_145 : i32 to index
          %parallel_loop3A_151 = arith.constant 0 : index
          %parallel_loop3A_152 = tpu.vector_load %arg12[%parallel_loop3A_150, %parallel_loop3A_151] {strides = array<i32>} : memref<80x128xf32, #tpu.memory_space<vmem>>, vector<1x16xf32>,
          %parallel_loop3A_153 = vector.shape_cast %parallel_loop3A_152 : vector<1x16xf32> to vector<16xf32>
          %parallel_loop3A_154 = arith.mulf %parallel_loop3A_149, %parallel_loop3A_153 : vector<16xf32>
          %parallel_loop3A_155 = arith.index_cast %parallel_loop3A_145 : i32 to index
          %parallel_loop3A_156 = arith.constant 0 : index
          %parallel_loop3A_157 = tpu.vector_load %arg11[%parallel_loop3A_155, %parallel_loop3A_156] {strides = array<i32>} : memref<80x128xf32, #tpu.memory_space<vmem>>, vector<1x16xf32>,
          %parallel_loop3A_158 = vector.shape_cast %parallel_loop3A_157 : vector<1x16xf32> to vector<16xf32>
          %parallel_loop3A_159 = vector.shape_cast %parallel_loop3A_154 : vector<16xf32> to vector<1x16xf32>
          tpu.vector_store %arg11[%parallel_loop3A_155, %parallel_loop3A_156], %parallel_loop3A_159 {strides = array<i32>} : memref<80x128xf32, #tpu.memory_space<vmem>>, vector<1x16xf32>,
          %parallel_loop3A_160 = arith.index_cast %parallel_loop3A_145 : i32 to index
          %parallel_loop3A_161 = arith.constant 16 : index
          %parallel_loop3A_162 = tpu.vector_load %arg11[%parallel_loop3A_160, %parallel_loop3A_161] {strides = array<i32>} : memref<80x128xf32, #tpu.memory_space<vmem>>, vector<1x16xf32>,
          %parallel_loop3A_163 = vector.shape_cast %parallel_loop3A_162 : vector<1x16xf32> to vector<16xf32>
          %parallel_loop3A_164 = arith.index_cast %parallel_loop3A_145 : i32 to index
          %parallel_loop3A_165 = arith.constant 16 : index
          %parallel_loop3A_166 = tpu.vector_load %arg12[%parallel_loop3A_164, %parallel_loop3A_165] {strides = array<i32>} : memref<80x128xf32, #tpu.memory_space<vmem>>, vector<1x16xf32>,
          %parallel_loop3A_167 = vector.shape_cast %parallel_loop3A_166 : vector<1x16xf32> to vector<16xf32>
          %parallel_loop3A_168 = arith.mulf %parallel_loop3A_163, %parallel_loop3A_167 : vector<16xf32>
          %parallel_loop3A_169 = arith.index_cast %parallel_loop3A_145 : i32 to index
          %parallel_loop3A_170 = arith.constant 16 : index
          %parallel_loop3A_171 = tpu.vector_load %arg11[%parallel_loop3A_169, %parallel_loop3A_170] {strides = array<i32>} : memref<80x128xf32, #tpu.memory_space<vmem>>, vector<1x16xf32>,
          %parallel_loop3A_172 = vector.shape_cast %parallel_loop3A_171 : vector<1x16xf32> to vector<16xf32>
          %parallel_loop3A_173 = vector.shape_cast %parallel_loop3A_168 : vector<16xf32> to vector<1x16xf32>
          tpu.vector_store %arg11[%parallel_loop3A_169, %parallel_loop3A_170], %parallel_loop3A_173 {strides = array<i32>} : memref<80x128xf32, #tpu.memory_space<vmem>>, vector<1x16xf32>,
          %parallel_loop3A_174 = arith.index_cast %parallel_loop3A_145 : i32 to index
          %parallel_loop3A_175 = arith.constant 32 : index
          %parallel_loop3A_176 = tpu.vector_load %arg11[%parallel_loop3A_174, %parallel_loop3A_175] {strides = array<i32>} : memref<80x128xf32, #tpu.memory_space<vmem>>, vector<1x16xf32>,
          %parallel_loop3A_177 = vector.shape_cast %parallel_loop3A_176 : vector<1x16xf32> to vector<16xf32>
          %parallel_loop3A_178 = arith.index_cast %parallel_loop3A_145 : i32 to index
          %parallel_loop3A_179 = arith.constant 32 : index
          %parallel_loop3A_180 = tpu.vector_load %arg12[%parallel_loop3A_178, %parallel_loop3A_179] {strides = array<i32>} : memref<80x128xf32, #tpu.memory_space<vmem>>, vector<1x16xf32>,
          %parallel_loop3A_181 = vector.shape_cast %parallel_loop3A_180 : vector<1x16xf32> to vector<16xf32>
          %parallel_loop3A_182 = arith.mulf %parallel_loop3A_177, %parallel_loop3A_181 : vector<16xf32>
          %parallel_loop3A_183 = arith.index_cast %parallel_loop3A_145 : i32 to index
          %parallel_loop3A_184 = arith.constant 32 : index
          %parallel_loop3A_185 = tpu.vector_load %arg11[%parallel_loop3A_183, %parallel_loop3A_184] {strides = array<i32>} : memref<80x128xf32, #tpu.memory_space<vmem>>, vector<1x16xf32>,
          %parallel_loop3A_186 = vector.shape_cast %parallel_loop3A_185 : vector<1x16xf32> to vector<16xf32>
          %parallel_loop3A_187 = vector.shape_cast %parallel_loop3A_182 : vector<16xf32> to vector<1x16xf32>
          tpu.vector_store %arg11[%parallel_loop3A_183, %parallel_loop3A_184], %parallel_loop3A_187 {strides = array<i32>} : memref<80x128xf32, #tpu.memory_space<vmem>>, vector<1x16xf32>,
          %parallel_loop3A_188 = arith.index_cast %parallel_loop3A_145 : i32 to index
          %parallel_loop3A_189 = arith.constant 48 : index
          %parallel_loop3A_190 = tpu.vector_load %arg11[%parallel_loop3A_188, %parallel_loop3A_189] {strides = array<i32>} : memref<80x128xf32, #tpu.memory_space<vmem>>, vector<1x16xf32>,
          %parallel_loop3A_191 = vector.shape_cast %parallel_loop3A_190 : vector<1x16xf32> to vector<16xf32>
          %parallel_loop3A_192 = arith.index_cast %parallel_loop3A_145 : i32 to index
          %parallel_loop3A_193 = arith.constant 48 : index
          %parallel_loop3A_194 = tpu.vector_load %arg12[%parallel_loop3A_192, %parallel_loop3A_193] {strides = array<i32>} : memref<80x128xf32, #tpu.memory_space<vmem>>, vector<1x16xf32>,
          %parallel_loop3A_195 = vector.shape_cast %parallel_loop3A_194 : vector<1x16xf32> to vector<16xf32>
          %parallel_loop3A_196 = arith.mulf %parallel_loop3A_191, %parallel_loop3A_195 : vector<16xf32>
          %parallel_loop3A_197 = arith.index_cast %parallel_loop3A_145 : i32 to index
          %parallel_loop3A_198 = arith.constant 48 : index
          %parallel_loop3A_199 = tpu.vector_load %arg11[%parallel_loop3A_197, %parallel_loop3A_198] {strides = array<i32>} : memref<80x128xf32, #tpu.memory_space<vmem>>, vector<1x16xf32>,
          %parallel_loop3A_200 = vector.shape_cast %parallel_loop3A_199 : vector<1x16xf32> to vector<16xf32>
          %parallel_loop3A_201 = vector.shape_cast %parallel_loop3A_196 : vector<16xf32> to vector<1x16xf32>
          tpu.vector_store %arg11[%parallel_loop3A_197, %parallel_loop3A_198], %parallel_loop3A_201 {strides = array<i32>} : memref<80x128xf32, #tpu.memory_space<vmem>>, vector<1x16xf32>,
          %parallel_loop3A_202 = arith.index_cast %parallel_loop3A_145 : i32 to index
          %parallel_loop3A_203 = arith.constant 64 : index
          %parallel_loop3A_204 = tpu.vector_load %arg11[%parallel_loop3A_202, %parallel_loop3A_203] {strides = array<i32>} : memref<80x128xf32, #tpu.memory_space<vmem>>, vector<1x16xf32>,
          %parallel_loop3A_205 = vector.shape_cast %parallel_loop3A_204 : vector<1x16xf32> to vector<16xf32>
          %parallel_loop3A_206 = arith.index_cast %parallel_loop3A_145 : i32 to index
          %parallel_loop3A_207 = arith.constant 64 : index
          %parallel_loop3A_208 = tpu.vector_load %arg12[%parallel_loop3A_206, %parallel_loop3A_207] {strides = array<i32>} : memref<80x128xf32, #tpu.memory_space<vmem>>, vector<1x16xf32>,
          %parallel_loop3A_209 = vector.shape_cast %parallel_loop3A_208 : vector<1x16xf32> to vector<16xf32>
          %parallel_loop3A_210 = arith.mulf %parallel_loop3A_205, %parallel_loop3A_209 : vector<16xf32>
          %parallel_loop3A_211 = arith.index_cast %parallel_loop3A_145 : i32 to index
          %parallel_loop3A_212 = arith.constant 64 : index
          %parallel_loop3A_213 = tpu.vector_load %arg11[%parallel_loop3A_211, %parallel_loop3A_212] {strides = array<i32>} : memref<80x128xf32, #tpu.memory_space<vmem>>, vector<1x16xf32>,
          %parallel_loop3A_214 = vector.shape_cast %parallel_loop3A_213 : vector<1x16xf32> to vector<16xf32>
          %parallel_loop3A_215 = vector.shape_cast %parallel_loop3A_210 : vector<16xf32> to vector<1x16xf32>
          tpu.vector_store %arg11[%parallel_loop3A_211, %parallel_loop3A_212], %parallel_loop3A_215 {strides = array<i32>} : memref<80x128xf32, #tpu.memory_space<vmem>>, vector<1x16xf32>,
          %parallel_loop3A_216 = arith.index_cast %parallel_loop3A_145 : i32 to index
          %parallel_loop3A_217 = arith.constant 80 : index
          %parallel_loop3A_218 = tpu.vector_load %arg11[%parallel_loop3A_216, %parallel_loop3A_217] {strides = array<i32>} : memref<80x128xf32, #tpu.memory_space<vmem>>, vector<1x16xf32>,
          %parallel_loop3A_219 = vector.shape_cast %parallel_loop3A_218 : vector<1x16xf32> to vector<16xf32>
          %parallel_loop3A_220 = arith.index_cast %parallel_loop3A_145 : i32 to index
          %parallel_loop3A_221 = arith.constant 80 : index
          %parallel_loop3A_222 = tpu.vector_load %arg12[%parallel_loop3A_220, %parallel_loop3A_221] {strides = array<i32>} : memref<80x128xf32, #tpu.memory_space<vmem>>, vector<1x16xf32>,
          %parallel_loop3A_223 = vector.shape_cast %parallel_loop3A_222 : vector<1x16xf32> to vector<16xf32>
          %parallel_loop3A_224 = arith.mulf %parallel_loop3A_219, %parallel_loop3A_223 : vector<16xf32>
          %parallel_loop3A_225 = arith.index_cast %parallel_loop3A_145 : i32 to index
          %parallel_loop3A_226 = arith.constant 80 : index
          %parallel_loop3A_227 = tpu.vector_load %arg11[%parallel_loop3A_225, %parallel_loop3A_226] {strides = array<i32>} : memref<80x128xf32, #tpu.memory_space<vmem>>, vector<1x16xf32>,
          %parallel_loop3A_228 = vector.shape_cast %parallel_loop3A_227 : vector<1x16xf32> to vector<16xf32>
          %parallel_loop3A_229 = vector.shape_cast %parallel_loop3A_224 : vector<16xf32> to vector<1x16xf32>
          tpu.vector_store %arg11[%parallel_loop3A_225, %parallel_loop3A_226], %parallel_loop3A_229 {strides = array<i32>} : memref<80x128xf32, #tpu.memory_space<vmem>>, vector<1x16xf32>,
          %parallel_loop3A_230 = arith.index_cast %parallel_loop3A_145 : i32 to index
          %parallel_loop3A_231 = arith.constant 96 : index
          %parallel_loop3A_232 = tpu.vector_load %arg11[%parallel_loop3A_230, %parallel_loop3A_231] {strides = array<i32>} : memref<80x128xf32, #tpu.memory_space<vmem>>, vector<1x16xf32>,
          %parallel_loop3A_233 = vector.shape_cast %parallel_loop3A_232 : vector<1x16xf32> to vector<16xf32>
          %parallel_loop3A_234 = arith.index_cast %parallel_loop3A_145 : i32 to index
          %parallel_loop3A_235 = arith.constant 96 : index
          %parallel_loop3A_236 = tpu.vector_load %arg12[%parallel_loop3A_234, %parallel_loop3A_235] {strides = array<i32>} : memref<80x128xf32, #tpu.memory_space<vmem>>, vector<1x16xf32>,
          %parallel_loop3A_237 = vector.shape_cast %parallel_loop3A_236 : vector<1x16xf32> to vector<16xf32>
          %parallel_loop3A_238 = arith.mulf %parallel_loop3A_233, %parallel_loop3A_237 : vector<16xf32>
          %parallel_loop3A_239 = arith.index_cast %parallel_loop3A_145 : i32 to index
          %parallel_loop3A_240 = arith.constant 96 : index
          %parallel_loop3A_241 = tpu.vector_load %arg11[%parallel_loop3A_239, %parallel_loop3A_240] {strides = array<i32>} : memref<80x128xf32, #tpu.memory_space<vmem>>, vector<1x16xf32>,
          %parallel_loop3A_242 = vector.shape_cast %parallel_loop3A_241 : vector<1x16xf32> to vector<16xf32>
          %parallel_loop3A_243 = vector.shape_cast %parallel_loop3A_238 : vector<16xf32> to vector<1x16xf32>
          tpu.vector_store %arg11[%parallel_loop3A_239, %parallel_loop3A_240], %parallel_loop3A_243 {strides = array<i32>} : memref<80x128xf32, #tpu.memory_space<vmem>>, vector<1x16xf32>,
          %parallel_loop3A_244 = arith.index_cast %parallel_loop3A_145 : i32 to index
          %parallel_loop3A_245 = arith.constant 112 : index
          %parallel_loop3A_246 = tpu.vector_load %arg11[%parallel_loop3A_244, %parallel_loop3A_245] {strides = array<i32>} : memref<80x128xf32, #tpu.memory_space<vmem>>, vector<1x16xf32>,
          %parallel_loop3A_247 = vector.shape_cast %parallel_loop3A_246 : vector<1x16xf32> to vector<16xf32>
          %parallel_loop3A_248 = arith.index_cast %parallel_loop3A_145 : i32 to index
          %parallel_loop3A_249 = arith.constant 112 : index
          %parallel_loop3A_250 = tpu.vector_load %arg12[%parallel_loop3A_248, %parallel_loop3A_249] {strides = array<i32>} : memref<80x128xf32, #tpu.memory_space<vmem>>, vector<1x16xf32>,
          %parallel_loop3A_251 = vector.shape_cast %parallel_loop3A_250 : vector<1x16xf32> to vector<16xf32>
          %parallel_loop3A_252 = arith.mulf %parallel_loop3A_247, %parallel_loop3A_251 : vector<16xf32>
          %parallel_loop3A_253 = arith.index_cast %parallel_loop3A_145 : i32 to index
          %parallel_loop3A_254 = arith.constant 112 : index
          %parallel_loop3A_255 = tpu.vector_load %arg11[%parallel_loop3A_253, %parallel_loop3A_254] {strides = array<i32>} : memref<80x128xf32, #tpu.memory_space<vmem>>, vector<1x16xf32>,
          %parallel_loop3A_256 = vector.shape_cast %parallel_loop3A_255 : vector<1x16xf32> to vector<16xf32>
          %parallel_loop3A_257 = vector.shape_cast %parallel_loop3A_252 : vector<16xf32> to vector<1x16xf32>
          tpu.vector_store %arg11[%parallel_loop3A_253, %parallel_loop3A_254], %parallel_loop3A_257 {strides = array<i32>} : memref<80x128xf32, #tpu.memory_space<vmem>>, vector<1x16xf32>,
        } {sc.loop_unroll_factor = 4 : i64, sc.parallel_access}
        %add3A_131 = arith.constant 1 : i32
        %add3A_132 = arith.addi %scan3A_72, %add3A_131 : i32
        %lt3A_133 = arith.constant 32 : i32
        %lt3A_134 = arith.cmpi slt, %add3A_132, %lt3A_133 : i32
        %convert_element_type3A_135 = arith.extui %lt3A_134 : i1 to i32
        %cond3A_136 = arith.constant 0 : i32
        %cond3A_137 = arith.cmpi ne, %convert_element_type3A_135, %cond3A_136 : i32
        scf.if %cond3A_137 {
          %add3A_145 = arith.constant 1 : i32
          %add3A_146 = arith.addi %scan3A_72, %add3A_145 : i32
          %mul3A_147 = arith.constant 80 : i32
          %mul3A_148 = arith.muli %add3A_146, %mul3A_147 : i32
          %add3A_149 = arith.addi %add3A_45, %mul3A_148 : i32
          %dma_start3A_150 = arith.constant 0 : i32
          %dma_start3A_151 = tpu.memref_slice %arg3[%add3A_149, %dma_start3A_150] : memref<81920x128xf32, #tpu.memory_space<hbm>> -> memref<80x128xf32, #tpu.memory_space<hbm>>
          %dma_start3A_152 = arith.constant 0 : i32
          %dma_start3A_153 = tpu.memref_slice %arg3[%add3A_149, %dma_start3A_152] : memref<81920x128xf32, #tpu.memory_space<hbm>> -> memref<80x128xf32, #tpu.memory_space<hbm>>
          tpu.enqueue_dma source(%dma_start3A_153 : memref<80x128xf32, #tpu.memory_space<hbm>>) target(%arg12 : memref<80x128xf32, #tpu.memory_space<vmem>>) target_semaphore(%arg16 : memref<!tpu.dma_semaphore, #tpu.memory_space<semaphore_mem>>)
        } else {
        }
        %dma_wait3A_138 = arith.constant 0 : i32
        %dma_wait3A_139 = tpu.memref_slice %arg5[%dma_wait3A_138] : memref<40960xi32, #tpu.memory_space<hbm>> -> memref<80xi32, #tpu.memory_space<hbm>>
        %dma_wait3A_140 = arith.constant 0 : i32
        %dma_wait3A_141 = tpu.memref_slice %arg5[%dma_wait3A_140] : memref<40960xi32, #tpu.memory_space<hbm>> -> memref<80xi32, #tpu.memory_space<hbm>>
        tpu.wait_dma2 semaphore(%arg18 : memref<!tpu.dma_semaphore, #tpu.memory_space<semaphore_mem>>) src(%dma_wait3A_141 : memref<80xi32, #tpu.memory_space<hbm>>) dst(%arg9 : memref<80xi32, #tpu.memory_space<vmem>>)
        %dma_start3A_142 = arith.constant 0 : i32
        %dma_start3A_143 = arith.constant 0 : i32
        %dma_start3A_144 = tpu.memref_slice %arg13[%dma_start3A_142, %dma_start3A_143] : memref<10112x128xf32, #tpu.memory_space<vmem_shared>> -> memref<10112x128xf32, #tpu.memory_space<vmem_shared>>
        tpu.enqueue_indirect_dma source(%arg11 : memref<80x128xf32, #tpu.memory_space<vmem>>) target(%dma_start3A_144 : memref<10112x128xf32, #tpu.memory_space<vmem_shared>>) offsets(%arg9 : memref<80xi32, #tpu.memory_space<vmem>>) semaphore(%arg20 : memref<!tpu.dma_semaphore, #tpu.memory_space<semaphore_mem>>) {add = true}
      } else {
      }
    }
    %scan3A_61 = arith.constant 32 : i32
    %dma_wait3A = arith.constant 0 : i32
    %dma_wait3A_62 = arith.constant 0 : i32
    %dma_wait3A_63 = tpu.memref_slice %arg13[%dma_wait3A, %dma_wait3A_62] : memref<10112x128xf32, #tpu.memory_space<vmem_shared>> -> memref<10112x128xf32, #tpu.memory_space<vmem_shared>>
    tpu.wait_indirect_dma semaphore(%arg20 : memref<!tpu.dma_semaphore, #tpu.memory_space<semaphore_mem>>) src(%arg11 : memref<80x128xf32, #tpu.memory_space<vmem>>) dst(%dma_wait3A_63 : memref<10112x128xf32, #tpu.memory_space<vmem_shared>>)
    %barrier3A_64 = arith.constant 0 : index
    tpu.barrier barrier_id(%barrier3A_64)
    %mul3A_65 = arith.constant 632 : i32
    %mul3A_66 = arith.muli %arg1, %mul3A_65 : i32
    %mul3A_67 = arith.constant 10112 : i32
    %mul3A_68 = arith.muli %arg0, %mul3A_67 : i32
    %mul3A_69 = arith.constant 632 : i32
    %mul3A_70 = arith.muli %arg1, %mul3A_69 : i32
    %add3A_71 = arith.addi %mul3A_68, %mul3A_70 : i32
    "tpu.region"() ({
      %run_scoped3A = tpu.sem_alloc : memref<!tpu.dma_semaphore, #tpu.memory_space<semaphore_mem>>
      %dma_start3A_72 = arith.constant 0 : i32
      %dma_start3A_73 = tpu.memref_slice %arg6[%add3A_71, %dma_start3A_72] : memref<20224x128xf32, #tpu.memory_space<hbm>> -> memref<632x128xf32, #tpu.memory_space<hbm>>
      %dma_start3A_74 = arith.constant 0 : i32
      %dma_start3A_75 = tpu.memref_slice %arg13[%mul3A_66, %dma_start3A_74] : memref<10112x128xf32, #tpu.memory_space<vmem_shared>> -> memref<632x128xf32, #tpu.memory_space<vmem_shared>>
      tpu.enqueue_dma source(%dma_start3A_75 : memref<632x128xf32, #tpu.memory_space<vmem_shared>>) target(%dma_start3A_73 : memref<632x128xf32, #tpu.memory_space<hbm>>) target_semaphore(%run_scoped3A : memref<!tpu.dma_semaphore, #tpu.memory_space<semaphore_mem>>)
      %dma_wait3A_76 = arith.constant 0 : i32
      %dma_wait3A_77 = tpu.memref_slice %arg6[%add3A_71, %dma_wait3A_76] : memref<20224x128xf32, #tpu.memory_space<hbm>> -> memref<632x128xf32, #tpu.memory_space<hbm>>
      %dma_wait3A_78 = arith.constant 0 : i32
      %dma_wait3A_79 = tpu.memref_slice %arg13[%mul3A_66, %dma_wait3A_78] : memref<10112x128xf32, #tpu.memory_space<vmem_shared>> -> memref<632x128xf32, #tpu.memory_space<vmem_shared>>
      tpu.wait_dma2 semaphore(%run_scoped3A : memref<!tpu.dma_semaphore, #tpu.memory_space<semaphore_mem>>) src(%dma_wait3A_79 : memref<632x128xf32, #tpu.memory_space<vmem_shared>>) dst(%dma_wait3A_77 : memref<632x128xf32, #tpu.memory_space<hbm>>)
      tpu.yield
    }) : () -> ()
    return
  }
}

#map = affine_map<(d0, d1) -> (0, 0)>
#map1 = affine_map<(d0, d1) -> (0)>
module attributes {stable_mosaic.version = 14 : i64} {
  func.func @_sc_body(%arg0: i32, %arg1: i32, %arg2: memref<20000x128xf32, #tpu.memory_space<hbm>>, %arg3: memref<79360x128xf32, #tpu.memory_space<hbm>>, %arg4: memref<79360xi32, #tpu.memory_space<hbm>>, %arg5: memref<39680xi32, #tpu.memory_space<hbm>>, %arg6: memref<20224x128xf32, #tpu.memory_space<hbm>>, %arg7: memref<2480xi32, #tpu.memory_space<vmem>>, %arg8: memref<80xi32, #tpu.memory_space<vmem>>, %arg9: memref<80xi32, #tpu.memory_space<vmem>>, %arg10: memref<80x128xf32, #tpu.memory_space<vmem>>, %arg11: memref<80x128xf32, #tpu.memory_space<vmem>>, %arg12: memref<80x128xf32, #tpu.memory_space<vmem>>, %arg13: memref<10112x128xf32, #tpu.memory_space<vmem_shared>>, %arg14: memref<!tpu.dma_semaphore, #tpu.memory_space<semaphore_mem>>, %arg15: memref<!tpu.dma_semaphore, #tpu.memory_space<semaphore_mem>>, %arg16: memref<!tpu.dma_semaphore, #tpu.memory_space<semaphore_mem>>, %arg17: memref<!tpu.dma_semaphore, #tpu.memory_space<semaphore_mem>>, %arg18: memref<!tpu.dma_semaphore, #tpu.memory_space<semaphore_mem>>, %arg19: memref<!tpu.dma_semaphore, #tpu.memory_space<semaphore_mem>>, %arg20: memref<!tpu.dma_semaphore, #tpu.memory_space<semaphore_mem>>) attributes {dimension_semantics = [#tpu.dimension_semantics<core_parallel>, #tpu.dimension_semantics<subcore_parallel>], iteration_bounds = array<i64: 2, 16>, scalar_prefetch = 0 : i64, scratch_operands = 14 : i64, tpu.core_type = #tpu.core_type<sc_vector_subcore>, window_params = [{transform_indices = #map}, {transform_indices = #map}, {transform_indices = #map1}, {transform_indices = #map1}, {transform_indices = #map}]} {
    %mul3A = arith.constant 39680 : i32
    %mul3A_0 = arith.muli %arg0, %mul3A : i32
    %mul3A_1 = arith.constant 2480 : i32
    %mul3A_2 = arith.muli %arg1, %mul3A_1 : i32
    %add3A = arith.addi %mul3A_0, %mul3A_2 : i32
    "tpu.region"() ({
      %run_scoped3A = tpu.sem_alloc : memref<!tpu.dma_semaphore, #tpu.memory_space<semaphore_mem>>
      %dma_start3A_72 = tpu.memref_slice %arg4[%add3A] : memref<79360xi32, #tpu.memory_space<hbm>> -> memref<2480xi32, #tpu.memory_space<hbm>>
      %dma_start3A_73 = tpu.memref_slice %arg4[%add3A] : memref<79360xi32, #tpu.memory_space<hbm>> -> memref<2480xi32, #tpu.memory_space<hbm>>
      tpu.enqueue_dma source(%dma_start3A_73 : memref<2480xi32, #tpu.memory_space<hbm>>) target(%arg7 : memref<2480xi32, #tpu.memory_space<vmem>>) target_semaphore(%run_scoped3A : memref<!tpu.dma_semaphore, #tpu.memory_space<semaphore_mem>>)
      %dma_wait3A_74 = tpu.memref_slice %arg4[%add3A] : memref<79360xi32, #tpu.memory_space<hbm>> -> memref<2480xi32, #tpu.memory_space<hbm>>
      %dma_wait3A_75 = tpu.memref_slice %arg4[%add3A] : memref<79360xi32, #tpu.memory_space<hbm>> -> memref<2480xi32, #tpu.memory_space<hbm>>
      tpu.wait_dma2 semaphore(%run_scoped3A : memref<!tpu.dma_semaphore, #tpu.memory_space<semaphore_mem>>) src(%dma_wait3A_75 : memref<2480xi32, #tpu.memory_space<hbm>>) dst(%arg7 : memref<2480xi32, #tpu.memory_space<vmem>>)
      tpu.yield
    }) : () -> ()
    %broadcast_in_dim3A = arith.constant 0.000000e+00 : f32
    %broadcast_in_dim3A_3 = vector.broadcast %broadcast_in_dim3A : f32 to vector<16xf32>
    %scan3A = arith.constant 0 : i32
    %scan3A_4 = arith.constant 0 : i32
    %scan3A_5 = arith.constant 80 : i32
    %scan3A_6 = arith.addi %scan3A_4, %scan3A_5 : i32
    %scan3A_7 = arith.constant 1 : i32
    scf.for %scan3A_72 = %scan3A_4 to %scan3A_6 step %scan3A_7  : i32 {
      %swap3A = arith.index_cast %scan3A_72 : i32 to index
      %swap3A_73 = arith.constant 0 : index
      %swap3A_74 = tpu.vector_load %arg10[%swap3A, %swap3A_73] {strides = array<i32>} : memref<80x128xf32, #tpu.memory_space<vmem>>, vector<1x16xf32>,
      %swap3A_75 = vector.shape_cast %swap3A_74 : vector<1x16xf32> to vector<16xf32>
      %swap3A_76 = vector.shape_cast %broadcast_in_dim3A_3 : vector<16xf32> to vector<1x16xf32>
      tpu.vector_store %arg10[%swap3A, %swap3A_73], %swap3A_76 {strides = array<i32>} : memref<80x128xf32, #tpu.memory_space<vmem>>, vector<1x16xf32>,
      %swap3A_77 = arith.index_cast %scan3A_72 : i32 to index
      %swap3A_78 = arith.constant 16 : index
      %swap3A_79 = tpu.vector_load %arg10[%swap3A_77, %swap3A_78] {strides = array<i32>} : memref<80x128xf32, #tpu.memory_space<vmem>>, vector<1x16xf32>,
      %swap3A_80 = vector.shape_cast %swap3A_79 : vector<1x16xf32> to vector<16xf32>
      %swap3A_81 = vector.shape_cast %broadcast_in_dim3A_3 : vector<16xf32> to vector<1x16xf32>
      tpu.vector_store %arg10[%swap3A_77, %swap3A_78], %swap3A_81 {strides = array<i32>} : memref<80x128xf32, #tpu.memory_space<vmem>>, vector<1x16xf32>,
      %swap3A_82 = arith.index_cast %scan3A_72 : i32 to index
      %swap3A_83 = arith.constant 32 : index
      %swap3A_84 = tpu.vector_load %arg10[%swap3A_82, %swap3A_83] {strides = array<i32>} : memref<80x128xf32, #tpu.memory_space<vmem>>, vector<1x16xf32>,
      %swap3A_85 = vector.shape_cast %swap3A_84 : vector<1x16xf32> to vector<16xf32>
      %swap3A_86 = vector.shape_cast %broadcast_in_dim3A_3 : vector<16xf32> to vector<1x16xf32>
      tpu.vector_store %arg10[%swap3A_82, %swap3A_83], %swap3A_86 {strides = array<i32>} : memref<80x128xf32, #tpu.memory_space<vmem>>, vector<1x16xf32>,
      %swap3A_87 = arith.index_cast %scan3A_72 : i32 to index
      %swap3A_88 = arith.constant 48 : index
      %swap3A_89 = tpu.vector_load %arg10[%swap3A_87, %swap3A_88] {strides = array<i32>} : memref<80x128xf32, #tpu.memory_space<vmem>>, vector<1x16xf32>,
      %swap3A_90 = vector.shape_cast %swap3A_89 : vector<1x16xf32> to vector<16xf32>
      %swap3A_91 = vector.shape_cast %broadcast_in_dim3A_3 : vector<16xf32> to vector<1x16xf32>
      tpu.vector_store %arg10[%swap3A_87, %swap3A_88], %swap3A_91 {strides = array<i32>} : memref<80x128xf32, #tpu.memory_space<vmem>>, vector<1x16xf32>,
      %swap3A_92 = arith.index_cast %scan3A_72 : i32 to index
      %swap3A_93 = arith.constant 64 : index
      %swap3A_94 = tpu.vector_load %arg10[%swap3A_92, %swap3A_93] {strides = array<i32>} : memref<80x128xf32, #tpu.memory_space<vmem>>, vector<1x16xf32>,
      %swap3A_95 = vector.shape_cast %swap3A_94 : vector<1x16xf32> to vector<16xf32>
      %swap3A_96 = vector.shape_cast %broadcast_in_dim3A_3 : vector<16xf32> to vector<1x16xf32>
      tpu.vector_store %arg10[%swap3A_92, %swap3A_93], %swap3A_96 {strides = array<i32>} : memref<80x128xf32, #tpu.memory_space<vmem>>, vector<1x16xf32>,
      %swap3A_97 = arith.index_cast %scan3A_72 : i32 to index
      %swap3A_98 = arith.constant 80 : index
      %swap3A_99 = tpu.vector_load %arg10[%swap3A_97, %swap3A_98] {strides = array<i32>} : memref<80x128xf32, #tpu.memory_space<vmem>>, vector<1x16xf32>,
      %swap3A_100 = vector.shape_cast %swap3A_99 : vector<1x16xf32> to vector<16xf32>
      %swap3A_101 = vector.shape_cast %broadcast_in_dim3A_3 : vector<16xf32> to vector<1x16xf32>
      tpu.vector_store %arg10[%swap3A_97, %swap3A_98], %swap3A_101 {strides = array<i32>} : memref<80x128xf32, #tpu.memory_space<vmem>>, vector<1x16xf32>,
      %swap3A_102 = arith.index_cast %scan3A_72 : i32 to index
      %swap3A_103 = arith.constant 96 : index
      %swap3A_104 = tpu.vector_load %arg10[%swap3A_102, %swap3A_103] {strides = array<i32>} : memref<80x128xf32, #tpu.memory_space<vmem>>, vector<1x16xf32>,
      %swap3A_105 = vector.shape_cast %swap3A_104 : vector<1x16xf32> to vector<16xf32>
      %swap3A_106 = vector.shape_cast %broadcast_in_dim3A_3 : vector<16xf32> to vector<1x16xf32>
      tpu.vector_store %arg10[%swap3A_102, %swap3A_103], %swap3A_106 {strides = array<i32>} : memref<80x128xf32, #tpu.memory_space<vmem>>, vector<1x16xf32>,
      %swap3A_107 = arith.index_cast %scan3A_72 : i32 to index
      %swap3A_108 = arith.constant 112 : index
      %swap3A_109 = tpu.vector_load %arg10[%swap3A_107, %swap3A_108] {strides = array<i32>} : memref<80x128xf32, #tpu.memory_space<vmem>>, vector<1x16xf32>,
      %swap3A_110 = vector.shape_cast %swap3A_109 : vector<1x16xf32> to vector<16xf32>
      %swap3A_111 = vector.shape_cast %broadcast_in_dim3A_3 : vector<16xf32> to vector<1x16xf32>
      tpu.vector_store %arg10[%swap3A_107, %swap3A_108], %swap3A_111 {strides = array<i32>} : memref<80x128xf32, #tpu.memory_space<vmem>>, vector<1x16xf32>,
    }
    %scan3A_8 = arith.constant 80 : i32
    %mul3A_9 = arith.constant 632 : i32
    %mul3A_10 = arith.muli %arg1, %mul3A_9 : i32
    %add3A_11 = arith.constant 0 : i32
    %add3A_12 = arith.addi %mul3A_10, %add3A_11 : i32
    "tpu.region"() ({
      %run_scoped3A = tpu.sem_alloc : memref<!tpu.dma_semaphore, #tpu.memory_space<semaphore_mem>>
      %dma_start3A_72 = arith.constant 0 : i32
      %dma_start3A_73 = tpu.memref_slice %arg13[%add3A_12, %dma_start3A_72] : memref<10112x128xf32, #tpu.memory_space<vmem_shared>> -> memref<80x128xf32, #tpu.memory_space<vmem_shared>>
      %dma_start3A_74 = arith.constant 0 : i32
      %dma_start3A_75 = tpu.memref_slice %arg13[%add3A_12, %dma_start3A_74] : memref<10112x128xf32, #tpu.memory_space<vmem_shared>> -> memref<80x128xf32, #tpu.memory_space<vmem_shared>>
      tpu.enqueue_dma source(%arg10 : memref<80x128xf32, #tpu.memory_space<vmem>>) target(%dma_start3A_75 : memref<80x128xf32, #tpu.memory_space<vmem_shared>>) target_semaphore(%run_scoped3A : memref<!tpu.dma_semaphore, #tpu.memory_space<semaphore_mem>>)
      %dma_wait3A_76 = arith.constant 0 : i32
      %dma_wait3A_77 = tpu.memref_slice %arg13[%add3A_12, %dma_wait3A_76] : memref<10112x128xf32, #tpu.memory_space<vmem_shared>> -> memref<80x128xf32, #tpu.memory_space<vmem_shared>>
      %dma_wait3A_78 = arith.constant 0 : i32
      %dma_wait3A_79 = tpu.memref_slice %arg13[%add3A_12, %dma_wait3A_78] : memref<10112x128xf32, #tpu.memory_space<vmem_shared>> -> memref<80x128xf32, #tpu.memory_space<vmem_shared>>
      tpu.wait_dma2 semaphore(%run_scoped3A : memref<!tpu.dma_semaphore, #tpu.memory_space<semaphore_mem>>) src(%arg10 : memref<80x128xf32, #tpu.memory_space<vmem>>) dst(%dma_wait3A_79 : memref<80x128xf32, #tpu.memory_space<vmem_shared>>)
      tpu.yield
    }) : () -> ()
    %mul3A_13 = arith.constant 632 : i32
    %mul3A_14 = arith.muli %arg1, %mul3A_13 : i32
    %add3A_15 = arith.constant 80 : i32
    %add3A_16 = arith.addi %mul3A_14, %add3A_15 : i32
    "tpu.region"() ({
      %run_scoped3A = tpu.sem_alloc : memref<!tpu.dma_semaphore, #tpu.memory_space<semaphore_mem>>
      %dma_start3A_72 = arith.constant 0 : i32
      %dma_start3A_73 = tpu.memref_slice %arg13[%add3A_16, %dma_start3A_72] : memref<10112x128xf32, #tpu.memory_space<vmem_shared>> -> memref<80x128xf32, #tpu.memory_space<vmem_shared>>
      %dma_start3A_74 = arith.constant 0 : i32
      %dma_start3A_75 = tpu.memref_slice %arg13[%add3A_16, %dma_start3A_74] : memref<10112x128xf32, #tpu.memory_space<vmem_shared>> -> memref<80x128xf32, #tpu.memory_space<vmem_shared>>
      tpu.enqueue_dma source(%arg10 : memref<80x128xf32, #tpu.memory_space<vmem>>) target(%dma_start3A_75 : memref<80x128xf32, #tpu.memory_space<vmem_shared>>) target_semaphore(%run_scoped3A : memref<!tpu.dma_semaphore, #tpu.memory_space<semaphore_mem>>)
      %dma_wait3A_76 = arith.constant 0 : i32
      %dma_wait3A_77 = tpu.memref_slice %arg13[%add3A_16, %dma_wait3A_76] : memref<10112x128xf32, #tpu.memory_space<vmem_shared>> -> memref<80x128xf32, #tpu.memory_space<vmem_shared>>
      %dma_wait3A_78 = arith.constant 0 : i32
      %dma_wait3A_79 = tpu.memref_slice %arg13[%add3A_16, %dma_wait3A_78] : memref<10112x128xf32, #tpu.memory_space<vmem_shared>> -> memref<80x128xf32, #tpu.memory_space<vmem_shared>>
      tpu.wait_dma2 semaphore(%run_scoped3A : memref<!tpu.dma_semaphore, #tpu.memory_space<semaphore_mem>>) src(%arg10 : memref<80x128xf32, #tpu.memory_space<vmem>>) dst(%dma_wait3A_79 : memref<80x128xf32, #tpu.memory_space<vmem_shared>>)
      tpu.yield
    }) : () -> ()
    %mul3A_17 = arith.constant 632 : i32
    %mul3A_18 = arith.muli %arg1, %mul3A_17 : i32
    %add3A_19 = arith.constant 160 : i32
    %add3A_20 = arith.addi %mul3A_18, %add3A_19 : i32
    "tpu.region"() ({
      %run_scoped3A = tpu.sem_alloc : memref<!tpu.dma_semaphore, #tpu.memory_space<semaphore_mem>>
      %dma_start3A_72 = arith.constant 0 : i32
      %dma_start3A_73 = tpu.memref_slice %arg13[%add3A_20, %dma_start3A_72] : memref<10112x128xf32, #tpu.memory_space<vmem_shared>> -> memref<80x128xf32, #tpu.memory_space<vmem_shared>>
      %dma_start3A_74 = arith.constant 0 : i32
      %dma_start3A_75 = tpu.memref_slice %arg13[%add3A_20, %dma_start3A_74] : memref<10112x128xf32, #tpu.memory_space<vmem_shared>> -> memref<80x128xf32, #tpu.memory_space<vmem_shared>>
      tpu.enqueue_dma source(%arg10 : memref<80x128xf32, #tpu.memory_space<vmem>>) target(%dma_start3A_75 : memref<80x128xf32, #tpu.memory_space<vmem_shared>>) target_semaphore(%run_scoped3A : memref<!tpu.dma_semaphore, #tpu.memory_space<semaphore_mem>>)
      %dma_wait3A_76 = arith.constant 0 : i32
      %dma_wait3A_77 = tpu.memref_slice %arg13[%add3A_20, %dma_wait3A_76] : memref<10112x128xf32, #tpu.memory_space<vmem_shared>> -> memref<80x128xf32, #tpu.memory_space<vmem_shared>>
      %dma_wait3A_78 = arith.constant 0 : i32
      %dma_wait3A_79 = tpu.memref_slice %arg13[%add3A_20, %dma_wait3A_78] : memref<10112x128xf32, #tpu.memory_space<vmem_shared>> -> memref<80x128xf32, #tpu.memory_space<vmem_shared>>
      tpu.wait_dma2 semaphore(%run_scoped3A : memref<!tpu.dma_semaphore, #tpu.memory_space<semaphore_mem>>) src(%arg10 : memref<80x128xf32, #tpu.memory_space<vmem>>) dst(%dma_wait3A_79 : memref<80x128xf32, #tpu.memory_space<vmem_shared>>)
      tpu.yield
    }) : () -> ()
    %mul3A_21 = arith.constant 632 : i32
    %mul3A_22 = arith.muli %arg1, %mul3A_21 : i32
    %add3A_23 = arith.constant 240 : i32
    %add3A_24 = arith.addi %mul3A_22, %add3A_23 : i32
    "tpu.region"() ({
      %run_scoped3A = tpu.sem_alloc : memref<!tpu.dma_semaphore, #tpu.memory_space<semaphore_mem>>
      %dma_start3A_72 = arith.constant 0 : i32
      %dma_start3A_73 = tpu.memref_slice %arg13[%add3A_24, %dma_start3A_72] : memref<10112x128xf32, #tpu.memory_space<vmem_shared>> -> memref<80x128xf32, #tpu.memory_space<vmem_shared>>
      %dma_start3A_74 = arith.constant 0 : i32
      %dma_start3A_75 = tpu.memref_slice %arg13[%add3A_24, %dma_start3A_74] : memref<10112x128xf32, #tpu.memory_space<vmem_shared>> -> memref<80x128xf32, #tpu.memory_space<vmem_shared>>
      tpu.enqueue_dma source(%arg10 : memref<80x128xf32, #tpu.memory_space<vmem>>) target(%dma_start3A_75 : memref<80x128xf32, #tpu.memory_space<vmem_shared>>) target_semaphore(%run_scoped3A : memref<!tpu.dma_semaphore, #tpu.memory_space<semaphore_mem>>)
      %dma_wait3A_76 = arith.constant 0 : i32
      %dma_wait3A_77 = tpu.memref_slice %arg13[%add3A_24, %dma_wait3A_76] : memref<10112x128xf32, #tpu.memory_space<vmem_shared>> -> memref<80x128xf32, #tpu.memory_space<vmem_shared>>
      %dma_wait3A_78 = arith.constant 0 : i32
      %dma_wait3A_79 = tpu.memref_slice %arg13[%add3A_24, %dma_wait3A_78] : memref<10112x128xf32, #tpu.memory_space<vmem_shared>> -> memref<80x128xf32, #tpu.memory_space<vmem_shared>>
      tpu.wait_dma2 semaphore(%run_scoped3A : memref<!tpu.dma_semaphore, #tpu.memory_space<semaphore_mem>>) src(%arg10 : memref<80x128xf32, #tpu.memory_space<vmem>>) dst(%dma_wait3A_79 : memref<80x128xf32, #tpu.memory_space<vmem_shared>>)
      tpu.yield
    }) : () -> ()
    %mul3A_25 = arith.constant 632 : i32
    %mul3A_26 = arith.muli %arg1, %mul3A_25 : i32
    %add3A_27 = arith.constant 320 : i32
    %add3A_28 = arith.addi %mul3A_26, %add3A_27 : i32
    "tpu.region"() ({
      %run_scoped3A = tpu.sem_alloc : memref<!tpu.dma_semaphore, #tpu.memory_space<semaphore_mem>>
      %dma_start3A_72 = arith.constant 0 : i32
      %dma_start3A_73 = tpu.memref_slice %arg13[%add3A_28, %dma_start3A_72] : memref<10112x128xf32, #tpu.memory_space<vmem_shared>> -> memref<80x128xf32, #tpu.memory_space<vmem_shared>>
      %dma_start3A_74 = arith.constant 0 : i32
      %dma_start3A_75 = tpu.memref_slice %arg13[%add3A_28, %dma_start3A_74] : memref<10112x128xf32, #tpu.memory_space<vmem_shared>> -> memref<80x128xf32, #tpu.memory_space<vmem_shared>>
      tpu.enqueue_dma source(%arg10 : memref<80x128xf32, #tpu.memory_space<vmem>>) target(%dma_start3A_75 : memref<80x128xf32, #tpu.memory_space<vmem_shared>>) target_semaphore(%run_scoped3A : memref<!tpu.dma_semaphore, #tpu.memory_space<semaphore_mem>>)
      %dma_wait3A_76 = arith.constant 0 : i32
      %dma_wait3A_77 = tpu.memref_slice %arg13[%add3A_28, %dma_wait3A_76] : memref<10112x128xf32, #tpu.memory_space<vmem_shared>> -> memref<80x128xf32, #tpu.memory_space<vmem_shared>>
      %dma_wait3A_78 = arith.constant 0 : i32
      %dma_wait3A_79 = tpu.memref_slice %arg13[%add3A_28, %dma_wait3A_78] : memref<10112x128xf32, #tpu.memory_space<vmem_shared>> -> memref<80x128xf32, #tpu.memory_space<vmem_shared>>
      tpu.wait_dma2 semaphore(%run_scoped3A : memref<!tpu.dma_semaphore, #tpu.memory_space<semaphore_mem>>) src(%arg10 : memref<80x128xf32, #tpu.memory_space<vmem>>) dst(%dma_wait3A_79 : memref<80x128xf32, #tpu.memory_space<vmem_shared>>)
      tpu.yield
    }) : () -> ()
    %mul3A_29 = arith.constant 632 : i32
    %mul3A_30 = arith.muli %arg1, %mul3A_29 : i32
    %add3A_31 = arith.constant 400 : i32
    %add3A_32 = arith.addi %mul3A_30, %add3A_31 : i32
    "tpu.region"() ({
      %run_scoped3A = tpu.sem_alloc : memref<!tpu.dma_semaphore, #tpu.memory_space<semaphore_mem>>
      %dma_start3A_72 = arith.constant 0 : i32
      %dma_start3A_73 = tpu.memref_slice %arg13[%add3A_32, %dma_start3A_72] : memref<10112x128xf32, #tpu.memory_space<vmem_shared>> -> memref<80x128xf32, #tpu.memory_space<vmem_shared>>
      %dma_start3A_74 = arith.constant 0 : i32
      %dma_start3A_75 = tpu.memref_slice %arg13[%add3A_32, %dma_start3A_74] : memref<10112x128xf32, #tpu.memory_space<vmem_shared>> -> memref<80x128xf32, #tpu.memory_space<vmem_shared>>
      tpu.enqueue_dma source(%arg10 : memref<80x128xf32, #tpu.memory_space<vmem>>) target(%dma_start3A_75 : memref<80x128xf32, #tpu.memory_space<vmem_shared>>) target_semaphore(%run_scoped3A : memref<!tpu.dma_semaphore, #tpu.memory_space<semaphore_mem>>)
      %dma_wait3A_76 = arith.constant 0 : i32
      %dma_wait3A_77 = tpu.memref_slice %arg13[%add3A_32, %dma_wait3A_76] : memref<10112x128xf32, #tpu.memory_space<vmem_shared>> -> memref<80x128xf32, #tpu.memory_space<vmem_shared>>
      %dma_wait3A_78 = arith.constant 0 : i32
      %dma_wait3A_79 = tpu.memref_slice %arg13[%add3A_32, %dma_wait3A_78] : memref<10112x128xf32, #tpu.memory_space<vmem_shared>> -> memref<80x128xf32, #tpu.memory_space<vmem_shared>>
      tpu.wait_dma2 semaphore(%run_scoped3A : memref<!tpu.dma_semaphore, #tpu.memory_space<semaphore_mem>>) src(%arg10 : memref<80x128xf32, #tpu.memory_space<vmem>>) dst(%dma_wait3A_79 : memref<80x128xf32, #tpu.memory_space<vmem_shared>>)
      tpu.yield
    }) : () -> ()
    %mul3A_33 = arith.constant 632 : i32
    %mul3A_34 = arith.muli %arg1, %mul3A_33 : i32
    %add3A_35 = arith.constant 480 : i32
    %add3A_36 = arith.addi %mul3A_34, %add3A_35 : i32
    "tpu.region"() ({
      %run_scoped3A = tpu.sem_alloc : memref<!tpu.dma_semaphore, #tpu.memory_space<semaphore_mem>>
      %dma_start3A_72 = arith.constant 0 : i32
      %dma_start3A_73 = tpu.memref_slice %arg13[%add3A_36, %dma_start3A_72] : memref<10112x128xf32, #tpu.memory_space<vmem_shared>> -> memref<80x128xf32, #tpu.memory_space<vmem_shared>>
      %dma_start3A_74 = arith.constant 0 : i32
      %dma_start3A_75 = tpu.memref_slice %arg13[%add3A_36, %dma_start3A_74] : memref<10112x128xf32, #tpu.memory_space<vmem_shared>> -> memref<80x128xf32, #tpu.memory_space<vmem_shared>>
      tpu.enqueue_dma source(%arg10 : memref<80x128xf32, #tpu.memory_space<vmem>>) target(%dma_start3A_75 : memref<80x128xf32, #tpu.memory_space<vmem_shared>>) target_semaphore(%run_scoped3A : memref<!tpu.dma_semaphore, #tpu.memory_space<semaphore_mem>>)
      %dma_wait3A_76 = arith.constant 0 : i32
      %dma_wait3A_77 = tpu.memref_slice %arg13[%add3A_36, %dma_wait3A_76] : memref<10112x128xf32, #tpu.memory_space<vmem_shared>> -> memref<80x128xf32, #tpu.memory_space<vmem_shared>>
      %dma_wait3A_78 = arith.constant 0 : i32
      %dma_wait3A_79 = tpu.memref_slice %arg13[%add3A_36, %dma_wait3A_78] : memref<10112x128xf32, #tpu.memory_space<vmem_shared>> -> memref<80x128xf32, #tpu.memory_space<vmem_shared>>
      tpu.wait_dma2 semaphore(%run_scoped3A : memref<!tpu.dma_semaphore, #tpu.memory_space<semaphore_mem>>) src(%arg10 : memref<80x128xf32, #tpu.memory_space<vmem>>) dst(%dma_wait3A_79 : memref<80x128xf32, #tpu.memory_space<vmem_shared>>)
      tpu.yield
    }) : () -> ()
    %mul3A_37 = arith.constant 632 : i32
    %mul3A_38 = arith.muli %arg1, %mul3A_37 : i32
    %add3A_39 = arith.constant 560 : i32
    %add3A_40 = arith.addi %mul3A_38, %add3A_39 : i32
    "tpu.region"() ({
      %run_scoped3A = tpu.sem_alloc : memref<!tpu.dma_semaphore, #tpu.memory_space<semaphore_mem>>
      %dma_start3A_72 = arith.constant 0 : i32
      %dma_start3A_73 = arith.constant 0 : i32
      %dma_start3A_74 = tpu.memref_slice %arg10[%dma_start3A_72, %dma_start3A_73] : memref<80x128xf32, #tpu.memory_space<vmem>> -> memref<72x128xf32, #tpu.memory_space<vmem>>
      %dma_start3A_75 = arith.constant 0 : i32
      %dma_start3A_76 = tpu.memref_slice %arg13[%add3A_40, %dma_start3A_75] : memref<10112x128xf32, #tpu.memory_space<vmem_shared>> -> memref<72x128xf32, #tpu.memory_space<vmem_shared>>
      %dma_start3A_77 = arith.constant 0 : i32
      %dma_start3A_78 = tpu.memref_slice %arg13[%add3A_40, %dma_start3A_77] : memref<10112x128xf32, #tpu.memory_space<vmem_shared>> -> memref<72x128xf32, #tpu.memory_space<vmem_shared>>
      %dma_start3A_79 = arith.constant 0 : i32
      %dma_start3A_80 = arith.constant 0 : i32
      %dma_start3A_81 = tpu.memref_slice %arg10[%dma_start3A_79, %dma_start3A_80] : memref<80x128xf32, #tpu.memory_space<vmem>> -> memref<72x128xf32, #tpu.memory_space<vmem>>
      tpu.enqueue_dma source(%dma_start3A_81 : memref<72x128xf32, #tpu.memory_space<vmem>>) target(%dma_start3A_78 : memref<72x128xf32, #tpu.memory_space<vmem_shared>>) target_semaphore(%run_scoped3A : memref<!tpu.dma_semaphore, #tpu.memory_space<semaphore_mem>>)
      %dma_wait3A_82 = arith.constant 0 : i32
      %dma_wait3A_83 = arith.constant 0 : i32
      %dma_wait3A_84 = tpu.memref_slice %arg10[%dma_wait3A_82, %dma_wait3A_83] : memref<80x128xf32, #tpu.memory_space<vmem>> -> memref<72x128xf32, #tpu.memory_space<vmem>>
      %dma_wait3A_85 = arith.constant 0 : i32
      %dma_wait3A_86 = tpu.memref_slice %arg13[%add3A_40, %dma_wait3A_85] : memref<10112x128xf32, #tpu.memory_space<vmem_shared>> -> memref<72x128xf32, #tpu.memory_space<vmem_shared>>
      %dma_wait3A_87 = arith.constant 0 : i32
      %dma_wait3A_88 = tpu.memref_slice %arg13[%add3A_40, %dma_wait3A_87] : memref<10112x128xf32, #tpu.memory_space<vmem_shared>> -> memref<72x128xf32, #tpu.memory_space<vmem_shared>>
      %dma_wait3A_89 = arith.constant 0 : i32
      %dma_wait3A_90 = arith.constant 0 : i32
      %dma_wait3A_91 = tpu.memref_slice %arg10[%dma_wait3A_89, %dma_wait3A_90] : memref<80x128xf32, #tpu.memory_space<vmem>> -> memref<72x128xf32, #tpu.memory_space<vmem>>
      tpu.wait_dma2 semaphore(%run_scoped3A : memref<!tpu.dma_semaphore, #tpu.memory_space<semaphore_mem>>) src(%dma_wait3A_91 : memref<72x128xf32, #tpu.memory_space<vmem>>) dst(%dma_wait3A_88 : memref<72x128xf32, #tpu.memory_space<vmem_shared>>)
      tpu.yield
    }) : () -> ()
    %barrier3A = arith.constant 0 : index
    tpu.barrier barrier_id(%barrier3A)
    %mul3A_41 = arith.constant 2480 : i32
    %mul3A_42 = arith.muli %arg1, %mul3A_41 : i32
    %mul3A_43 = arith.constant 39680 : i32
    %mul3A_44 = arith.muli %arg0, %mul3A_43 : i32
    %add3A_45 = arith.addi %mul3A_44, %mul3A_42 : i32
    %dma_start3A = tpu.memref_slice %arg5[%mul3A_42] : memref<39680xi32, #tpu.memory_space<hbm>> -> memref<80xi32, #tpu.memory_space<hbm>>
    %dma_start3A_46 = tpu.memref_slice %arg5[%mul3A_42] : memref<39680xi32, #tpu.memory_space<hbm>> -> memref<80xi32, #tpu.memory_space<hbm>>
    tpu.enqueue_dma source(%dma_start3A_46 : memref<80xi32, #tpu.memory_space<hbm>>) target(%arg8 : memref<80xi32, #tpu.memory_space<vmem>>) target_semaphore(%arg17 : memref<!tpu.dma_semaphore, #tpu.memory_space<semaphore_mem>>)
    %dma_start3A_47 = arith.constant 0 : i32
    %dma_start3A_48 = tpu.memref_slice %arg3[%add3A_45, %dma_start3A_47] : memref<79360x128xf32, #tpu.memory_space<hbm>> -> memref<80x128xf32, #tpu.memory_space<hbm>>
    %dma_start3A_49 = arith.constant 0 : i32
    %dma_start3A_50 = tpu.memref_slice %arg3[%add3A_45, %dma_start3A_49] : memref<79360x128xf32, #tpu.memory_space<hbm>> -> memref<80x128xf32, #tpu.memory_space<hbm>>
    tpu.enqueue_dma source(%dma_start3A_50 : memref<80x128xf32, #tpu.memory_space<hbm>>) target(%arg12 : memref<80x128xf32, #tpu.memory_space<vmem>>) target_semaphore(%arg16 : memref<!tpu.dma_semaphore, #tpu.memory_space<semaphore_mem>>)
    %dma_start3A_51 = arith.constant 0 : i32
    %dma_start3A_52 = tpu.memref_slice %arg7[%dma_start3A_51] : memref<2480xi32, #tpu.memory_space<vmem>> -> memref<80xi32, #tpu.memory_space<vmem>>
    %dma_start3A_53 = arith.constant 0 : i32
    %dma_start3A_54 = arith.constant 0 : i32
    %dma_start3A_55 = tpu.memref_slice %arg2[%dma_start3A_53, %dma_start3A_54] : memref<20000x128xf32, #tpu.memory_space<hbm>> -> memref<20000x128xf32, #tpu.memory_space<hbm>>
    tpu.enqueue_indirect_dma source(%dma_start3A_55 : memref<20000x128xf32, #tpu.memory_space<hbm>>) target(%arg10 : memref<80x128xf32, #tpu.memory_space<vmem>>) offsets(%dma_start3A_52 : memref<80xi32, #tpu.memory_space<vmem>>) semaphore(%arg14 : memref<!tpu.dma_semaphore, #tpu.memory_space<semaphore_mem>>)
    %scan3A_56 = arith.constant 0 : i32
    %scan3A_57 = arith.constant 0 : i32
    %scan3A_58 = arith.constant 31 : i32
    %scan3A_59 = arith.addi %scan3A_57, %scan3A_58 : i32
    %scan3A_60 = arith.constant 1 : i32
    scf.for %scan3A_72 = %scan3A_57 to %scan3A_59 step %scan3A_60  : i32 {
      %jit3A = arith.constant 2 : i32
      %eq3A = arith.constant 0 : i32
      %eq3A_73 = arith.cmpi eq, %jit3A, %eq3A : i32
      %jit3A_74 = arith.constant 1 : i32
      %select_n3A = arith.select %eq3A_73, %jit3A_74, %jit3A : i32
      %rem3A = arith.remsi %scan3A_72, %select_n3A : i32
      %ne3A = arith.constant 0 : i32
      %ne3A_75 = arith.cmpi ne, %rem3A, %ne3A : i32
      %lt3A = arith.constant 0 : i32
      %lt3A_76 = arith.cmpi slt, %rem3A, %lt3A : i32
      %lt3A_77 = arith.constant 0 : i32
      %lt3A_78 = arith.cmpi slt, %select_n3A, %lt3A_77 : i32
      %ne3A_79 = arith.xori %lt3A_76, %lt3A_78 : i1
      %and3A = arith.andi %ne3A_79, %ne3A_75 : i1
      %add3A_80 = arith.addi %rem3A, %select_n3A : i32
      %select_n3A_81 = arith.select %and3A, %add3A_80, %rem3A : i32
      %eq3A_82 = arith.constant 0 : i32
      %eq3A_83 = arith.cmpi eq, %select_n3A_81, %eq3A_82 : i32
      %convert_element_type3A = arith.extui %eq3A_83 : i1 to i32
      %cond3A = arith.constant 0 : i32
      %cond3A_84 = arith.cmpi ne, %convert_element_type3A, %cond3A : i32
      scf.if %cond3A_84 {
        %ge3A = arith.constant 1 : i32
        %ge3A_106 = arith.cmpi sge, %scan3A_72, %ge3A : i32
        %convert_element_type3A_107 = arith.extui %ge3A_106 : i1 to i32
        %cond3A_108 = arith.constant 0 : i32
        %cond3A_109 = arith.cmpi ne, %convert_element_type3A_107, %cond3A_108 : i32
        scf.if %cond3A_109 {
          %dma_wait3A_145 = arith.constant 0 : i32
          %dma_wait3A_146 = arith.constant 0 : i32
          %dma_wait3A_147 = tpu.memref_slice %arg13[%dma_wait3A_145, %dma_wait3A_146] : memref<10112x128xf32, #tpu.memory_space<vmem_shared>> -> memref<10112x128xf32, #tpu.memory_space<vmem_shared>>
          tpu.wait_indirect_dma semaphore(%arg20 : memref<!tpu.dma_semaphore, #tpu.memory_space<semaphore_mem>>) src(%arg11 : memref<80x128xf32, #tpu.memory_space<vmem>>) dst(%dma_wait3A_147 : memref<10112x128xf32, #tpu.memory_space<vmem_shared>>)
        } else {
        }
        %add3A_110 = arith.constant 1 : i32
        %add3A_111 = arith.addi %scan3A_72, %add3A_110 : i32
        %lt3A_112 = arith.constant 31 : i32
        %lt3A_113 = arith.cmpi slt, %add3A_111, %lt3A_112 : i32
        %convert_element_type3A_114 = arith.extui %lt3A_113 : i1 to i32
        %cond3A_115 = arith.constant 0 : i32
        %cond3A_116 = arith.cmpi ne, %convert_element_type3A_114, %cond3A_115 : i32
        scf.if %cond3A_116 {
          %add3A_145 = arith.constant 1 : i32
          %add3A_146 = arith.addi %scan3A_72, %add3A_145 : i32
          %mul3A_147 = arith.constant 80 : i32
          %mul3A_148 = arith.muli %add3A_146, %mul3A_147 : i32
          %dma_start3A_149 = tpu.memref_slice %arg7[%mul3A_148] : memref<2480xi32, #tpu.memory_space<vmem>> -> memref<80xi32, #tpu.memory_space<vmem>>
          %dma_start3A_150 = arith.constant 0 : i32
          %dma_start3A_151 = arith.constant 0 : i32
          %dma_start3A_152 = tpu.memref_slice %arg2[%dma_start3A_150, %dma_start3A_151] : memref<20000x128xf32, #tpu.memory_space<hbm>> -> memref<20000x128xf32, #tpu.memory_space<hbm>>
          tpu.enqueue_indirect_dma source(%dma_start3A_152 : memref<20000x128xf32, #tpu.memory_space<hbm>>) target(%arg11 : memref<80x128xf32, #tpu.memory_space<vmem>>) offsets(%dma_start3A_149 : memref<80xi32, #tpu.memory_space<vmem>>) semaphore(%arg15 : memref<!tpu.dma_semaphore, #tpu.memory_space<semaphore_mem>>)
          %add3A_153 = arith.constant 1 : i32
          %add3A_154 = arith.addi %scan3A_72, %add3A_153 : i32
          %mul3A_155 = arith.constant 80 : i32
          %mul3A_156 = arith.muli %add3A_154, %mul3A_155 : i32
          %add3A_157 = arith.addi %mul3A_42, %mul3A_156 : i32
          %dma_start3A_158 = tpu.memref_slice %arg5[%add3A_157] : memref<39680xi32, #tpu.memory_space<hbm>> -> memref<80xi32, #tpu.memory_space<hbm>>
          %dma_start3A_159 = tpu.memref_slice %arg5[%add3A_157] : memref<39680xi32, #tpu.memory_space<hbm>> -> memref<80xi32, #tpu.memory_space<hbm>>
          tpu.enqueue_dma source(%dma_start3A_159 : memref<80xi32, #tpu.memory_space<hbm>>) target(%arg9 : memref<80xi32, #tpu.memory_space<vmem>>) target_semaphore(%arg18 : memref<!tpu.dma_semaphore, #tpu.memory_space<semaphore_mem>>)
        } else {
        }
        %dma_wait3A_117 = arith.constant 0 : i32
        %dma_wait3A_118 = arith.constant 0 : i32
        %dma_wait3A_119 = tpu.memref_slice %arg2[%dma_wait3A_117, %dma_wait3A_118] : memref<20000x128xf32, #tpu.memory_space<hbm>> -> memref<80x128xf32, #tpu.memory_space<hbm>>
        %dma_wait3A_120 = arith.constant 0 : i32
        %dma_wait3A_121 = arith.constant 0 : i32
        %dma_wait3A_122 = tpu.memref_slice %arg2[%dma_wait3A_120, %dma_wait3A_121] : memref<20000x128xf32, #tpu.memory_space<hbm>> -> memref<80x128xf32, #tpu.memory_space<hbm>>
        tpu.wait_dma2 semaphore(%arg14 : memref<!tpu.dma_semaphore, #tpu.memory_space<semaphore_mem>>) src(%dma_wait3A_122 : memref<80x128xf32, #tpu.memory_space<hbm>>) dst(%arg10 : memref<80x128xf32, #tpu.memory_space<vmem>>)
        %dma_wait3A_123 = arith.constant 0 : i32
        %dma_wait3A_124 = arith.constant 0 : i32
        %dma_wait3A_125 = tpu.memref_slice %arg3[%dma_wait3A_123, %dma_wait3A_124] : memref<79360x128xf32, #tpu.memory_space<hbm>> -> memref<80x128xf32, #tpu.memory_space<hbm>>
        %dma_wait3A_126 = arith.constant 0 : i32
        %dma_wait3A_127 = arith.constant 0 : i32
        %dma_wait3A_128 = tpu.memref_slice %arg3[%dma_wait3A_126, %dma_wait3A_127] : memref<79360x128xf32, #tpu.memory_space<hbm>> -> memref<80x128xf32, #tpu.memory_space<hbm>>
        tpu.wait_dma2 semaphore(%arg16 : memref<!tpu.dma_semaphore, #tpu.memory_space<semaphore_mem>>) src(%dma_wait3A_128 : memref<80x128xf32, #tpu.memory_space<hbm>>) dst(%arg12 : memref<80x128xf32, #tpu.memory_space<vmem>>)
        %parallel_loop3A = arith.constant 0 : i32
        %parallel_loop3A_129 = arith.constant 80 : i32
        %parallel_loop3A_130 = arith.constant 1 : i32
        scf.for %parallel_loop3A_145 = %parallel_loop3A to %parallel_loop3A_129 step %parallel_loop3A_130  : i32 {
          %parallel_loop3A_146 = arith.index_cast %parallel_loop3A_145 : i32 to index
          %parallel_loop3A_147 = arith.constant 0 : index
          %parallel_loop3A_148 = tpu.vector_load %arg10[%parallel_loop3A_146, %parallel_loop3A_147] {strides = array<i32>} : memref<80x128xf32, #tpu.memory_space<vmem>>, vector<1x16xf32>,
          %parallel_loop3A_149 = vector.shape_cast %parallel_loop3A_148 : vector<1x16xf32> to vector<16xf32>
          %parallel_loop3A_150 = arith.index_cast %parallel_loop3A_145 : i32 to index
          %parallel_loop3A_151 = arith.constant 0 : index
          %parallel_loop3A_152 = tpu.vector_load %arg12[%parallel_loop3A_150, %parallel_loop3A_151] {strides = array<i32>} : memref<80x128xf32, #tpu.memory_space<vmem>>, vector<1x16xf32>,
          %parallel_loop3A_153 = vector.shape_cast %parallel_loop3A_152 : vector<1x16xf32> to vector<16xf32>
          %parallel_loop3A_154 = arith.mulf %parallel_loop3A_149, %parallel_loop3A_153 : vector<16xf32>
          %parallel_loop3A_155 = arith.index_cast %parallel_loop3A_145 : i32 to index
          %parallel_loop3A_156 = arith.constant 0 : index
          %parallel_loop3A_157 = tpu.vector_load %arg10[%parallel_loop3A_155, %parallel_loop3A_156] {strides = array<i32>} : memref<80x128xf32, #tpu.memory_space<vmem>>, vector<1x16xf32>,
          %parallel_loop3A_158 = vector.shape_cast %parallel_loop3A_157 : vector<1x16xf32> to vector<16xf32>
          %parallel_loop3A_159 = vector.shape_cast %parallel_loop3A_154 : vector<16xf32> to vector<1x16xf32>
          tpu.vector_store %arg10[%parallel_loop3A_155, %parallel_loop3A_156], %parallel_loop3A_159 {strides = array<i32>} : memref<80x128xf32, #tpu.memory_space<vmem>>, vector<1x16xf32>,
          %parallel_loop3A_160 = arith.index_cast %parallel_loop3A_145 : i32 to index
          %parallel_loop3A_161 = arith.constant 16 : index
          %parallel_loop3A_162 = tpu.vector_load %arg10[%parallel_loop3A_160, %parallel_loop3A_161] {strides = array<i32>} : memref<80x128xf32, #tpu.memory_space<vmem>>, vector<1x16xf32>,
          %parallel_loop3A_163 = vector.shape_cast %parallel_loop3A_162 : vector<1x16xf32> to vector<16xf32>
          %parallel_loop3A_164 = arith.index_cast %parallel_loop3A_145 : i32 to index
          %parallel_loop3A_165 = arith.constant 16 : index
          %parallel_loop3A_166 = tpu.vector_load %arg12[%parallel_loop3A_164, %parallel_loop3A_165] {strides = array<i32>} : memref<80x128xf32, #tpu.memory_space<vmem>>, vector<1x16xf32>,
          %parallel_loop3A_167 = vector.shape_cast %parallel_loop3A_166 : vector<1x16xf32> to vector<16xf32>
          %parallel_loop3A_168 = arith.mulf %parallel_loop3A_163, %parallel_loop3A_167 : vector<16xf32>
          %parallel_loop3A_169 = arith.index_cast %parallel_loop3A_145 : i32 to index
          %parallel_loop3A_170 = arith.constant 16 : index
          %parallel_loop3A_171 = tpu.vector_load %arg10[%parallel_loop3A_169, %parallel_loop3A_170] {strides = array<i32>} : memref<80x128xf32, #tpu.memory_space<vmem>>, vector<1x16xf32>,
          %parallel_loop3A_172 = vector.shape_cast %parallel_loop3A_171 : vector<1x16xf32> to vector<16xf32>
          %parallel_loop3A_173 = vector.shape_cast %parallel_loop3A_168 : vector<16xf32> to vector<1x16xf32>
          tpu.vector_store %arg10[%parallel_loop3A_169, %parallel_loop3A_170], %parallel_loop3A_173 {strides = array<i32>} : memref<80x128xf32, #tpu.memory_space<vmem>>, vector<1x16xf32>,
          %parallel_loop3A_174 = arith.index_cast %parallel_loop3A_145 : i32 to index
          %parallel_loop3A_175 = arith.constant 32 : index
          %parallel_loop3A_176 = tpu.vector_load %arg10[%parallel_loop3A_174, %parallel_loop3A_175] {strides = array<i32>} : memref<80x128xf32, #tpu.memory_space<vmem>>, vector<1x16xf32>,
          %parallel_loop3A_177 = vector.shape_cast %parallel_loop3A_176 : vector<1x16xf32> to vector<16xf32>
          %parallel_loop3A_178 = arith.index_cast %parallel_loop3A_145 : i32 to index
          %parallel_loop3A_179 = arith.constant 32 : index
          %parallel_loop3A_180 = tpu.vector_load %arg12[%parallel_loop3A_178, %parallel_loop3A_179] {strides = array<i32>} : memref<80x128xf32, #tpu.memory_space<vmem>>, vector<1x16xf32>,
          %parallel_loop3A_181 = vector.shape_cast %parallel_loop3A_180 : vector<1x16xf32> to vector<16xf32>
          %parallel_loop3A_182 = arith.mulf %parallel_loop3A_177, %parallel_loop3A_181 : vector<16xf32>
          %parallel_loop3A_183 = arith.index_cast %parallel_loop3A_145 : i32 to index
          %parallel_loop3A_184 = arith.constant 32 : index
          %parallel_loop3A_185 = tpu.vector_load %arg10[%parallel_loop3A_183, %parallel_loop3A_184] {strides = array<i32>} : memref<80x128xf32, #tpu.memory_space<vmem>>, vector<1x16xf32>,
          %parallel_loop3A_186 = vector.shape_cast %parallel_loop3A_185 : vector<1x16xf32> to vector<16xf32>
          %parallel_loop3A_187 = vector.shape_cast %parallel_loop3A_182 : vector<16xf32> to vector<1x16xf32>
          tpu.vector_store %arg10[%parallel_loop3A_183, %parallel_loop3A_184], %parallel_loop3A_187 {strides = array<i32>} : memref<80x128xf32, #tpu.memory_space<vmem>>, vector<1x16xf32>,
          %parallel_loop3A_188 = arith.index_cast %parallel_loop3A_145 : i32 to index
          %parallel_loop3A_189 = arith.constant 48 : index
          %parallel_loop3A_190 = tpu.vector_load %arg10[%parallel_loop3A_188, %parallel_loop3A_189] {strides = array<i32>} : memref<80x128xf32, #tpu.memory_space<vmem>>, vector<1x16xf32>,
          %parallel_loop3A_191 = vector.shape_cast %parallel_loop3A_190 : vector<1x16xf32> to vector<16xf32>
          %parallel_loop3A_192 = arith.index_cast %parallel_loop3A_145 : i32 to index
          %parallel_loop3A_193 = arith.constant 48 : index
          %parallel_loop3A_194 = tpu.vector_load %arg12[%parallel_loop3A_192, %parallel_loop3A_193] {strides = array<i32>} : memref<80x128xf32, #tpu.memory_space<vmem>>, vector<1x16xf32>,
          %parallel_loop3A_195 = vector.shape_cast %parallel_loop3A_194 : vector<1x16xf32> to vector<16xf32>
          %parallel_loop3A_196 = arith.mulf %parallel_loop3A_191, %parallel_loop3A_195 : vector<16xf32>
          %parallel_loop3A_197 = arith.index_cast %parallel_loop3A_145 : i32 to index
          %parallel_loop3A_198 = arith.constant 48 : index
          %parallel_loop3A_199 = tpu.vector_load %arg10[%parallel_loop3A_197, %parallel_loop3A_198] {strides = array<i32>} : memref<80x128xf32, #tpu.memory_space<vmem>>, vector<1x16xf32>,
          %parallel_loop3A_200 = vector.shape_cast %parallel_loop3A_199 : vector<1x16xf32> to vector<16xf32>
          %parallel_loop3A_201 = vector.shape_cast %parallel_loop3A_196 : vector<16xf32> to vector<1x16xf32>
          tpu.vector_store %arg10[%parallel_loop3A_197, %parallel_loop3A_198], %parallel_loop3A_201 {strides = array<i32>} : memref<80x128xf32, #tpu.memory_space<vmem>>, vector<1x16xf32>,
          %parallel_loop3A_202 = arith.index_cast %parallel_loop3A_145 : i32 to index
          %parallel_loop3A_203 = arith.constant 64 : index
          %parallel_loop3A_204 = tpu.vector_load %arg10[%parallel_loop3A_202, %parallel_loop3A_203] {strides = array<i32>} : memref<80x128xf32, #tpu.memory_space<vmem>>, vector<1x16xf32>,
          %parallel_loop3A_205 = vector.shape_cast %parallel_loop3A_204 : vector<1x16xf32> to vector<16xf32>
          %parallel_loop3A_206 = arith.index_cast %parallel_loop3A_145 : i32 to index
          %parallel_loop3A_207 = arith.constant 64 : index
          %parallel_loop3A_208 = tpu.vector_load %arg12[%parallel_loop3A_206, %parallel_loop3A_207] {strides = array<i32>} : memref<80x128xf32, #tpu.memory_space<vmem>>, vector<1x16xf32>,
          %parallel_loop3A_209 = vector.shape_cast %parallel_loop3A_208 : vector<1x16xf32> to vector<16xf32>
          %parallel_loop3A_210 = arith.mulf %parallel_loop3A_205, %parallel_loop3A_209 : vector<16xf32>
          %parallel_loop3A_211 = arith.index_cast %parallel_loop3A_145 : i32 to index
          %parallel_loop3A_212 = arith.constant 64 : index
          %parallel_loop3A_213 = tpu.vector_load %arg10[%parallel_loop3A_211, %parallel_loop3A_212] {strides = array<i32>} : memref<80x128xf32, #tpu.memory_space<vmem>>, vector<1x16xf32>,
          %parallel_loop3A_214 = vector.shape_cast %parallel_loop3A_213 : vector<1x16xf32> to vector<16xf32>
          %parallel_loop3A_215 = vector.shape_cast %parallel_loop3A_210 : vector<16xf32> to vector<1x16xf32>
          tpu.vector_store %arg10[%parallel_loop3A_211, %parallel_loop3A_212], %parallel_loop3A_215 {strides = array<i32>} : memref<80x128xf32, #tpu.memory_space<vmem>>, vector<1x16xf32>,
          %parallel_loop3A_216 = arith.index_cast %parallel_loop3A_145 : i32 to index
          %parallel_loop3A_217 = arith.constant 80 : index
          %parallel_loop3A_218 = tpu.vector_load %arg10[%parallel_loop3A_216, %parallel_loop3A_217] {strides = array<i32>} : memref<80x128xf32, #tpu.memory_space<vmem>>, vector<1x16xf32>,
          %parallel_loop3A_219 = vector.shape_cast %parallel_loop3A_218 : vector<1x16xf32> to vector<16xf32>
          %parallel_loop3A_220 = arith.index_cast %parallel_loop3A_145 : i32 to index
          %parallel_loop3A_221 = arith.constant 80 : index
          %parallel_loop3A_222 = tpu.vector_load %arg12[%parallel_loop3A_220, %parallel_loop3A_221] {strides = array<i32>} : memref<80x128xf32, #tpu.memory_space<vmem>>, vector<1x16xf32>,
          %parallel_loop3A_223 = vector.shape_cast %parallel_loop3A_222 : vector<1x16xf32> to vector<16xf32>
          %parallel_loop3A_224 = arith.mulf %parallel_loop3A_219, %parallel_loop3A_223 : vector<16xf32>
          %parallel_loop3A_225 = arith.index_cast %parallel_loop3A_145 : i32 to index
          %parallel_loop3A_226 = arith.constant 80 : index
          %parallel_loop3A_227 = tpu.vector_load %arg10[%parallel_loop3A_225, %parallel_loop3A_226] {strides = array<i32>} : memref<80x128xf32, #tpu.memory_space<vmem>>, vector<1x16xf32>,
          %parallel_loop3A_228 = vector.shape_cast %parallel_loop3A_227 : vector<1x16xf32> to vector<16xf32>
          %parallel_loop3A_229 = vector.shape_cast %parallel_loop3A_224 : vector<16xf32> to vector<1x16xf32>
          tpu.vector_store %arg10[%parallel_loop3A_225, %parallel_loop3A_226], %parallel_loop3A_229 {strides = array<i32>} : memref<80x128xf32, #tpu.memory_space<vmem>>, vector<1x16xf32>,
          %parallel_loop3A_230 = arith.index_cast %parallel_loop3A_145 : i32 to index
          %parallel_loop3A_231 = arith.constant 96 : index
          %parallel_loop3A_232 = tpu.vector_load %arg10[%parallel_loop3A_230, %parallel_loop3A_231] {strides = array<i32>} : memref<80x128xf32, #tpu.memory_space<vmem>>, vector<1x16xf32>,
          %parallel_loop3A_233 = vector.shape_cast %parallel_loop3A_232 : vector<1x16xf32> to vector<16xf32>
          %parallel_loop3A_234 = arith.index_cast %parallel_loop3A_145 : i32 to index
          %parallel_loop3A_235 = arith.constant 96 : index
          %parallel_loop3A_236 = tpu.vector_load %arg12[%parallel_loop3A_234, %parallel_loop3A_235] {strides = array<i32>} : memref<80x128xf32, #tpu.memory_space<vmem>>, vector<1x16xf32>,
          %parallel_loop3A_237 = vector.shape_cast %parallel_loop3A_236 : vector<1x16xf32> to vector<16xf32>
          %parallel_loop3A_238 = arith.mulf %parallel_loop3A_233, %parallel_loop3A_237 : vector<16xf32>
          %parallel_loop3A_239 = arith.index_cast %parallel_loop3A_145 : i32 to index
          %parallel_loop3A_240 = arith.constant 96 : index
          %parallel_loop3A_241 = tpu.vector_load %arg10[%parallel_loop3A_239, %parallel_loop3A_240] {strides = array<i32>} : memref<80x128xf32, #tpu.memory_space<vmem>>, vector<1x16xf32>,
          %parallel_loop3A_242 = vector.shape_cast %parallel_loop3A_241 : vector<1x16xf32> to vector<16xf32>
          %parallel_loop3A_243 = vector.shape_cast %parallel_loop3A_238 : vector<16xf32> to vector<1x16xf32>
          tpu.vector_store %arg10[%parallel_loop3A_239, %parallel_loop3A_240], %parallel_loop3A_243 {strides = array<i32>} : memref<80x128xf32, #tpu.memory_space<vmem>>, vector<1x16xf32>,
          %parallel_loop3A_244 = arith.index_cast %parallel_loop3A_145 : i32 to index
          %parallel_loop3A_245 = arith.constant 112 : index
          %parallel_loop3A_246 = tpu.vector_load %arg10[%parallel_loop3A_244, %parallel_loop3A_245] {strides = array<i32>} : memref<80x128xf32, #tpu.memory_space<vmem>>, vector<1x16xf32>,
          %parallel_loop3A_247 = vector.shape_cast %parallel_loop3A_246 : vector<1x16xf32> to vector<16xf32>
          %parallel_loop3A_248 = arith.index_cast %parallel_loop3A_145 : i32 to index
          %parallel_loop3A_249 = arith.constant 112 : index
          %parallel_loop3A_250 = tpu.vector_load %arg12[%parallel_loop3A_248, %parallel_loop3A_249] {strides = array<i32>} : memref<80x128xf32, #tpu.memory_space<vmem>>, vector<1x16xf32>,
          %parallel_loop3A_251 = vector.shape_cast %parallel_loop3A_250 : vector<1x16xf32> to vector<16xf32>
          %parallel_loop3A_252 = arith.mulf %parallel_loop3A_247, %parallel_loop3A_251 : vector<16xf32>
          %parallel_loop3A_253 = arith.index_cast %parallel_loop3A_145 : i32 to index
          %parallel_loop3A_254 = arith.constant 112 : index
          %parallel_loop3A_255 = tpu.vector_load %arg10[%parallel_loop3A_253, %parallel_loop3A_254] {strides = array<i32>} : memref<80x128xf32, #tpu.memory_space<vmem>>, vector<1x16xf32>,
          %parallel_loop3A_256 = vector.shape_cast %parallel_loop3A_255 : vector<1x16xf32> to vector<16xf32>
          %parallel_loop3A_257 = vector.shape_cast %parallel_loop3A_252 : vector<16xf32> to vector<1x16xf32>
          tpu.vector_store %arg10[%parallel_loop3A_253, %parallel_loop3A_254], %parallel_loop3A_257 {strides = array<i32>} : memref<80x128xf32, #tpu.memory_space<vmem>>, vector<1x16xf32>,
        } {sc.loop_unroll_factor = 4 : i64, sc.parallel_access}
        %add3A_131 = arith.constant 1 : i32
        %add3A_132 = arith.addi %scan3A_72, %add3A_131 : i32
        %lt3A_133 = arith.constant 31 : i32
        %lt3A_134 = arith.cmpi slt, %add3A_132, %lt3A_133 : i32
        %convert_element_type3A_135 = arith.extui %lt3A_134 : i1 to i32
        %cond3A_136 = arith.constant 0 : i32
        %cond3A_137 = arith.cmpi ne, %convert_element_type3A_135, %cond3A_136 : i32
        scf.if %cond3A_137 {
          %add3A_145 = arith.constant 1 : i32
          %add3A_146 = arith.addi %scan3A_72, %add3A_145 : i32
          %mul3A_147 = arith.constant 80 : i32
          %mul3A_148 = arith.muli %add3A_146, %mul3A_147 : i32
          %add3A_149 = arith.addi %add3A_45, %mul3A_148 : i32
          %dma_start3A_150 = arith.constant 0 : i32
          %dma_start3A_151 = tpu.memref_slice %arg3[%add3A_149, %dma_start3A_150] : memref<79360x128xf32, #tpu.memory_space<hbm>> -> memref<80x128xf32, #tpu.memory_space<hbm>>
          %dma_start3A_152 = arith.constant 0 : i32
          %dma_start3A_153 = tpu.memref_slice %arg3[%add3A_149, %dma_start3A_152] : memref<79360x128xf32, #tpu.memory_space<hbm>> -> memref<80x128xf32, #tpu.memory_space<hbm>>
          tpu.enqueue_dma source(%dma_start3A_153 : memref<80x128xf32, #tpu.memory_space<hbm>>) target(%arg12 : memref<80x128xf32, #tpu.memory_space<vmem>>) target_semaphore(%arg16 : memref<!tpu.dma_semaphore, #tpu.memory_space<semaphore_mem>>)
        } else {
        }
        %dma_wait3A_138 = arith.constant 0 : i32
        %dma_wait3A_139 = tpu.memref_slice %arg5[%dma_wait3A_138] : memref<39680xi32, #tpu.memory_space<hbm>> -> memref<80xi32, #tpu.memory_space<hbm>>
        %dma_wait3A_140 = arith.constant 0 : i32
        %dma_wait3A_141 = tpu.memref_slice %arg5[%dma_wait3A_140] : memref<39680xi32, #tpu.memory_space<hbm>> -> memref<80xi32, #tpu.memory_space<hbm>>
        tpu.wait_dma2 semaphore(%arg17 : memref<!tpu.dma_semaphore, #tpu.memory_space<semaphore_mem>>) src(%dma_wait3A_141 : memref<80xi32, #tpu.memory_space<hbm>>) dst(%arg8 : memref<80xi32, #tpu.memory_space<vmem>>)
        %dma_start3A_142 = arith.constant 0 : i32
        %dma_start3A_143 = arith.constant 0 : i32
        %dma_start3A_144 = tpu.memref_slice %arg13[%dma_start3A_142, %dma_start3A_143] : memref<10112x128xf32, #tpu.memory_space<vmem_shared>> -> memref<10112x128xf32, #tpu.memory_space<vmem_shared>>
        tpu.enqueue_indirect_dma source(%arg10 : memref<80x128xf32, #tpu.memory_space<vmem>>) target(%dma_start3A_144 : memref<10112x128xf32, #tpu.memory_space<vmem_shared>>) offsets(%arg8 : memref<80xi32, #tpu.memory_space<vmem>>) semaphore(%arg19 : memref<!tpu.dma_semaphore, #tpu.memory_space<semaphore_mem>>) {add = true}
      } else {
      }
      %jit3A_85 = arith.constant 2 : i32
      %eq3A_86 = arith.constant 0 : i32
      %eq3A_87 = arith.cmpi eq, %jit3A_85, %eq3A_86 : i32
      %jit3A_88 = arith.constant 1 : i32
      %select_n3A_89 = arith.select %eq3A_87, %jit3A_88, %jit3A_85 : i32
      %rem3A_90 = arith.remsi %scan3A_72, %select_n3A_89 : i32
      %ne3A_91 = arith.constant 0 : i32
      %ne3A_92 = arith.cmpi ne, %rem3A_90, %ne3A_91 : i32
      %lt3A_93 = arith.constant 0 : i32
      %lt3A_94 = arith.cmpi slt, %rem3A_90, %lt3A_93 : i32
      %lt3A_95 = arith.constant 0 : i32
      %lt3A_96 = arith.cmpi slt, %select_n3A_89, %lt3A_95 : i32
      %ne3A_97 = arith.xori %lt3A_94, %lt3A_96 : i1
      %and3A_98 = arith.andi %ne3A_97, %ne3A_92 : i1
      %add3A_99 = arith.addi %rem3A_90, %select_n3A_89 : i32
      %select_n3A_100 = arith.select %and3A_98, %add3A_99, %rem3A_90 : i32
      %eq3A_101 = arith.constant 1 : i32
      %eq3A_102 = arith.cmpi eq, %select_n3A_100, %eq3A_101 : i32
      %convert_element_type3A_103 = arith.extui %eq3A_102 : i1 to i32
      %cond3A_104 = arith.constant 0 : i32
      %cond3A_105 = arith.cmpi ne, %convert_element_type3A_103, %cond3A_104 : i32
      scf.if %cond3A_105 {
        %ge3A = arith.constant 1 : i32
        %ge3A_106 = arith.cmpi sge, %scan3A_72, %ge3A : i32
        %convert_element_type3A_107 = arith.extui %ge3A_106 : i1 to i32
        %cond3A_108 = arith.constant 0 : i32
        %cond3A_109 = arith.cmpi ne, %convert_element_type3A_107, %cond3A_108 : i32
        scf.if %cond3A_109 {
          %dma_wait3A_145 = arith.constant 0 : i32
          %dma_wait3A_146 = arith.constant 0 : i32
          %dma_wait3A_147 = tpu.memref_slice %arg13[%dma_wait3A_145, %dma_wait3A_146] : memref<10112x128xf32, #tpu.memory_space<vmem_shared>> -> memref<10112x128xf32, #tpu.memory_space<vmem_shared>>
          tpu.wait_indirect_dma semaphore(%arg19 : memref<!tpu.dma_semaphore, #tpu.memory_space<semaphore_mem>>) src(%arg10 : memref<80x128xf32, #tpu.memory_space<vmem>>) dst(%dma_wait3A_147 : memref<10112x128xf32, #tpu.memory_space<vmem_shared>>)
        } else {
        }
        %add3A_110 = arith.constant 1 : i32
        %add3A_111 = arith.addi %scan3A_72, %add3A_110 : i32
        %lt3A_112 = arith.constant 31 : i32
        %lt3A_113 = arith.cmpi slt, %add3A_111, %lt3A_112 : i32
        %convert_element_type3A_114 = arith.extui %lt3A_113 : i1 to i32
        %cond3A_115 = arith.constant 0 : i32
        %cond3A_116 = arith.cmpi ne, %convert_element_type3A_114, %cond3A_115 : i32
        scf.if %cond3A_116 {
          %add3A_145 = arith.constant 1 : i32
          %add3A_146 = arith.addi %scan3A_72, %add3A_145 : i32
          %mul3A_147 = arith.constant 80 : i32
          %mul3A_148 = arith.muli %add3A_146, %mul3A_147 : i32
          %dma_start3A_149 = tpu.memref_slice %arg7[%mul3A_148] : memref<2480xi32, #tpu.memory_space<vmem>> -> memref<80xi32, #tpu.memory_space<vmem>>
          %dma_start3A_150 = arith.constant 0 : i32
          %dma_start3A_151 = arith.constant 0 : i32
          %dma_start3A_152 = tpu.memref_slice %arg2[%dma_start3A_150, %dma_start3A_151] : memref<20000x128xf32, #tpu.memory_space<hbm>> -> memref<20000x128xf32, #tpu.memory_space<hbm>>
          tpu.enqueue_indirect_dma source(%dma_start3A_152 : memref<20000x128xf32, #tpu.memory_space<hbm>>) target(%arg10 : memref<80x128xf32, #tpu.memory_space<vmem>>) offsets(%dma_start3A_149 : memref<80xi32, #tpu.memory_space<vmem>>) semaphore(%arg14 : memref<!tpu.dma_semaphore, #tpu.memory_space<semaphore_mem>>)
          %add3A_153 = arith.constant 1 : i32
          %add3A_154 = arith.addi %scan3A_72, %add3A_153 : i32
          %mul3A_155 = arith.constant 80 : i32
          %mul3A_156 = arith.muli %add3A_154, %mul3A_155 : i32
          %add3A_157 = arith.addi %mul3A_42, %mul3A_156 : i32
          %dma_start3A_158 = tpu.memref_slice %arg5[%add3A_157] : memref<39680xi32, #tpu.memory_space<hbm>> -> memref<80xi32, #tpu.memory_space<hbm>>
          %dma_start3A_159 = tpu.memref_slice %arg5[%add3A_157] : memref<39680xi32, #tpu.memory_space<hbm>> -> memref<80xi32, #tpu.memory_space<hbm>>
          tpu.enqueue_dma source(%dma_start3A_159 : memref<80xi32, #tpu.memory_space<hbm>>) target(%arg8 : memref<80xi32, #tpu.memory_space<vmem>>) target_semaphore(%arg17 : memref<!tpu.dma_semaphore, #tpu.memory_space<semaphore_mem>>)
        } else {
        }
        %dma_wait3A_117 = arith.constant 0 : i32
        %dma_wait3A_118 = arith.constant 0 : i32
        %dma_wait3A_119 = tpu.memref_slice %arg2[%dma_wait3A_117, %dma_wait3A_118] : memref<20000x128xf32, #tpu.memory_space<hbm>> -> memref<80x128xf32, #tpu.memory_space<hbm>>
        %dma_wait3A_120 = arith.constant 0 : i32
        %dma_wait3A_121 = arith.constant 0 : i32
        %dma_wait3A_122 = tpu.memref_slice %arg2[%dma_wait3A_120, %dma_wait3A_121] : memref<20000x128xf32, #tpu.memory_space<hbm>> -> memref<80x128xf32, #tpu.memory_space<hbm>>
        tpu.wait_dma2 semaphore(%arg15 : memref<!tpu.dma_semaphore, #tpu.memory_space<semaphore_mem>>) src(%dma_wait3A_122 : memref<80x128xf32, #tpu.memory_space<hbm>>) dst(%arg11 : memref<80x128xf32, #tpu.memory_space<vmem>>)
        %dma_wait3A_123 = arith.constant 0 : i32
        %dma_wait3A_124 = arith.constant 0 : i32
        %dma_wait3A_125 = tpu.memref_slice %arg3[%dma_wait3A_123, %dma_wait3A_124] : memref<79360x128xf32, #tpu.memory_space<hbm>> -> memref<80x128xf32, #tpu.memory_space<hbm>>
        %dma_wait3A_126 = arith.constant 0 : i32
        %dma_wait3A_127 = arith.constant 0 : i32
        %dma_wait3A_128 = tpu.memref_slice %arg3[%dma_wait3A_126, %dma_wait3A_127] : memref<79360x128xf32, #tpu.memory_space<hbm>> -> memref<80x128xf32, #tpu.memory_space<hbm>>
        tpu.wait_dma2 semaphore(%arg16 : memref<!tpu.dma_semaphore, #tpu.memory_space<semaphore_mem>>) src(%dma_wait3A_128 : memref<80x128xf32, #tpu.memory_space<hbm>>) dst(%arg12 : memref<80x128xf32, #tpu.memory_space<vmem>>)
        %parallel_loop3A = arith.constant 0 : i32
        %parallel_loop3A_129 = arith.constant 80 : i32
        %parallel_loop3A_130 = arith.constant 1 : i32
        scf.for %parallel_loop3A_145 = %parallel_loop3A to %parallel_loop3A_129 step %parallel_loop3A_130  : i32 {
          %parallel_loop3A_146 = arith.index_cast %parallel_loop3A_145 : i32 to index
          %parallel_loop3A_147 = arith.constant 0 : index
          %parallel_loop3A_148 = tpu.vector_load %arg11[%parallel_loop3A_146, %parallel_loop3A_147] {strides = array<i32>} : memref<80x128xf32, #tpu.memory_space<vmem>>, vector<1x16xf32>,
          %parallel_loop3A_149 = vector.shape_cast %parallel_loop3A_148 : vector<1x16xf32> to vector<16xf32>
          %parallel_loop3A_150 = arith.index_cast %parallel_loop3A_145 : i32 to index
          %parallel_loop3A_151 = arith.constant 0 : index
          %parallel_loop3A_152 = tpu.vector_load %arg12[%parallel_loop3A_150, %parallel_loop3A_151] {strides = array<i32>} : memref<80x128xf32, #tpu.memory_space<vmem>>, vector<1x16xf32>,
          %parallel_loop3A_153 = vector.shape_cast %parallel_loop3A_152 : vector<1x16xf32> to vector<16xf32>
          %parallel_loop3A_154 = arith.mulf %parallel_loop3A_149, %parallel_loop3A_153 : vector<16xf32>
          %parallel_loop3A_155 = arith.index_cast %parallel_loop3A_145 : i32 to index
          %parallel_loop3A_156 = arith.constant 0 : index
          %parallel_loop3A_157 = tpu.vector_load %arg11[%parallel_loop3A_155, %parallel_loop3A_156] {strides = array<i32>} : memref<80x128xf32, #tpu.memory_space<vmem>>, vector<1x16xf32>,
          %parallel_loop3A_158 = vector.shape_cast %parallel_loop3A_157 : vector<1x16xf32> to vector<16xf32>
          %parallel_loop3A_159 = vector.shape_cast %parallel_loop3A_154 : vector<16xf32> to vector<1x16xf32>
          tpu.vector_store %arg11[%parallel_loop3A_155, %parallel_loop3A_156], %parallel_loop3A_159 {strides = array<i32>} : memref<80x128xf32, #tpu.memory_space<vmem>>, vector<1x16xf32>,
          %parallel_loop3A_160 = arith.index_cast %parallel_loop3A_145 : i32 to index
          %parallel_loop3A_161 = arith.constant 16 : index
          %parallel_loop3A_162 = tpu.vector_load %arg11[%parallel_loop3A_160, %parallel_loop3A_161] {strides = array<i32>} : memref<80x128xf32, #tpu.memory_space<vmem>>, vector<1x16xf32>,
          %parallel_loop3A_163 = vector.shape_cast %parallel_loop3A_162 : vector<1x16xf32> to vector<16xf32>
          %parallel_loop3A_164 = arith.index_cast %parallel_loop3A_145 : i32 to index
          %parallel_loop3A_165 = arith.constant 16 : index
          %parallel_loop3A_166 = tpu.vector_load %arg12[%parallel_loop3A_164, %parallel_loop3A_165] {strides = array<i32>} : memref<80x128xf32, #tpu.memory_space<vmem>>, vector<1x16xf32>,
          %parallel_loop3A_167 = vector.shape_cast %parallel_loop3A_166 : vector<1x16xf32> to vector<16xf32>
          %parallel_loop3A_168 = arith.mulf %parallel_loop3A_163, %parallel_loop3A_167 : vector<16xf32>
          %parallel_loop3A_169 = arith.index_cast %parallel_loop3A_145 : i32 to index
          %parallel_loop3A_170 = arith.constant 16 : index
          %parallel_loop3A_171 = tpu.vector_load %arg11[%parallel_loop3A_169, %parallel_loop3A_170] {strides = array<i32>} : memref<80x128xf32, #tpu.memory_space<vmem>>, vector<1x16xf32>,
          %parallel_loop3A_172 = vector.shape_cast %parallel_loop3A_171 : vector<1x16xf32> to vector<16xf32>
          %parallel_loop3A_173 = vector.shape_cast %parallel_loop3A_168 : vector<16xf32> to vector<1x16xf32>
          tpu.vector_store %arg11[%parallel_loop3A_169, %parallel_loop3A_170], %parallel_loop3A_173 {strides = array<i32>} : memref<80x128xf32, #tpu.memory_space<vmem>>, vector<1x16xf32>,
          %parallel_loop3A_174 = arith.index_cast %parallel_loop3A_145 : i32 to index
          %parallel_loop3A_175 = arith.constant 32 : index
          %parallel_loop3A_176 = tpu.vector_load %arg11[%parallel_loop3A_174, %parallel_loop3A_175] {strides = array<i32>} : memref<80x128xf32, #tpu.memory_space<vmem>>, vector<1x16xf32>,
          %parallel_loop3A_177 = vector.shape_cast %parallel_loop3A_176 : vector<1x16xf32> to vector<16xf32>
          %parallel_loop3A_178 = arith.index_cast %parallel_loop3A_145 : i32 to index
          %parallel_loop3A_179 = arith.constant 32 : index
          %parallel_loop3A_180 = tpu.vector_load %arg12[%parallel_loop3A_178, %parallel_loop3A_179] {strides = array<i32>} : memref<80x128xf32, #tpu.memory_space<vmem>>, vector<1x16xf32>,
          %parallel_loop3A_181 = vector.shape_cast %parallel_loop3A_180 : vector<1x16xf32> to vector<16xf32>
          %parallel_loop3A_182 = arith.mulf %parallel_loop3A_177, %parallel_loop3A_181 : vector<16xf32>
          %parallel_loop3A_183 = arith.index_cast %parallel_loop3A_145 : i32 to index
          %parallel_loop3A_184 = arith.constant 32 : index
          %parallel_loop3A_185 = tpu.vector_load %arg11[%parallel_loop3A_183, %parallel_loop3A_184] {strides = array<i32>} : memref<80x128xf32, #tpu.memory_space<vmem>>, vector<1x16xf32>,
          %parallel_loop3A_186 = vector.shape_cast %parallel_loop3A_185 : vector<1x16xf32> to vector<16xf32>
          %parallel_loop3A_187 = vector.shape_cast %parallel_loop3A_182 : vector<16xf32> to vector<1x16xf32>
          tpu.vector_store %arg11[%parallel_loop3A_183, %parallel_loop3A_184], %parallel_loop3A_187 {strides = array<i32>} : memref<80x128xf32, #tpu.memory_space<vmem>>, vector<1x16xf32>,
          %parallel_loop3A_188 = arith.index_cast %parallel_loop3A_145 : i32 to index
          %parallel_loop3A_189 = arith.constant 48 : index
          %parallel_loop3A_190 = tpu.vector_load %arg11[%parallel_loop3A_188, %parallel_loop3A_189] {strides = array<i32>} : memref<80x128xf32, #tpu.memory_space<vmem>>, vector<1x16xf32>,
          %parallel_loop3A_191 = vector.shape_cast %parallel_loop3A_190 : vector<1x16xf32> to vector<16xf32>
          %parallel_loop3A_192 = arith.index_cast %parallel_loop3A_145 : i32 to index
          %parallel_loop3A_193 = arith.constant 48 : index
          %parallel_loop3A_194 = tpu.vector_load %arg12[%parallel_loop3A_192, %parallel_loop3A_193] {strides = array<i32>} : memref<80x128xf32, #tpu.memory_space<vmem>>, vector<1x16xf32>,
          %parallel_loop3A_195 = vector.shape_cast %parallel_loop3A_194 : vector<1x16xf32> to vector<16xf32>
          %parallel_loop3A_196 = arith.mulf %parallel_loop3A_191, %parallel_loop3A_195 : vector<16xf32>
          %parallel_loop3A_197 = arith.index_cast %parallel_loop3A_145 : i32 to index
          %parallel_loop3A_198 = arith.constant 48 : index
          %parallel_loop3A_199 = tpu.vector_load %arg11[%parallel_loop3A_197, %parallel_loop3A_198] {strides = array<i32>} : memref<80x128xf32, #tpu.memory_space<vmem>>, vector<1x16xf32>,
          %parallel_loop3A_200 = vector.shape_cast %parallel_loop3A_199 : vector<1x16xf32> to vector<16xf32>
          %parallel_loop3A_201 = vector.shape_cast %parallel_loop3A_196 : vector<16xf32> to vector<1x16xf32>
          tpu.vector_store %arg11[%parallel_loop3A_197, %parallel_loop3A_198], %parallel_loop3A_201 {strides = array<i32>} : memref<80x128xf32, #tpu.memory_space<vmem>>, vector<1x16xf32>,
          %parallel_loop3A_202 = arith.index_cast %parallel_loop3A_145 : i32 to index
          %parallel_loop3A_203 = arith.constant 64 : index
          %parallel_loop3A_204 = tpu.vector_load %arg11[%parallel_loop3A_202, %parallel_loop3A_203] {strides = array<i32>} : memref<80x128xf32, #tpu.memory_space<vmem>>, vector<1x16xf32>,
          %parallel_loop3A_205 = vector.shape_cast %parallel_loop3A_204 : vector<1x16xf32> to vector<16xf32>
          %parallel_loop3A_206 = arith.index_cast %parallel_loop3A_145 : i32 to index
          %parallel_loop3A_207 = arith.constant 64 : index
          %parallel_loop3A_208 = tpu.vector_load %arg12[%parallel_loop3A_206, %parallel_loop3A_207] {strides = array<i32>} : memref<80x128xf32, #tpu.memory_space<vmem>>, vector<1x16xf32>,
          %parallel_loop3A_209 = vector.shape_cast %parallel_loop3A_208 : vector<1x16xf32> to vector<16xf32>
          %parallel_loop3A_210 = arith.mulf %parallel_loop3A_205, %parallel_loop3A_209 : vector<16xf32>
          %parallel_loop3A_211 = arith.index_cast %parallel_loop3A_145 : i32 to index
          %parallel_loop3A_212 = arith.constant 64 : index
          %parallel_loop3A_213 = tpu.vector_load %arg11[%parallel_loop3A_211, %parallel_loop3A_212] {strides = array<i32>} : memref<80x128xf32, #tpu.memory_space<vmem>>, vector<1x16xf32>,
          %parallel_loop3A_214 = vector.shape_cast %parallel_loop3A_213 : vector<1x16xf32> to vector<16xf32>
          %parallel_loop3A_215 = vector.shape_cast %parallel_loop3A_210 : vector<16xf32> to vector<1x16xf32>
          tpu.vector_store %arg11[%parallel_loop3A_211, %parallel_loop3A_212], %parallel_loop3A_215 {strides = array<i32>} : memref<80x128xf32, #tpu.memory_space<vmem>>, vector<1x16xf32>,
          %parallel_loop3A_216 = arith.index_cast %parallel_loop3A_145 : i32 to index
          %parallel_loop3A_217 = arith.constant 80 : index
          %parallel_loop3A_218 = tpu.vector_load %arg11[%parallel_loop3A_216, %parallel_loop3A_217] {strides = array<i32>} : memref<80x128xf32, #tpu.memory_space<vmem>>, vector<1x16xf32>,
          %parallel_loop3A_219 = vector.shape_cast %parallel_loop3A_218 : vector<1x16xf32> to vector<16xf32>
          %parallel_loop3A_220 = arith.index_cast %parallel_loop3A_145 : i32 to index
          %parallel_loop3A_221 = arith.constant 80 : index
          %parallel_loop3A_222 = tpu.vector_load %arg12[%parallel_loop3A_220, %parallel_loop3A_221] {strides = array<i32>} : memref<80x128xf32, #tpu.memory_space<vmem>>, vector<1x16xf32>,
          %parallel_loop3A_223 = vector.shape_cast %parallel_loop3A_222 : vector<1x16xf32> to vector<16xf32>
          %parallel_loop3A_224 = arith.mulf %parallel_loop3A_219, %parallel_loop3A_223 : vector<16xf32>
          %parallel_loop3A_225 = arith.index_cast %parallel_loop3A_145 : i32 to index
          %parallel_loop3A_226 = arith.constant 80 : index
          %parallel_loop3A_227 = tpu.vector_load %arg11[%parallel_loop3A_225, %parallel_loop3A_226] {strides = array<i32>} : memref<80x128xf32, #tpu.memory_space<vmem>>, vector<1x16xf32>,
          %parallel_loop3A_228 = vector.shape_cast %parallel_loop3A_227 : vector<1x16xf32> to vector<16xf32>
          %parallel_loop3A_229 = vector.shape_cast %parallel_loop3A_224 : vector<16xf32> to vector<1x16xf32>
          tpu.vector_store %arg11[%parallel_loop3A_225, %parallel_loop3A_226], %parallel_loop3A_229 {strides = array<i32>} : memref<80x128xf32, #tpu.memory_space<vmem>>, vector<1x16xf32>,
          %parallel_loop3A_230 = arith.index_cast %parallel_loop3A_145 : i32 to index
          %parallel_loop3A_231 = arith.constant 96 : index
          %parallel_loop3A_232 = tpu.vector_load %arg11[%parallel_loop3A_230, %parallel_loop3A_231] {strides = array<i32>} : memref<80x128xf32, #tpu.memory_space<vmem>>, vector<1x16xf32>,
          %parallel_loop3A_233 = vector.shape_cast %parallel_loop3A_232 : vector<1x16xf32> to vector<16xf32>
          %parallel_loop3A_234 = arith.index_cast %parallel_loop3A_145 : i32 to index
          %parallel_loop3A_235 = arith.constant 96 : index
          %parallel_loop3A_236 = tpu.vector_load %arg12[%parallel_loop3A_234, %parallel_loop3A_235] {strides = array<i32>} : memref<80x128xf32, #tpu.memory_space<vmem>>, vector<1x16xf32>,
          %parallel_loop3A_237 = vector.shape_cast %parallel_loop3A_236 : vector<1x16xf32> to vector<16xf32>
          %parallel_loop3A_238 = arith.mulf %parallel_loop3A_233, %parallel_loop3A_237 : vector<16xf32>
          %parallel_loop3A_239 = arith.index_cast %parallel_loop3A_145 : i32 to index
          %parallel_loop3A_240 = arith.constant 96 : index
          %parallel_loop3A_241 = tpu.vector_load %arg11[%parallel_loop3A_239, %parallel_loop3A_240] {strides = array<i32>} : memref<80x128xf32, #tpu.memory_space<vmem>>, vector<1x16xf32>,
          %parallel_loop3A_242 = vector.shape_cast %parallel_loop3A_241 : vector<1x16xf32> to vector<16xf32>
          %parallel_loop3A_243 = vector.shape_cast %parallel_loop3A_238 : vector<16xf32> to vector<1x16xf32>
          tpu.vector_store %arg11[%parallel_loop3A_239, %parallel_loop3A_240], %parallel_loop3A_243 {strides = array<i32>} : memref<80x128xf32, #tpu.memory_space<vmem>>, vector<1x16xf32>,
          %parallel_loop3A_244 = arith.index_cast %parallel_loop3A_145 : i32 to index
          %parallel_loop3A_245 = arith.constant 112 : index
          %parallel_loop3A_246 = tpu.vector_load %arg11[%parallel_loop3A_244, %parallel_loop3A_245] {strides = array<i32>} : memref<80x128xf32, #tpu.memory_space<vmem>>, vector<1x16xf32>,
          %parallel_loop3A_247 = vector.shape_cast %parallel_loop3A_246 : vector<1x16xf32> to vector<16xf32>
          %parallel_loop3A_248 = arith.index_cast %parallel_loop3A_145 : i32 to index
          %parallel_loop3A_249 = arith.constant 112 : index
          %parallel_loop3A_250 = tpu.vector_load %arg12[%parallel_loop3A_248, %parallel_loop3A_249] {strides = array<i32>} : memref<80x128xf32, #tpu.memory_space<vmem>>, vector<1x16xf32>,
          %parallel_loop3A_251 = vector.shape_cast %parallel_loop3A_250 : vector<1x16xf32> to vector<16xf32>
          %parallel_loop3A_252 = arith.mulf %parallel_loop3A_247, %parallel_loop3A_251 : vector<16xf32>
          %parallel_loop3A_253 = arith.index_cast %parallel_loop3A_145 : i32 to index
          %parallel_loop3A_254 = arith.constant 112 : index
          %parallel_loop3A_255 = tpu.vector_load %arg11[%parallel_loop3A_253, %parallel_loop3A_254] {strides = array<i32>} : memref<80x128xf32, #tpu.memory_space<vmem>>, vector<1x16xf32>,
          %parallel_loop3A_256 = vector.shape_cast %parallel_loop3A_255 : vector<1x16xf32> to vector<16xf32>
          %parallel_loop3A_257 = vector.shape_cast %parallel_loop3A_252 : vector<16xf32> to vector<1x16xf32>
          tpu.vector_store %arg11[%parallel_loop3A_253, %parallel_loop3A_254], %parallel_loop3A_257 {strides = array<i32>} : memref<80x128xf32, #tpu.memory_space<vmem>>, vector<1x16xf32>,
        } {sc.loop_unroll_factor = 4 : i64, sc.parallel_access}
        %add3A_131 = arith.constant 1 : i32
        %add3A_132 = arith.addi %scan3A_72, %add3A_131 : i32
        %lt3A_133 = arith.constant 31 : i32
        %lt3A_134 = arith.cmpi slt, %add3A_132, %lt3A_133 : i32
        %convert_element_type3A_135 = arith.extui %lt3A_134 : i1 to i32
        %cond3A_136 = arith.constant 0 : i32
        %cond3A_137 = arith.cmpi ne, %convert_element_type3A_135, %cond3A_136 : i32
        scf.if %cond3A_137 {
          %add3A_145 = arith.constant 1 : i32
          %add3A_146 = arith.addi %scan3A_72, %add3A_145 : i32
          %mul3A_147 = arith.constant 80 : i32
          %mul3A_148 = arith.muli %add3A_146, %mul3A_147 : i32
          %add3A_149 = arith.addi %add3A_45, %mul3A_148 : i32
          %dma_start3A_150 = arith.constant 0 : i32
          %dma_start3A_151 = tpu.memref_slice %arg3[%add3A_149, %dma_start3A_150] : memref<79360x128xf32, #tpu.memory_space<hbm>> -> memref<80x128xf32, #tpu.memory_space<hbm>>
          %dma_start3A_152 = arith.constant 0 : i32
          %dma_start3A_153 = tpu.memref_slice %arg3[%add3A_149, %dma_start3A_152] : memref<79360x128xf32, #tpu.memory_space<hbm>> -> memref<80x128xf32, #tpu.memory_space<hbm>>
          tpu.enqueue_dma source(%dma_start3A_153 : memref<80x128xf32, #tpu.memory_space<hbm>>) target(%arg12 : memref<80x128xf32, #tpu.memory_space<vmem>>) target_semaphore(%arg16 : memref<!tpu.dma_semaphore, #tpu.memory_space<semaphore_mem>>)
        } else {
        }
        %dma_wait3A_138 = arith.constant 0 : i32
        %dma_wait3A_139 = tpu.memref_slice %arg5[%dma_wait3A_138] : memref<39680xi32, #tpu.memory_space<hbm>> -> memref<80xi32, #tpu.memory_space<hbm>>
        %dma_wait3A_140 = arith.constant 0 : i32
        %dma_wait3A_141 = tpu.memref_slice %arg5[%dma_wait3A_140] : memref<39680xi32, #tpu.memory_space<hbm>> -> memref<80xi32, #tpu.memory_space<hbm>>
        tpu.wait_dma2 semaphore(%arg18 : memref<!tpu.dma_semaphore, #tpu.memory_space<semaphore_mem>>) src(%dma_wait3A_141 : memref<80xi32, #tpu.memory_space<hbm>>) dst(%arg9 : memref<80xi32, #tpu.memory_space<vmem>>)
        %dma_start3A_142 = arith.constant 0 : i32
        %dma_start3A_143 = arith.constant 0 : i32
        %dma_start3A_144 = tpu.memref_slice %arg13[%dma_start3A_142, %dma_start3A_143] : memref<10112x128xf32, #tpu.memory_space<vmem_shared>> -> memref<10112x128xf32, #tpu.memory_space<vmem_shared>>
        tpu.enqueue_indirect_dma source(%arg11 : memref<80x128xf32, #tpu.memory_space<vmem>>) target(%dma_start3A_144 : memref<10112x128xf32, #tpu.memory_space<vmem_shared>>) offsets(%arg9 : memref<80xi32, #tpu.memory_space<vmem>>) semaphore(%arg20 : memref<!tpu.dma_semaphore, #tpu.memory_space<semaphore_mem>>) {add = true}
      } else {
      }
    }
    %scan3A_61 = arith.constant 31 : i32
    %dma_wait3A = arith.constant 0 : i32
    %dma_wait3A_62 = arith.constant 0 : i32
    %dma_wait3A_63 = tpu.memref_slice %arg13[%dma_wait3A, %dma_wait3A_62] : memref<10112x128xf32, #tpu.memory_space<vmem_shared>> -> memref<10112x128xf32, #tpu.memory_space<vmem_shared>>
    tpu.wait_indirect_dma semaphore(%arg19 : memref<!tpu.dma_semaphore, #tpu.memory_space<semaphore_mem>>) src(%arg10 : memref<80x128xf32, #tpu.memory_space<vmem>>) dst(%dma_wait3A_63 : memref<10112x128xf32, #tpu.memory_space<vmem_shared>>)
    %barrier3A_64 = arith.constant 0 : index
    tpu.barrier barrier_id(%barrier3A_64)
    %mul3A_65 = arith.constant 632 : i32
    %mul3A_66 = arith.muli %arg1, %mul3A_65 : i32
    %mul3A_67 = arith.constant 10112 : i32
    %mul3A_68 = arith.muli %arg0, %mul3A_67 : i32
    %mul3A_69 = arith.constant 632 : i32
    %mul3A_70 = arith.muli %arg1, %mul3A_69 : i32
    %add3A_71 = arith.addi %mul3A_68, %mul3A_70 : i32
    "tpu.region"() ({
      %run_scoped3A = tpu.sem_alloc : memref<!tpu.dma_semaphore, #tpu.memory_space<semaphore_mem>>
      %dma_start3A_72 = arith.constant 0 : i32
      %dma_start3A_73 = tpu.memref_slice %arg6[%add3A_71, %dma_start3A_72] : memref<20224x128xf32, #tpu.memory_space<hbm>> -> memref<632x128xf32, #tpu.memory_space<hbm>>
      %dma_start3A_74 = arith.constant 0 : i32
      %dma_start3A_75 = tpu.memref_slice %arg13[%mul3A_66, %dma_start3A_74] : memref<10112x128xf32, #tpu.memory_space<vmem_shared>> -> memref<632x128xf32, #tpu.memory_space<vmem_shared>>
      tpu.enqueue_dma source(%dma_start3A_75 : memref<632x128xf32, #tpu.memory_space<vmem_shared>>) target(%dma_start3A_73 : memref<632x128xf32, #tpu.memory_space<hbm>>) target_semaphore(%run_scoped3A : memref<!tpu.dma_semaphore, #tpu.memory_space<semaphore_mem>>)
      %dma_wait3A_76 = arith.constant 0 : i32
      %dma_wait3A_77 = tpu.memref_slice %arg6[%add3A_71, %dma_wait3A_76] : memref<20224x128xf32, #tpu.memory_space<hbm>> -> memref<632x128xf32, #tpu.memory_space<hbm>>
      %dma_wait3A_78 = arith.constant 0 : i32
      %dma_wait3A_79 = tpu.memref_slice %arg13[%mul3A_66, %dma_wait3A_78] : memref<10112x128xf32, #tpu.memory_space<vmem_shared>> -> memref<632x128xf32, #tpu.memory_space<vmem_shared>>
      tpu.wait_dma2 semaphore(%run_scoped3A : memref<!tpu.dma_semaphore, #tpu.memory_space<semaphore_mem>>) src(%dma_wait3A_79 : memref<632x128xf32, #tpu.memory_space<vmem_shared>>) dst(%dma_wait3A_77 : memref<632x128xf32, #tpu.memory_space<hbm>>)
      tpu.yield
    }) : () -> ()
    return
  }
}

module attributes {stable_mosaic.version = 14 : i64} {
  func.func @_filt_body(%arg0: i32, %arg1: memref<64x1280xf32, #tpu.memory_space<vmem>>, %arg2: memref<1x1280xf32, #tpu.memory_space<vmem>>, %arg3: memref<256x64xf32, #tpu.memory_space<vmem>>, %arg4: memref<256x1xf32, #tpu.memory_space<vmem>>, %arg5: memref<256x256xf32, #tpu.memory_space<vmem>>, %arg6: memref<256x1xf32, #tpu.memory_space<vmem>>, %arg7: memref<2x1280x128xf32, #tpu.memory_space<vmem>>) attributes {dimension_semantics = [#tpu.dimension_semantics<arbitrary>], iteration_bounds = array<i64: 32>, scalar_prefetch = 0 : i64, scratch_operands = 0 : i64, tpu.core_type = #tpu.core_type<tc>, window_params = [{transform_indices = @transform_0, window_bounds = array<i64: 64, 1280>}, {transform_indices = @transform_1, window_bounds = array<i64: 1, 1280>}, {pipeline_mode = #tpu.pipeline_mode<synchronous>, transform_indices = @transform_2, window_bounds = array<i64: 256, 64>}, {pipeline_mode = #tpu.pipeline_mode<synchronous>, transform_indices = @transform_3, window_bounds = array<i64: 256, 1>}, {pipeline_mode = #tpu.pipeline_mode<synchronous>, transform_indices = @transform_4, window_bounds = array<i64: 256, 256>}, {pipeline_mode = #tpu.pipeline_mode<synchronous>, transform_indices = @transform_5, window_bounds = array<i64: 256, 1>}, {transform_indices = @transform_6, window_bounds = array<i64: 2, 1280, 128>}]} {
    %get3A = arith.constant 0 : index
    %get3A_0 = arith.constant 0 : index
    %get3A_1 = vector.load %arg3[%get3A, %get3A_0] : memref<256x64xf32, #tpu.memory_space<vmem>>, vector<256x64xf32>
    %get3A_2 = arith.constant 0 : index
    %get3A_3 = arith.constant 0 : index
    %get3A_4 = vector.load %arg1[%get3A_2, %get3A_3] : memref<64x1280xf32, #tpu.memory_space<vmem>>, vector<64x1280xf32>
    %dot_general3A = arith.constant dense<0.000000e+00> : vector<256x1280xf32>
    %dot_general3A_5 = tpu.matmul %get3A_1, %get3A_4, %dot_general3A {dimension_numbers = #tpu.dot_dimension_numbers<[1], [0], [0], [1], [0, 0, 1, 1], [], []>, transpose_lhs_hint = false} : vector<256x64xf32>, vector<64x1280xf32>, vector<256x1280xf32> -> vector<256x1280xf32>
    %get3A_6 = arith.constant 0 : index
    %get3A_7 = arith.constant 0 : index
    %get3A_8 = vector.load %arg4[%get3A_6, %get3A_7] : memref<256x1xf32, #tpu.memory_space<vmem>>, vector<256x1xf32>
    %add3A = vector.broadcast %get3A_8 : vector<256x1xf32> to vector<256x1280xf32>
    %add3A_9 = arith.addf %dot_general3A_5, %add3A : vector<256x1280xf32>
    %custom_jvp_call3A = arith.constant 0.000000e+00 : f32
    %max3A = vector.broadcast %custom_jvp_call3A : f32 to vector<256x1280xf32>
    %max3A_10 = arith.maximumf %add3A_9, %max3A : vector<256x1280xf32>
    %sub3A = vector.broadcast %custom_jvp_call3A : f32 to vector<256x1280xf32>
    %sub3A_11 = arith.subf %add3A_9, %sub3A : vector<256x1280xf32>
    %ne3A = arith.cmpf one, %sub3A_11, %sub3A_11 : vector<256x1280xf32>
    %add3A_12 = vector.broadcast %custom_jvp_call3A : f32 to vector<256x1280xf32>
    %add3A_13 = arith.addf %add3A_9, %add3A_12 : vector<256x1280xf32>
    %abs3A = math.absf %sub3A_11 : vector<256x1280xf32>
    %neg3A = arith.constant 0.000000e+00 : f32
    %neg3A_14 = vector.broadcast %neg3A : f32 to vector<256x1280xf32>
    %neg3A_15 = arith.subf %neg3A_14, %abs3A : vector<256x1280xf32>
    %exp3A = math.exp %neg3A_15 : vector<256x1280xf32>
    %log1p3A = math.log1p %exp3A : vector<256x1280xf32>
    %add3A_16 = arith.addf %max3A_10, %log1p3A : vector<256x1280xf32>
    %select_n3A = arith.select %ne3A, %add3A_13, %add3A_16 : vector<256x1280xi1>, vector<256x1280xf32>
    %log3A = arith.constant 2.000000e+00 : f32
    %log3A_17 = math.log %log3A : f32
    %sub3A_18 = vector.broadcast %log3A_17 : f32 to vector<256x1280xf32>
    %sub3A_19 = arith.subf %select_n3A, %sub3A_18 : vector<256x1280xf32>
    %get3A_20 = arith.constant 0 : index
    %get3A_21 = arith.constant 0 : index
    %get3A_22 = vector.load %arg5[%get3A_20, %get3A_21] : memref<256x256xf32, #tpu.memory_space<vmem>>, vector<256x256xf32>
    %dot_general3A_23 = arith.constant dense<0.000000e+00> : vector<256x1280xf32>
    %dot_general3A_24 = tpu.matmul %get3A_22, %sub3A_19, %dot_general3A_23 {dimension_numbers = #tpu.dot_dimension_numbers<[1], [0], [0], [1], [0, 0, 1, 1], [], []>, transpose_lhs_hint = false} : vector<256x256xf32>, vector<256x1280xf32>, vector<256x1280xf32> -> vector<256x1280xf32>
    %get3A_25 = arith.constant 0 : index
    %get3A_26 = arith.constant 0 : index
    %get3A_27 = vector.load %arg6[%get3A_25, %get3A_26] : memref<256x1xf32, #tpu.memory_space<vmem>>, vector<256x1xf32>
    %add3A_28 = vector.broadcast %get3A_27 : vector<256x1xf32> to vector<256x1280xf32>
    %add3A_29 = arith.addf %dot_general3A_24, %add3A_28 : vector<256x1280xf32>
    %get3A_30 = arith.constant 0 : index
    %get3A_31 = arith.constant 0 : index
    %get3A_32 = vector.load %arg2[%get3A_30, %get3A_31] : memref<1x1280xf32, #tpu.memory_space<vmem>>, vector<1x1280xf32>
    %mul3A = arith.constant 0.314159274 : f32
    %mul3A_33 = vector.broadcast %mul3A : f32 to vector<1x1280xf32>
    %mul3A_34 = arith.mulf %get3A_32, %mul3A_33 : vector<1x1280xf32>
    %cos3A = math.cos %mul3A_34 : vector<1x1280xf32>
    %add3A_35 = arith.constant 1.000000e+00 : f32
    %add3A_36 = vector.broadcast %add3A_35 : f32 to vector<1x1280xf32>
    %add3A_37 = arith.addf %cos3A, %add3A_36 : vector<1x1280xf32>
    %mul3A_38 = arith.constant 5.000000e-01 : f32
    %mul3A_39 = vector.broadcast %mul3A_38 : f32 to vector<1x1280xf32>
    %mul3A_40 = arith.mulf %mul3A_39, %add3A_37 : vector<1x1280xf32>
    %le3A = arith.constant 1.000000e+01 : f32
    %le3A_41 = vector.broadcast %le3A : f32 to vector<1x1280xf32>
    %le3A_42 = arith.cmpf ole, %get3A_32, %le3A_41 : vector<1x1280xf32>
    %convert_element_type3A = arith.extui %le3A_42 : vector<1x1280xi1> to vector<1x1280xi32>
    %convert_element_type3A_43 = arith.sitofp %convert_element_type3A : vector<1x1280xi32> to vector<1x1280xf32>
    %mul3A_44 = arith.mulf %mul3A_40, %convert_element_type3A_43 : vector<1x1280xf32>
    %ge3A = arith.constant 0.000000e+00 : f32
    %ge3A_45 = vector.broadcast %ge3A : f32 to vector<1x1280xf32>
    %ge3A_46 = arith.cmpf oge, %get3A_32, %ge3A_45 : vector<1x1280xf32>
    %convert_element_type3A_47 = arith.extui %ge3A_46 : vector<1x1280xi1> to vector<1x1280xi32>
    %convert_element_type3A_48 = arith.sitofp %convert_element_type3A_47 : vector<1x1280xi32> to vector<1x1280xf32>
    %mul3A_49 = arith.mulf %mul3A_44, %convert_element_type3A_48 : vector<1x1280xf32>
    %mul3A_50 = vector.broadcast %mul3A_49 : vector<1x1280xf32> to vector<256x1280xf32>
    %mul3A_51 = arith.mulf %add3A_29, %mul3A_50 : vector<256x1280xf32>
    %transpose3A = tpu.transpose %mul3A_51, [1, 0] : vector<256x1280xf32> -> vector<1280x256xf32>
    %slice3A = vector.extract_strided_slice %transpose3A {offsets = [0, 0], sizes = [1280, 128], strides = [1, 1]} : vector<1280x256xf32> to vector<1280x128xf32>
    %swap3A = arith.constant 0 : index
    %swap3A_52 = arith.constant 0 : index
    %swap3A_53 = arith.constant 0 : index
    %swap3A_54 = vector.load %arg7[%swap3A, %swap3A_52, %swap3A_53] : memref<2x1280x128xf32, #tpu.memory_space<vmem>>, vector<1x1280x128xf32>
    %swap3A_55 = vector.shape_cast %swap3A_54 : vector<1x1280x128xf32> to vector<1280x128xf32>
    %swap3A_56 = vector.shape_cast %slice3A : vector<1280x128xf32> to vector<1x1280x128xf32>
    tpu.vector_store %arg7[%swap3A, %swap3A_52, %swap3A_53], %swap3A_56 {strides = array<i32>} : memref<2x1280x128xf32, #tpu.memory_space<vmem>>, vector<1x1280x128xf32>,
    %slice3A_57 = vector.extract_strided_slice %transpose3A {offsets = [0, 128], sizes = [1280, 128], strides = [1, 1]} : vector<1280x256xf32> to vector<1280x128xf32>
    %swap3A_58 = arith.constant 1 : index
    %swap3A_59 = arith.constant 0 : index
    %swap3A_60 = arith.constant 0 : index
    %swap3A_61 = vector.load %arg7[%swap3A_58, %swap3A_59, %swap3A_60] : memref<2x1280x128xf32, #tpu.memory_space<vmem>>, vector<1x1280x128xf32>
    %swap3A_62 = vector.shape_cast %swap3A_61 : vector<1x1280x128xf32> to vector<1280x128xf32>
    %swap3A_63 = vector.shape_cast %slice3A_57 : vector<1280x128xf32> to vector<1x1280x128xf32>
    tpu.vector_store %arg7[%swap3A_58, %swap3A_59, %swap3A_60], %swap3A_63 {strides = array<i32>} : memref<2x1280x128xf32, #tpu.memory_space<vmem>>, vector<1x1280x128xf32>,
    return
  }
  func.func @transform_0(%arg0: i32) -> (i32, i32) {
    %c0_i32 = arith.constant 0 : i32
    %c0_i32_0 = arith.constant 0 : i32
    return %c0_i32, %arg0 : i32, i32
  }
  func.func @transform_1(%arg0: i32) -> (i32, i32) {
    %c0_i32 = arith.constant 0 : i32
    %c0_i32_0 = arith.constant 0 : i32
    return %c0_i32, %arg0 : i32, i32
  }
  func.func @transform_2(%arg0: i32) -> (i32, i32) {
    %c0_i32 = arith.constant 0 : i32
    %c0_i32_0 = arith.constant 0 : i32
    %c0_i32_1 = arith.constant 0 : i32
    return %c0_i32, %c0_i32_0 : i32, i32
  }
  func.func @transform_3(%arg0: i32) -> (i32, i32) {
    %c0_i32 = arith.constant 0 : i32
    %c0_i32_0 = arith.constant 0 : i32
    %c0_i32_1 = arith.constant 0 : i32
    return %c0_i32, %c0_i32_0 : i32, i32
  }
  func.func @transform_4(%arg0: i32) -> (i32, i32) {
    %c0_i32 = arith.constant 0 : i32
    %c0_i32_0 = arith.constant 0 : i32
    %c0_i32_1 = arith.constant 0 : i32
    return %c0_i32, %c0_i32_0 : i32, i32
  }
  func.func @transform_5(%arg0: i32) -> (i32, i32) {
    %c0_i32 = arith.constant 0 : i32
    %c0_i32_0 = arith.constant 0 : i32
    %c0_i32_1 = arith.constant 0 : i32
    return %c0_i32, %c0_i32_0 : i32, i32
  }
  func.func @transform_6(%arg0: i32) -> (i32, i32, i32) {
    %c0_i32 = arith.constant 0 : i32
    %c0_i32_0 = arith.constant 0 : i32
    %c0_i32_1 = arith.constant 0 : i32
    return %c0_i32, %arg0, %c0_i32_0 : i32, i32, i32
  }
}

module attributes {stable_mosaic.version = 14 : i64} {
  func.func @_xf_body(%arg0: i32, %arg1: memref<2000x256xf32, #tpu.memory_space<vmem>>, %arg2: memref<256x256xf32, #tpu.memory_space<vmem>>, %arg3: memref<2x2000x128xf32, #tpu.memory_space<vmem>>) attributes {dimension_semantics = [#tpu.dimension_semantics<arbitrary>], iteration_bounds = array<i64: 5>, scalar_prefetch = 0 : i64, scratch_operands = 0 : i64, tpu.core_type = #tpu.core_type<tc>, window_params = [{transform_indices = @transform_0, window_bounds = array<i64: 2000, 256>}, {pipeline_mode = #tpu.pipeline_mode<synchronous>, transform_indices = @transform_1, window_bounds = array<i64: 256, 256>}, {transform_indices = @transform_2, window_bounds = array<i64: 2, 2000, 128>}]} {
    %get3A = arith.constant 0 : index
    %get3A_0 = arith.constant 0 : index
    %get3A_1 = vector.load %arg1[%get3A, %get3A_0] : memref<2000x256xf32, #tpu.memory_space<vmem>>, vector<2000x256xf32>
    %get3A_2 = arith.constant 0 : index
    %get3A_3 = arith.constant 0 : index
    %get3A_4 = vector.load %arg2[%get3A_2, %get3A_3] : memref<256x256xf32, #tpu.memory_space<vmem>>, vector<256x256xf32>
    %dot_general3A = arith.constant dense<0.000000e+00> : vector<2000x256xf32>
    %dot_general3A_5 = tpu.matmul %get3A_1, %get3A_4, %dot_general3A {dimension_numbers = #tpu.dot_dimension_numbers<[1], [0], [0], [1], [0, 0, 1, 1], [], []>, transpose_lhs_hint = false} : vector<2000x256xf32>, vector<256x256xf32>, vector<2000x256xf32> -> vector<2000x256xf32>
    %slice3A = vector.extract_strided_slice %dot_general3A_5 {offsets = [0, 0], sizes = [2000, 128], strides = [1, 1]} : vector<2000x256xf32> to vector<2000x128xf32>
    %swap3A = arith.constant 0 : index
    %swap3A_6 = arith.constant 0 : index
    %swap3A_7 = arith.constant 0 : index
    %swap3A_8 = vector.load %arg3[%swap3A, %swap3A_6, %swap3A_7] : memref<2x2000x128xf32, #tpu.memory_space<vmem>>, vector<1x2000x128xf32>
    %swap3A_9 = vector.shape_cast %swap3A_8 : vector<1x2000x128xf32> to vector<2000x128xf32>
    %swap3A_10 = vector.shape_cast %slice3A : vector<2000x128xf32> to vector<1x2000x128xf32>
    tpu.vector_store %arg3[%swap3A, %swap3A_6, %swap3A_7], %swap3A_10 {strides = array<i32>} : memref<2x2000x128xf32, #tpu.memory_space<vmem>>, vector<1x2000x128xf32>,
    %slice3A_11 = vector.extract_strided_slice %dot_general3A_5 {offsets = [0, 128], sizes = [2000, 128], strides = [1, 1]} : vector<2000x256xf32> to vector<2000x128xf32>
    %swap3A_12 = arith.constant 1 : index
    %swap3A_13 = arith.constant 0 : index
    %swap3A_14 = arith.constant 0 : index
    %swap3A_15 = vector.load %arg3[%swap3A_12, %swap3A_13, %swap3A_14] : memref<2x2000x128xf32, #tpu.memory_space<vmem>>, vector<1x2000x128xf32>
    %swap3A_16 = vector.shape_cast %swap3A_15 : vector<1x2000x128xf32> to vector<2000x128xf32>
    %swap3A_17 = vector.shape_cast %slice3A_11 : vector<2000x128xf32> to vector<1x2000x128xf32>
    tpu.vector_store %arg3[%swap3A_12, %swap3A_13, %swap3A_14], %swap3A_17 {strides = array<i32>} : memref<2x2000x128xf32, #tpu.memory_space<vmem>>, vector<1x2000x128xf32>,
    return
  }
  func.func @transform_0(%arg0: i32) -> (i32, i32) {
    %c0_i32 = arith.constant 0 : i32
    %c0_i32_0 = arith.constant 0 : i32
    return %arg0, %c0_i32 : i32, i32
  }
  func.func @transform_1(%arg0: i32) -> (i32, i32) {
    %c0_i32 = arith.constant 0 : i32
    %c0_i32_0 = arith.constant 0 : i32
    %c0_i32_1 = arith.constant 0 : i32
    return %c0_i32, %c0_i32_0 : i32, i32
  }
  func.func @transform_2(%arg0: i32) -> (i32, i32, i32) {
    %c0_i32 = arith.constant 0 : i32
    %c0_i32_0 = arith.constant 0 : i32
    %c0_i32_1 = arith.constant 0 : i32
    return %c0_i32, %arg0, %c0_i32_0 : i32, i32, i32
  }
}

module attributes {stable_mosaic.version = 14 : i64} {
  func.func @_filt_body(%arg0: i32, %arg1: memref<64x1280xf32, #tpu.memory_space<vmem>>, %arg2: memref<1x1280xf32, #tpu.memory_space<vmem>>, %arg3: memref<256x64xf32, #tpu.memory_space<vmem>>, %arg4: memref<256x1xf32, #tpu.memory_space<vmem>>, %arg5: memref<256x256xf32, #tpu.memory_space<vmem>>, %arg6: memref<256x1xf32, #tpu.memory_space<vmem>>, %arg7: memref<2x1280x128xf32, #tpu.memory_space<vmem>>) attributes {dimension_semantics = [#tpu.dimension_semantics<arbitrary>], iteration_bounds = array<i64: 31>, scalar_prefetch = 0 : i64, scratch_operands = 0 : i64, tpu.core_type = #tpu.core_type<tc>, window_params = [{transform_indices = @transform_0, window_bounds = array<i64: 64, 1280>}, {transform_indices = @transform_1, window_bounds = array<i64: 1, 1280>}, {pipeline_mode = #tpu.pipeline_mode<synchronous>, transform_indices = @transform_2, window_bounds = array<i64: 256, 64>}, {pipeline_mode = #tpu.pipeline_mode<synchronous>, transform_indices = @transform_3, window_bounds = array<i64: 256, 1>}, {pipeline_mode = #tpu.pipeline_mode<synchronous>, transform_indices = @transform_4, window_bounds = array<i64: 256, 256>}, {pipeline_mode = #tpu.pipeline_mode<synchronous>, transform_indices = @transform_5, window_bounds = array<i64: 256, 1>}, {transform_indices = @transform_6, window_bounds = array<i64: 2, 1280, 128>}]} {
    %get3A = arith.constant 0 : index
    %get3A_0 = arith.constant 0 : index
    %get3A_1 = vector.load %arg3[%get3A, %get3A_0] : memref<256x64xf32, #tpu.memory_space<vmem>>, vector<256x64xf32>
    %get3A_2 = arith.constant 0 : index
    %get3A_3 = arith.constant 0 : index
    %get3A_4 = vector.load %arg1[%get3A_2, %get3A_3] : memref<64x1280xf32, #tpu.memory_space<vmem>>, vector<64x1280xf32>
    %dot_general3A = arith.constant dense<0.000000e+00> : vector<256x1280xf32>
    %dot_general3A_5 = tpu.matmul %get3A_1, %get3A_4, %dot_general3A {dimension_numbers = #tpu.dot_dimension_numbers<[1], [0], [0], [1], [0, 0, 1, 1], [], []>, transpose_lhs_hint = false} : vector<256x64xf32>, vector<64x1280xf32>, vector<256x1280xf32> -> vector<256x1280xf32>
    %get3A_6 = arith.constant 0 : index
    %get3A_7 = arith.constant 0 : index
    %get3A_8 = vector.load %arg4[%get3A_6, %get3A_7] : memref<256x1xf32, #tpu.memory_space<vmem>>, vector<256x1xf32>
    %add3A = vector.broadcast %get3A_8 : vector<256x1xf32> to vector<256x1280xf32>
    %add3A_9 = arith.addf %dot_general3A_5, %add3A : vector<256x1280xf32>
    %custom_jvp_call3A = arith.constant 0.000000e+00 : f32
    %max3A = vector.broadcast %custom_jvp_call3A : f32 to vector<256x1280xf32>
    %max3A_10 = arith.maximumf %add3A_9, %max3A : vector<256x1280xf32>
    %sub3A = vector.broadcast %custom_jvp_call3A : f32 to vector<256x1280xf32>
    %sub3A_11 = arith.subf %add3A_9, %sub3A : vector<256x1280xf32>
    %ne3A = arith.cmpf one, %sub3A_11, %sub3A_11 : vector<256x1280xf32>
    %add3A_12 = vector.broadcast %custom_jvp_call3A : f32 to vector<256x1280xf32>
    %add3A_13 = arith.addf %add3A_9, %add3A_12 : vector<256x1280xf32>
    %abs3A = math.absf %sub3A_11 : vector<256x1280xf32>
    %neg3A = arith.constant 0.000000e+00 : f32
    %neg3A_14 = vector.broadcast %neg3A : f32 to vector<256x1280xf32>
    %neg3A_15 = arith.subf %neg3A_14, %abs3A : vector<256x1280xf32>
    %exp3A = math.exp %neg3A_15 : vector<256x1280xf32>
    %log1p3A = math.log1p %exp3A : vector<256x1280xf32>
    %add3A_16 = arith.addf %max3A_10, %log1p3A : vector<256x1280xf32>
    %select_n3A = arith.select %ne3A, %add3A_13, %add3A_16 : vector<256x1280xi1>, vector<256x1280xf32>
    %log3A = arith.constant 2.000000e+00 : f32
    %log3A_17 = math.log %log3A : f32
    %sub3A_18 = vector.broadcast %log3A_17 : f32 to vector<256x1280xf32>
    %sub3A_19 = arith.subf %select_n3A, %sub3A_18 : vector<256x1280xf32>
    %get3A_20 = arith.constant 0 : index
    %get3A_21 = arith.constant 0 : index
    %get3A_22 = vector.load %arg5[%get3A_20, %get3A_21] : memref<256x256xf32, #tpu.memory_space<vmem>>, vector<256x256xf32>
    %dot_general3A_23 = arith.constant dense<0.000000e+00> : vector<256x1280xf32>
    %dot_general3A_24 = tpu.matmul %get3A_22, %sub3A_19, %dot_general3A_23 {dimension_numbers = #tpu.dot_dimension_numbers<[1], [0], [0], [1], [0, 0, 1, 1], [], []>, transpose_lhs_hint = false} : vector<256x256xf32>, vector<256x1280xf32>, vector<256x1280xf32> -> vector<256x1280xf32>
    %get3A_25 = arith.constant 0 : index
    %get3A_26 = arith.constant 0 : index
    %get3A_27 = vector.load %arg6[%get3A_25, %get3A_26] : memref<256x1xf32, #tpu.memory_space<vmem>>, vector<256x1xf32>
    %add3A_28 = vector.broadcast %get3A_27 : vector<256x1xf32> to vector<256x1280xf32>
    %add3A_29 = arith.addf %dot_general3A_24, %add3A_28 : vector<256x1280xf32>
    %get3A_30 = arith.constant 0 : index
    %get3A_31 = arith.constant 0 : index
    %get3A_32 = vector.load %arg2[%get3A_30, %get3A_31] : memref<1x1280xf32, #tpu.memory_space<vmem>>, vector<1x1280xf32>
    %mul3A = arith.constant 0.314159274 : f32
    %mul3A_33 = vector.broadcast %mul3A : f32 to vector<1x1280xf32>
    %mul3A_34 = arith.mulf %get3A_32, %mul3A_33 : vector<1x1280xf32>
    %cos3A = math.cos %mul3A_34 : vector<1x1280xf32>
    %add3A_35 = arith.constant 1.000000e+00 : f32
    %add3A_36 = vector.broadcast %add3A_35 : f32 to vector<1x1280xf32>
    %add3A_37 = arith.addf %cos3A, %add3A_36 : vector<1x1280xf32>
    %mul3A_38 = arith.constant 5.000000e-01 : f32
    %mul3A_39 = vector.broadcast %mul3A_38 : f32 to vector<1x1280xf32>
    %mul3A_40 = arith.mulf %mul3A_39, %add3A_37 : vector<1x1280xf32>
    %le3A = arith.constant 1.000000e+01 : f32
    %le3A_41 = vector.broadcast %le3A : f32 to vector<1x1280xf32>
    %le3A_42 = arith.cmpf ole, %get3A_32, %le3A_41 : vector<1x1280xf32>
    %convert_element_type3A = arith.extui %le3A_42 : vector<1x1280xi1> to vector<1x1280xi32>
    %convert_element_type3A_43 = arith.sitofp %convert_element_type3A : vector<1x1280xi32> to vector<1x1280xf32>
    %mul3A_44 = arith.mulf %mul3A_40, %convert_element_type3A_43 : vector<1x1280xf32>
    %ge3A = arith.constant 0.000000e+00 : f32
    %ge3A_45 = vector.broadcast %ge3A : f32 to vector<1x1280xf32>
    %ge3A_46 = arith.cmpf oge, %get3A_32, %ge3A_45 : vector<1x1280xf32>
    %convert_element_type3A_47 = arith.extui %ge3A_46 : vector<1x1280xi1> to vector<1x1280xi32>
    %convert_element_type3A_48 = arith.sitofp %convert_element_type3A_47 : vector<1x1280xi32> to vector<1x1280xf32>
    %mul3A_49 = arith.mulf %mul3A_44, %convert_element_type3A_48 : vector<1x1280xf32>
    %mul3A_50 = vector.broadcast %mul3A_49 : vector<1x1280xf32> to vector<256x1280xf32>
    %mul3A_51 = arith.mulf %add3A_29, %mul3A_50 : vector<256x1280xf32>
    %transpose3A = tpu.transpose %mul3A_51, [1, 0] : vector<256x1280xf32> -> vector<1280x256xf32>
    %slice3A = vector.extract_strided_slice %transpose3A {offsets = [0, 0], sizes = [1280, 128], strides = [1, 1]} : vector<1280x256xf32> to vector<1280x128xf32>
    %swap3A = arith.constant 0 : index
    %swap3A_52 = arith.constant 0 : index
    %swap3A_53 = arith.constant 0 : index
    %swap3A_54 = vector.load %arg7[%swap3A, %swap3A_52, %swap3A_53] : memref<2x1280x128xf32, #tpu.memory_space<vmem>>, vector<1x1280x128xf32>
    %swap3A_55 = vector.shape_cast %swap3A_54 : vector<1x1280x128xf32> to vector<1280x128xf32>
    %swap3A_56 = vector.shape_cast %slice3A : vector<1280x128xf32> to vector<1x1280x128xf32>
    tpu.vector_store %arg7[%swap3A, %swap3A_52, %swap3A_53], %swap3A_56 {strides = array<i32>} : memref<2x1280x128xf32, #tpu.memory_space<vmem>>, vector<1x1280x128xf32>,
    %slice3A_57 = vector.extract_strided_slice %transpose3A {offsets = [0, 128], sizes = [1280, 128], strides = [1, 1]} : vector<1280x256xf32> to vector<1280x128xf32>
    %swap3A_58 = arith.constant 1 : index
    %swap3A_59 = arith.constant 0 : index
    %swap3A_60 = arith.constant 0 : index
    %swap3A_61 = vector.load %arg7[%swap3A_58, %swap3A_59, %swap3A_60] : memref<2x1280x128xf32, #tpu.memory_space<vmem>>, vector<1x1280x128xf32>
    %swap3A_62 = vector.shape_cast %swap3A_61 : vector<1x1280x128xf32> to vector<1280x128xf32>
    %swap3A_63 = vector.shape_cast %slice3A_57 : vector<1280x128xf32> to vector<1x1280x128xf32>
    tpu.vector_store %arg7[%swap3A_58, %swap3A_59, %swap3A_60], %swap3A_63 {strides = array<i32>} : memref<2x1280x128xf32, #tpu.memory_space<vmem>>, vector<1x1280x128xf32>,
    return
  }
  func.func @transform_0(%arg0: i32) -> (i32, i32) {
    %c0_i32 = arith.constant 0 : i32
    %c0_i32_0 = arith.constant 0 : i32
    return %c0_i32, %arg0 : i32, i32
  }
  func.func @transform_1(%arg0: i32) -> (i32, i32) {
    %c0_i32 = arith.constant 0 : i32
    %c0_i32_0 = arith.constant 0 : i32
    return %c0_i32, %arg0 : i32, i32
  }
  func.func @transform_2(%arg0: i32) -> (i32, i32) {
    %c0_i32 = arith.constant 0 : i32
    %c0_i32_0 = arith.constant 0 : i32
    %c0_i32_1 = arith.constant 0 : i32
    return %c0_i32, %c0_i32_0 : i32, i32
  }
  func.func @transform_3(%arg0: i32) -> (i32, i32) {
    %c0_i32 = arith.constant 0 : i32
    %c0_i32_0 = arith.constant 0 : i32
    %c0_i32_1 = arith.constant 0 : i32
    return %c0_i32, %c0_i32_0 : i32, i32
  }
  func.func @transform_4(%arg0: i32) -> (i32, i32) {
    %c0_i32 = arith.constant 0 : i32
    %c0_i32_0 = arith.constant 0 : i32
    %c0_i32_1 = arith.constant 0 : i32
    return %c0_i32, %c0_i32_0 : i32, i32
  }
  func.func @transform_5(%arg0: i32) -> (i32, i32) {
    %c0_i32 = arith.constant 0 : i32
    %c0_i32_0 = arith.constant 0 : i32
    %c0_i32_1 = arith.constant 0 : i32
    return %c0_i32, %c0_i32_0 : i32, i32
  }
  func.func @transform_6(%arg0: i32) -> (i32, i32, i32) {
    %c0_i32 = arith.constant 0 : i32
    %c0_i32_0 = arith.constant 0 : i32
    %c0_i32_1 = arith.constant 0 : i32
    return %c0_i32, %arg0, %c0_i32_0 : i32, i32, i32
  }
}

module attributes {stable_mosaic.version = 14 : i64} {
  func.func @_out_body(%arg0: i32, %arg1: memref<2x2000x128xf32, #tpu.memory_space<vmem>>, %arg2: memref<2x2000x128xf32, #tpu.memory_space<vmem>>, %arg3: memref<2x2000x128xf32, #tpu.memory_space<vmem>>, %arg4: memref<2x2000x128xf32, #tpu.memory_space<vmem>>, %arg5: memref<256x256xf32, #tpu.memory_space<vmem>>, %arg6: memref<1x256xf32, #tpu.memory_space<vmem>>, %arg7: memref<256x256xf32, #tpu.memory_space<vmem>>, %arg8: memref<1x256xf32, #tpu.memory_space<vmem>>, %arg9: memref<2000x256xf32, #tpu.memory_space<vmem>>) attributes {dimension_semantics = [#tpu.dimension_semantics<arbitrary>], iteration_bounds = array<i64: 5>, scalar_prefetch = 0 : i64, scratch_operands = 0 : i64, tpu.core_type = #tpu.core_type<tc>, window_params = [{transform_indices = @transform_0, window_bounds = array<i64: 2, 2000, 128>}, {transform_indices = @transform_1, window_bounds = array<i64: 2, 2000, 128>}, {transform_indices = @transform_2, window_bounds = array<i64: 2, 2000, 128>}, {transform_indices = @transform_3, window_bounds = array<i64: 2, 2000, 128>}, {pipeline_mode = #tpu.pipeline_mode<synchronous>, transform_indices = @transform_4, window_bounds = array<i64: 256, 256>}, {pipeline_mode = #tpu.pipeline_mode<synchronous>, transform_indices = @transform_5, window_bounds = array<i64: 1, 256>}, {pipeline_mode = #tpu.pipeline_mode<synchronous>, transform_indices = @transform_6, window_bounds = array<i64: 256, 256>}, {pipeline_mode = #tpu.pipeline_mode<synchronous>, transform_indices = @transform_7, window_bounds = array<i64: 1, 256>}, {transform_indices = @transform_8, window_bounds = array<i64: 2000, 256>}]} {
    %get3A = arith.constant 0 : index
    %get3A_0 = arith.constant 0 : index
    %get3A_1 = arith.constant 0 : index
    %get3A_2 = vector.load %arg1[%get3A, %get3A_0, %get3A_1] : memref<2x2000x128xf32, #tpu.memory_space<vmem>>, vector<1x2000x128xf32>
    %get3A_3 = vector.shape_cast %get3A_2 : vector<1x2000x128xf32> to vector<2000x128xf32>
    %get3A_4 = arith.constant 1 : index
    %get3A_5 = arith.constant 0 : index
    %get3A_6 = arith.constant 0 : index
    %get3A_7 = vector.load %arg1[%get3A_4, %get3A_5, %get3A_6] : memref<2x2000x128xf32, #tpu.memory_space<vmem>>, vector<1x2000x128xf32>
    %get3A_8 = vector.shape_cast %get3A_7 : vector<1x2000x128xf32> to vector<2000x128xf32>
    %get3A_9 = arith.constant 0 : index
    %get3A_10 = arith.constant 0 : index
    %get3A_11 = arith.constant 0 : index
    %get3A_12 = vector.load %arg2[%get3A_9, %get3A_10, %get3A_11] : memref<2x2000x128xf32, #tpu.memory_space<vmem>>, vector<1x2000x128xf32>
    %get3A_13 = vector.shape_cast %get3A_12 : vector<1x2000x128xf32> to vector<2000x128xf32>
    %add3A = arith.addf %get3A_3, %get3A_13 : vector<2000x128xf32>
    %get3A_14 = arith.constant 1 : index
    %get3A_15 = arith.constant 0 : index
    %get3A_16 = arith.constant 0 : index
    %get3A_17 = vector.load %arg2[%get3A_14, %get3A_15, %get3A_16] : memref<2x2000x128xf32, #tpu.memory_space<vmem>>, vector<1x2000x128xf32>
    %get3A_18 = vector.shape_cast %get3A_17 : vector<1x2000x128xf32> to vector<2000x128xf32>
    %add3A_19 = arith.addf %get3A_8, %get3A_18 : vector<2000x128xf32>
    %get3A_20 = arith.constant 0 : index
    %get3A_21 = arith.constant 0 : index
    %get3A_22 = arith.constant 0 : index
    %get3A_23 = vector.load %arg3[%get3A_20, %get3A_21, %get3A_22] : memref<2x2000x128xf32, #tpu.memory_space<vmem>>, vector<1x2000x128xf32>
    %get3A_24 = vector.shape_cast %get3A_23 : vector<1x2000x128xf32> to vector<2000x128xf32>
    %add3A_25 = arith.addf %add3A, %get3A_24 : vector<2000x128xf32>
    %get3A_26 = arith.constant 1 : index
    %get3A_27 = arith.constant 0 : index
    %get3A_28 = arith.constant 0 : index
    %get3A_29 = vector.load %arg3[%get3A_26, %get3A_27, %get3A_28] : memref<2x2000x128xf32, #tpu.memory_space<vmem>>, vector<1x2000x128xf32>
    %get3A_30 = vector.shape_cast %get3A_29 : vector<1x2000x128xf32> to vector<2000x128xf32>
    %add3A_31 = arith.addf %add3A_19, %get3A_30 : vector<2000x128xf32>
    %get3A_32 = arith.constant 0 : index
    %get3A_33 = arith.constant 0 : index
    %get3A_34 = arith.constant 0 : index
    %get3A_35 = vector.load %arg4[%get3A_32, %get3A_33, %get3A_34] : memref<2x2000x128xf32, #tpu.memory_space<vmem>>, vector<1x2000x128xf32>
    %get3A_36 = vector.shape_cast %get3A_35 : vector<1x2000x128xf32> to vector<2000x128xf32>
    %add3A_37 = arith.addf %add3A_25, %get3A_36 : vector<2000x128xf32>
    %get3A_38 = arith.constant 1 : index
    %get3A_39 = arith.constant 0 : index
    %get3A_40 = arith.constant 0 : index
    %get3A_41 = vector.load %arg4[%get3A_38, %get3A_39, %get3A_40] : memref<2x2000x128xf32, #tpu.memory_space<vmem>>, vector<1x2000x128xf32>
    %get3A_42 = vector.shape_cast %get3A_41 : vector<1x2000x128xf32> to vector<2000x128xf32>
    %add3A_43 = arith.addf %add3A_31, %get3A_42 : vector<2000x128xf32>
    %get3A_44 = arith.constant 0 : index
    %get3A_45 = arith.constant 0 : index
    %get3A_46 = vector.load %arg5[%get3A_44, %get3A_45] : memref<256x256xf32, #tpu.memory_space<vmem>>, vector<128x256xf32>
    %dot_general3A = arith.constant dense<0.000000e+00> : vector<2000x256xf32>
    %dot_general3A_47 = tpu.matmul %add3A_37, %get3A_46, %dot_general3A {dimension_numbers = #tpu.dot_dimension_numbers<[1], [0], [0], [1], [0, 0, 1, 1], [], []>, transpose_lhs_hint = false} : vector<2000x128xf32>, vector<128x256xf32>, vector<2000x256xf32> -> vector<2000x256xf32>
    %get3A_48 = arith.constant 128 : index
    %get3A_49 = arith.constant 0 : index
    %get3A_50 = vector.load %arg5[%get3A_48, %get3A_49] : memref<256x256xf32, #tpu.memory_space<vmem>>, vector<128x256xf32>
    %dot_general3A_51 = arith.constant dense<0.000000e+00> : vector<2000x256xf32>
    %dot_general3A_52 = tpu.matmul %add3A_43, %get3A_50, %dot_general3A_51 {dimension_numbers = #tpu.dot_dimension_numbers<[1], [0], [0], [1], [0, 0, 1, 1], [], []>, transpose_lhs_hint = false} : vector<2000x128xf32>, vector<128x256xf32>, vector<2000x256xf32> -> vector<2000x256xf32>
    %add3A_53 = arith.addf %dot_general3A_47, %dot_general3A_52 : vector<2000x256xf32>
    %get3A_54 = arith.constant 0 : index
    %get3A_55 = arith.constant 0 : index
    %get3A_56 = vector.load %arg6[%get3A_54, %get3A_55] : memref<1x256xf32, #tpu.memory_space<vmem>>, vector<1x256xf32>
    %add3A_57 = vector.broadcast %get3A_56 : vector<1x256xf32> to vector<2000x256xf32>
    %add3A_58 = arith.addf %add3A_53, %add3A_57 : vector<2000x256xf32>
    %custom_jvp_call3A = arith.constant 0.000000e+00 : f32
    %max3A = vector.broadcast %custom_jvp_call3A : f32 to vector<2000x256xf32>
    %max3A_59 = arith.maximumf %add3A_58, %max3A : vector<2000x256xf32>
    %sub3A = vector.broadcast %custom_jvp_call3A : f32 to vector<2000x256xf32>
    %sub3A_60 = arith.subf %add3A_58, %sub3A : vector<2000x256xf32>
    %ne3A = arith.cmpf one, %sub3A_60, %sub3A_60 : vector<2000x256xf32>
    %add3A_61 = vector.broadcast %custom_jvp_call3A : f32 to vector<2000x256xf32>
    %add3A_62 = arith.addf %add3A_58, %add3A_61 : vector<2000x256xf32>
    %abs3A = math.absf %sub3A_60 : vector<2000x256xf32>
    %neg3A = arith.constant 0.000000e+00 : f32
    %neg3A_63 = vector.broadcast %neg3A : f32 to vector<2000x256xf32>
    %neg3A_64 = arith.subf %neg3A_63, %abs3A : vector<2000x256xf32>
    %exp3A = math.exp %neg3A_64 : vector<2000x256xf32>
    %log1p3A = math.log1p %exp3A : vector<2000x256xf32>
    %add3A_65 = arith.addf %max3A_59, %log1p3A : vector<2000x256xf32>
    %select_n3A = arith.select %ne3A, %add3A_62, %add3A_65 : vector<2000x256xi1>, vector<2000x256xf32>
    %log3A = arith.constant 2.000000e+00 : f32
    %log3A_66 = math.log %log3A : f32
    %sub3A_67 = vector.broadcast %log3A_66 : f32 to vector<2000x256xf32>
    %sub3A_68 = arith.subf %select_n3A, %sub3A_67 : vector<2000x256xf32>
    %get3A_69 = arith.constant 0 : index
    %get3A_70 = arith.constant 0 : index
    %get3A_71 = vector.load %arg7[%get3A_69, %get3A_70] : memref<256x256xf32, #tpu.memory_space<vmem>>, vector<256x256xf32>
    %dot_general3A_72 = arith.constant dense<0.000000e+00> : vector<2000x256xf32>
    %dot_general3A_73 = tpu.matmul %sub3A_68, %get3A_71, %dot_general3A_72 {dimension_numbers = #tpu.dot_dimension_numbers<[1], [0], [0], [1], [0, 0, 1, 1], [], []>, transpose_lhs_hint = false} : vector<2000x256xf32>, vector<256x256xf32>, vector<2000x256xf32> -> vector<2000x256xf32>
    %get3A_74 = arith.constant 0 : index
    %get3A_75 = arith.constant 0 : index
    %get3A_76 = vector.load %arg8[%get3A_74, %get3A_75] : memref<1x256xf32, #tpu.memory_space<vmem>>, vector<1x256xf32>
    %add3A_77 = vector.broadcast %get3A_76 : vector<1x256xf32> to vector<2000x256xf32>
    %add3A_78 = arith.addf %dot_general3A_73, %add3A_77 : vector<2000x256xf32>
    %swap3A = arith.constant 0 : index
    %swap3A_79 = arith.constant 0 : index
    %swap3A_80 = vector.load %arg9[%swap3A, %swap3A_79] : memref<2000x256xf32, #tpu.memory_space<vmem>>, vector<2000x256xf32>
    tpu.vector_store %arg9[%swap3A, %swap3A_79], %add3A_78 {strides = array<i32>} : memref<2000x256xf32, #tpu.memory_space<vmem>>, vector<2000x256xf32>,
    return
  }
  func.func @transform_0(%arg0: i32) -> (i32, i32, i32) {
    %c0_i32 = arith.constant 0 : i32
    %c0_i32_0 = arith.constant 0 : i32
    %c0_i32_1 = arith.constant 0 : i32
    return %c0_i32, %arg0, %c0_i32_0 : i32, i32, i32
  }
  func.func @transform_1(%arg0: i32) -> (i32, i32, i32) {
    %c0_i32 = arith.constant 0 : i32
    %c0_i32_0 = arith.constant 0 : i32
    %c0_i32_1 = arith.constant 0 : i32
    return %c0_i32, %arg0, %c0_i32_0 : i32, i32, i32
  }
  func.func @transform_2(%arg0: i32) -> (i32, i32, i32) {
    %c0_i32 = arith.constant 0 : i32
    %c0_i32_0 = arith.constant 0 : i32
    %c0_i32_1 = arith.constant 0 : i32
    return %c0_i32, %arg0, %c0_i32_0 : i32, i32, i32
  }
  func.func @transform_3(%arg0: i32) -> (i32, i32, i32) {
    %c0_i32 = arith.constant 0 : i32
    %c0_i32_0 = arith.constant 0 : i32
    %c0_i32_1 = arith.constant 0 : i32
    return %c0_i32, %arg0, %c0_i32_0 : i32, i32, i32
  }
  func.func @transform_4(%arg0: i32) -> (i32, i32) {
    %c0_i32 = arith.constant 0 : i32
    %c0_i32_0 = arith.constant 0 : i32
    %c0_i32_1 = arith.constant 0 : i32
    return %c0_i32, %c0_i32_0 : i32, i32
  }
  func.func @transform_5(%arg0: i32) -> (i32, i32) {
    %c0_i32 = arith.constant 0 : i32
    %c0_i32_0 = arith.constant 0 : i32
    %c0_i32_1 = arith.constant 0 : i32
    return %c0_i32, %c0_i32_0 : i32, i32
  }
  func.func @transform_6(%arg0: i32) -> (i32, i32) {
    %c0_i32 = arith.constant 0 : i32
    %c0_i32_0 = arith.constant 0 : i32
    %c0_i32_1 = arith.constant 0 : i32
    return %c0_i32, %c0_i32_0 : i32, i32
  }
  func.func @transform_7(%arg0: i32) -> (i32, i32) {
    %c0_i32 = arith.constant 0 : i32
    %c0_i32_0 = arith.constant 0 : i32
    %c0_i32_1 = arith.constant 0 : i32
    return %c0_i32, %c0_i32_0 : i32, i32
  }
  func.func @transform_8(%arg0: i32) -> (i32, i32) {
    %c0_i32 = arith.constant 0 : i32
    %c0_i32_0 = arith.constant 0 : i32
    return %arg0, %c0_i32 : i32, i32
  }
}

</mosaic_0001>

<sc_bundles>
// kernel: kernel.12.cloned.1.call-start
scs
__scs_entry_jumppad:
0x0: {  	(pc) =	sbr.rel $0x88, $3  }
0x1: {  	(tag) =	ssettag $0x0;
	lr =	simm.s32 $0x1  }
0x2: {  	[smem:$0x3F94] =	sst lr;
	_ =	strace $0xD0000000  }
0x3: {  	_ = 	snop  }
0x4: {  	_ = 	snop  }
0x5: {  	_ = 	snop  }
0x6: {  	_ = 	snop  }
0x7: {  	_ = 	snop  }
__scs_overlays_trampoline_lowered:
0x8: {  	[smem:$0x3FA3] =	sst s0  }
0x9: {  	[smem:$0x3FA4] =	sst s1  }
0xa: {  	[smem:$0x3FA5] =	sst s2  }
0xb: {  	[smem:$0x3FA6] =	sst s3  }
0xc: {  	[smem:$0x3FA7] =	sst s4  }
0xd: {  	[smem:$0x3FA8] =	sst s5  }
0xe: {  	[smem:$0x3FA9] =	sst s6  }
0xf: {  	[smem:$0x3FAA] =	sst s7  }
0x10: {  	[smem:$0x3FAB] =	sst s8  }
0x11: {  	[smem:$0x3FAC] =	sst s9;
	s0 =	simm.s32 @!p0 $0x0  }
0x12: {  	s1 =	sld [smem:$0x3F92];
	s0 =	simm.s32 @p0 $0x1  }
0x13: {  	[smem:$0x3FAD] =	sst s0;
	s0 =	simm.s32 @!p1 $0x0  }
0x14: {  	s2 =	sld [smem:$0x3F91];
	s0 =	simm.s32 @p1 $0x1  }
0x15: {  	[smem:$0x3FAE] =	sst s0;
	s0 =	simm.s32 @!p2 $0x0  }
0x16: {  	s3 =	sld [smem:$0x3FDB];
	s0 =	simm.s32 @p2 $0x1  }
0x17: {  	s4 =	simm.s32 $0x1BF5;
	[smem:$0x3FB0] =	sst s0  }
0x18: {  	s0 =	sld [smem:$0x3F93];
	_ =	swait.ge [sflag:s4], $0x0  }
0x19: {  	s7 =	sld [smem:$0x3F94]  }
0x1a: {  	s8 =	sadd.s32 $0xFFFFE003, lr  }
0x1b: {  	s9 =	sadd.s32 $0xFFFFFEF7, lr;
	s5 =	simm.s32 $0xFFFFFFFF;
	p2 =	slt.u32 s8, $0xFFFFF086  }
0x1c: {  	p1 =	slt.u32 s9, $0xF7A;
	s5 =	simm.s32 @!p2 $0x0  }
0x1d: {  	s5 =	simm.s32 @p1 $0x1;
	p0 =	seq.s32 s7, s2  }
0x1e: {  	s7 =	smul.u32 @!p0 $0xF7A, s2;
	p2 =	seq.s32 @!p0 s5, $0x0  }
0x1f: {  	s9 =	smul.u32 $0xF7A, s1;
	s8 =	simm.s32 @!p0 $0x1BF5;
	p2 =	por !p2, p0  }
0x20: {  	[sflag:s8] =	ssyncset.s32 @!p0 $0xFFFFF086;
	s6 =	sadd.s32 @!p0 s3, s7;
	s7 =	simm.s32 @!p0 $0x108  }
0x21: {  	s3 =	sadd.s32 s3, s9;
	s6 =	sadd.s32 @!p0 $0x88, s6;
	s7 =	simm.s32 @p2 $0x1082  }
0x22: {  	[simem:s7], [sflag:s8] =	dma.local @!p0 [hbm:s6], $0xF7A  }
0x23: {  	s9 =	sor.u32 $0xD0000000, s2;
	s6 =	simm.s32 $0x108;
	_ =	swait.ge @!p0 [sflag:s8], $0x0  }
0x24: {  	s3 =	sadd.s32 $0x88, s3;
	s6 =	simm.s32 @!p1 $0x1082;
	[sflag:s4] =	ssyncset.s32 $0xFFFFF086  }
0x25: {  	[simem:s6], [sflag:s4] =	dma.local [hbm:s3], $0xF7A  }
0x26: {  	[smem:$0x3F94] =	sst s1;
	(tag) =	ssettag s2;
	_ =	strace s9  }
0x27: {  	s1 =	sld [smem:$0x3FA4]  }
0x28: {  	s2 =	sld [smem:$0x3FA5]  }
0x29: {  	s4 =	sld [smem:$0x3FA7]  }
0x2a: {  	p0 =	seq.s32 s5, $0x0;
	s5 =	sld [smem:$0x3FA8]  }
0x2b: {  	s6 =	sld [smem:$0x3FA9]  }
0x2c: {  	s7 =	sld [smem:$0x3FAA]  }
0x2d: {  	s3 =	simm.s32 $0x108;
	s8 =	sld [smem:$0x3FAB]  }
0x2e: {  	s3 =	simm.s32 @!p0 $0x1082;
	s9 =	sld [smem:$0x3FAC]  }
0x2f: {  	lr =	sadd.s32 s0, s3;
	s0 =	sld [smem:$0x3FA3]  }
0x30: {  	s3 =	sld [smem:$0x3FA6]  }
0x31: {  	[smem:$0x3FAF] =	sst s10  }
0x32: {  	s10 =	sld [smem:$0x3FAD];
	_ =	sdelay $0x3  }
0x33: {  	p0 =	seq.s32 s10, $0x1;
	s10 =	sld [smem:$0x3FAF];
	_ =	sdelay $0x3  }
0x34: {  	[smem:$0x3FAF] =	sst s10  }
0x35: {  	s10 =	sld [smem:$0x3FAE];
	_ =	sdelay $0x3  }
0x36: {  	p1 =	seq.s32 s10, $0x1;
	s10 =	sld [smem:$0x3FAF];
	_ =	sdelay $0x3  }
0x37: {  	[smem:$0x3FAF] =	sst s10  }
0x38: {  	s10 =	sld [smem:$0x3FB0]  }
0x39: {  	_ = 	snop;
	(pc) =	sbr.ind lr, $3  }
0x3a: {  	_ = 	snop  }
0x3b: {  	_ = 	snop  }
0x3c: {  	p2 =	seq.s32 s10, $0x1;
	s10 =	sld [smem:$0x3FAF]  }
0x3d: {  	_ =	shalt  }
0x3e: {  	_ =	shalt  }
0x3f: {  	_ =	shalt  }
0x40: {  	_ =	shalt  }
0x41: {  	_ =	shalt  }
0x42: {  	_ =	shalt  }
0x43: {  	_ =	shalt  }
0x44: {  	_ =	shalt  }
0x45: {  	_ =	shalt  }
0x46: {  	_ =	shalt  }
0x47: {  	_ =	shalt  }
0x48: {  	_ =	shalt  }
0x49: {  	_ =	shalt  }
0x4a: {  	_ =	shalt  }
0x4b: {  	_ =	shalt  }
0x4c: {  	_ =	shalt  }
0x4d: {  	_ =	shalt  }
0x4e: {  	_ =	shalt  }
0x4f: {  	_ =	shalt  }
0x50: {  	_ =	shalt  }
0x51: {  	_ =	shalt  }
0x52: {  	_ =	shalt  }
0x53: {  	_ =	shalt  }
0x54: {  	_ =	shalt  }
0x55: {  	_ =	shalt  }
0x56: {  	_ =	shalt  }
0x57: {  	_ =	shalt  }
0x58: {  	_ =	shalt  }
0x59: {  	_ =	shalt  }
0x5a: {  	_ =	shalt  }
0x5b: {  	_ =	shalt  }
0x5c: {  	_ =	shalt  }
0x5d: {  	_ =	shalt  }
0x5e: {  	_ =	shalt  }
0x5f: {  	_ =	shalt  }
0x60: {  	_ =	shalt  }
0x61: {  	_ =	shalt  }
0x62: {  	_ =	shalt  }
0x63: {  	_ =	shalt  }
0x64: {  	_ =	shalt  }
0x65: {  	_ =	shalt  }
0x66: {  	_ =	shalt  }
0x67: {  	_ =	shalt  }
0x68: {  	_ =	shalt  }
0x69: {  	_ =	shalt  }
0x6a: {  	_ =	shalt  }
0x6b: {  	_ =	shalt  }
0x6c: {  	_ =	shalt  }
0x6d: {  	_ =	shalt  }
0x6e: {  	_ =	shalt  }
0x6f: {  	_ =	shalt  }
0x70: {  	_ =	shalt  }
0x71: {  	_ =	shalt  }
0x72: {  	_ =	shalt  }
0x73: {  	_ =	shalt  }
0x74: {  	_ =	shalt  }
0x75: {  	_ =	shalt  }
0x76: {  	_ =	shalt  }
0x77: {  	_ =	shalt  }
0x78: {  	_ =	shalt  }
0x79: {  	_ =	shalt  }
0x7a: {  	_ =	shalt  }
0x7b: {  	_ =	shalt  }
0x7c: {  	_ =	shalt  }
0x7d: {  	_ =	shalt  }
0x7e: {  	_ =	shalt  }
0x7f: {  	_ =	shalt  }
0x80: {  	_ =	shalt  }
0x81: {  	_ =	shalt  }
0x82: {  	_ =	shalt  }
0x83: {  	_ =	shalt  }
0x84: {  	_ =	shalt  }
0x85: {  	_ =	shalt  }
0x86: {  	_ =	shalt  }
0x87: {  	_ =	shalt  }
.Lfunc_end0:
.L_simem_size_0:
called_computation_lowered:
.L_overlay_start_0:
0x88: {  	s2 =	sld [smem:$0x3FD9]  }
0x89: {  	s3 =	sld [smem:$0x3FFE];
	_ =	sdelay $0x1  }
0x8a: {  	s1 =	srdreg.scid  }
0x8b: {  	s0 =	sand.u32 $0x1, s1  }
0x8c: {  	s17 =	sshll.u32 s0, $0xA;
	s2 =	sadd.s32 s3, s2  }
0x8d: {  	s2 =	sadd.s32 s2, s17  }
0x8e: {  	[smem:$0x3FBB] =	sst s2  }
0x8f: {  	_ = 	snop  }
0x90: {  	s2 =	sld [smem:$0x3FD0];
	(tm) =	ssettm $0x1  }
0x91: {  	s18 =	sld [smem:$0x3FFB];
	_ =	sdelay $0x3  }
0x92: {  	_ =	strace s18  }
0x93: {  	s3 =	sld [smem:$0x3FFC];
	_ =	sdelay $0x3  }
0x94: {  	_ =	strace s3  }
0x95: {  	s3 =	sld [smem:$0x3FFD];
	_ =	sdelay $0x3  }
0x96: {  	_ =	strace s3  }
0x97: {  	_ =	strace $0x8FFFFFFF  }
0x98: {  	s19 =	sld [smem:$0x3FDB];
	_ =	sdelay $0x1  }
0x99: {  	s4 =	simm.s32 $_scs_section_size  }
0x9a: {  	s5 =	simm.s32 $_size__tile_overlayer_lowered;
	s6 =	simm.s32 $_tile_overlayer_lowered  }
0x9b: {  	s22 =	simm.s32 $0x1BFF;
	s21 =	sshll.u32 s6, $0x1;
	s3 =	sadd.s32 s4, s19  }
0x9c: {  	s7 =	simm.s32 $0x0;
	s20 =	sshll.u32 s5, $0x1;
	s5 =	sadd.s32 s21, s3  }
0x9d: {  	[timem:s7], [sflag:s22] =	dma.local [hbm:s5], s20  }
0x9e: {  	_ =	swait.ge [sflag:s22], s20  }
0x9f: {  	s4 =	ssub.s32 $0x0, s20;
	[sflag:s22] =	ssyncset.done $0x0  }
0xa0: {  	[sflag:s22] =	ssyncadd.s32 s4;
	_ =	sdelay $0x1  }
0xa1: {  	s23 =	simm.s32 $0x1B8B  }
0xa2: {  	_ =	swait.ge [sflag:s23], $0x1  }
0xa3: {  	[sflag:s23] =	ssyncset.done $0x0  }
0xa4: {  	s25 =	simm.s32 $0x1B8E;
	s24 =	sld [smem:$0x3FFE];
	[sflag:s23] =	ssyncadd.s32 $0xFFFFFFFF  }
0xa5: {  	s26 =	simm.s32 $execute0_lowered;
	[smem:$0x3FD2] =	sst s25  }
0xa6: {  	s5 =	sshll.u32 s26, $0x1;
	_ =	strace $0x80000046;
	[dreg:$0x1] =	wrdreg $0xFFFFFFFF  }
0xa7: {  	s28 =	simm.s32 $_size_execute0_lowered;
	s3 =	sadd.s32 s3, s5;
	[dreg:$0x0] =	wrdreg $0x0  }
0xa8: {  	s5 =	sshll.u32 s28, $0x1;
	[dreg:$0x2] =	wrdreg s3  }
0xa9: {  	[dreg:$0x3] =	wrdreg s5  }
0xaa: {  	[dreg:$0x4] =	wrdreg $0xC0  }
0xab: {  	_ =	task [dreg:s7], $0x5FFFF  }
0xac: {  	[dreg:$0x1] =	wrdreg $0xFFFFFFFF  }
0xad: {  	[dreg:$0x0] =	wrdreg $0x60  }
0xae: {  	[dreg:$0x2] =	wrdreg s2  }
0xaf: {  	[dreg:$0x3] =	wrdreg s24  }
0xb0: {  	[dreg:$0x4] =	wrdreg $0x83000  }
0xb1: {  	[dreg:$0x5] =	wrdreg $0x9  }
0xb2: {  	_ =	task.clear_ibuf [dreg:s7], $0x6FFFF;
	_ =	strace $0x90000046  }
0xb3: {  	s29 =	simm.s32 $0x9;
	_ =	strace $0x80000048  }
0xb4: {  	_ =	swait.ge [sflag:s29], $0x1  }
0xb5: {  	[sflag:s29] =	ssyncadd.s32 $0xFFFFFFFF  }
0xb6: {  	_ =	strace $0x90000048  }
0xb7: {  	_ =	sfence  }
0xb8: {  	s30 =	sld [smem:$0x0];
	_ =	sdelay $0x2  }
0xb9: {  	s31 =	sshll.u32 s1, $0xD;
	s1 =	sshrl.u32 s1, $0x2  }
0xba: {  	s3 =	sand.u32 $0x4000, s31;
	s1 =	sadd.s32 s1, s30  }
0xbb: {  	s0 =	sor.u32 s3, s0;
	s1 =	sshll.u32 s1, $0x11  }
0xbc: {  	s0 =	sor.u32 s1, s0  }
0xbd: {  	s0 =	sadd.s32 $0x8F2B, s0  }
0xbe: {  	[sflag:s0] =	ssyncadd.remote.s32 $0x1  }
0xbf: {  	_ =	sfence.sel $0xFFFF  }
0xc0: {  	[dreg:$0x0] =	wrdreg $0xFFFFFFFF;
	(pc) =	sbr.abs _section_cstart, $3  }
0xc1: {  	[dreg:$0x1] =	wrdreg $0xFFFFFFFF  }
0xc2: {  	_ =	task.clear_ibuf [dreg:s7], $0x2FFFF;
	_ =	strace $0x9FFFFFFF  }
0xc3: {  	(tm) =	ssettm $0x7FFFFFFF  }
tec
execute0_lowered:
.L_overlay_start_1:
0x0: {  	(tag) =	ssettag $0x1  }
0x1: {  	s1 =	rddreg [dreg:$0x0];
	s0 =	srdreg.scid  }
0x2: {  	s2 =	rddreg [dreg:$0x1];
	s7 =	stileid.u32  }
0x3: {  	s3 =	rddreg [dreg:$0x2];
	s5 =	simm.s32 $0x0;
	s4 =	smul.u32 $0xA00, s7  }
0x4: {  	s28 =	simm.s32 $0x6;
	s0 =	sand.u32 $0x1, s0;
	s9 =	smul.u32 $0x2780, s7  }
0x5: {  	s29 =	simm.s32 $0x2;
	s30 =	simm.s32 $0x3;
	s6 =	smul.u32 $0xA000, s0  }
0x6: {  	s31 =	simm.s32 $0x5;
	s13 =	simm.s32 $0x0;
	s11 =	smul.u32 $0x4F000, s7  }
0x7: {  	[smem:$0x7FF] =	sst s5;
	s10 =	smul.u32 $0x27800, s0;
	s6 =	sadd.s32 s4, s6  }
0x8: {  	s7 =	sadd.s32 $0x7400, s2;
	s15 =	sshrl.u32 s11, $0x2;
	s8 =	sshrl.u32 s6, $0x3  }
0x9: {  	s9 =	sadd.s32 s9, s10;
	s12 =	sadd.s32 s8, s2;
	s8 =	sadd.s32 $0x3800, s2  }
0xa: {  	s2 =	sadd.s32 s9, s2;
	s9 =	sadd.s32 s15, s3;
	s17 =	sadd.s32 $0x4C00, s12  }
0xb: {  	_ =	strace $0x80000047;
	s18 =	sadd.s32 $0x2800, s9;
	[dreg:$0x4] =	wrdreg s17  }
0xc: {  	s0 =	ssub.s32 $0x2, s0;
	s19 =	sadd.s32 $0x5000, s9;
	[dreg:$0x5] =	wrdreg s18  }
0xd: {  	s16 =	sshrl.u32 s0, $0x1;
	s20 =	sadd.s32 $0x7800, s9;
	[dreg:$0x6] =	wrdreg s19  }
0xe: {  	s24 =	sshrl.u32 s4, $0x3;
	s21 =	sadd.s32 $0xA000, s9;
	[dreg:$0x7] =	wrdreg s20  }
0xf: {  	s11 =	simm.s32 $0x1;
	s22 =	sadd.s32 $0xC800, s9;
	[dreg:$0x8] =	wrdreg s21  }
0x10: {  	s0 =	ssub.s32 s0, s16;
	s23 =	sadd.s32 $0xF000, s9;
	[dreg:$0x9] =	wrdreg s22  }
0x11: {  	s26 =	sshll.u32 s6, $0x4;
	s25 =	sadd.s32 $0x11800, s9;
	[dreg:$0xa] =	wrdreg s23  }
0x12: {  	s10 =	sadd.s32 s8, s24;
	s2 =	sadd.s32 $0x147400, s2;
	[dreg:$0xb] =	wrdreg s25  }
.Ltmp0:
0x13: {  	s24 =	simm.s32 $0xA00;
	[dreg:$0xc] =	wrdreg s10;
	(pc) =	sbr.rel .LBB2_1-.Ltmp0, $4  }
0x14: {  	s12 =	simm.s32 $0x4;
	s10 =	sadd.s32 s7, s26;
	[dreg:$0xe] =	wrdreg s2  }
0x15: {  	s21 =	smax.u32 s0, $0x1;
	s22 =	simm.s32 $0x8;
	s23 =	simm.s32 $0xB00  }
0x16: {  	s25 =	simm.s32 $0x5B00;
	s26 =	simm.s32 $0x50;
	s2 =	simm.s32 $0xA80  }
0x17: {  	v0 =	vimm.f32 $0.0e+00;
	s0 =	simm.s32 $0x3300;
	[dreg:$0xd] =	wrdreg s10;
	s10 =	simm.s32 $0x7  }
.LBB2_13:
0x18: {  	_ =	swait.ge [sflag:s10], $0x2800  }
0x19: {  	s14 =	stileid.u32;
	[sflag:s10] =	ssyncset.done $0x0  }
0x1a: {  	s15 =	sshrl.u32 s9, $0x3;
	s13 =	sadd.s32 $0x1, s13;
	[sflag:s10] =	ssyncadd.s32 $0xFFFFD800  }
0x1b: {  	s14 =	sshll.u32 s14, $0x6;
	p0 =	sne.s32 s13, s21;
	[bflag:$0x0] =	sbarrier.arrive $0xFFFF  }
.Ltmp1:
0x1c: {  	s14 =	sor.u32 $0x1C08, s14;
	s16 =	rddreg [dreg:$0xe];
	(pc) =	sbr.rel @!p0 .LBB2_14-.Ltmp1, $4  }
0x1d: {  	[hbm:s16], [sflag:s14] =	dma.local [spmem:s15], $0x2780  }
0x1e: {  	_ =	swait.ge [sflag:s22], $0x2780  }
0x1f: {  	[sflag:s22] =	ssyncset.done $0x0  }
0x20: {  	[sflag:s22] =	ssyncadd.s32 $0xFFFFD880  }
.LBB2_1:
0x21: {  	s14 =	rddreg [dreg:$0x4]  }
0x22: {  	[tilespmem:s5], [sflag:$0x8] =	stream.linear.gather [hbm4b:s14+s5], $0xA00, $0x38;
	[tilespmem:$0x1BF00] =	vst v63  }
0x23: {  	_ =	swait.ge [sflag:s22], $0xA00  }
0x24: {  	[sflag:s22] =	ssyncset.done $0x0  }
0x25: {  	s15 =	simm.s32 $0x200;
	s14 =	simm.s32 $0x0;
	[sflag:s22] =	ssyncadd.s32 $0xFFFFF600  }
.LBB2_2:
0x26: {  	p0 =	sne.s32 s15, $0x9E00;
	[tilespmem:s14+$0xB70] =	vst v0  }
0x27: {  	[tilespmem:s14+$0xB00] =	vst v0  }
0x28: {  	[tilespmem:s14+$0xB10] =	vst v0  }
.Ltmp2:
0x29: {  	[tilespmem:s14+$0xB20] =	vst v0;
	(pc) =	sbr.rel @p0 .LBB2_2-.Ltmp2, $4  }
0x2a: {  	[tilespmem:s14+$0xB30] =	vst v0  }
0x2b: {  	[tilespmem:s14+$0xB40] =	vst v0  }
0x2c: {  	[tilespmem:s14+$0xB50] =	vst v0  }
0x2d: {  	[tilespmem:s14+$0xB60] =	vst v0;
	s14 =	sshra.s32 s15, $0x2;
	s15 =	sadd.s32 $0x200, s15  }
0x2e: {  	[tilespmem:s14+$0xB70] =	vst v0  }
0x2f: {  	[tilespmem:s14+$0xB00] =	vst v0  }
0x30: {  	[tilespmem:s14+$0xB10] =	vst v0  }
0x31: {  	[tilespmem:s14+$0xB20] =	vst v0  }
0x32: {  	[tilespmem:s14+$0xB30] =	vst v0  }
0x33: {  	[tilespmem:s14+$0xB40] =	vst v0  }
0x34: {  	[tilespmem:s14+$0xB50] =	vst v0  }
0x35: {  	[tilespmem:s14+$0xB60] =	vst v0  }
0x36: {  	[spmem:s9] =	stream.linear.scatter [tilespmem:s23], [sflag:$0x8], $0x2800, $0x38;
	[tilespmem:$0x1BF00] =	vst v63  }
0x37: {  	_ =	swait.ge [sflag:s22], $0x2800  }
0x38: {  	[sflag:s22] =	ssyncset.done $0x0  }
0x39: {  	s19 =	rddreg [dreg:$0x5];
	[sflag:s22] =	ssyncadd.s32 $0xFFFFD800  }
0x3a: {  	[spmem:s19] =	stream.linear.scatter [tilespmem:s23], [sflag:$0x8], $0x2800, $0x38;
	[tilespmem:$0x1BF00] =	vst v63  }
0x3b: {  	_ =	swait.ge [sflag:s22], $0x2800  }
0x3c: {  	[sflag:s22] =	ssyncset.done $0x0  }
0x3d: {  	s20 =	rddreg [dreg:$0x6];
	[sflag:s22] =	ssyncadd.s32 $0xFFFFD800  }
0x3e: {  	[spmem:s20] =	stream.linear.scatter [tilespmem:s23], [sflag:$0x8], $0x2800, $0x38;
	[tilespmem:$0x1BF00] =	vst v63  }
0x3f: {  	_ =	swait.ge [sflag:s22], $0x2800  }
0x40: {  	[sflag:s22] =	ssyncset.done $0x0  }
0x41: {  	s15 =	rddreg [dreg:$0x7];
	[sflag:s22] =	ssyncadd.s32 $0xFFFFD800  }
0x42: {  	[spmem:s15] =	stream.linear.scatter [tilespmem:s23], [sflag:$0x8], $0x2800, $0x38;
	[tilespmem:$0x1BF00] =	vst v63  }
0x43: {  	_ =	swait.ge [sflag:s22], $0x2800  }
0x44: {  	[sflag:s22] =	ssyncset.done $0x0  }
0x45: {  	s16 =	rddreg [dreg:$0x8];
	[sflag:s22] =	ssyncadd.s32 $0xFFFFD800  }
0x46: {  	[spmem:s16] =	stream.linear.scatter [tilespmem:s23], [sflag:$0x8], $0x2800, $0x38;
	[tilespmem:$0x1BF00] =	vst v63  }
0x47: {  	_ =	swait.ge [sflag:s22], $0x2800  }
0x48: {  	[sflag:s22] =	ssyncset.done $0x0  }
0x49: {  	s17 =	rddreg [dreg:$0x9];
	[sflag:s22] =	ssyncadd.s32 $0xFFFFD800  }
0x4a: {  	[spmem:s17] =	stream.linear.scatter [tilespmem:s23], [sflag:$0x8], $0x2800, $0x38;
	[tilespmem:$0x1BF00] =	vst v63  }
0x4b: {  	_ =	swait.ge [sflag:s22], $0x2800  }
0x4c: {  	[sflag:s22] =	ssyncset.done $0x0  }
0x4d: {  	s18 =	rddreg [dreg:$0xa];
	[sflag:s22] =	ssyncadd.s32 $0xFFFFD800  }
0x4e: {  	[spmem:s18] =	stream.linear.scatter [tilespmem:s23], [sflag:$0x8], $0x2800, $0x38;
	[tilespmem:$0x1BF00] =	vst v63  }
0x4f: {  	_ =	swait.ge [sflag:s22], $0x2800  }
0x50: {  	[sflag:s22] =	ssyncset.done $0x0  }
0x51: {  	s19 =	rddreg [dreg:$0xb];
	[sflag:s22] =	ssyncadd.s32 $0xFFFFD800  }
0x52: {  	[spmem:s19] =	stream.linear.scatter [tilespmem:s23], [sflag:$0x8], $0x2400, $0x38;
	[tilespmem:$0x1BF00] =	vst v63  }
0x53: {  	_ =	swait.ge [sflag:s22], $0x2400  }
0x54: {  	[sflag:s22] =	ssyncset.done $0x0  }
0x55: {  	[sflag:s22] =	ssyncadd.s32 $0xFFFFDC00  }
0x56: {  	[bflag:$0x0] =	sbarrier.arrive $0xFFFF  }
0x57: {  	s14 =	simm.s32 $0x0;
	s15 =	rddreg [dreg:$0xc]  }
0x58: {  	[tilespmem:s24], [sflag:$0x4] =	stream.linear.gather [hbm4b:s15+s14], $0x50, $0x38;
	[tilespmem:$0x1BF00] =	vst v63  }
.Ltmp3:
0x59: {  	_ = 	snop;
	(pc) =	sbr.rel .LBB2_4-.Ltmp3, $4  }
0x5a: {  	s20 =	rddreg [dreg:$0xd]  }
0x5b: {  	[tilespmem:s25], [sflag:$0x3] =	stream.linear.gather [hbm4b:s20+s14], $0x2800, $0x38;
	[tilespmem:$0x1BF00] =	vst v63  }
0x5c: {  	_ = 	snop  }
0x5d: {  	[tilespmem:s23], [sflag:$0x1] =	stream.indirect.gather [hbm4b:s1+s26], $0x80, s14, s26, $0xb8;
	[tilespmem:$0x1BF00] =	vst v63  }
.LBB2_8:
0x5e: {  	s15 =	sor.u32 $0x1, s14  }
.LBB2_12:
0x5f: {  	p0 =	sne.s32 s15, $0x20  }
.Ltmp4:
0x60: {  	_ = 	snop;
	(pc) =	sbr.rel @!p0 .LBB2_13-.Ltmp4, $2  }
0x61: {  	_ =	sdelay $0x2  }
0x62: {  	s14 =	smov.u32 s15  }
.LBB2_4:
0x63: {  	s15 =	sand.u32 $0x1, s14  }
0x64: {  	p0 =	seq.s32 s15, $0x1  }
.Ltmp5:
0x65: {  	_ = 	snop;
	(pc) =	sbr.rel @p0 .LBB2_9-.Ltmp5, $1  }
0x66: {  	_ =	sdelay $0x3  }
0x67: {  	p0 =	seq.s32 s14, $0x0  }
0x68: {  	s17 =	simm.s32 @!p0 $0x7;
	s16 =	smul.u32 @!p0 $0x50, s14  }
0x69: {  	_ =	swait.ge @!p0 [sflag:s17], $0x2800  }
0x6a: {  	[sflag:s17] =	ssyncset.done @!p0 $0x0;
	s16 =	sadd.s32 @!p0 $0x50, s16  }
0x6b: {  	[sflag:s17] =	ssyncadd.s32 @!p0 $0xFFFFD800;
	s16 =	simm.s32 @p0 $0x50  }
0x6c: {  	[tilespmem:s0], [sflag:$0x2] =	stream.indirect.gather [hbm4b:s1+s26], $0x80, s16, s26, $0xb8;
	[tilespmem:$0x1BF00] =	vst v63  }
0x6d: {  	s20 =	sadd.s32 s4, s16  }
0x6e: {  	s17 =	sshrl.u32 s20, $0x3  }
0x6f: {  	s17 =	sadd.s32 s8, s17  }
0x70: {  	[tilespmem:s2], [sflag:$0x5] =	stream.linear.gather [hbm4b:s17+s5], $0x50, $0x38;
	[tilespmem:$0x1BF00] =	vst v63  }
0x71: {  	_ =	swait.ge [sflag:s11], $0x2800  }
0x72: {  	[sflag:s11] =	ssyncset.done $0x0  }
0x73: {  	[sflag:s11] =	ssyncadd.s32 $0xFFFFD800  }
0x74: {  	_ =	swait.ge [sflag:s30], $0x2800  }
0x75: {  	[sflag:s30] =	ssyncset.done $0x0  }
0x76: {  	s17 =	simm.s32 $0xC00;
	[sflag:s30] =	ssyncadd.s32 $0xFFFFD800  }
0x77: {  	s18 =	simm.s32 $0x5C00;
	v1 =	vld [tilespmem:s17+$0x80]  }
0x78: {  	v2 =	vld [tilespmem:s18+$0x80]  }
0x79: {  	v3 =	vld [tilespmem:s17+$0xFFFFFF80]  }
0x7a: {  	v4 =	vld [tilespmem:s18+$0xFFFFFF80]  }
0x7b: {  	v5 =	vld [tilespmem:s17+$0x0]  }
0x7c: {  	v6 =	vld [tilespmem:s18+$0x0]  }
0x7d: {  	v7 =	vld [tilespmem:s17+$0xFFFFFF00];
	v1 =	vmul.f32 v2, v1  }
0x7e: {  	v2 =	vld [tilespmem:s18+$0xFFFFFF00]  }
0x7f: {  	[tilespmem:s17+$0x80] =	vst v1;
	v1 =	vld [tilespmem:s17+$0x90]  }
0x80: {  	v3 =	vmul.f32 v4, v3;
	v4 =	vld [tilespmem:s18+$0x90]  }
0x81: {  	v8 =	vld [tilespmem:s17+$0xFFFFFF10]  }
0x82: {  	[tilespmem:s17+$0xFFFFFF80] =	vst v3;
	v3 =	vmul.f32 v6, v5;
	v5 =	vld [tilespmem:s17+$0xFFFFFF90]  }
0x83: {  	v6 =	vld [tilespmem:s18+$0xFFFFFF90];
	v2 =	vmul.f32 v2, v7  }
0x84: {  	[tilespmem:s17+$0x0] =	vst v3;
	v3 =	vld [tilespmem:s17+$0x10]  }
0x85: {  	v7 =	vld [tilespmem:s18+$0x10];
	[tilespmem:s17+$0xFFFFFF00] =	vst v2;
	v1 =	vmul.f32 v4, v1  }
0x86: {  	v2 =	vld [tilespmem:s18+$0xFFFFFF10]  }
0x87: {  	[tilespmem:s17+$0x90] =	vst v1;
	v1 =	vld [tilespmem:s17+$0xA0]  }
0x88: {  	v4 =	vmul.f32 v6, v5;
	v5 =	vld [tilespmem:s18+$0xA0]  }
0x89: {  	v6 =	vld [tilespmem:s17+$0xFFFFFF20]  }
0x8a: {  	[tilespmem:s17+$0xFFFFFF90] =	vst v4;
	v3 =	vmul.f32 v7, v3;
	v4 =	vld [tilespmem:s17+$0xFFFFFFA0]  }
0x8b: {  	v7 =	vld [tilespmem:s18+$0xFFFFFFA0];
	v2 =	vmul.f32 v2, v8  }
0x8c: {  	[tilespmem:s17+$0x10] =	vst v3;
	v3 =	vld [tilespmem:s17+$0x20]  }
0x8d: {  	v8 =	vld [tilespmem:s18+$0x20];
	[tilespmem:s17+$0xFFFFFF10] =	vst v2;
	v1 =	vmul.f32 v5, v1  }
0x8e: {  	v2 =	vld [tilespmem:s18+$0xFFFFFF20]  }
0x8f: {  	[tilespmem:s17+$0xA0] =	vst v1;
	v1 =	vld [tilespmem:s17+$0xB0]  }
0x90: {  	v4 =	vmul.f32 v7, v4;
	v5 =	vld [tilespmem:s18+$0xB0]  }
0x91: {  	v7 =	vld [tilespmem:s17+$0xFFFFFF30]  }
0x92: {  	[tilespmem:s17+$0xFFFFFFA0] =	vst v4;
	v3 =	vmul.f32 v8, v3;
	v4 =	vld [tilespmem:s17+$0xFFFFFFB0]  }
0x93: {  	v8 =	vld [tilespmem:s18+$0xFFFFFFB0];
	v2 =	vmul.f32 v2, v6  }
0x94: {  	[tilespmem:s17+$0x20] =	vst v3;
	v3 =	vld [tilespmem:s17+$0x30]  }
0x95: {  	v6 =	vld [tilespmem:s18+$0x30];
	[tilespmem:s17+$0xFFFFFF20] =	vst v2;
	v1 =	vmul.f32 v5, v1  }
0x96: {  	v2 =	vld [tilespmem:s18+$0xFFFFFF30]  }
0x97: {  	[tilespmem:s17+$0xB0] =	vst v1;
	v1 =	vld [tilespmem:s17+$0xC0]  }
0x98: {  	v4 =	vmul.f32 v8, v4;
	v5 =	vld [tilespmem:s18+$0xC0]  }
0x99: {  	v8 =	vld [tilespmem:s17+$0xFFFFFF40]  }
0x9a: {  	[tilespmem:s17+$0xFFFFFFB0] =	vst v4;
	v3 =	vmul.f32 v6, v3;
	v4 =	vld [tilespmem:s17+$0xFFFFFFC0]  }
0x9b: {  	v6 =	vld [tilespmem:s18+$0xFFFFFFC0];
	v2 =	vmul.f32 v2, v7  }
0x9c: {  	[tilespmem:s17+$0x30] =	vst v3;
	v3 =	vld [tilespmem:s17+$0x40]  }
0x9d: {  	v7 =	vld [tilespmem:s18+$0x40];
	[tilespmem:s17+$0xFFFFFF30] =	vst v2;
	v1 =	vmul.f32 v5, v1  }
0x9e: {  	v2 =	vld [tilespmem:s18+$0xFFFFFF40]  }
0x9f: {  	[tilespmem:s17+$0xC0] =	vst v1;
	v1 =	vld [tilespmem:s17+$0xD0]  }
0xa0: {  	v4 =	vmul.f32 v6, v4;
	v5 =	vld [tilespmem:s18+$0xD0]  }
0xa1: {  	v6 =	vld [tilespmem:s17+$0xFFFFFF50]  }
0xa2: {  	[tilespmem:s17+$0xFFFFFFC0] =	vst v4;
	v3 =	vmul.f32 v7, v3;
	v4 =	vld [tilespmem:s17+$0xFFFFFFD0]  }
0xa3: {  	v7 =	vld [tilespmem:s18+$0xFFFFFFD0];
	v2 =	vmul.f32 v2, v8  }
0xa4: {  	[tilespmem:s17+$0x40] =	vst v3;
	v3 =	vld [tilespmem:s17+$0x50]  }
0xa5: {  	v8 =	vld [tilespmem:s18+$0x50];
	[tilespmem:s17+$0xFFFFFF40] =	vst v2;
	v1 =	vmul.f32 v5, v1  }
0xa6: {  	v2 =	vld [tilespmem:s18+$0xFFFFFF50]  }
0xa7: {  	[tilespmem:s17+$0xD0] =	vst v1;
	v1 =	vld [tilespmem:s17+$0xE0]  }
0xa8: {  	v4 =	vmul.f32 v7, v4;
	v5 =	vld [tilespmem:s18+$0xE0]  }
0xa9: {  	v7 =	vld [tilespmem:s17+$0xFFFFFF60]  }
0xaa: {  	[tilespmem:s17+$0xFFFFFFD0] =	vst v4;
	v3 =	vmul.f32 v8, v3;
	v4 =	vld [tilespmem:s17+$0xFFFFFFE0]  }
0xab: {  	v8 =	vld [tilespmem:s18+$0xFFFFFFE0];
	v2 =	vmul.f32 v2, v6  }
0xac: {  	[tilespmem:s17+$0x50] =	vst v3;
	v3 =	vld [tilespmem:s17+$0x60]  }
0xad: {  	v6 =	vld [tilespmem:s18+$0x60];
	[tilespmem:s17+$0xFFFFFF50] =	vst v2;
	v1 =	vmul.f32 v5, v1  }
0xae: {  	v5 =	vld [tilespmem:s18+$0xFFFFFF60]  }
0xaf: {  	v9 =	vld [tilespmem:s17+$0xF0];
	[tilespmem:s17+$0xE0] =	vst v1  }
0xb0: {  	v2 =	vmul.f32 v8, v4;
	v8 =	vld [tilespmem:s18+$0xF0]  }
0xb1: {  	v1 =	vld [tilespmem:s17+$0xFFFFFF70]  }
0xb2: {  	[tilespmem:s17+$0xFFFFFFE0] =	vst v2;
	v3 =	vmul.f32 v6, v3;
	v2 =	vld [tilespmem:s17+$0xFFFFFFF0]  }
0xb3: {  	v4 =	vld [tilespmem:s18+$0xFFFFFFF0];
	v5 =	vmul.f32 v5, v7  }
0xb4: {  	[tilespmem:s17+$0x60] =	vst v3;
	v3 =	vld [tilespmem:s17+$0x70]  }
0xb5: {  	[tilespmem:s17+$0xFFFFFF60] =	vst v5;
	v5 =	vld [tilespmem:s18+$0x70];
	v7 =	vmul.f32 v8, v9  }
0xb6: {  	s19 =	simm.s32 $0x0;
	s20 =	simm.s32 $0xE00;
	v6 =	vld [tilespmem:s18+$0xFFFFFF70]  }
.LBB2_6:
0xb7: {  	v8 =	vld [tilespmem:s20+$0x80];
	[tilespmem:s17+$0xF0] =	vst v7;
	s18 =	sadd.s32 $0x200, s18  }
0xb8: {  	s19 =	sadd.s32 $0x4, s19;
	v7 =	vld [tilespmem:s18+$0x80];
	v2 =	vmul.f32 v4, v2  }
0xb9: {  	p0 =	slt.u32 s19, $0x4C;
	v4 =	vld [tilespmem:s18+$0xFFFFFF00]  }
0xba: {  	v9 =	vld [tilespmem:s20+$0xFFFFFF80];
	[tilespmem:s17+$0xFFFFFFF0] =	vst v2;
	v2 =	vmul.f32 v5, v3  }
0xbb: {  	v3 =	vld [tilespmem:s18+$0xFFFFFF80];
	v1 =	vmul.f32 v6, v1  }
0xbc: {  	v5 =	vld [tilespmem:s20+$0x0];
	[tilespmem:s17+$0x70] =	vst v2  }
0xbd: {  	v2 =	vld [tilespmem:s18+$0x0];
	v6 =	vmul.f32 v7, v8;
	[tilespmem:s17+$0xFFFFFF70] =	vst v1;
	s17 =	smov.u32 s20  }
0xbe: {  	v1 =	vld [tilespmem:s20+$0xFFFFFF00]  }
0xbf: {  	[tilespmem:s20+$0x80] =	vst v6;
	v6 =	vld [tilespmem:s20+$0x90]  }
0xc0: {  	v3 =	vmul.f32 v3, v9;
	v7 =	vld [tilespmem:s18+$0x90]  }
0xc1: {  	v8 =	vld [tilespmem:s20+$0xFFFFFF10]  }
0xc2: {  	[tilespmem:s20+$0xFFFFFF80] =	vst v3;
	v3 =	vld [tilespmem:s20+$0xFFFFFF90];
	v2 =	vmul.f32 v2, v5  }
0xc3: {  	v1 =	vmul.f32 v4, v1;
	v4 =	vld [tilespmem:s18+$0xFFFFFF90]  }
0xc4: {  	[tilespmem:s20+$0x0] =	vst v2;
	v2 =	vld [tilespmem:s20+$0x10]  }
0xc5: {  	[tilespmem:s20+$0xFFFFFF00] =	vst v1;
	v1 =	vld [tilespmem:s18+$0x10];
	v5 =	vmul.f32 v7, v6  }
0xc6: {  	v6 =	vld [tilespmem:s18+$0xFFFFFF10]  }
0xc7: {  	[tilespmem:s20+$0x90] =	vst v5;
	v5 =	vld [tilespmem:s20+$0xA0]  }
0xc8: {  	v3 =	vmul.f32 v4, v3;
	v4 =	vld [tilespmem:s18+$0xA0]  }
0xc9: {  	v7 =	vld [tilespmem:s20+$0xFFFFFF20]  }
0xca: {  	[tilespmem:s20+$0xFFFFFF90] =	vst v3;
	v3 =	vld [tilespmem:s20+$0xFFFFFFA0];
	v1 =	vmul.f32 v1, v2  }
0xcb: {  	v2 =	vmul.f32 v6, v8;
	v6 =	vld [tilespmem:s18+$0xFFFFFFA0]  }
0xcc: {  	[tilespmem:s20+$0x10] =	vst v1;
	v1 =	vld [tilespmem:s20+$0x20]  }
0xcd: {  	[tilespmem:s20+$0xFFFFFF10] =	vst v2;
	v2 =	vld [tilespmem:s18+$0x20];
	v4 =	vmul.f32 v4, v5  }
0xce: {  	v5 =	vld [tilespmem:s18+$0xFFFFFF20]  }
0xcf: {  	[tilespmem:s20+$0xA0] =	vst v4;
	v4 =	vld [tilespmem:s20+$0xB0]  }
0xd0: {  	v3 =	vmul.f32 v6, v3;
	v6 =	vld [tilespmem:s18+$0xB0]  }
0xd1: {  	v8 =	vld [tilespmem:s20+$0xFFFFFF30]  }
0xd2: {  	[tilespmem:s20+$0xFFFFFFA0] =	vst v3;
	v3 =	vld [tilespmem:s20+$0xFFFFFFB0];
	v1 =	vmul.f32 v2, v1  }
0xd3: {  	v2 =	vmul.f32 v5, v7;
	v5 =	vld [tilespmem:s18+$0xFFFFFFB0]  }
0xd4: {  	[tilespmem:s20+$0x20] =	vst v1;
	v1 =	vld [tilespmem:s20+$0x30]  }
0xd5: {  	[tilespmem:s20+$0xFFFFFF20] =	vst v2;
	v2 =	vld [tilespmem:s18+$0x30];
	v4 =	vmul.f32 v6, v4  }
0xd6: {  	v6 =	vld [tilespmem:s18+$0xFFFFFF30]  }
0xd7: {  	[tilespmem:s20+$0xB0] =	vst v4;
	v4 =	vld [tilespmem:s20+$0xC0]  }
0xd8: {  	v3 =	vmul.f32 v5, v3;
	v5 =	vld [tilespmem:s18+$0xC0]  }
0xd9: {  	v7 =	vld [tilespmem:s20+$0xFFFFFF40]  }
0xda: {  	[tilespmem:s20+$0xFFFFFFB0] =	vst v3;
	v3 =	vld [tilespmem:s20+$0xFFFFFFC0];
	v1 =	vmul.f32 v2, v1  }
0xdb: {  	v2 =	vmul.f32 v6, v8;
	v6 =	vld [tilespmem:s18+$0xFFFFFFC0]  }
0xdc: {  	[tilespmem:s20+$0x30] =	vst v1;
	v1 =	vld [tilespmem:s20+$0x40]  }
0xdd: {  	[tilespmem:s20+$0xFFFFFF30] =	vst v2;
	v2 =	vld [tilespmem:s18+$0x40];
	v4 =	vmul.f32 v5, v4  }
0xde: {  	v5 =	vld [tilespmem:s18+$0xFFFFFF40]  }
0xdf: {  	[tilespmem:s20+$0xC0] =	vst v4;
	v4 =	vld [tilespmem:s20+$0xD0]  }
0xe0: {  	v3 =	vmul.f32 v6, v3;
	v6 =	vld [tilespmem:s18+$0xD0]  }
0xe1: {  	v8 =	vld [tilespmem:s20+$0xFFFFFF50]  }
0xe2: {  	[tilespmem:s20+$0xFFFFFFC0] =	vst v3;
	v3 =	vld [tilespmem:s20+$0xFFFFFFD0];
	v1 =	vmul.f32 v2, v1  }
0xe3: {  	v2 =	vmul.f32 v5, v7;
	v5 =	vld [tilespmem:s18+$0xFFFFFFD0]  }
0xe4: {  	[tilespmem:s20+$0x40] =	vst v1;
	v1 =	vld [tilespmem:s20+$0x50]  }
0xe5: {  	[tilespmem:s20+$0xFFFFFF40] =	vst v2;
	v2 =	vld [tilespmem:s18+$0x50];
	v4 =	vmul.f32 v6, v4  }
0xe6: {  	v6 =	vld [tilespmem:s18+$0xFFFFFF50]  }
0xe7: {  	[tilespmem:s20+$0xD0] =	vst v4;
	v4 =	vld [tilespmem:s20+$0xE0]  }
0xe8: {  	v3 =	vmul.f32 v5, v3;
	v5 =	vld [tilespmem:s18+$0xE0]  }
0xe9: {  	v7 =	vld [tilespmem:s20+$0xFFFFFF60]  }
0xea: {  	[tilespmem:s20+$0xFFFFFFD0] =	vst v3;
	v3 =	vld [tilespmem:s20+$0xFFFFFFE0];
	v1 =	vmul.f32 v2, v1  }
0xeb: {  	v2 =	vmul.f32 v6, v8;
	v6 =	vld [tilespmem:s18+$0xFFFFFFE0]  }
0xec: {  	[tilespmem:s20+$0x50] =	vst v1;
	v8 =	vld [tilespmem:s20+$0x60]  }
0xed: {  	[tilespmem:s20+$0xFFFFFF50] =	vst v2;
	v9 =	vld [tilespmem:s18+$0x60];
	v1 =	vmul.f32 v5, v4  }
0xee: {  	v4 =	vld [tilespmem:s18+$0xFFFFFF60]  }
0xef: {  	[tilespmem:s20+$0xE0] =	vst v1;
	v10 =	vld [tilespmem:s20+$0xF0]  }
0xf0: {  	v2 =	vmul.f32 v6, v3;
	v6 =	vld [tilespmem:s18+$0xF0]  }
0xf1: {  	v1 =	vld [tilespmem:s20+$0xFFFFFF70]  }
.Ltmp6:
0xf2: {  	[tilespmem:s20+$0xFFFFFFE0] =	vst v2;
	v2 =	vld [tilespmem:s20+$0xFFFFFFF0];
	v3 =	vmul.f32 v9, v8;
	(pc) =	sbr.rel @p0 .LBB2_6-.Ltmp6, $4  }
0xf3: {  	v5 =	vmul.f32 v4, v7;
	v4 =	vld [tilespmem:s18+$0xFFFFFFF0]  }
0xf4: {  	[tilespmem:s20+$0x60] =	vst v3;
	v3 =	vld [tilespmem:s20+$0x70]  }
0xf5: {  	[tilespmem:s20+$0xFFFFFF60] =	vst v5;
	v5 =	vld [tilespmem:s18+$0x70];
	v7 =	vmul.f32 v6, v10  }
0xf6: {  	s20 =	sadd.s32 $0x200, s20;
	v6 =	vld [tilespmem:s18+$0xFFFFFF70]  }
0xf7: {  	_ =	sdelay $0x1  }
0xf8: {  	v2 =	vmul.f32 v4, v2  }
0xf9: {  	[tilespmem:s17+$0xF0] =	vst v7;
	v3 =	vmul.f32 v5, v3  }
0xfa: {  	s16 =	sadd.s32 s6, s16;
	[tilespmem:s17+$0xFFFFFFF0] =	vst v2;
	v1 =	vmul.f32 v6, v1  }
0xfb: {  	s16 =	sshll.u32 s16, $0x4;
	[tilespmem:s17+$0x70] =	vst v3  }
0xfc: {  	p0 =	sne.s32 s15, $0x0;
	s16 =	sadd.s32 s7, s16;
	[tilespmem:s17+$0xFFFFFF70] =	vst v1  }
0xfd: {  	[tilespmem:s25], [sflag:$0x3] =	stream.linear.gather [hbm4b:s16+s5], $0x2800, $0x38;
	[tilespmem:$0x1BF00] =	vst v63  }
.Ltmp7:
0xfe: {  	_ = 	snop;
	(pc) =	sbr.rel @!p0 .LBB2_8-.Ltmp7, $4  }
0xff: {  	_ =	swait.ge [sflag:s12], $0x50  }
0x100: {  	[sflag:s12] =	ssyncset.done $0x0  }
0x101: {  	[sflag:s12] =	ssyncadd.s32 $0xFFFFFFB0  }
0x102: {  	[spmem:s3] =	stream.indirect.scatter.add.f32 [tilespmem:s23], [sflag:$0x6], $0x80, s24, s26, $0xb8;
	[tilespmem:$0x1BF00] =	vst v63  }
.LBB2_9:
0x103: {  	_ =	swait.ge [sflag:s28], $0x2800;
	s15 =	sadd.s32 $0x1, s14;
	p0 =	seq.s32 s14, $0x1F  }
0x104: {  	[sflag:s28] =	ssyncset.done $0x0;
	s14 =	smul.u32 @!p0 $0x50, s15  }
0x105: {  	s16 =	simm.s32 @!p0 $0x50;
	s17 =	simm.s32 @!p0 $0xB00;
	[sflag:s28] =	ssyncadd.s32 $0xFFFFD800  }
0x106: {  	[tilespmem:s17], [sflag:$0x1] =	stream.indirect.gather @!p0 [hbm4b:s1+s16], $0x80, s14, s16, $0xb8;
	[tilespmem:$0x1BF00] =	vst v63  }
0x107: {  	s16 =	sadd.s32 @!p0 s4, s14  }
0x108: {  	s16 =	sshrl.u32 @!p0 s16, $0x3  }
0x109: {  	s18 =	simm.s32 @!p0 $0xA00;
	s17 =	simm.s32 @!p0 $0x0;
	s16 =	sadd.s32 @!p0 s8, s16  }
0x10a: {  	[tilespmem:s18], [sflag:$0x4] =	stream.linear.gather @!p0 [hbm4b:s16+s17], $0x50, $0x38;
	[tilespmem:$0x1BF00] =	vst v63  }
0x10b: {  	_ =	swait.ge [sflag:s29], $0x2800  }
0x10c: {  	[sflag:s29] =	ssyncset.done $0x0  }
0x10d: {  	[sflag:s29] =	ssyncadd.s32 $0xFFFFD800  }
0x10e: {  	_ =	swait.ge [sflag:s30], $0x2800  }
0x10f: {  	[sflag:s30] =	ssyncset.done $0x0  }
0x110: {  	s16 =	simm.s32 $0x3400;
	[sflag:s30] =	ssyncadd.s32 $0xFFFFD800  }
0x111: {  	s17 =	simm.s32 $0x5C00;
	v1 =	vld [tilespmem:s16+$0x80]  }
0x112: {  	v2 =	vld [tilespmem:s17+$0x80]  }
0x113: {  	v3 =	vld [tilespmem:s16+$0xFFFFFF80]  }
0x114: {  	v4 =	vld [tilespmem:s17+$0xFFFFFF80]  }
0x115: {  	v5 =	vld [tilespmem:s16+$0x0]  }
0x116: {  	v6 =	vld [tilespmem:s17+$0x0]  }
0x117: {  	v7 =	vld [tilespmem:s16+$0xFFFFFF00];
	v1 =	vmul.f32 v2, v1  }
0x118: {  	v2 =	vld [tilespmem:s17+$0xFFFFFF00]  }
0x119: {  	[tilespmem:s16+$0x80] =	vst v1;
	v1 =	vld [tilespmem:s16+$0x90]  }
0x11a: {  	v3 =	vmul.f32 v4, v3;
	v4 =	vld [tilespmem:s17+$0x90]  }
0x11b: {  	v8 =	vld [tilespmem:s16+$0xFFFFFF10]  }
0x11c: {  	[tilespmem:s16+$0xFFFFFF80] =	vst v3;
	v3 =	vmul.f32 v6, v5;
	v5 =	vld [tilespmem:s16+$0xFFFFFF90]  }
0x11d: {  	v6 =	vld [tilespmem:s17+$0xFFFFFF90];
	v2 =	vmul.f32 v2, v7  }
0x11e: {  	[tilespmem:s16+$0x0] =	vst v3;
	v3 =	vld [tilespmem:s16+$0x10]  }
0x11f: {  	v7 =	vld [tilespmem:s17+$0x10];
	[tilespmem:s16+$0xFFFFFF00] =	vst v2;
	v1 =	vmul.f32 v4, v1  }
0x120: {  	v2 =	vld [tilespmem:s17+$0xFFFFFF10]  }
0x121: {  	[tilespmem:s16+$0x90] =	vst v1;
	v1 =	vld [tilespmem:s16+$0xA0]  }
0x122: {  	v4 =	vmul.f32 v6, v5;
	v5 =	vld [tilespmem:s17+$0xA0]  }
0x123: {  	v6 =	vld [tilespmem:s16+$0xFFFFFF20]  }
0x124: {  	[tilespmem:s16+$0xFFFFFF90] =	vst v4;
	v3 =	vmul.f32 v7, v3;
	v4 =	vld [tilespmem:s16+$0xFFFFFFA0]  }
0x125: {  	v7 =	vld [tilespmem:s17+$0xFFFFFFA0];
	v2 =	vmul.f32 v2, v8  }
0x126: {  	[tilespmem:s16+$0x10] =	vst v3;
	v3 =	vld [tilespmem:s16+$0x20]  }
0x127: {  	v8 =	vld [tilespmem:s17+$0x20];
	[tilespmem:s16+$0xFFFFFF10] =	vst v2;
	v1 =	vmul.f32 v5, v1  }
0x128: {  	v2 =	vld [tilespmem:s17+$0xFFFFFF20]  }
0x129: {  	[tilespmem:s16+$0xA0] =	vst v1;
	v1 =	vld [tilespmem:s16+$0xB0]  }
0x12a: {  	v4 =	vmul.f32 v7, v4;
	v5 =	vld [tilespmem:s17+$0xB0]  }
0x12b: {  	v7 =	vld [tilespmem:s16+$0xFFFFFF30]  }
0x12c: {  	[tilespmem:s16+$0xFFFFFFA0] =	vst v4;
	v3 =	vmul.f32 v8, v3;
	v4 =	vld [tilespmem:s16+$0xFFFFFFB0]  }
0x12d: {  	v8 =	vld [tilespmem:s17+$0xFFFFFFB0];
	v2 =	vmul.f32 v2, v6  }
0x12e: {  	[tilespmem:s16+$0x20] =	vst v3;
	v3 =	vld [tilespmem:s16+$0x30]  }
0x12f: {  	v6 =	vld [tilespmem:s17+$0x30];
	[tilespmem:s16+$0xFFFFFF20] =	vst v2;
	v1 =	vmul.f32 v5, v1  }
0x130: {  	v2 =	vld [tilespmem:s17+$0xFFFFFF30]  }
0x131: {  	[tilespmem:s16+$0xB0] =	vst v1;
	v1 =	vld [tilespmem:s16+$0xC0]  }
0x132: {  	v4 =	vmul.f32 v8, v4;
	v5 =	vld [tilespmem:s17+$0xC0]  }
0x133: {  	v8 =	vld [tilespmem:s16+$0xFFFFFF40]  }
0x134: {  	[tilespmem:s16+$0xFFFFFFB0] =	vst v4;
	v3 =	vmul.f32 v6, v3;
	v4 =	vld [tilespmem:s16+$0xFFFFFFC0]  }
0x135: {  	v6 =	vld [tilespmem:s17+$0xFFFFFFC0];
	v2 =	vmul.f32 v2, v7  }
0x136: {  	[tilespmem:s16+$0x30] =	vst v3;
	v3 =	vld [tilespmem:s16+$0x40]  }
0x137: {  	v7 =	vld [tilespmem:s17+$0x40];
	[tilespmem:s16+$0xFFFFFF30] =	vst v2;
	v1 =	vmul.f32 v5, v1  }
0x138: {  	v2 =	vld [tilespmem:s17+$0xFFFFFF40]  }
0x139: {  	[tilespmem:s16+$0xC0] =	vst v1;
	v1 =	vld [tilespmem:s16+$0xD0]  }
0x13a: {  	v4 =	vmul.f32 v6, v4;
	v5 =	vld [tilespmem:s17+$0xD0]  }
0x13b: {  	v6 =	vld [tilespmem:s16+$0xFFFFFF50]  }
0x13c: {  	[tilespmem:s16+$0xFFFFFFC0] =	vst v4;
	v3 =	vmul.f32 v7, v3;
	v4 =	vld [tilespmem:s16+$0xFFFFFFD0]  }
0x13d: {  	v7 =	vld [tilespmem:s17+$0xFFFFFFD0];
	v2 =	vmul.f32 v2, v8  }
0x13e: {  	[tilespmem:s16+$0x40] =	vst v3;
	v3 =	vld [tilespmem:s16+$0x50]  }
0x13f: {  	v8 =	vld [tilespmem:s17+$0x50];
	[tilespmem:s16+$0xFFFFFF40] =	vst v2;
	v1 =	vmul.f32 v5, v1  }
0x140: {  	v2 =	vld [tilespmem:s17+$0xFFFFFF50]  }
0x141: {  	[tilespmem:s16+$0xD0] =	vst v1;
	v1 =	vld [tilespmem:s16+$0xE0]  }
0x142: {  	v4 =	vmul.f32 v7, v4;
	v5 =	vld [tilespmem:s17+$0xE0]  }
0x143: {  	v7 =	vld [tilespmem:s16+$0xFFFFFF60]  }
0x144: {  	[tilespmem:s16+$0xFFFFFFD0] =	vst v4;
	v3 =	vmul.f32 v8, v3;
	v4 =	vld [tilespmem:s16+$0xFFFFFFE0]  }
0x145: {  	v8 =	vld [tilespmem:s17+$0xFFFFFFE0];
	v2 =	vmul.f32 v2, v6  }
0x146: {  	[tilespmem:s16+$0x50] =	vst v3;
	v3 =	vld [tilespmem:s16+$0x60]  }
0x147: {  	v6 =	vld [tilespmem:s17+$0x60];
	[tilespmem:s16+$0xFFFFFF50] =	vst v2;
	v1 =	vmul.f32 v5, v1  }
0x148: {  	v5 =	vld [tilespmem:s17+$0xFFFFFF60]  }
0x149: {  	v9 =	vld [tilespmem:s16+$0xF0];
	[tilespmem:s16+$0xE0] =	vst v1  }
0x14a: {  	v2 =	vmul.f32 v8, v4;
	v8 =	vld [tilespmem:s17+$0xF0]  }
0x14b: {  	v1 =	vld [tilespmem:s16+$0xFFFFFF70]  }
0x14c: {  	[tilespmem:s16+$0xFFFFFFE0] =	vst v2;
	v3 =	vmul.f32 v6, v3;
	v2 =	vld [tilespmem:s16+$0xFFFFFFF0]  }
0x14d: {  	v4 =	vld [tilespmem:s17+$0xFFFFFFF0];
	v5 =	vmul.f32 v5, v7  }
0x14e: {  	[tilespmem:s16+$0x60] =	vst v3;
	v3 =	vld [tilespmem:s16+$0x70]  }
0x14f: {  	[tilespmem:s16+$0xFFFFFF60] =	vst v5;
	v5 =	vld [tilespmem:s17+$0x70];
	v7 =	vmul.f32 v8, v9  }
0x150: {  	s19 =	simm.s32 $0x3600;
	s18 =	simm.s32 $0x0;
	v6 =	vld [tilespmem:s17+$0xFFFFFF70]  }
.LBB2_10:
0x151: {  	v8 =	vld [tilespmem:s19+$0x80];
	[tilespmem:s16+$0xF0] =	vst v7;
	s17 =	sadd.s32 $0x200, s17  }
0x152: {  	s18 =	sadd.s32 $0x4, s18;
	v7 =	vld [tilespmem:s17+$0x80];
	v2 =	vmul.f32 v4, v2  }
0x153: {  	p1 =	slt.u32 s18, $0x4C;
	v4 =	vld [tilespmem:s17+$0xFFFFFF00]  }
0x154: {  	v9 =	vld [tilespmem:s19+$0xFFFFFF80];
	[tilespmem:s16+$0xFFFFFFF0] =	vst v2;
	v2 =	vmul.f32 v5, v3  }
0x155: {  	v3 =	vld [tilespmem:s17+$0xFFFFFF80];
	v1 =	vmul.f32 v6, v1  }
0x156: {  	v5 =	vld [tilespmem:s19+$0x0];
	[tilespmem:s16+$0x70] =	vst v2  }
0x157: {  	v2 =	vld [tilespmem:s17+$0x0];
	v6 =	vmul.f32 v7, v8;
	[tilespmem:s16+$0xFFFFFF70] =	vst v1;
	s16 =	smov.u32 s19  }
0x158: {  	v1 =	vld [tilespmem:s19+$0xFFFFFF00]  }
0x159: {  	[tilespmem:s19+$0x80] =	vst v6;
	v6 =	vld [tilespmem:s19+$0x90]  }
0x15a: {  	v3 =	vmul.f32 v3, v9;
	v7 =	vld [tilespmem:s17+$0x90]  }
0x15b: {  	v8 =	vld [tilespmem:s19+$0xFFFFFF10]  }
0x15c: {  	[tilespmem:s19+$0xFFFFFF80] =	vst v3;
	v3 =	vld [tilespmem:s19+$0xFFFFFF90];
	v2 =	vmul.f32 v2, v5  }
0x15d: {  	v1 =	vmul.f32 v4, v1;
	v4 =	vld [tilespmem:s17+$0xFFFFFF90]  }
0x15e: {  	[tilespmem:s19+$0x0] =	vst v2;
	v2 =	vld [tilespmem:s19+$0x10]  }
0x15f: {  	[tilespmem:s19+$0xFFFFFF00] =	vst v1;
	v1 =	vld [tilespmem:s17+$0x10];
	v5 =	vmul.f32 v7, v6  }
0x160: {  	v6 =	vld [tilespmem:s17+$0xFFFFFF10]  }
0x161: {  	[tilespmem:s19+$0x90] =	vst v5;
	v5 =	vld [tilespmem:s19+$0xA0]  }
0x162: {  	v3 =	vmul.f32 v4, v3;
	v4 =	vld [tilespmem:s17+$0xA0]  }
0x163: {  	v7 =	vld [tilespmem:s19+$0xFFFFFF20]  }
0x164: {  	[tilespmem:s19+$0xFFFFFF90] =	vst v3;
	v3 =	vld [tilespmem:s19+$0xFFFFFFA0];
	v1 =	vmul.f32 v1, v2  }
0x165: {  	v2 =	vmul.f32 v6, v8;
	v6 =	vld [tilespmem:s17+$0xFFFFFFA0]  }
0x166: {  	[tilespmem:s19+$0x10] =	vst v1;
	v1 =	vld [tilespmem:s19+$0x20]  }
0x167: {  	[tilespmem:s19+$0xFFFFFF10] =	vst v2;
	v2 =	vld [tilespmem:s17+$0x20];
	v4 =	vmul.f32 v4, v5  }
0x168: {  	v5 =	vld [tilespmem:s17+$0xFFFFFF20]  }
0x169: {  	[tilespmem:s19+$0xA0] =	vst v4;
	v4 =	vld [tilespmem:s19+$0xB0]  }
0x16a: {  	v3 =	vmul.f32 v6, v3;
	v6 =	vld [tilespmem:s17+$0xB0]  }
0x16b: {  	v8 =	vld [tilespmem:s19+$0xFFFFFF30]  }
0x16c: {  	[tilespmem:s19+$0xFFFFFFA0] =	vst v3;
	v3 =	vld [tilespmem:s19+$0xFFFFFFB0];
	v1 =	vmul.f32 v2, v1  }
0x16d: {  	v2 =	vmul.f32 v5, v7;
	v5 =	vld [tilespmem:s17+$0xFFFFFFB0]  }
0x16e: {  	[tilespmem:s19+$0x20] =	vst v1;
	v1 =	vld [tilespmem:s19+$0x30]  }
0x16f: {  	[tilespmem:s19+$0xFFFFFF20] =	vst v2;
	v2 =	vld [tilespmem:s17+$0x30];
	v4 =	vmul.f32 v6, v4  }
0x170: {  	v6 =	vld [tilespmem:s17+$0xFFFFFF30]  }
0x171: {  	[tilespmem:s19+$0xB0] =	vst v4;
	v4 =	vld [tilespmem:s19+$0xC0]  }
0x172: {  	v3 =	vmul.f32 v5, v3;
	v5 =	vld [tilespmem:s17+$0xC0]  }
0x173: {  	v7 =	vld [tilespmem:s19+$0xFFFFFF40]  }
0x174: {  	[tilespmem:s19+$0xFFFFFFB0] =	vst v3;
	v3 =	vld [tilespmem:s19+$0xFFFFFFC0];
	v1 =	vmul.f32 v2, v1  }
0x175: {  	v2 =	vmul.f32 v6, v8;
	v6 =	vld [tilespmem:s17+$0xFFFFFFC0]  }
0x176: {  	[tilespmem:s19+$0x30] =	vst v1;
	v1 =	vld [tilespmem:s19+$0x40]  }
0x177: {  	[tilespmem:s19+$0xFFFFFF30] =	vst v2;
	v2 =	vld [tilespmem:s17+$0x40];
	v4 =	vmul.f32 v5, v4  }
0x178: {  	v5 =	vld [tilespmem:s17+$0xFFFFFF40]  }
0x179: {  	[tilespmem:s19+$0xC0] =	vst v4;
	v4 =	vld [tilespmem:s19+$0xD0]  }
0x17a: {  	v3 =	vmul.f32 v6, v3;
	v6 =	vld [tilespmem:s17+$0xD0]  }
0x17b: {  	v8 =	vld [tilespmem:s19+$0xFFFFFF50]  }
0x17c: {  	[tilespmem:s19+$0xFFFFFFC0] =	vst v3;
	v3 =	vld [tilespmem:s19+$0xFFFFFFD0];
	v1 =	vmul.f32 v2, v1  }
0x17d: {  	v2 =	vmul.f32 v5, v7;
	v5 =	vld [tilespmem:s17+$0xFFFFFFD0]  }
0x17e: {  	[tilespmem:s19+$0x40] =	vst v1;
	v1 =	vld [tilespmem:s19+$0x50]  }
0x17f: {  	[tilespmem:s19+$0xFFFFFF40] =	vst v2;
	v2 =	vld [tilespmem:s17+$0x50];
	v4 =	vmul.f32 v6, v4  }
0x180: {  	v6 =	vld [tilespmem:s17+$0xFFFFFF50]  }
0x181: {  	[tilespmem:s19+$0xD0] =	vst v4;
	v4 =	vld [tilespmem:s19+$0xE0]  }
0x182: {  	v3 =	vmul.f32 v5, v3;
	v5 =	vld [tilespmem:s17+$0xE0]  }
0x183: {  	v7 =	vld [tilespmem:s19+$0xFFFFFF60]  }
0x184: {  	[tilespmem:s19+$0xFFFFFFD0] =	vst v3;
	v3 =	vld [tilespmem:s19+$0xFFFFFFE0];
	v1 =	vmul.f32 v2, v1  }
0x185: {  	v2 =	vmul.f32 v6, v8;
	v6 =	vld [tilespmem:s17+$0xFFFFFFE0]  }
0x186: {  	[tilespmem:s19+$0x50] =	vst v1;
	v8 =	vld [tilespmem:s19+$0x60]  }
0x187: {  	[tilespmem:s19+$0xFFFFFF50] =	vst v2;
	v9 =	vld [tilespmem:s17+$0x60];
	v1 =	vmul.f32 v5, v4  }
0x188: {  	v4 =	vld [tilespmem:s17+$0xFFFFFF60]  }
0x189: {  	[tilespmem:s19+$0xE0] =	vst v1;
	v10 =	vld [tilespmem:s19+$0xF0]  }
0x18a: {  	v2 =	vmul.f32 v6, v3;
	v6 =	vld [tilespmem:s17+$0xF0]  }
0x18b: {  	v1 =	vld [tilespmem:s19+$0xFFFFFF70]  }
.Ltmp8:
0x18c: {  	[tilespmem:s19+$0xFFFFFFE0] =	vst v2;
	v2 =	vld [tilespmem:s19+$0xFFFFFFF0];
	v3 =	vmul.f32 v9, v8;
	(pc) =	sbr.rel @p1 .LBB2_10-.Ltmp8, $4  }
0x18d: {  	v5 =	vmul.f32 v4, v7;
	v4 =	vld [tilespmem:s17+$0xFFFFFFF0]  }
0x18e: {  	[tilespmem:s19+$0x60] =	vst v3;
	v3 =	vld [tilespmem:s19+$0x70]  }
0x18f: {  	[tilespmem:s19+$0xFFFFFF60] =	vst v5;
	v5 =	vld [tilespmem:s17+$0x70];
	v7 =	vmul.f32 v6, v10  }
0x190: {  	s19 =	sadd.s32 $0x200, s19;
	v6 =	vld [tilespmem:s17+$0xFFFFFF70]  }
0x191: {  	_ =	sdelay $0x1  }
0x192: {  	v2 =	vmul.f32 v4, v2  }
0x193: {  	[tilespmem:s16+$0xF0] =	vst v7;
	v3 =	vmul.f32 v5, v3  }
0x194: {  	s14 =	sadd.s32 @!p0 s6, s14;
	[tilespmem:s16+$0xFFFFFFF0] =	vst v2;
	v1 =	vmul.f32 v6, v1  }
0x195: {  	s14 =	sshll.u32 @!p0 s14, $0x4;
	[tilespmem:s16+$0x70] =	vst v3  }
0x196: {  	s17 =	simm.s32 @!p0 $0x5B00;
	s14 =	sadd.s32 @!p0 s7, s14;
	[tilespmem:s16+$0xFFFFFF70] =	vst v1;
	s16 =	simm.s32 @!p0 $0x0  }
0x197: {  	[tilespmem:s17], [sflag:$0x3] =	stream.linear.gather @!p0 [hbm4b:s14+s16], $0x2800, $0x38;
	[tilespmem:$0x1BF00] =	vst v63  }
.Ltmp9:
0x198: {  	_ = 	snop;
	(pc) =	sbr.rel .LBB2_12-.Ltmp9, $4  }
0x199: {  	_ =	swait.ge [sflag:s31], $0x50  }
0x19a: {  	[sflag:s31] =	ssyncset.done $0x0  }
0x19b: {  	[sflag:s31] =	ssyncadd.s32 $0xFFFFFFB0  }
0x19c: {  	[spmem:s3] =	stream.indirect.scatter.add.f32 [tilespmem:s0], [sflag:$0x7], $0x80, s2, s26, $0xb8;
	[tilespmem:$0x1BF00] =	vst v63  }
.LBB2_14:
0x19d: {  	_ =	sfence.sel $0x180000  }
0x19e: {  	[bflag:$0x0] =	sbarrier.arrive $0xFFFF  }
0x19f: {  	_ =	strace $0x90000047  }
0x1a0: {  	s0 =	stileid.u32;
	[bflag:$0x2] =	sbarrier.arrive $0xFFFF  }
0x1a1: {  	p0 =	sne.s32 s0, $0x0;
	s0 =	rddreg [dreg:$0x3]  }
0x1a2: {  	s0 =	sadd.s32 @!p0 $0x100000, s0  }
0x1a3: {  	[sflag:s0] =	ssyncadd.tile.s32 @!p0 $0x1;
	_ =	shalt  }
.Lfunc_end2:
_tile_overlayer_lowered:
.L_overlay_start_2:
0x1a4: {  	(tag) =	ssettag $0x2  }
0x1a5: {  	s0 =	rddreg [dreg:$0x0];
	s2 =	stileid.u32  }
0x1a6: {  	s1 =	rddreg [dreg:$0x1];
	p0 =	sne.s32 s2, $0x0  }
0x1a7: {  	s3 =	rddreg [dreg:$0x2];
	[bflag:$0x3] =	sbarrier.arrive $0xFFFF;
	s2 =	simm.s32 @!p0 $0x1C08  }
0x1a8: {  	[timem:s3], [sflag:s2] =	dma.local @!p0 [hbm:s0], s1  }
0x1a9: {  	s0 =	simm.s32 @!p0 $0x8  }
0x1aa: {  	_ =	swait.ge @!p0 [sflag:s0], s1  }
0x1ab: {  	s1 =	ssub.s32 @!p0 $0x0, s1;
	[sflag:s0] =	ssyncset.done @!p0 $0x0  }
0x1ac: {  	[sflag:s0] =	ssyncadd.s32 @!p0 s1  }
0x1ad: {  	[bflag:$0x3] =	sbarrier.arrive $0xFFFF  }
0x1ae: {  	_ =	shalt  }

// kernel: kernel.15.cloned.1.call-start
scs
__scs_entry_jumppad:
0x0: {  	(pc) =	sbr.rel $0x88, $3  }
0x1: {  	(tag) =	ssettag $0x0;
	lr =	simm.s32 $0x1  }
0x2: {  	[smem:$0x3F94] =	sst lr;
	_ =	strace $0xD0000000  }
0x3: {  	_ = 	snop  }
0x4: {  	_ = 	snop  }
0x5: {  	_ = 	snop  }
0x6: {  	_ = 	snop  }
0x7: {  	_ = 	snop  }
__scs_overlays_trampoline_lowered:
0x8: {  	[smem:$0x3FA3] =	sst s0  }
0x9: {  	[smem:$0x3FA4] =	sst s1  }
0xa: {  	[smem:$0x3FA5] =	sst s2  }
0xb: {  	[smem:$0x3FA6] =	sst s3  }
0xc: {  	[smem:$0x3FA7] =	sst s4  }
0xd: {  	[smem:$0x3FA8] =	sst s5  }
0xe: {  	[smem:$0x3FA9] =	sst s6  }
0xf: {  	[smem:$0x3FAA] =	sst s7  }
0x10: {  	[smem:$0x3FAB] =	sst s8  }
0x11: {  	[smem:$0x3FAC] =	sst s9;
	s0 =	simm.s32 @!p0 $0x0  }
0x12: {  	s1 =	sld [smem:$0x3F92];
	s0 =	simm.s32 @p0 $0x1  }
0x13: {  	[smem:$0x3FAD] =	sst s0;
	s0 =	simm.s32 @!p1 $0x0  }
0x14: {  	s2 =	sld [smem:$0x3F91];
	s0 =	simm.s32 @p1 $0x1  }
0x15: {  	[smem:$0x3FAE] =	sst s0;
	s0 =	simm.s32 @!p2 $0x0  }
0x16: {  	s3 =	sld [smem:$0x3FDB];
	s0 =	simm.s32 @p2 $0x1  }
0x17: {  	s4 =	simm.s32 $0x1BF5;
	[smem:$0x3FB0] =	sst s0  }
0x18: {  	s0 =	sld [smem:$0x3F93];
	_ =	swait.ge [sflag:s4], $0x0  }
0x19: {  	s7 =	sld [smem:$0x3F94]  }
0x1a: {  	s8 =	sadd.s32 $0xFFFFE003, lr  }
0x1b: {  	s9 =	sadd.s32 $0xFFFFFEF7, lr;
	s5 =	simm.s32 $0xFFFFFFFF;
	p2 =	slt.u32 s8, $0xFFFFF086  }
0x1c: {  	p1 =	slt.u32 s9, $0xF7A;
	s5 =	simm.s32 @!p2 $0x0  }
0x1d: {  	s5 =	simm.s32 @p1 $0x1;
	p0 =	seq.s32 s7, s2  }
0x1e: {  	s7 =	smul.u32 @!p0 $0xF7A, s2;
	p2 =	seq.s32 @!p0 s5, $0x0  }
0x1f: {  	s9 =	smul.u32 $0xF7A, s1;
	s8 =	simm.s32 @!p0 $0x1BF5;
	p2 =	por !p2, p0  }
0x20: {  	[sflag:s8] =	ssyncset.s32 @!p0 $0xFFFFF086;
	s6 =	sadd.s32 @!p0 s3, s7;
	s7 =	simm.s32 @!p0 $0x108  }
0x21: {  	s3 =	sadd.s32 s3, s9;
	s6 =	sadd.s32 @!p0 $0x88, s6;
	s7 =	simm.s32 @p2 $0x1082  }
0x22: {  	[simem:s7], [sflag:s8] =	dma.local @!p0 [hbm:s6], $0xF7A  }
0x23: {  	s9 =	sor.u32 $0xD0000000, s2;
	s6 =	simm.s32 $0x108;
	_ =	swait.ge @!p0 [sflag:s8], $0x0  }
0x24: {  	s3 =	sadd.s32 $0x88, s3;
	s6 =	simm.s32 @!p1 $0x1082;
	[sflag:s4] =	ssyncset.s32 $0xFFFFF086  }
0x25: {  	[simem:s6], [sflag:s4] =	dma.local [hbm:s3], $0xF7A  }
0x26: {  	[smem:$0x3F94] =	sst s1;
	(tag) =	ssettag s2;
	_ =	strace s9  }
0x27: {  	s1 =	sld [smem:$0x3FA4]  }
0x28: {  	s2 =	sld [smem:$0x3FA5]  }
0x29: {  	s4 =	sld [smem:$0x3FA7]  }
0x2a: {  	p0 =	seq.s32 s5, $0x0;
	s5 =	sld [smem:$0x3FA8]  }
0x2b: {  	s6 =	sld [smem:$0x3FA9]  }
0x2c: {  	s7 =	sld [smem:$0x3FAA]  }
0x2d: {  	s3 =	simm.s32 $0x108;
	s8 =	sld [smem:$0x3FAB]  }
0x2e: {  	s3 =	simm.s32 @!p0 $0x1082;
	s9 =	sld [smem:$0x3FAC]  }
0x2f: {  	lr =	sadd.s32 s0, s3;
	s0 =	sld [smem:$0x3FA3]  }
0x30: {  	s3 =	sld [smem:$0x3FA6]  }
0x31: {  	[smem:$0x3FAF] =	sst s10  }
0x32: {  	s10 =	sld [smem:$0x3FAD];
	_ =	sdelay $0x3  }
0x33: {  	p0 =	seq.s32 s10, $0x1;
	s10 =	sld [smem:$0x3FAF];
	_ =	sdelay $0x3  }
0x34: {  	[smem:$0x3FAF] =	sst s10  }
0x35: {  	s10 =	sld [smem:$0x3FAE];
	_ =	sdelay $0x3  }
0x36: {  	p1 =	seq.s32 s10, $0x1;
	s10 =	sld [smem:$0x3FAF];
	_ =	sdelay $0x3  }
0x37: {  	[smem:$0x3FAF] =	sst s10  }
0x38: {  	s10 =	sld [smem:$0x3FB0]  }
0x39: {  	_ = 	snop;
	(pc) =	sbr.ind lr, $3  }
0x3a: {  	_ = 	snop  }
0x3b: {  	_ = 	snop  }
0x3c: {  	p2 =	seq.s32 s10, $0x1;
	s10 =	sld [smem:$0x3FAF]  }
0x3d: {  	_ =	shalt  }
0x3e: {  	_ =	shalt  }
0x3f: {  	_ =	shalt  }
0x40: {  	_ =	shalt  }
0x41: {  	_ =	shalt  }
0x42: {  	_ =	shalt  }
0x43: {  	_ =	shalt  }
0x44: {  	_ =	shalt  }
0x45: {  	_ =	shalt  }
0x46: {  	_ =	shalt  }
0x47: {  	_ =	shalt  }
0x48: {  	_ =	shalt  }
0x49: {  	_ =	shalt  }
0x4a: {  	_ =	shalt  }
0x4b: {  	_ =	shalt  }
0x4c: {  	_ =	shalt  }
0x4d: {  	_ =	shalt  }
0x4e: {  	_ =	shalt  }
0x4f: {  	_ =	shalt  }
0x50: {  	_ =	shalt  }
0x51: {  	_ =	shalt  }
0x52: {  	_ =	shalt  }
0x53: {  	_ =	shalt  }
0x54: {  	_ =	shalt  }
0x55: {  	_ =	shalt  }
0x56: {  	_ =	shalt  }
0x57: {  	_ =	shalt  }
0x58: {  	_ =	shalt  }
0x59: {  	_ =	shalt  }
0x5a: {  	_ =	shalt  }
0x5b: {  	_ =	shalt  }
0x5c: {  	_ =	shalt  }
0x5d: {  	_ =	shalt  }
0x5e: {  	_ =	shalt  }
0x5f: {  	_ =	shalt  }
0x60: {  	_ =	shalt  }
0x61: {  	_ =	shalt  }
0x62: {  	_ =	shalt  }
0x63: {  	_ =	shalt  }
0x64: {  	_ =	shalt  }
0x65: {  	_ =	shalt  }
0x66: {  	_ =	shalt  }
0x67: {  	_ =	shalt  }
0x68: {  	_ =	shalt  }
0x69: {  	_ =	shalt  }
0x6a: {  	_ =	shalt  }
0x6b: {  	_ =	shalt  }
0x6c: {  	_ =	shalt  }
0x6d: {  	_ =	shalt  }
0x6e: {  	_ =	shalt  }
0x6f: {  	_ =	shalt  }
0x70: {  	_ =	shalt  }
0x71: {  	_ =	shalt  }
0x72: {  	_ =	shalt  }
0x73: {  	_ =	shalt  }
0x74: {  	_ =	shalt  }
0x75: {  	_ =	shalt  }
0x76: {  	_ =	shalt  }
0x77: {  	_ =	shalt  }
0x78: {  	_ =	shalt  }
0x79: {  	_ =	shalt  }
0x7a: {  	_ =	shalt  }
0x7b: {  	_ =	shalt  }
0x7c: {  	_ =	shalt  }
0x7d: {  	_ =	shalt  }
0x7e: {  	_ =	shalt  }
0x7f: {  	_ =	shalt  }
0x80: {  	_ =	shalt  }
0x81: {  	_ =	shalt  }
0x82: {  	_ =	shalt  }
0x83: {  	_ =	shalt  }
0x84: {  	_ =	shalt  }
0x85: {  	_ =	shalt  }
0x86: {  	_ =	shalt  }
0x87: {  	_ =	shalt  }
.Lfunc_end0:
.L_simem_size_0:
called_computation.1_lowered:
.L_overlay_start_0:
0x88: {  	s2 =	sld [smem:$0x3FD9]  }
0x89: {  	s3 =	sld [smem:$0x3FFE];
	_ =	sdelay $0x1  }
0x8a: {  	s1 =	srdreg.scid  }
0x8b: {  	s0 =	sand.u32 $0x1, s1  }
0x8c: {  	s17 =	sshll.u32 s0, $0xA;
	s2 =	sadd.s32 s3, s2  }
0x8d: {  	s2 =	sadd.s32 s2, s17  }
0x8e: {  	[smem:$0x3FBB] =	sst s2  }
0x8f: {  	_ = 	snop  }
0x90: {  	s18 =	sld [smem:$0x3FD0];
	(tm) =	ssettm $0x1  }
0x91: {  	s19 =	sld [smem:$0x3FFB];
	_ =	sdelay $0x3  }
0x92: {  	_ =	strace s19  }
0x93: {  	s2 =	sld [smem:$0x3FFC];
	_ =	sdelay $0x3  }
0x94: {  	_ =	strace s2  }
0x95: {  	s2 =	sld [smem:$0x3FFD];
	_ =	sdelay $0x3  }
0x96: {  	_ =	strace s2  }
0x97: {  	_ =	strace $0x8FFFFFFF  }
0x98: {  	s20 =	sld [smem:$0x3FDB];
	_ =	sdelay $0x1  }
0x99: {  	s4 =	simm.s32 $_scs_section_size  }
0x9a: {  	s5 =	simm.s32 $_size__tile_overlayer_lowered;
	s6 =	simm.s32 $_tile_overlayer_lowered  }
0x9b: {  	s7 =	simm.s32 $0x1BFF;
	s21 =	sshll.u32 s6, $0x1;
	s4 =	sadd.s32 s4, s20  }
0x9c: {  	s22 =	simm.s32 $0x0;
	s5 =	sshll.u32 s5, $0x1;
	s6 =	sadd.s32 s21, s4  }
0x9d: {  	[timem:s22], [sflag:s7] =	dma.local [hbm:s6], s5  }
0x9e: {  	_ =	swait.ge [sflag:s7], s5  }
0x9f: {  	s5 =	ssub.s32 $0x0, s5;
	[sflag:s7] =	ssyncset.done $0x0  }
0xa0: {  	[sflag:s7] =	ssyncadd.s32 s5;
	_ =	sdelay $0x1  }
0xa1: {  	s23 =	simm.s32 $0x1B8B  }
0xa2: {  	_ =	swait.ge [sflag:s23], $0x1  }
0xa3: {  	[sflag:s23] =	ssyncset.done $0x0  }
0xa4: {  	[sflag:s23] =	ssyncadd.s32 $0xFFFFFFFF  }
0xa5: {  	s5 =	sld [smem:$0x0]  }
0xa6: {  	s6 =	sand.u32 $0xFFFFFFFE, s1  }
0xa7: {  	p0 =	sne.s32 s1, s6  }
0xa8: {  	s6 =	sshll.u32 @p0 s6, $0xE  }
0xa9: {  	s6 =	sadd.s32 @p0 $0x11B8D, s6;
	s7 =	sshll.u32 @p0 s5, $0x11  }
0xaa: {  	s6 =	sor.u32 @p0 s7, s6  }
0xab: {  	[sflag:s6] =	ssyncadd.remote.s32 @p0 $0x1;
	_ =	sdelay $0x1  }
0xac: {  	s6 =	simm.s32 @p0 $0x1B8D  }
0xad: {  	_ =	swait.eq @p0 [sflag:s6], $0x1  }
0xae: {  	[sflag:s6] =	ssyncadd.s32 @p0 $0xFFFFFFFF  }
0xaf: {  	s7 =	sshll.u32 @!p0 s1, $0xE  }
0xb0: {  	s7 =	sor.u32 @!p0 $0x4000, s7;
	s6 =	simm.s32 @!p0 $0x1B8D  }
0xb1: {  	s5 =	sshll.u32 @!p0 s5, $0x11;
	s7 =	sadd.s32 @!p0 $0x11B8D, s7;
	_ =	swait.eq @!p0 [sflag:s6], $0x1  }
0xb2: {  	s5 =	sor.u32 @!p0 s5, s7;
	[sflag:s6] =	ssyncadd.s32 @!p0 $0xFFFFFFFF  }
0xb3: {  	s25 =	simm.s32 $0x1B8E;
	s24 =	sld [smem:$0x3FFE];
	[sflag:s5] =	ssyncadd.remote.s32 @!p0 $0x1  }
0xb4: {  	s26 =	simm.s32 $execute0_lowered;
	[smem:$0x3FD2] =	sst s25  }
0xb5: {  	s6 =	sshll.u32 s26, $0x1;
	_ =	strace $0x80000049;
	[dreg:$0x1] =	wrdreg $0xFFFFFFFF  }
0xb6: {  	s28 =	simm.s32 $_size_execute0_lowered;
	s4 =	sadd.s32 s4, s6;
	[dreg:$0x0] =	wrdreg $0x0  }
0xb7: {  	s6 =	sshll.u32 s28, $0x1;
	[dreg:$0x2] =	wrdreg s4  }
0xb8: {  	[dreg:$0x3] =	wrdreg s6  }
0xb9: {  	[dreg:$0x4] =	wrdreg $0xC0  }
0xba: {  	_ =	task [dreg:s22], $0x5FFFF  }
0xbb: {  	[dreg:$0x1] =	wrdreg $0xFFFFFFFF  }
0xbc: {  	[dreg:$0x0] =	wrdreg $0x60  }
0xbd: {  	[dreg:$0x2] =	wrdreg s18  }
0xbe: {  	[dreg:$0x3] =	wrdreg s24  }
0xbf: {  	[dreg:$0x4] =	wrdreg $0x83000  }
0xc0: {  	[dreg:$0x5] =	wrdreg $0xA  }
0xc1: {  	_ =	task.clear_ibuf [dreg:s22], $0x6FFFF;
	_ =	strace $0x90000049  }
0xc2: {  	s29 =	simm.s32 $0xA;
	_ =	strace $0x8000004B  }
0xc3: {  	_ =	swait.ge [sflag:s29], $0x1  }
0xc4: {  	[sflag:s29] =	ssyncadd.s32 $0xFFFFFFFF  }
0xc5: {  	_ =	strace $0x9000004B  }
0xc6: {  	_ =	sfence  }
0xc7: {  	s30 =	sld [smem:$0x0];
	_ =	sdelay $0x2  }
0xc8: {  	s31 =	sshll.u32 s1, $0xD;
	s1 =	sshrl.u32 s1, $0x2  }
0xc9: {  	s4 =	sand.u32 $0x4000, s31;
	s1 =	sadd.s32 s1, s30  }
0xca: {  	s0 =	sor.u32 s4, s0;
	s1 =	sshll.u32 s1, $0x11  }
0xcb: {  	s0 =	sor.u32 s1, s0  }
0xcc: {  	s0 =	sadd.s32 $0x8F2B, s0  }
0xcd: {  	[sflag:s0] =	ssyncadd.remote.s32 $0x1  }
0xce: {  	_ =	sfence.sel $0xFFFF  }
0xcf: {  	[dreg:$0x0] =	wrdreg $0xFFFFFFFF;
	(pc) =	sbr.abs _section_cstart, $3  }
0xd0: {  	[dreg:$0x1] =	wrdreg $0xFFFFFFFF  }
0xd1: {  	_ =	task.clear_ibuf [dreg:s22], $0x2FFFF;
	_ =	strace $0x9FFFFFFF  }
0xd2: {  	(tm) =	ssettm $0x7FFFFFFF  }
0xd3: {  	_ =	shalt  }
tec
execute0_lowered:
.L_overlay_start_1:
0x0: {  	(tag) =	ssettag $0x1  }
0x1: {  	s1 =	rddreg [dreg:$0x0];
	s0 =	srdreg.scid  }
0x2: {  	s2 =	rddreg [dreg:$0x1];
	s12 =	stileid.u32  }
0x3: {  	s3 =	rddreg [dreg:$0x2];
	s4 =	smul.u32 $0x9B0, s12  }
0x4: {  	s5 =	simm.s32 $0x0;
	s28 =	simm.s32 $0x6;
	s9 =	smul.u32 $0x2780, s12  }
0x5: {  	s29 =	simm.s32 $0x2;
	s0 =	sand.u32 $0x1, s0;
	s12 =	smul.u32 $0x4F000, s12  }
0x6: {  	s30 =	simm.s32 $0x3;
	s31 =	simm.s32 $0x5;
	s6 =	smul.u32 $0x9B00, s0  }
0x7: {  	[smem:$0x7FF] =	sst s5;
	s7 =	sadd.s32 $0x197800, s2;
	s10 =	smul.u32 $0x27800, s0  }
0x8: {  	_ =	strace $0x8000004A;
	s0 =	ssub.s32 $0x2, s0;
	s16 =	sshrl.u32 s12, $0x2  }
0x9: {  	s15 =	sshrl.u32 s0, $0x1;
	s9 =	sadd.s32 s9, s10;
	s10 =	sadd.s32 s16, s3  }
0xa: {  	s25 =	sshrl.u32 s4, $0x3;
	s6 =	sadd.s32 s4, s6;
	s18 =	sadd.s32 $0x2800, s10  }
0xb: {  	s0 =	ssub.s32 s0, s15;
	s19 =	sadd.s32 $0x5000, s10;
	[dreg:$0x5] =	wrdreg s18  }
0xc: {  	s8 =	sshrl.u32 s6, $0x3;
	s20 =	sadd.s32 $0x7800, s10;
	[dreg:$0x6] =	wrdreg s19  }
0xd: {  	s21 =	sadd.s32 $0xA000, s10;
	s22 =	sadd.s32 $0xC800, s10;
	[dreg:$0x7] =	wrdreg s20  }
0xe: {  	s23 =	sadd.s32 $0xF000, s10;
	s24 =	sadd.s32 $0x11800, s10;
	[dreg:$0x8] =	wrdreg s21  }
0xf: {  	s26 =	sshll.u32 s6, $0x4;
	s11 =	sadd.s32 s8, s2;
	[dreg:$0x9] =	wrdreg s22  }
0x10: {  	s8 =	sadd.s32 $0x2CD800, s2;
	s2 =	sadd.s32 s9, s2;
	[dreg:$0xa] =	wrdreg s23  }
0x11: {  	[dreg:$0xb] =	wrdreg s24;
	s19 =	sadd.s32 s7, s26;
	s21 =	smax.u32 s0, $0x1  }
.Ltmp0:
0x12: {  	s22 =	simm.s32 $0x8;
	s23 =	simm.s32 $0xB00;
	(pc) =	sbr.rel .LBB2_1-.Ltmp0, $4  }
0x13: {  	s24 =	simm.s32 $0xA00;
	s26 =	simm.s32 $0x50;
	s0 =	simm.s32 $0x1  }
0x14: {  	s17 =	sadd.s32 $0x2D1400, s11;
	s9 =	sadd.s32 s8, s25;
	s20 =	sadd.s32 $0x2D3C00, s2  }
0x15: {  	s2 =	simm.s32 $0xA80;
	s25 =	simm.s32 $0x3300;
	[dreg:$0x4] =	wrdreg s17  }
0x16: {  	v0 =	vimm.f32 $0.0e+00;
	s11 =	simm.s32 $0x0;
	[dreg:$0xc] =	wrdreg s9;
	s9 =	simm.s32 $0x4  }
.LBB2_16:
0x17: {  	_ =	swait.ge [sflag:s28], $0x2800;
	s12 =	stileid.u32  }
0x18: {  	s13 =	sshrl.u32 s10, $0x3;
	s11 =	sadd.s32 $0x1, s11;
	[sflag:s28] =	ssyncset.done $0x0  }
0x19: {  	s12 =	sshll.u32 s12, $0x6;
	p0 =	sne.s32 s11, s21;
	[sflag:s28] =	ssyncadd.s32 $0xFFFFD800  }
.Ltmp1:
0x1a: {  	s12 =	sor.u32 $0x1C08, s12;
	[bflag:$0x0] =	sbarrier.arrive $0xFFFF;
	(pc) =	sbr.rel @!p0 .LBB2_17-.Ltmp1, $4  }
0x1b: {  	[hbm:s20], [sflag:s12] =	dma.local [spmem:s13], $0x2780  }
0x1c: {  	_ =	swait.ge [sflag:s22], $0x2780  }
0x1d: {  	[sflag:s22] =	ssyncset.done $0x0  }
0x1e: {  	[sflag:s22] =	ssyncadd.s32 $0xFFFFD880  }
.LBB2_1:
0x1f: {  	s12 =	rddreg [dreg:$0x4]  }
0x20: {  	[tilespmem:s5], [sflag:$0x8] =	stream.linear.gather [hbm4b:s12+s5], $0x9B0, $0x38;
	[tilespmem:$0x1BF00] =	vst v63  }
0x21: {  	_ =	swait.ge [sflag:s22], $0x9B0  }
0x22: {  	[sflag:s22] =	ssyncset.done $0x0  }
0x23: {  	s13 =	simm.s32 $0x200;
	s12 =	simm.s32 $0x0;
	[sflag:s22] =	ssyncadd.s32 $0xFFFFF650  }
.LBB2_2:
0x24: {  	p0 =	sne.s32 s13, $0x9E00;
	[tilespmem:s12+$0xB70] =	vst v0  }
0x25: {  	[tilespmem:s12+$0xB00] =	vst v0  }
0x26: {  	[tilespmem:s12+$0xB10] =	vst v0  }
.Ltmp2:
0x27: {  	[tilespmem:s12+$0xB20] =	vst v0;
	(pc) =	sbr.rel @p0 .LBB2_2-.Ltmp2, $4  }
0x28: {  	[tilespmem:s12+$0xB30] =	vst v0  }
0x29: {  	[tilespmem:s12+$0xB40] =	vst v0  }
0x2a: {  	[tilespmem:s12+$0xB50] =	vst v0  }
0x2b: {  	[tilespmem:s12+$0xB60] =	vst v0;
	s12 =	sshra.s32 s13, $0x2;
	s13 =	sadd.s32 $0x200, s13  }
0x2c: {  	[tilespmem:s12+$0xB70] =	vst v0  }
0x2d: {  	[tilespmem:s12+$0xB00] =	vst v0  }
0x2e: {  	[tilespmem:s12+$0xB10] =	vst v0  }
0x2f: {  	[tilespmem:s12+$0xB20] =	vst v0  }
0x30: {  	[tilespmem:s12+$0xB30] =	vst v0  }
0x31: {  	[tilespmem:s12+$0xB40] =	vst v0  }
0x32: {  	[tilespmem:s12+$0xB50] =	vst v0  }
0x33: {  	[tilespmem:s12+$0xB60] =	vst v0  }
0x34: {  	[spmem:s10] =	stream.linear.scatter [tilespmem:s23], [sflag:$0x8], $0x2800, $0x38;
	[tilespmem:$0x1BF00] =	vst v63  }
0x35: {  	_ =	swait.ge [sflag:s22], $0x2800  }
0x36: {  	[sflag:s22] =	ssyncset.done $0x0  }
0x37: {  	s17 =	rddreg [dreg:$0x5];
	[sflag:s22] =	ssyncadd.s32 $0xFFFFD800  }
0x38: {  	[spmem:s17] =	stream.linear.scatter [tilespmem:s23], [sflag:$0x8], $0x2800, $0x38;
	[tilespmem:$0x1BF00] =	vst v63  }
0x39: {  	_ =	swait.ge [sflag:s22], $0x2800  }
0x3a: {  	[sflag:s22] =	ssyncset.done $0x0  }
0x3b: {  	s18 =	rddreg [dreg:$0x6];
	[sflag:s22] =	ssyncadd.s32 $0xFFFFD800  }
0x3c: {  	[spmem:s18] =	stream.linear.scatter [tilespmem:s23], [sflag:$0x8], $0x2800, $0x38;
	[tilespmem:$0x1BF00] =	vst v63  }
0x3d: {  	_ =	swait.ge [sflag:s22], $0x2800  }
0x3e: {  	[sflag:s22] =	ssyncset.done $0x0  }
0x3f: {  	s13 =	rddreg [dreg:$0x7];
	[sflag:s22] =	ssyncadd.s32 $0xFFFFD800  }
0x40: {  	[spmem:s13] =	stream.linear.scatter [tilespmem:s23], [sflag:$0x8], $0x2800, $0x38;
	[tilespmem:$0x1BF00] =	vst v63  }
0x41: {  	_ =	swait.ge [sflag:s22], $0x2800  }
0x42: {  	[sflag:s22] =	ssyncset.done $0x0  }
0x43: {  	s14 =	rddreg [dreg:$0x8];
	[sflag:s22] =	ssyncadd.s32 $0xFFFFD800  }
0x44: {  	[spmem:s14] =	stream.linear.scatter [tilespmem:s23], [sflag:$0x8], $0x2800, $0x38;
	[tilespmem:$0x1BF00] =	vst v63  }
0x45: {  	_ =	swait.ge [sflag:s22], $0x2800  }
0x46: {  	[sflag:s22] =	ssyncset.done $0x0  }
0x47: {  	s15 =	rddreg [dreg:$0x9];
	[sflag:s22] =	ssyncadd.s32 $0xFFFFD800  }
0x48: {  	[spmem:s15] =	stream.linear.scatter [tilespmem:s23], [sflag:$0x8], $0x2800, $0x38;
	[tilespmem:$0x1BF00] =	vst v63  }
0x49: {  	_ =	swait.ge [sflag:s22], $0x2800  }
0x4a: {  	[sflag:s22] =	ssyncset.done $0x0  }
0x4b: {  	s16 =	rddreg [dreg:$0xa];
	[sflag:s22] =	ssyncadd.s32 $0xFFFFD800  }
0x4c: {  	[spmem:s16] =	stream.linear.scatter [tilespmem:s23], [sflag:$0x8], $0x2800, $0x38;
	[tilespmem:$0x1BF00] =	vst v63  }
0x4d: {  	_ =	swait.ge [sflag:s22], $0x2800  }
0x4e: {  	[sflag:s22] =	ssyncset.done $0x0  }
0x4f: {  	s17 =	rddreg [dreg:$0xb];
	[sflag:s22] =	ssyncadd.s32 $0xFFFFD800  }
0x50: {  	[spmem:s17] =	stream.linear.scatter [tilespmem:s23], [sflag:$0x8], $0x2400, $0x38;
	[tilespmem:$0x1BF00] =	vst v63  }
0x51: {  	_ =	swait.ge [sflag:s22], $0x2400  }
0x52: {  	[sflag:s22] =	ssyncset.done $0x0  }
0x53: {  	[sflag:s22] =	ssyncadd.s32 $0xFFFFDC00  }
0x54: {  	[bflag:$0x0] =	sbarrier.arrive $0xFFFF  }
0x55: {  	s12 =	simm.s32 $0x0;
	s13 =	rddreg [dreg:$0xc]  }
0x56: {  	[tilespmem:s24], [sflag:$0x4] =	stream.linear.gather [hbm4b:s13+s12], $0x50, $0x38;
	[tilespmem:$0x1BF00] =	vst v63  }
.Ltmp3:
0x57: {  	_ = 	snop;
	(pc) =	sbr.rel .LBB2_4-.Ltmp3, $4  }
0x58: {  	s18 =	simm.s32 $0x5B00  }
0x59: {  	[tilespmem:s18], [sflag:$0x3] =	stream.linear.gather [hbm4b:s19+s12], $0x2800, $0x38;
	[tilespmem:$0x1BF00] =	vst v63  }
0x5a: {  	_ = 	snop  }
0x5b: {  	[tilespmem:s23], [sflag:$0x1] =	stream.indirect.gather [hbm4b:s1+s26], $0x80, s12, s26, $0xb8;
	[tilespmem:$0x1BF00] =	vst v63  }
.LBB2_11:
0x5c: {  	s13 =	sor.u32 $0x1, s12  }
.LBB2_15:
0x5d: {  	p0 =	sne.s32 s13, $0x1F  }
.Ltmp4:
0x5e: {  	_ = 	snop;
	(pc) =	sbr.rel @!p0 .LBB2_16-.Ltmp4, $2  }
0x5f: {  	_ =	sdelay $0x2  }
0x60: {  	s12 =	smov.u32 s13  }
.LBB2_4:
0x61: {  	s13 =	sand.u32 $0x1, s12  }
0x62: {  	p0 =	seq.s32 s13, $0x1  }
.Ltmp5:
0x63: {  	_ = 	snop;
	(pc) =	sbr.rel @p0 .LBB2_12-.Ltmp5, $1  }
0x64: {  	_ =	sdelay $0x3  }
0x65: {  	p0 =	seq.s32 s12, $0x0  }
0x66: {  	p1 =	seq.s32 @!p0 s12, $0x1E  }
0x67: {  	p1 =	por p0, !p1  }
.Ltmp6:
0x68: {  	_ = 	snop;
	(pc) =	sbr.rel @p1 .LBB2_7-.Ltmp6, $4  }
0x69: {  	s14 =	simm.s32 @!p0 $0x7  }
0x6a: {  	_ =	swait.ge @!p0 [sflag:s14], $0x2800  }
0x6b: {  	[sflag:s14] =	ssyncset.done @!p0 $0x0  }
0x6c: {  	[sflag:s14] =	ssyncadd.s32 @!p0 $0xFFFFD800  }
.Ltmp7:
0x6d: {  	(pc) =	sbr.rel .LBB2_8-.Ltmp7, $2  }
0x6e: {  	_ =	sdelay $0x2  }
0x6f: {  	s14 =	simm.s32 @!p0 $0x9B0;
	p0 =	por @!p0 $0x1, $0x1  }
.LBB2_7:
0x70: {  	s14 =	sor.u32 @!p0 $0x1, s12  }
0x71: {  	s14 =	simm.s32 @p0 $0x1  }
0x72: {  	s14 =	smul.u32 $0x50, s14;
	_ =	sdelay $0x1  }
0x73: {  	[tilespmem:s25], [sflag:$0x2] =	stream.indirect.gather [hbm4b:s1+s26], $0x80, s14, s26, $0xb8;
	[tilespmem:$0x1BF00] =	vst v63  }
0x74: {  	s15 =	sadd.s32 s4, s14  }
0x75: {  	s15 =	sshrl.u32 s15, $0x3  }
0x76: {  	p0 =	por $0x0, $0x0;
	s15 =	sadd.s32 s8, s15  }
0x77: {  	[tilespmem:s2], [sflag:$0x5] =	stream.linear.gather [hbm4b:s15+s5], $0x50, $0x38;
	[tilespmem:$0x1BF00] =	vst v63  }
.LBB2_8:
0x78: {  	_ =	swait.ge [sflag:s0], $0x2800  }
0x79: {  	[sflag:s0] =	ssyncset.done $0x0  }
0x7a: {  	[sflag:s0] =	ssyncadd.s32 $0xFFFFD800  }
0x7b: {  	_ =	swait.ge [sflag:s30], $0x2800  }
0x7c: {  	[sflag:s30] =	ssyncset.done $0x0  }
0x7d: {  	s15 =	simm.s32 $0xC00;
	[sflag:s30] =	ssyncadd.s32 $0xFFFFD800  }
0x7e: {  	s16 =	simm.s32 $0x5C00;
	v1 =	vld [tilespmem:s15+$0x80]  }
0x7f: {  	v2 =	vld [tilespmem:s16+$0x80]  }
0x80: {  	v3 =	vld [tilespmem:s15+$0xFFFFFF80]  }
0x81: {  	v4 =	vld [tilespmem:s16+$0xFFFFFF80]  }
0x82: {  	v5 =	vld [tilespmem:s15+$0x0]  }
0x83: {  	v6 =	vld [tilespmem:s16+$0x0]  }
0x84: {  	v7 =	vld [tilespmem:s15+$0xFFFFFF00];
	v1 =	vmul.f32 v2, v1  }
0x85: {  	v2 =	vld [tilespmem:s16+$0xFFFFFF00]  }
0x86: {  	[tilespmem:s15+$0x80] =	vst v1;
	v1 =	vld [tilespmem:s15+$0x90]  }
0x87: {  	v3 =	vmul.f32 v4, v3;
	v4 =	vld [tilespmem:s16+$0x90]  }
0x88: {  	v8 =	vld [tilespmem:s15+$0xFFFFFF10]  }
0x89: {  	[tilespmem:s15+$0xFFFFFF80] =	vst v3;
	v3 =	vmul.f32 v6, v5;
	v5 =	vld [tilespmem:s15+$0xFFFFFF90]  }
0x8a: {  	v6 =	vld [tilespmem:s16+$0xFFFFFF90];
	v2 =	vmul.f32 v2, v7  }
0x8b: {  	[tilespmem:s15+$0x0] =	vst v3;
	v3 =	vld [tilespmem:s15+$0x10]  }
0x8c: {  	v7 =	vld [tilespmem:s16+$0x10];
	[tilespmem:s15+$0xFFFFFF00] =	vst v2;
	v1 =	vmul.f32 v4, v1  }
0x8d: {  	v2 =	vld [tilespmem:s16+$0xFFFFFF10]  }
0x8e: {  	[tilespmem:s15+$0x90] =	vst v1;
	v1 =	vld [tilespmem:s15+$0xA0]  }
0x8f: {  	v4 =	vmul.f32 v6, v5;
	v5 =	vld [tilespmem:s16+$0xA0]  }
0x90: {  	v6 =	vld [tilespmem:s15+$0xFFFFFF20]  }
0x91: {  	[tilespmem:s15+$0xFFFFFF90] =	vst v4;
	v3 =	vmul.f32 v7, v3;
	v4 =	vld [tilespmem:s15+$0xFFFFFFA0]  }
0x92: {  	v7 =	vld [tilespmem:s16+$0xFFFFFFA0];
	v2 =	vmul.f32 v2, v8  }
0x93: {  	[tilespmem:s15+$0x10] =	vst v3;
	v3 =	vld [tilespmem:s15+$0x20]  }
0x94: {  	v8 =	vld [tilespmem:s16+$0x20];
	[tilespmem:s15+$0xFFFFFF10] =	vst v2;
	v1 =	vmul.f32 v5, v1  }
0x95: {  	v2 =	vld [tilespmem:s16+$0xFFFFFF20]  }
0x96: {  	[tilespmem:s15+$0xA0] =	vst v1;
	v1 =	vld [tilespmem:s15+$0xB0]  }
0x97: {  	v4 =	vmul.f32 v7, v4;
	v5 =	vld [tilespmem:s16+$0xB0]  }
0x98: {  	v7 =	vld [tilespmem:s15+$0xFFFFFF30]  }
0x99: {  	[tilespmem:s15+$0xFFFFFFA0] =	vst v4;
	v3 =	vmul.f32 v8, v3;
	v4 =	vld [tilespmem:s15+$0xFFFFFFB0]  }
0x9a: {  	v8 =	vld [tilespmem:s16+$0xFFFFFFB0];
	v2 =	vmul.f32 v2, v6  }
0x9b: {  	[tilespmem:s15+$0x20] =	vst v3;
	v3 =	vld [tilespmem:s15+$0x30]  }
0x9c: {  	v6 =	vld [tilespmem:s16+$0x30];
	[tilespmem:s15+$0xFFFFFF20] =	vst v2;
	v1 =	vmul.f32 v5, v1  }
0x9d: {  	v2 =	vld [tilespmem:s16+$0xFFFFFF30]  }
0x9e: {  	[tilespmem:s15+$0xB0] =	vst v1;
	v1 =	vld [tilespmem:s15+$0xC0]  }
0x9f: {  	v4 =	vmul.f32 v8, v4;
	v5 =	vld [tilespmem:s16+$0xC0]  }
0xa0: {  	v8 =	vld [tilespmem:s15+$0xFFFFFF40]  }
0xa1: {  	[tilespmem:s15+$0xFFFFFFB0] =	vst v4;
	v3 =	vmul.f32 v6, v3;
	v4 =	vld [tilespmem:s15+$0xFFFFFFC0]  }
0xa2: {  	v6 =	vld [tilespmem:s16+$0xFFFFFFC0];
	v2 =	vmul.f32 v2, v7  }
0xa3: {  	[tilespmem:s15+$0x30] =	vst v3;
	v3 =	vld [tilespmem:s15+$0x40]  }
0xa4: {  	v7 =	vld [tilespmem:s16+$0x40];
	[tilespmem:s15+$0xFFFFFF30] =	vst v2;
	v1 =	vmul.f32 v5, v1  }
0xa5: {  	v2 =	vld [tilespmem:s16+$0xFFFFFF40]  }
0xa6: {  	[tilespmem:s15+$0xC0] =	vst v1;
	v1 =	vld [tilespmem:s15+$0xD0]  }
0xa7: {  	v4 =	vmul.f32 v6, v4;
	v5 =	vld [tilespmem:s16+$0xD0]  }
0xa8: {  	v6 =	vld [tilespmem:s15+$0xFFFFFF50]  }
0xa9: {  	[tilespmem:s15+$0xFFFFFFC0] =	vst v4;
	v3 =	vmul.f32 v7, v3;
	v4 =	vld [tilespmem:s15+$0xFFFFFFD0]  }
0xaa: {  	v7 =	vld [tilespmem:s16+$0xFFFFFFD0];
	v2 =	vmul.f32 v2, v8  }
0xab: {  	[tilespmem:s15+$0x40] =	vst v3;
	v3 =	vld [tilespmem:s15+$0x50]  }
0xac: {  	v8 =	vld [tilespmem:s16+$0x50];
	[tilespmem:s15+$0xFFFFFF40] =	vst v2;
	v1 =	vmul.f32 v5, v1  }
0xad: {  	v2 =	vld [tilespmem:s16+$0xFFFFFF50]  }
0xae: {  	[tilespmem:s15+$0xD0] =	vst v1;
	v1 =	vld [tilespmem:s15+$0xE0]  }
0xaf: {  	v4 =	vmul.f32 v7, v4;
	v5 =	vld [tilespmem:s16+$0xE0]  }
0xb0: {  	v7 =	vld [tilespmem:s15+$0xFFFFFF60]  }
0xb1: {  	[tilespmem:s15+$0xFFFFFFD0] =	vst v4;
	v3 =	vmul.f32 v8, v3;
	v4 =	vld [tilespmem:s15+$0xFFFFFFE0]  }
0xb2: {  	v8 =	vld [tilespmem:s16+$0xFFFFFFE0];
	v2 =	vmul.f32 v2, v6  }
0xb3: {  	[tilespmem:s15+$0x50] =	vst v3;
	v3 =	vld [tilespmem:s15+$0x60]  }
0xb4: {  	v6 =	vld [tilespmem:s16+$0x60];
	[tilespmem:s15+$0xFFFFFF50] =	vst v2;
	v1 =	vmul.f32 v5, v1  }
0xb5: {  	v5 =	vld [tilespmem:s16+$0xFFFFFF60]  }
0xb6: {  	v9 =	vld [tilespmem:s15+$0xF0];
	[tilespmem:s15+$0xE0] =	vst v1  }
0xb7: {  	v2 =	vmul.f32 v8, v4;
	v8 =	vld [tilespmem:s16+$0xF0]  }
0xb8: {  	v1 =	vld [tilespmem:s15+$0xFFFFFF70]  }
0xb9: {  	[tilespmem:s15+$0xFFFFFFE0] =	vst v2;
	v3 =	vmul.f32 v6, v3;
	v2 =	vld [tilespmem:s15+$0xFFFFFFF0]  }
0xba: {  	v4 =	vld [tilespmem:s16+$0xFFFFFFF0];
	v5 =	vmul.f32 v5, v7  }
0xbb: {  	[tilespmem:s15+$0x60] =	vst v3;
	v3 =	vld [tilespmem:s15+$0x70]  }
0xbc: {  	[tilespmem:s15+$0xFFFFFF60] =	vst v5;
	v5 =	vld [tilespmem:s16+$0x70];
	v7 =	vmul.f32 v8, v9  }
0xbd: {  	s17 =	simm.s32 $0x0;
	s18 =	simm.s32 $0xE00;
	v6 =	vld [tilespmem:s16+$0xFFFFFF70]  }
.LBB2_9:
0xbe: {  	v8 =	vld [tilespmem:s18+$0x80];
	[tilespmem:s15+$0xF0] =	vst v7;
	s16 =	sadd.s32 $0x200, s16  }
0xbf: {  	s17 =	sadd.s32 $0x4, s17;
	v7 =	vld [tilespmem:s16+$0x80];
	v2 =	vmul.f32 v4, v2  }
0xc0: {  	p1 =	slt.u32 s17, $0x4C;
	v4 =	vld [tilespmem:s16+$0xFFFFFF00]  }
0xc1: {  	v9 =	vld [tilespmem:s18+$0xFFFFFF80];
	[tilespmem:s15+$0xFFFFFFF0] =	vst v2;
	v2 =	vmul.f32 v5, v3  }
0xc2: {  	v3 =	vld [tilespmem:s16+$0xFFFFFF80];
	v1 =	vmul.f32 v6, v1  }
0xc3: {  	v5 =	vld [tilespmem:s18+$0x0];
	[tilespmem:s15+$0x70] =	vst v2  }
0xc4: {  	v2 =	vld [tilespmem:s16+$0x0];
	v6 =	vmul.f32 v7, v8;
	[tilespmem:s15+$0xFFFFFF70] =	vst v1;
	s15 =	smov.u32 s18  }
0xc5: {  	v1 =	vld [tilespmem:s18+$0xFFFFFF00]  }
0xc6: {  	[tilespmem:s18+$0x80] =	vst v6;
	v6 =	vld [tilespmem:s18+$0x90]  }
0xc7: {  	v3 =	vmul.f32 v3, v9;
	v7 =	vld [tilespmem:s16+$0x90]  }
0xc8: {  	v8 =	vld [tilespmem:s18+$0xFFFFFF10]  }
0xc9: {  	[tilespmem:s18+$0xFFFFFF80] =	vst v3;
	v3 =	vld [tilespmem:s18+$0xFFFFFF90];
	v2 =	vmul.f32 v2, v5  }
0xca: {  	v1 =	vmul.f32 v4, v1;
	v4 =	vld [tilespmem:s16+$0xFFFFFF90]  }
0xcb: {  	[tilespmem:s18+$0x0] =	vst v2;
	v2 =	vld [tilespmem:s18+$0x10]  }
0xcc: {  	[tilespmem:s18+$0xFFFFFF00] =	vst v1;
	v1 =	vld [tilespmem:s16+$0x10];
	v5 =	vmul.f32 v7, v6  }
0xcd: {  	v6 =	vld [tilespmem:s16+$0xFFFFFF10]  }
0xce: {  	[tilespmem:s18+$0x90] =	vst v5;
	v5 =	vld [tilespmem:s18+$0xA0]  }
0xcf: {  	v3 =	vmul.f32 v4, v3;
	v4 =	vld [tilespmem:s16+$0xA0]  }
0xd0: {  	v7 =	vld [tilespmem:s18+$0xFFFFFF20]  }
0xd1: {  	[tilespmem:s18+$0xFFFFFF90] =	vst v3;
	v3 =	vld [tilespmem:s18+$0xFFFFFFA0];
	v1 =	vmul.f32 v1, v2  }
0xd2: {  	v2 =	vmul.f32 v6, v8;
	v6 =	vld [tilespmem:s16+$0xFFFFFFA0]  }
0xd3: {  	[tilespmem:s18+$0x10] =	vst v1;
	v1 =	vld [tilespmem:s18+$0x20]  }
0xd4: {  	[tilespmem:s18+$0xFFFFFF10] =	vst v2;
	v2 =	vld [tilespmem:s16+$0x20];
	v4 =	vmul.f32 v4, v5  }
0xd5: {  	v5 =	vld [tilespmem:s16+$0xFFFFFF20]  }
0xd6: {  	[tilespmem:s18+$0xA0] =	vst v4;
	v4 =	vld [tilespmem:s18+$0xB0]  }
0xd7: {  	v3 =	vmul.f32 v6, v3;
	v6 =	vld [tilespmem:s16+$0xB0]  }
0xd8: {  	v8 =	vld [tilespmem:s18+$0xFFFFFF30]  }
0xd9: {  	[tilespmem:s18+$0xFFFFFFA0] =	vst v3;
	v3 =	vld [tilespmem:s18+$0xFFFFFFB0];
	v1 =	vmul.f32 v2, v1  }
0xda: {  	v2 =	vmul.f32 v5, v7;
	v5 =	vld [tilespmem:s16+$0xFFFFFFB0]  }
0xdb: {  	[tilespmem:s18+$0x20] =	vst v1;
	v1 =	vld [tilespmem:s18+$0x30]  }
0xdc: {  	[tilespmem:s18+$0xFFFFFF20] =	vst v2;
	v2 =	vld [tilespmem:s16+$0x30];
	v4 =	vmul.f32 v6, v4  }
0xdd: {  	v6 =	vld [tilespmem:s16+$0xFFFFFF30]  }
0xde: {  	[tilespmem:s18+$0xB0] =	vst v4;
	v4 =	vld [tilespmem:s18+$0xC0]  }
0xdf: {  	v3 =	vmul.f32 v5, v3;
	v5 =	vld [tilespmem:s16+$0xC0]  }
0xe0: {  	v7 =	vld [tilespmem:s18+$0xFFFFFF40]  }
0xe1: {  	[tilespmem:s18+$0xFFFFFFB0] =	vst v3;
	v3 =	vld [tilespmem:s18+$0xFFFFFFC0];
	v1 =	vmul.f32 v2, v1  }
0xe2: {  	v2 =	vmul.f32 v6, v8;
	v6 =	vld [tilespmem:s16+$0xFFFFFFC0]  }
0xe3: {  	[tilespmem:s18+$0x30] =	vst v1;
	v1 =	vld [tilespmem:s18+$0x40]  }
0xe4: {  	[tilespmem:s18+$0xFFFFFF30] =	vst v2;
	v2 =	vld [tilespmem:s16+$0x40];
	v4 =	vmul.f32 v5, v4  }
0xe5: {  	v5 =	vld [tilespmem:s16+$0xFFFFFF40]  }
0xe6: {  	[tilespmem:s18+$0xC0] =	vst v4;
	v4 =	vld [tilespmem:s18+$0xD0]  }
0xe7: {  	v3 =	vmul.f32 v6, v3;
	v6 =	vld [tilespmem:s16+$0xD0]  }
0xe8: {  	v8 =	vld [tilespmem:s18+$0xFFFFFF50]  }
0xe9: {  	[tilespmem:s18+$0xFFFFFFC0] =	vst v3;
	v3 =	vld [tilespmem:s18+$0xFFFFFFD0];
	v1 =	vmul.f32 v2, v1  }
0xea: {  	v2 =	vmul.f32 v5, v7;
	v5 =	vld [tilespmem:s16+$0xFFFFFFD0]  }
0xeb: {  	[tilespmem:s18+$0x40] =	vst v1;
	v1 =	vld [tilespmem:s18+$0x50]  }
0xec: {  	[tilespmem:s18+$0xFFFFFF40] =	vst v2;
	v2 =	vld [tilespmem:s16+$0x50];
	v4 =	vmul.f32 v6, v4  }
0xed: {  	v6 =	vld [tilespmem:s16+$0xFFFFFF50]  }
0xee: {  	[tilespmem:s18+$0xD0] =	vst v4;
	v4 =	vld [tilespmem:s18+$0xE0]  }
0xef: {  	v3 =	vmul.f32 v5, v3;
	v5 =	vld [tilespmem:s16+$0xE0]  }
0xf0: {  	v7 =	vld [tilespmem:s18+$0xFFFFFF60]  }
0xf1: {  	[tilespmem:s18+$0xFFFFFFD0] =	vst v3;
	v3 =	vld [tilespmem:s18+$0xFFFFFFE0];
	v1 =	vmul.f32 v2, v1  }
0xf2: {  	v2 =	vmul.f32 v6, v8;
	v6 =	vld [tilespmem:s16+$0xFFFFFFE0]  }
0xf3: {  	[tilespmem:s18+$0x50] =	vst v1;
	v8 =	vld [tilespmem:s18+$0x60]  }
0xf4: {  	[tilespmem:s18+$0xFFFFFF50] =	vst v2;
	v9 =	vld [tilespmem:s16+$0x60];
	v1 =	vmul.f32 v5, v4  }
0xf5: {  	v4 =	vld [tilespmem:s16+$0xFFFFFF60]  }
0xf6: {  	[tilespmem:s18+$0xE0] =	vst v1;
	v10 =	vld [tilespmem:s18+$0xF0]  }
0xf7: {  	v2 =	vmul.f32 v6, v3;
	v6 =	vld [tilespmem:s16+$0xF0]  }
0xf8: {  	v1 =	vld [tilespmem:s18+$0xFFFFFF70]  }
.Ltmp8:
0xf9: {  	[tilespmem:s18+$0xFFFFFFE0] =	vst v2;
	v2 =	vld [tilespmem:s18+$0xFFFFFFF0];
	v3 =	vmul.f32 v9, v8;
	(pc) =	sbr.rel @p1 .LBB2_9-.Ltmp8, $4  }
0xfa: {  	v5 =	vmul.f32 v4, v7;
	v4 =	vld [tilespmem:s16+$0xFFFFFFF0]  }
0xfb: {  	[tilespmem:s18+$0x60] =	vst v3;
	v3 =	vld [tilespmem:s18+$0x70]  }
0xfc: {  	[tilespmem:s18+$0xFFFFFF60] =	vst v5;
	v5 =	vld [tilespmem:s16+$0x70];
	v7 =	vmul.f32 v6, v10  }
0xfd: {  	s18 =	sadd.s32 $0x200, s18;
	v6 =	vld [tilespmem:s16+$0xFFFFFF70]  }
0xfe: {  	_ =	sdelay $0x1  }
0xff: {  	v2 =	vmul.f32 v4, v2  }
0x100: {  	[tilespmem:s15+$0xF0] =	vst v7;
	v3 =	vmul.f32 v5, v3  }
0x101: {  	s14 =	sadd.s32 @!p0 s6, s14;
	[tilespmem:s15+$0xFFFFFFF0] =	vst v2;
	v1 =	vmul.f32 v6, v1  }
0x102: {  	s14 =	sshll.u32 @!p0 s14, $0x4;
	[tilespmem:s15+$0x70] =	vst v3  }
0x103: {  	s16 =	simm.s32 @!p0 $0x5B00;
	s14 =	sadd.s32 @!p0 s7, s14;
	[tilespmem:s15+$0xFFFFFF70] =	vst v1;
	s15 =	simm.s32 @!p0 $0x0  }
0x104: {  	[tilespmem:s16], [sflag:$0x3] =	stream.linear.gather @!p0 [hbm4b:s14+s15], $0x2800, $0x38;
	[tilespmem:$0x1BF00] =	vst v63  }
0x105: {  	p0 =	sne.s32 s13, $0x0  }
.Ltmp9:
0x106: {  	_ = 	snop;
	(pc) =	sbr.rel @!p0 .LBB2_11-.Ltmp9, $4  }
0x107: {  	_ =	swait.ge [sflag:s9], $0x50  }
0x108: {  	[sflag:s9] =	ssyncset.done $0x0  }
0x109: {  	[sflag:s9] =	ssyncadd.s32 $0xFFFFFFB0  }
0x10a: {  	[spmem:s3] =	stream.indirect.scatter.add.f32 [tilespmem:s23], [sflag:$0x6], $0x80, s24, s26, $0xb8;
	[tilespmem:$0x1BF00] =	vst v63  }
.LBB2_12:
0x10b: {  	_ =	swait.ge [sflag:s28], $0x2800;
	s13 =	sadd.s32 $0x1, s12;
	p0 =	seq.s32 s12, $0x1E  }
0x10c: {  	[sflag:s28] =	ssyncset.done $0x0;
	s12 =	smul.u32 @!p0 $0x50, s13  }
0x10d: {  	s14 =	simm.s32 @!p0 $0x50;
	s15 =	simm.s32 @!p0 $0xB00;
	[sflag:s28] =	ssyncadd.s32 $0xFFFFD800  }
0x10e: {  	[tilespmem:s15], [sflag:$0x1] =	stream.indirect.gather @!p0 [hbm4b:s1+s14], $0x80, s12, s14, $0xb8;
	[tilespmem:$0x1BF00] =	vst v63  }
0x10f: {  	s14 =	sadd.s32 @!p0 s4, s12  }
0x110: {  	s14 =	sshrl.u32 @!p0 s14, $0x3  }
0x111: {  	s16 =	simm.s32 @!p0 $0xA00;
	s15 =	simm.s32 @!p0 $0x0;
	s14 =	sadd.s32 @!p0 s8, s14  }
0x112: {  	[tilespmem:s16], [sflag:$0x4] =	stream.linear.gather @!p0 [hbm4b:s14+s15], $0x50, $0x38;
	[tilespmem:$0x1BF00] =	vst v63  }
0x113: {  	_ =	swait.ge [sflag:s29], $0x2800  }
0x114: {  	[sflag:s29] =	ssyncset.done $0x0  }
0x115: {  	[sflag:s29] =	ssyncadd.s32 $0xFFFFD800  }
0x116: {  	_ =	swait.ge [sflag:s30], $0x2800  }
0x117: {  	[sflag:s30] =	ssyncset.done $0x0  }
0x118: {  	s14 =	simm.s32 $0x3400;
	[sflag:s30] =	ssyncadd.s32 $0xFFFFD800  }
0x119: {  	s15 =	simm.s32 $0x5C00;
	v1 =	vld [tilespmem:s14+$0x80]  }
0x11a: {  	v2 =	vld [tilespmem:s15+$0x80]  }
0x11b: {  	v3 =	vld [tilespmem:s14+$0xFFFFFF80]  }
0x11c: {  	v4 =	vld [tilespmem:s15+$0xFFFFFF80]  }
0x11d: {  	v5 =	vld [tilespmem:s14+$0x0]  }
0x11e: {  	v6 =	vld [tilespmem:s15+$0x0]  }
0x11f: {  	v7 =	vld [tilespmem:s14+$0xFFFFFF00];
	v1 =	vmul.f32 v2, v1  }
0x120: {  	v2 =	vld [tilespmem:s15+$0xFFFFFF00]  }
0x121: {  	[tilespmem:s14+$0x80] =	vst v1;
	v1 =	vld [tilespmem:s14+$0x90]  }
0x122: {  	v3 =	vmul.f32 v4, v3;
	v4 =	vld [tilespmem:s15+$0x90]  }
0x123: {  	v8 =	vld [tilespmem:s14+$0xFFFFFF10]  }
0x124: {  	[tilespmem:s14+$0xFFFFFF80] =	vst v3;
	v3 =	vmul.f32 v6, v5;
	v5 =	vld [tilespmem:s14+$0xFFFFFF90]  }
0x125: {  	v6 =	vld [tilespmem:s15+$0xFFFFFF90];
	v2 =	vmul.f32 v2, v7  }
0x126: {  	[tilespmem:s14+$0x0] =	vst v3;
	v3 =	vld [tilespmem:s14+$0x10]  }
0x127: {  	v7 =	vld [tilespmem:s15+$0x10];
	[tilespmem:s14+$0xFFFFFF00] =	vst v2;
	v1 =	vmul.f32 v4, v1  }
0x128: {  	v2 =	vld [tilespmem:s15+$0xFFFFFF10]  }
0x129: {  	[tilespmem:s14+$0x90] =	vst v1;
	v1 =	vld [tilespmem:s14+$0xA0]  }
0x12a: {  	v4 =	vmul.f32 v6, v5;
	v5 =	vld [tilespmem:s15+$0xA0]  }
0x12b: {  	v6 =	vld [tilespmem:s14+$0xFFFFFF20]  }
0x12c: {  	[tilespmem:s14+$0xFFFFFF90] =	vst v4;
	v3 =	vmul.f32 v7, v3;
	v4 =	vld [tilespmem:s14+$0xFFFFFFA0]  }
0x12d: {  	v7 =	vld [tilespmem:s15+$0xFFFFFFA0];
	v2 =	vmul.f32 v2, v8  }
0x12e: {  	[tilespmem:s14+$0x10] =	vst v3;
	v3 =	vld [tilespmem:s14+$0x20]  }
0x12f: {  	v8 =	vld [tilespmem:s15+$0x20];
	[tilespmem:s14+$0xFFFFFF10] =	vst v2;
	v1 =	vmul.f32 v5, v1  }
0x130: {  	v2 =	vld [tilespmem:s15+$0xFFFFFF20]  }
0x131: {  	[tilespmem:s14+$0xA0] =	vst v1;
	v1 =	vld [tilespmem:s14+$0xB0]  }
0x132: {  	v4 =	vmul.f32 v7, v4;
	v5 =	vld [tilespmem:s15+$0xB0]  }
0x133: {  	v7 =	vld [tilespmem:s14+$0xFFFFFF30]  }
0x134: {  	[tilespmem:s14+$0xFFFFFFA0] =	vst v4;
	v3 =	vmul.f32 v8, v3;
	v4 =	vld [tilespmem:s14+$0xFFFFFFB0]  }
0x135: {  	v8 =	vld [tilespmem:s15+$0xFFFFFFB0];
	v2 =	vmul.f32 v2, v6  }
0x136: {  	[tilespmem:s14+$0x20] =	vst v3;
	v3 =	vld [tilespmem:s14+$0x30]  }
0x137: {  	v6 =	vld [tilespmem:s15+$0x30];
	[tilespmem:s14+$0xFFFFFF20] =	vst v2;
	v1 =	vmul.f32 v5, v1  }
0x138: {  	v2 =	vld [tilespmem:s15+$0xFFFFFF30]  }
0x139: {  	[tilespmem:s14+$0xB0] =	vst v1;
	v1 =	vld [tilespmem:s14+$0xC0]  }
0x13a: {  	v4 =	vmul.f32 v8, v4;
	v5 =	vld [tilespmem:s15+$0xC0]  }
0x13b: {  	v8 =	vld [tilespmem:s14+$0xFFFFFF40]  }
0x13c: {  	[tilespmem:s14+$0xFFFFFFB0] =	vst v4;
	v3 =	vmul.f32 v6, v3;
	v4 =	vld [tilespmem:s14+$0xFFFFFFC0]  }
0x13d: {  	v6 =	vld [tilespmem:s15+$0xFFFFFFC0];
	v2 =	vmul.f32 v2, v7  }
0x13e: {  	[tilespmem:s14+$0x30] =	vst v3;
	v3 =	vld [tilespmem:s14+$0x40]  }
0x13f: {  	v7 =	vld [tilespmem:s15+$0x40];
	[tilespmem:s14+$0xFFFFFF30] =	vst v2;
	v1 =	vmul.f32 v5, v1  }
0x140: {  	v2 =	vld [tilespmem:s15+$0xFFFFFF40]  }
0x141: {  	[tilespmem:s14+$0xC0] =	vst v1;
	v1 =	vld [tilespmem:s14+$0xD0]  }
0x142: {  	v4 =	vmul.f32 v6, v4;
	v5 =	vld [tilespmem:s15+$0xD0]  }
0x143: {  	v6 =	vld [tilespmem:s14+$0xFFFFFF50]  }
0x144: {  	[tilespmem:s14+$0xFFFFFFC0] =	vst v4;
	v3 =	vmul.f32 v7, v3;
	v4 =	vld [tilespmem:s14+$0xFFFFFFD0]  }
0x145: {  	v7 =	vld [tilespmem:s15+$0xFFFFFFD0];
	v2 =	vmul.f32 v2, v8  }
0x146: {  	[tilespmem:s14+$0x40] =	vst v3;
	v3 =	vld [tilespmem:s14+$0x50]  }
0x147: {  	v8 =	vld [tilespmem:s15+$0x50];
	[tilespmem:s14+$0xFFFFFF40] =	vst v2;
	v1 =	vmul.f32 v5, v1  }
0x148: {  	v2 =	vld [tilespmem:s15+$0xFFFFFF50]  }
0x149: {  	[tilespmem:s14+$0xD0] =	vst v1;
	v1 =	vld [tilespmem:s14+$0xE0]  }
0x14a: {  	v4 =	vmul.f32 v7, v4;
	v5 =	vld [tilespmem:s15+$0xE0]  }
0x14b: {  	v7 =	vld [tilespmem:s14+$0xFFFFFF60]  }
0x14c: {  	[tilespmem:s14+$0xFFFFFFD0] =	vst v4;
	v3 =	vmul.f32 v8, v3;
	v4 =	vld [tilespmem:s14+$0xFFFFFFE0]  }
0x14d: {  	v8 =	vld [tilespmem:s15+$0xFFFFFFE0];
	v2 =	vmul.f32 v2, v6  }
0x14e: {  	[tilespmem:s14+$0x50] =	vst v3;
	v3 =	vld [tilespmem:s14+$0x60]  }
0x14f: {  	v6 =	vld [tilespmem:s15+$0x60];
	[tilespmem:s14+$0xFFFFFF50] =	vst v2;
	v1 =	vmul.f32 v5, v1  }
0x150: {  	v5 =	vld [tilespmem:s15+$0xFFFFFF60]  }
0x151: {  	v9 =	vld [tilespmem:s14+$0xF0];
	[tilespmem:s14+$0xE0] =	vst v1  }
0x152: {  	v2 =	vmul.f32 v8, v4;
	v8 =	vld [tilespmem:s15+$0xF0]  }
0x153: {  	v1 =	vld [tilespmem:s14+$0xFFFFFF70]  }
0x154: {  	[tilespmem:s14+$0xFFFFFFE0] =	vst v2;
	v3 =	vmul.f32 v6, v3;
	v2 =	vld [tilespmem:s14+$0xFFFFFFF0]  }
0x155: {  	v4 =	vld [tilespmem:s15+$0xFFFFFFF0];
	v5 =	vmul.f32 v5, v7  }
0x156: {  	[tilespmem:s14+$0x60] =	vst v3;
	v3 =	vld [tilespmem:s14+$0x70]  }
0x157: {  	[tilespmem:s14+$0xFFFFFF60] =	vst v5;
	v5 =	vld [tilespmem:s15+$0x70];
	v7 =	vmul.f32 v8, v9  }
0x158: {  	s17 =	simm.s32 $0x3600;
	s16 =	simm.s32 $0x0;
	v6 =	vld [tilespmem:s15+$0xFFFFFF70]  }
.LBB2_13:
0x159: {  	v8 =	vld [tilespmem:s17+$0x80];
	[tilespmem:s14+$0xF0] =	vst v7;
	s15 =	sadd.s32 $0x200, s15  }
0x15a: {  	s16 =	sadd.s32 $0x4, s16;
	v7 =	vld [tilespmem:s15+$0x80];
	v2 =	vmul.f32 v4, v2  }
0x15b: {  	p1 =	slt.u32 s16, $0x4C;
	v4 =	vld [tilespmem:s15+$0xFFFFFF00]  }
0x15c: {  	v9 =	vld [tilespmem:s17+$0xFFFFFF80];
	[tilespmem:s14+$0xFFFFFFF0] =	vst v2;
	v2 =	vmul.f32 v5, v3  }
0x15d: {  	v3 =	vld [tilespmem:s15+$0xFFFFFF80];
	v1 =	vmul.f32 v6, v1  }
0x15e: {  	v5 =	vld [tilespmem:s17+$0x0];
	[tilespmem:s14+$0x70] =	vst v2  }
0x15f: {  	v2 =	vld [tilespmem:s15+$0x0];
	v6 =	vmul.f32 v7, v8;
	[tilespmem:s14+$0xFFFFFF70] =	vst v1;
	s14 =	smov.u32 s17  }
0x160: {  	v1 =	vld [tilespmem:s17+$0xFFFFFF00]  }
0x161: {  	[tilespmem:s17+$0x80] =	vst v6;
	v6 =	vld [tilespmem:s17+$0x90]  }
0x162: {  	v3 =	vmul.f32 v3, v9;
	v7 =	vld [tilespmem:s15+$0x90]  }
0x163: {  	v8 =	vld [tilespmem:s17+$0xFFFFFF10]  }
0x164: {  	[tilespmem:s17+$0xFFFFFF80] =	vst v3;
	v3 =	vld [tilespmem:s17+$0xFFFFFF90];
	v2 =	vmul.f32 v2, v5  }
0x165: {  	v1 =	vmul.f32 v4, v1;
	v4 =	vld [tilespmem:s15+$0xFFFFFF90]  }
0x166: {  	[tilespmem:s17+$0x0] =	vst v2;
	v2 =	vld [tilespmem:s17+$0x10]  }
0x167: {  	[tilespmem:s17+$0xFFFFFF00] =	vst v1;
	v1 =	vld [tilespmem:s15+$0x10];
	v5 =	vmul.f32 v7, v6  }
0x168: {  	v6 =	vld [tilespmem:s15+$0xFFFFFF10]  }
0x169: {  	[tilespmem:s17+$0x90] =	vst v5;
	v5 =	vld [tilespmem:s17+$0xA0]  }
0x16a: {  	v3 =	vmul.f32 v4, v3;
	v4 =	vld [tilespmem:s15+$0xA0]  }
0x16b: {  	v7 =	vld [tilespmem:s17+$0xFFFFFF20]  }
0x16c: {  	[tilespmem:s17+$0xFFFFFF90] =	vst v3;
	v3 =	vld [tilespmem:s17+$0xFFFFFFA0];
	v1 =	vmul.f32 v1, v2  }
0x16d: {  	v2 =	vmul.f32 v6, v8;
	v6 =	vld [tilespmem:s15+$0xFFFFFFA0]  }
0x16e: {  	[tilespmem:s17+$0x10] =	vst v1;
	v1 =	vld [tilespmem:s17+$0x20]  }
0x16f: {  	[tilespmem:s17+$0xFFFFFF10] =	vst v2;
	v2 =	vld [tilespmem:s15+$0x20];
	v4 =	vmul.f32 v4, v5  }
0x170: {  	v5 =	vld [tilespmem:s15+$0xFFFFFF20]  }
0x171: {  	[tilespmem:s17+$0xA0] =	vst v4;
	v4 =	vld [tilespmem:s17+$0xB0]  }
0x172: {  	v3 =	vmul.f32 v6, v3;
	v6 =	vld [tilespmem:s15+$0xB0]  }
0x173: {  	v8 =	vld [tilespmem:s17+$0xFFFFFF30]  }
0x174: {  	[tilespmem:s17+$0xFFFFFFA0] =	vst v3;
	v3 =	vld [tilespmem:s17+$0xFFFFFFB0];
	v1 =	vmul.f32 v2, v1  }
0x175: {  	v2 =	vmul.f32 v5, v7;
	v5 =	vld [tilespmem:s15+$0xFFFFFFB0]  }
0x176: {  	[tilespmem:s17+$0x20] =	vst v1;
	v1 =	vld [tilespmem:s17+$0x30]  }
0x177: {  	[tilespmem:s17+$0xFFFFFF20] =	vst v2;
	v2 =	vld [tilespmem:s15+$0x30];
	v4 =	vmul.f32 v6, v4  }
0x178: {  	v6 =	vld [tilespmem:s15+$0xFFFFFF30]  }
0x179: {  	[tilespmem:s17+$0xB0] =	vst v4;
	v4 =	vld [tilespmem:s17+$0xC0]  }
0x17a: {  	v3 =	vmul.f32 v5, v3;
	v5 =	vld [tilespmem:s15+$0xC0]  }
0x17b: {  	v7 =	vld [tilespmem:s17+$0xFFFFFF40]  }
0x17c: {  	[tilespmem:s17+$0xFFFFFFB0] =	vst v3;
	v3 =	vld [tilespmem:s17+$0xFFFFFFC0];
	v1 =	vmul.f32 v2, v1  }
0x17d: {  	v2 =	vmul.f32 v6, v8;
	v6 =	vld [tilespmem:s15+$0xFFFFFFC0]  }
0x17e: {  	[tilespmem:s17+$0x30] =	vst v1;
	v1 =	vld [tilespmem:s17+$0x40]  }
0x17f: {  	[tilespmem:s17+$0xFFFFFF30] =	vst v2;
	v2 =	vld [tilespmem:s15+$0x40];
	v4 =	vmul.f32 v5, v4  }
0x180: {  	v5 =	vld [tilespmem:s15+$0xFFFFFF40]  }
0x181: {  	[tilespmem:s17+$0xC0] =	vst v4;
	v4 =	vld [tilespmem:s17+$0xD0]  }
0x182: {  	v3 =	vmul.f32 v6, v3;
	v6 =	vld [tilespmem:s15+$0xD0]  }
0x183: {  	v8 =	vld [tilespmem:s17+$0xFFFFFF50]  }
0x184: {  	[tilespmem:s17+$0xFFFFFFC0] =	vst v3;
	v3 =	vld [tilespmem:s17+$0xFFFFFFD0];
	v1 =	vmul.f32 v2, v1  }
0x185: {  	v2 =	vmul.f32 v5, v7;
	v5 =	vld [tilespmem:s15+$0xFFFFFFD0]  }
0x186: {  	[tilespmem:s17+$0x40] =	vst v1;
	v1 =	vld [tilespmem:s17+$0x50]  }
0x187: {  	[tilespmem:s17+$0xFFFFFF40] =	vst v2;
	v2 =	vld [tilespmem:s15+$0x50];
	v4 =	vmul.f32 v6, v4  }
0x188: {  	v6 =	vld [tilespmem:s15+$0xFFFFFF50]  }
0x189: {  	[tilespmem:s17+$0xD0] =	vst v4;
	v4 =	vld [tilespmem:s17+$0xE0]  }
0x18a: {  	v3 =	vmul.f32 v5, v3;
	v5 =	vld [tilespmem:s15+$0xE0]  }
0x18b: {  	v7 =	vld [tilespmem:s17+$0xFFFFFF60]  }
0x18c: {  	[tilespmem:s17+$0xFFFFFFD0] =	vst v3;
	v3 =	vld [tilespmem:s17+$0xFFFFFFE0];
	v1 =	vmul.f32 v2, v1  }
0x18d: {  	v2 =	vmul.f32 v6, v8;
	v6 =	vld [tilespmem:s15+$0xFFFFFFE0]  }
0x18e: {  	[tilespmem:s17+$0x50] =	vst v1;
	v8 =	vld [tilespmem:s17+$0x60]  }
0x18f: {  	[tilespmem:s17+$0xFFFFFF50] =	vst v2;
	v9 =	vld [tilespmem:s15+$0x60];
	v1 =	vmul.f32 v5, v4  }
0x190: {  	v4 =	vld [tilespmem:s15+$0xFFFFFF60]  }
0x191: {  	[tilespmem:s17+$0xE0] =	vst v1;
	v10 =	vld [tilespmem:s17+$0xF0]  }
0x192: {  	v2 =	vmul.f32 v6, v3;
	v6 =	vld [tilespmem:s15+$0xF0]  }
0x193: {  	v1 =	vld [tilespmem:s17+$0xFFFFFF70]  }
.Ltmp10:
0x194: {  	[tilespmem:s17+$0xFFFFFFE0] =	vst v2;
	v2 =	vld [tilespmem:s17+$0xFFFFFFF0];
	v3 =	vmul.f32 v9, v8;
	(pc) =	sbr.rel @p1 .LBB2_13-.Ltmp10, $4  }
0x195: {  	v5 =	vmul.f32 v4, v7;
	v4 =	vld [tilespmem:s15+$0xFFFFFFF0]  }
0x196: {  	[tilespmem:s17+$0x60] =	vst v3;
	v3 =	vld [tilespmem:s17+$0x70]  }
0x197: {  	[tilespmem:s17+$0xFFFFFF60] =	vst v5;
	v5 =	vld [tilespmem:s15+$0x70];
	v7 =	vmul.f32 v6, v10  }
0x198: {  	s17 =	sadd.s32 $0x200, s17;
	v6 =	vld [tilespmem:s15+$0xFFFFFF70]  }
0x199: {  	_ =	sdelay $0x1  }
0x19a: {  	v2 =	vmul.f32 v4, v2  }
0x19b: {  	[tilespmem:s14+$0xF0] =	vst v7;
	v3 =	vmul.f32 v5, v3  }
0x19c: {  	s12 =	sadd.s32 @!p0 s6, s12;
	[tilespmem:s14+$0xFFFFFFF0] =	vst v2;
	v1 =	vmul.f32 v6, v1  }
0x19d: {  	s12 =	sshll.u32 @!p0 s12, $0x4;
	[tilespmem:s14+$0x70] =	vst v3  }
0x19e: {  	s15 =	simm.s32 @!p0 $0x5B00;
	s12 =	sadd.s32 @!p0 s7, s12;
	[tilespmem:s14+$0xFFFFFF70] =	vst v1;
	s14 =	simm.s32 @!p0 $0x0  }
0x19f: {  	[tilespmem:s15], [sflag:$0x3] =	stream.linear.gather @!p0 [hbm4b:s12+s14], $0x2800, $0x38;
	[tilespmem:$0x1BF00] =	vst v63  }
.Ltmp11:
0x1a0: {  	_ = 	snop;
	(pc) =	sbr.rel .LBB2_15-.Ltmp11, $4  }
0x1a1: {  	_ =	swait.ge [sflag:s31], $0x50  }
0x1a2: {  	[sflag:s31] =	ssyncset.done $0x0  }
0x1a3: {  	[sflag:s31] =	ssyncadd.s32 $0xFFFFFFB0  }
0x1a4: {  	[spmem:s3] =	stream.indirect.scatter.add.f32 [tilespmem:s25], [sflag:$0x7], $0x80, s2, s26, $0xb8;
	[tilespmem:$0x1BF00] =	vst v63  }
.LBB2_17:
0x1a5: {  	_ =	sfence.sel $0x180000  }
0x1a6: {  	[bflag:$0x0] =	sbarrier.arrive $0xFFFF  }
0x1a7: {  	_ =	strace $0x9000004A  }
0x1a8: {  	s0 =	stileid.u32;
	[bflag:$0x2] =	sbarrier.arrive $0xFFFF  }
0x1a9: {  	p0 =	sne.s32 s0, $0x0;
	s0 =	rddreg [dreg:$0x3]  }
0x1aa: {  	s0 =	sadd.s32 @!p0 $0x100000, s0  }
0x1ab: {  	[sflag:s0] =	ssyncadd.tile.s32 @!p0 $0x1;
	_ =	shalt  }
.Lfunc_end2:
_tile_overlayer_lowered:
.L_overlay_start_2:
0x1ac: {  	(tag) =	ssettag $0x2  }
0x1ad: {  	s0 =	rddreg [dreg:$0x0];
	s2 =	stileid.u32  }
0x1ae: {  	s1 =	rddreg [dreg:$0x1];
	p0 =	sne.s32 s2, $0x0  }
0x1af: {  	s3 =	rddreg [dreg:$0x2];
	[bflag:$0x3] =	sbarrier.arrive $0xFFFF;
	s2 =	simm.s32 @!p0 $0x1C08  }
0x1b0: {  	[timem:s3], [sflag:s2] =	dma.local @!p0 [hbm:s0], s1  }
0x1b1: {  	s0 =	simm.s32 @!p0 $0x8  }
0x1b2: {  	_ =	swait.ge @!p0 [sflag:s0], s1  }
0x1b3: {  	s1 =	ssub.s32 @!p0 $0x0, s1;
	[sflag:s0] =	ssyncset.done @!p0 $0x0  }
0x1b4: {  	[sflag:s0] =	ssyncadd.s32 @!p0 s1  }
0x1b5: {  	[bflag:$0x3] =	sbarrier.arrive $0xFFFF  }
0x1b6: {  	_ =	shalt  }

// kernel: kernel.18.cloned.1.call-start
scs
__scs_entry_jumppad:
0x0: {  	(pc) =	sbr.rel $0x88, $3  }
0x1: {  	(tag) =	ssettag $0x0;
	lr =	simm.s32 $0x1  }
0x2: {  	[smem:$0x3F94] =	sst lr;
	_ =	strace $0xD0000000  }
0x3: {  	_ = 	snop  }
0x4: {  	_ = 	snop  }
0x5: {  	_ = 	snop  }
0x6: {  	_ = 	snop  }
0x7: {  	_ = 	snop  }
__scs_overlays_trampoline_lowered:
0x8: {  	[smem:$0x3FA3] =	sst s0  }
0x9: {  	[smem:$0x3FA4] =	sst s1  }
0xa: {  	[smem:$0x3FA5] =	sst s2  }
0xb: {  	[smem:$0x3FA6] =	sst s3  }
0xc: {  	[smem:$0x3FA7] =	sst s4  }
0xd: {  	[smem:$0x3FA8] =	sst s5  }
0xe: {  	[smem:$0x3FA9] =	sst s6  }
0xf: {  	[smem:$0x3FAA] =	sst s7  }
0x10: {  	[smem:$0x3FAB] =	sst s8  }
0x11: {  	[smem:$0x3FAC] =	sst s9;
	s0 =	simm.s32 @!p0 $0x0  }
0x12: {  	s1 =	sld [smem:$0x3F92];
	s0 =	simm.s32 @p0 $0x1  }
0x13: {  	[smem:$0x3FAD] =	sst s0;
	s0 =	simm.s32 @!p1 $0x0  }
0x14: {  	s2 =	sld [smem:$0x3F91];
	s0 =	simm.s32 @p1 $0x1  }
0x15: {  	[smem:$0x3FAE] =	sst s0;
	s0 =	simm.s32 @!p2 $0x0  }
0x16: {  	s3 =	sld [smem:$0x3FDB];
	s0 =	simm.s32 @p2 $0x1  }
0x17: {  	s4 =	simm.s32 $0x1BF5;
	[smem:$0x3FB0] =	sst s0  }
0x18: {  	s0 =	sld [smem:$0x3F93];
	_ =	swait.ge [sflag:s4], $0x0  }
0x19: {  	s7 =	sld [smem:$0x3F94]  }
0x1a: {  	s8 =	sadd.s32 $0xFFFFE003, lr  }
0x1b: {  	s9 =	sadd.s32 $0xFFFFFEF7, lr;
	s5 =	simm.s32 $0xFFFFFFFF;
	p2 =	slt.u32 s8, $0xFFFFF086  }
0x1c: {  	p1 =	slt.u32 s9, $0xF7A;
	s5 =	simm.s32 @!p2 $0x0  }
0x1d: {  	s5 =	simm.s32 @p1 $0x1;
	p0 =	seq.s32 s7, s2  }
0x1e: {  	s7 =	smul.u32 @!p0 $0xF7A, s2;
	p2 =	seq.s32 @!p0 s5, $0x0  }
0x1f: {  	s9 =	smul.u32 $0xF7A, s1;
	s8 =	simm.s32 @!p0 $0x1BF5;
	p2 =	por !p2, p0  }
0x20: {  	[sflag:s8] =	ssyncset.s32 @!p0 $0xFFFFF086;
	s6 =	sadd.s32 @!p0 s3, s7;
	s7 =	simm.s32 @!p0 $0x108  }
0x21: {  	s3 =	sadd.s32 s3, s9;
	s6 =	sadd.s32 @!p0 $0x88, s6;
	s7 =	simm.s32 @p2 $0x1082  }
0x22: {  	[simem:s7], [sflag:s8] =	dma.local @!p0 [hbm:s6], $0xF7A  }
0x23: {  	s9 =	sor.u32 $0xD0000000, s2;
	s6 =	simm.s32 $0x108;
	_ =	swait.ge @!p0 [sflag:s8], $0x0  }
0x24: {  	s3 =	sadd.s32 $0x88, s3;
	s6 =	simm.s32 @!p1 $0x1082;
	[sflag:s4] =	ssyncset.s32 $0xFFFFF086  }
0x25: {  	[simem:s6], [sflag:s4] =	dma.local [hbm:s3], $0xF7A  }
0x26: {  	[smem:$0x3F94] =	sst s1;
	(tag) =	ssettag s2;
	_ =	strace s9  }
0x27: {  	s1 =	sld [smem:$0x3FA4]  }
0x28: {  	s2 =	sld [smem:$0x3FA5]  }
0x29: {  	s4 =	sld [smem:$0x3FA7]  }
0x2a: {  	p0 =	seq.s32 s5, $0x0;
	s5 =	sld [smem:$0x3FA8]  }
0x2b: {  	s6 =	sld [smem:$0x3FA9]  }
0x2c: {  	s7 =	sld [smem:$0x3FAA]  }
0x2d: {  	s3 =	simm.s32 $0x108;
	s8 =	sld [smem:$0x3FAB]  }
0x2e: {  	s3 =	simm.s32 @!p0 $0x1082;
	s9 =	sld [smem:$0x3FAC]  }
0x2f: {  	lr =	sadd.s32 s0, s3;
	s0 =	sld [smem:$0x3FA3]  }
0x30: {  	s3 =	sld [smem:$0x3FA6]  }
0x31: {  	[smem:$0x3FAF] =	sst s10  }
0x32: {  	s10 =	sld [smem:$0x3FAD];
	_ =	sdelay $0x3  }
0x33: {  	p0 =	seq.s32 s10, $0x1;
	s10 =	sld [smem:$0x3FAF];
	_ =	sdelay $0x3  }
0x34: {  	[smem:$0x3FAF] =	sst s10  }
0x35: {  	s10 =	sld [smem:$0x3FAE];
	_ =	sdelay $0x3  }
0x36: {  	p1 =	seq.s32 s10, $0x1;
	s10 =	sld [smem:$0x3FAF];
	_ =	sdelay $0x3  }
0x37: {  	[smem:$0x3FAF] =	sst s10  }
0x38: {  	s10 =	sld [smem:$0x3FB0]  }
0x39: {  	_ = 	snop;
	(pc) =	sbr.ind lr, $3  }
0x3a: {  	_ = 	snop  }
0x3b: {  	_ = 	snop  }
0x3c: {  	p2 =	seq.s32 s10, $0x1;
	s10 =	sld [smem:$0x3FAF]  }
0x3d: {  	_ =	shalt  }
0x3e: {  	_ =	shalt  }
0x3f: {  	_ =	shalt  }
0x40: {  	_ =	shalt  }
0x41: {  	_ =	shalt  }
0x42: {  	_ =	shalt  }
0x43: {  	_ =	shalt  }
0x44: {  	_ =	shalt  }
0x45: {  	_ =	shalt  }
0x46: {  	_ =	shalt  }
0x47: {  	_ =	shalt  }
0x48: {  	_ =	shalt  }
0x49: {  	_ =	shalt  }
0x4a: {  	_ =	shalt  }
0x4b: {  	_ =	shalt  }
0x4c: {  	_ =	shalt  }
0x4d: {  	_ =	shalt  }
0x4e: {  	_ =	shalt  }
0x4f: {  	_ =	shalt  }
0x50: {  	_ =	shalt  }
0x51: {  	_ =	shalt  }
0x52: {  	_ =	shalt  }
0x53: {  	_ =	shalt  }
0x54: {  	_ =	shalt  }
0x55: {  	_ =	shalt  }
0x56: {  	_ =	shalt  }
0x57: {  	_ =	shalt  }
0x58: {  	_ =	shalt  }
0x59: {  	_ =	shalt  }
0x5a: {  	_ =	shalt  }
0x5b: {  	_ =	shalt  }
0x5c: {  	_ =	shalt  }
0x5d: {  	_ =	shalt  }
0x5e: {  	_ =	shalt  }
0x5f: {  	_ =	shalt  }
0x60: {  	_ =	shalt  }
0x61: {  	_ =	shalt  }
0x62: {  	_ =	shalt  }
0x63: {  	_ =	shalt  }
0x64: {  	_ =	shalt  }
0x65: {  	_ =	shalt  }
0x66: {  	_ =	shalt  }
0x67: {  	_ =	shalt  }
0x68: {  	_ =	shalt  }
0x69: {  	_ =	shalt  }
0x6a: {  	_ =	shalt  }
0x6b: {  	_ =	shalt  }
0x6c: {  	_ =	shalt  }
0x6d: {  	_ =	shalt  }
0x6e: {  	_ =	shalt  }
0x6f: {  	_ =	shalt  }
0x70: {  	_ =	shalt  }
0x71: {  	_ =	shalt  }
0x72: {  	_ =	shalt  }
0x73: {  	_ =	shalt  }
0x74: {  	_ =	shalt  }
0x75: {  	_ =	shalt  }
0x76: {  	_ =	shalt  }
0x77: {  	_ =	shalt  }
0x78: {  	_ =	shalt  }
0x79: {  	_ =	shalt  }
0x7a: {  	_ =	shalt  }
0x7b: {  	_ =	shalt  }
0x7c: {  	_ =	shalt  }
0x7d: {  	_ =	shalt  }
0x7e: {  	_ =	shalt  }
0x7f: {  	_ =	shalt  }
0x80: {  	_ =	shalt  }
0x81: {  	_ =	shalt  }
0x82: {  	_ =	shalt  }
0x83: {  	_ =	shalt  }
0x84: {  	_ =	shalt  }
0x85: {  	_ =	shalt  }
0x86: {  	_ =	shalt  }
0x87: {  	_ =	shalt  }
.Lfunc_end0:
.L_simem_size_0:
called_computation.2_lowered:
.L_overlay_start_0:
0x88: {  	s2 =	sld [smem:$0x3FD9]  }
0x89: {  	s3 =	sld [smem:$0x3FFE];
	_ =	sdelay $0x1  }
0x8a: {  	s1 =	srdreg.scid  }
0x8b: {  	s0 =	sand.u32 $0x1, s1  }
0x8c: {  	s17 =	sshll.u32 s0, $0xA;
	s2 =	sadd.s32 s3, s2  }
0x8d: {  	s2 =	sadd.s32 s2, s17  }
0x8e: {  	[smem:$0x3FBB] =	sst s2  }
0x8f: {  	_ = 	snop  }
0x90: {  	s18 =	sld [smem:$0x3FD0];
	(tm) =	ssettm $0x1  }
0x91: {  	s19 =	sld [smem:$0x3FFB];
	_ =	sdelay $0x3  }
0x92: {  	_ =	strace s19  }
0x93: {  	s2 =	sld [smem:$0x3FFC];
	_ =	sdelay $0x3  }
0x94: {  	_ =	strace s2  }
0x95: {  	s2 =	sld [smem:$0x3FFD];
	_ =	sdelay $0x3  }
0x96: {  	_ =	strace s2  }
0x97: {  	_ =	strace $0x8FFFFFFF  }
0x98: {  	s20 =	sld [smem:$0x3FDB];
	_ =	sdelay $0x1  }
0x99: {  	s4 =	simm.s32 $_scs_section_size  }
0x9a: {  	s5 =	simm.s32 $_size__tile_overlayer_lowered;
	s6 =	simm.s32 $_tile_overlayer_lowered  }
0x9b: {  	s7 =	simm.s32 $0x1BFF;
	s21 =	sshll.u32 s6, $0x1;
	s4 =	sadd.s32 s4, s20  }
0x9c: {  	s22 =	simm.s32 $0x0;
	s5 =	sshll.u32 s5, $0x1;
	s6 =	sadd.s32 s21, s4  }
0x9d: {  	[timem:s22], [sflag:s7] =	dma.local [hbm:s6], s5  }
0x9e: {  	_ =	swait.ge [sflag:s7], s5  }
0x9f: {  	s5 =	ssub.s32 $0x0, s5;
	[sflag:s7] =	ssyncset.done $0x0  }
0xa0: {  	[sflag:s7] =	ssyncadd.s32 s5;
	_ =	sdelay $0x1  }
0xa1: {  	s23 =	simm.s32 $0x1B8B  }
0xa2: {  	_ =	swait.ge [sflag:s23], $0x1  }
0xa3: {  	[sflag:s23] =	ssyncset.done $0x0  }
0xa4: {  	[sflag:s23] =	ssyncadd.s32 $0xFFFFFFFF  }
0xa5: {  	s5 =	sld [smem:$0x0]  }
0xa6: {  	s6 =	sand.u32 $0xFFFFFFFE, s1  }
0xa7: {  	p0 =	sne.s32 s1, s6  }
0xa8: {  	s6 =	sshll.u32 @p0 s6, $0xE  }
0xa9: {  	s6 =	sadd.s32 @p0 $0x11B8D, s6;
	s7 =	sshll.u32 @p0 s5, $0x11  }
0xaa: {  	s6 =	sor.u32 @p0 s7, s6  }
0xab: {  	[sflag:s6] =	ssyncadd.remote.s32 @p0 $0x1;
	_ =	sdelay $0x1  }
0xac: {  	s6 =	simm.s32 @p0 $0x1B8D  }
0xad: {  	_ =	swait.eq @p0 [sflag:s6], $0x1  }
0xae: {  	[sflag:s6] =	ssyncadd.s32 @p0 $0xFFFFFFFF  }
0xaf: {  	s7 =	sshll.u32 @!p0 s1, $0xE  }
0xb0: {  	s7 =	sor.u32 @!p0 $0x4000, s7;
	s6 =	simm.s32 @!p0 $0x1B8D  }
0xb1: {  	s5 =	sshll.u32 @!p0 s5, $0x11;
	s7 =	sadd.s32 @!p0 $0x11B8D, s7;
	_ =	swait.eq @!p0 [sflag:s6], $0x1  }
0xb2: {  	s5 =	sor.u32 @!p0 s5, s7;
	[sflag:s6] =	ssyncadd.s32 @!p0 $0xFFFFFFFF  }
0xb3: {  	s25 =	simm.s32 $0x1B8E;
	s24 =	sld [smem:$0x3FFE];
	[sflag:s5] =	ssyncadd.remote.s32 @!p0 $0x1  }
0xb4: {  	s26 =	simm.s32 $execute0_lowered;
	[smem:$0x3FD2] =	sst s25  }
0xb5: {  	s6 =	sshll.u32 s26, $0x1;
	_ =	strace $0x8000004C;
	[dreg:$0x1] =	wrdreg $0xFFFFFFFF  }
0xb6: {  	s28 =	simm.s32 $_size_execute0_lowered;
	s4 =	sadd.s32 s4, s6;
	[dreg:$0x0] =	wrdreg $0x0  }
0xb7: {  	s6 =	sshll.u32 s28, $0x1;
	[dreg:$0x2] =	wrdreg s4  }
0xb8: {  	[dreg:$0x3] =	wrdreg s6  }
0xb9: {  	[dreg:$0x4] =	wrdreg $0xC0  }
0xba: {  	_ =	task [dreg:s22], $0x5FFFF  }
0xbb: {  	[dreg:$0x1] =	wrdreg $0xFFFFFFFF  }
0xbc: {  	[dreg:$0x0] =	wrdreg $0x60  }
0xbd: {  	[dreg:$0x2] =	wrdreg s18  }
0xbe: {  	[dreg:$0x3] =	wrdreg s24  }
0xbf: {  	[dreg:$0x4] =	wrdreg $0x83000  }
0xc0: {  	[dreg:$0x5] =	wrdreg $0xB  }
0xc1: {  	_ =	task.clear_ibuf [dreg:s22], $0x6FFFF;
	_ =	strace $0x9000004C  }
0xc2: {  	s29 =	simm.s32 $0xB;
	_ =	strace $0x8000004E  }
0xc3: {  	_ =	swait.ge [sflag:s29], $0x1  }
0xc4: {  	[sflag:s29] =	ssyncadd.s32 $0xFFFFFFFF  }
0xc5: {  	_ =	strace $0x9000004E  }
0xc6: {  	_ =	sfence  }
0xc7: {  	s30 =	sld [smem:$0x0];
	_ =	sdelay $0x2  }
0xc8: {  	s31 =	sshll.u32 s1, $0xD;
	s1 =	sshrl.u32 s1, $0x2  }
0xc9: {  	s4 =	sand.u32 $0x4000, s31;
	s1 =	sadd.s32 s1, s30  }
0xca: {  	s0 =	sor.u32 s4, s0;
	s1 =	sshll.u32 s1, $0x11  }
0xcb: {  	s0 =	sor.u32 s1, s0  }
0xcc: {  	s0 =	sadd.s32 $0x8F2B, s0  }
0xcd: {  	[sflag:s0] =	ssyncadd.remote.s32 $0x1  }
0xce: {  	_ =	sfence.sel $0xFFFF  }
0xcf: {  	[dreg:$0x0] =	wrdreg $0xFFFFFFFF;
	(pc) =	sbr.abs _section_cstart, $3  }
0xd0: {  	[dreg:$0x1] =	wrdreg $0xFFFFFFFF  }
0xd1: {  	_ =	task.clear_ibuf [dreg:s22], $0x2FFFF;
	_ =	strace $0x9FFFFFFF  }
0xd2: {  	(tm) =	ssettm $0x7FFFFFFF  }
0xd3: {  	_ =	shalt  }
tec
execute0_lowered:
.L_overlay_start_1:
0x0: {  	(tag) =	ssettag $0x1  }
0x1: {  	s1 =	rddreg [dreg:$0x0];
	s0 =	srdreg.scid  }
0x2: {  	s2 =	rddreg [dreg:$0x1];
	s12 =	stileid.u32  }
0x3: {  	s3 =	rddreg [dreg:$0x2];
	s4 =	smul.u32 $0x9B0, s12  }
0x4: {  	s5 =	simm.s32 $0x0;
	s28 =	simm.s32 $0x6;
	s9 =	smul.u32 $0x2780, s12  }
0x5: {  	s29 =	simm.s32 $0x2;
	s0 =	sand.u32 $0x1, s0;
	s12 =	smul.u32 $0x4F000, s12  }
0x6: {  	s30 =	simm.s32 $0x3;
	s31 =	simm.s32 $0x5;
	s6 =	smul.u32 $0x9B00, s0  }
0x7: {  	[smem:$0x7FF] =	sst s5;
	s7 =	sadd.s32 $0x322C00, s2;
	s10 =	smul.u32 $0x27800, s0  }
0x8: {  	_ =	strace $0x8000004D;
	s0 =	ssub.s32 $0x2, s0;
	s16 =	sshrl.u32 s12, $0x2  }
0x9: {  	s15 =	sshrl.u32 s0, $0x1;
	s9 =	sadd.s32 s9, s10;
	s10 =	sadd.s32 s16, s3  }
0xa: {  	s25 =	sshrl.u32 s4, $0x3;
	s6 =	sadd.s32 s4, s6;
	s18 =	sadd.s32 $0x2800, s10  }
0xb: {  	s0 =	ssub.s32 s0, s15;
	s19 =	sadd.s32 $0x5000, s10;
	[dreg:$0x5] =	wrdreg s18  }
0xc: {  	s8 =	sshrl.u32 s6, $0x3;
	s20 =	sadd.s32 $0x7800, s10;
	[dreg:$0x6] =	wrdreg s19  }
0xd: {  	s21 =	sadd.s32 $0xA000, s10;
	s22 =	sadd.s32 $0xC800, s10;
	[dreg:$0x7] =	wrdreg s20  }
0xe: {  	s23 =	sadd.s32 $0xF000, s10;
	s24 =	sadd.s32 $0x11800, s10;
	[dreg:$0x8] =	wrdreg s21  }
0xf: {  	s26 =	sshll.u32 s6, $0x4;
	s11 =	sadd.s32 s8, s2;
	[dreg:$0x9] =	wrdreg s22  }
0x10: {  	s8 =	sadd.s32 $0x2CEC00, s2;
	s2 =	sadd.s32 s9, s2;
	[dreg:$0xa] =	wrdreg s23  }
0x11: {  	[dreg:$0xb] =	wrdreg s24;
	s19 =	sadd.s32 s7, s26;
	s21 =	smax.u32 s0, $0x1  }
.Ltmp0:
0x12: {  	s22 =	simm.s32 $0x8;
	s23 =	simm.s32 $0xB00;
	(pc) =	sbr.rel .LBB2_1-.Ltmp0, $4  }
0x13: {  	s24 =	simm.s32 $0xA00;
	s26 =	simm.s32 $0x50;
	s0 =	simm.s32 $0x1  }
0x14: {  	s17 =	sadd.s32 $0x458C00, s11;
	s9 =	sadd.s32 s8, s25;
	s20 =	sadd.s32 $0x45B400, s2  }
0x15: {  	s2 =	simm.s32 $0xA80;
	s25 =	simm.s32 $0x3300;
	[dreg:$0x4] =	wrdreg s17  }
0x16: {  	v0 =	vimm.f32 $0.0e+00;
	s11 =	simm.s32 $0x0;
	[dreg:$0xc] =	wrdreg s9;
	s9 =	simm.s32 $0x4  }
.LBB2_16:
0x17: {  	_ =	swait.ge [sflag:s28], $0x2800;
	s12 =	stileid.u32  }
0x18: {  	s13 =	sshrl.u32 s10, $0x3;
	s11 =	sadd.s32 $0x1, s11;
	[sflag:s28] =	ssyncset.done $0x0  }
0x19: {  	s12 =	sshll.u32 s12, $0x6;
	p0 =	sne.s32 s11, s21;
	[sflag:s28] =	ssyncadd.s32 $0xFFFFD800  }
.Ltmp1:
0x1a: {  	s12 =	sor.u32 $0x1C08, s12;
	[bflag:$0x0] =	sbarrier.arrive $0xFFFF;
	(pc) =	sbr.rel @!p0 .LBB2_17-.Ltmp1, $4  }
0x1b: {  	[hbm:s20], [sflag:s12] =	dma.local [spmem:s13], $0x2780  }
0x1c: {  	_ =	swait.ge [sflag:s22], $0x2780  }
0x1d: {  	[sflag:s22] =	ssyncset.done $0x0  }
0x1e: {  	[sflag:s22] =	ssyncadd.s32 $0xFFFFD880  }
.LBB2_1:
0x1f: {  	s12 =	rddreg [dreg:$0x4]  }
0x20: {  	[tilespmem:s5], [sflag:$0x8] =	stream.linear.gather [hbm4b:s12+s5], $0x9B0, $0x38;
	[tilespmem:$0x1BF00] =	vst v63  }
0x21: {  	_ =	swait.ge [sflag:s22], $0x9B0  }
0x22: {  	[sflag:s22] =	ssyncset.done $0x0  }
0x23: {  	s13 =	simm.s32 $0x200;
	s12 =	simm.s32 $0x0;
	[sflag:s22] =	ssyncadd.s32 $0xFFFFF650  }
.LBB2_2:
0x24: {  	p0 =	sne.s32 s13, $0x9E00;
	[tilespmem:s12+$0xB70] =	vst v0  }
0x25: {  	[tilespmem:s12+$0xB00] =	vst v0  }
0x26: {  	[tilespmem:s12+$0xB10] =	vst v0  }
.Ltmp2:
0x27: {  	[tilespmem:s12+$0xB20] =	vst v0;
	(pc) =	sbr.rel @p0 .LBB2_2-.Ltmp2, $4  }
0x28: {  	[tilespmem:s12+$0xB30] =	vst v0  }
0x29: {  	[tilespmem:s12+$0xB40] =	vst v0  }
0x2a: {  	[tilespmem:s12+$0xB50] =	vst v0  }
0x2b: {  	[tilespmem:s12+$0xB60] =	vst v0;
	s12 =	sshra.s32 s13, $0x2;
	s13 =	sadd.s32 $0x200, s13  }
0x2c: {  	[tilespmem:s12+$0xB70] =	vst v0  }
0x2d: {  	[tilespmem:s12+$0xB00] =	vst v0  }
0x2e: {  	[tilespmem:s12+$0xB10] =	vst v0  }
0x2f: {  	[tilespmem:s12+$0xB20] =	vst v0  }
0x30: {  	[tilespmem:s12+$0xB30] =	vst v0  }
0x31: {  	[tilespmem:s12+$0xB40] =	vst v0  }
0x32: {  	[tilespmem:s12+$0xB50] =	vst v0  }
0x33: {  	[tilespmem:s12+$0xB60] =	vst v0  }
0x34: {  	[spmem:s10] =	stream.linear.scatter [tilespmem:s23], [sflag:$0x8], $0x2800, $0x38;
	[tilespmem:$0x1BF00] =	vst v63  }
0x35: {  	_ =	swait.ge [sflag:s22], $0x2800  }
0x36: {  	[sflag:s22] =	ssyncset.done $0x0  }
0x37: {  	s17 =	rddreg [dreg:$0x5];
	[sflag:s22] =	ssyncadd.s32 $0xFFFFD800  }
0x38: {  	[spmem:s17] =	stream.linear.scatter [tilespmem:s23], [sflag:$0x8], $0x2800, $0x38;
	[tilespmem:$0x1BF00] =	vst v63  }
0x39: {  	_ =	swait.ge [sflag:s22], $0x2800  }
0x3a: {  	[sflag:s22] =	ssyncset.done $0x0  }
0x3b: {  	s18 =	rddreg [dreg:$0x6];
	[sflag:s22] =	ssyncadd.s32 $0xFFFFD800  }
0x3c: {  	[spmem:s18] =	stream.linear.scatter [tilespmem:s23], [sflag:$0x8], $0x2800, $0x38;
	[tilespmem:$0x1BF00] =	vst v63  }
0x3d: {  	_ =	swait.ge [sflag:s22], $0x2800  }
0x3e: {  	[sflag:s22] =	ssyncset.done $0x0  }
0x3f: {  	s13 =	rddreg [dreg:$0x7];
	[sflag:s22] =	ssyncadd.s32 $0xFFFFD800  }
0x40: {  	[spmem:s13] =	stream.linear.scatter [tilespmem:s23], [sflag:$0x8], $0x2800, $0x38;
	[tilespmem:$0x1BF00] =	vst v63  }
0x41: {  	_ =	swait.ge [sflag:s22], $0x2800  }
0x42: {  	[sflag:s22] =	ssyncset.done $0x0  }
0x43: {  	s14 =	rddreg [dreg:$0x8];
	[sflag:s22] =	ssyncadd.s32 $0xFFFFD800  }
0x44: {  	[spmem:s14] =	stream.linear.scatter [tilespmem:s23], [sflag:$0x8], $0x2800, $0x38;
	[tilespmem:$0x1BF00] =	vst v63  }
0x45: {  	_ =	swait.ge [sflag:s22], $0x2800  }
0x46: {  	[sflag:s22] =	ssyncset.done $0x0  }
0x47: {  	s15 =	rddreg [dreg:$0x9];
	[sflag:s22] =	ssyncadd.s32 $0xFFFFD800  }
0x48: {  	[spmem:s15] =	stream.linear.scatter [tilespmem:s23], [sflag:$0x8], $0x2800, $0x38;
	[tilespmem:$0x1BF00] =	vst v63  }
0x49: {  	_ =	swait.ge [sflag:s22], $0x2800  }
0x4a: {  	[sflag:s22] =	ssyncset.done $0x0  }
0x4b: {  	s16 =	rddreg [dreg:$0xa];
	[sflag:s22] =	ssyncadd.s32 $0xFFFFD800  }
0x4c: {  	[spmem:s16] =	stream.linear.scatter [tilespmem:s23], [sflag:$0x8], $0x2800, $0x38;
	[tilespmem:$0x1BF00] =	vst v63  }
0x4d: {  	_ =	swait.ge [sflag:s22], $0x2800  }
0x4e: {  	[sflag:s22] =	ssyncset.done $0x0  }
0x4f: {  	s17 =	rddreg [dreg:$0xb];
	[sflag:s22] =	ssyncadd.s32 $0xFFFFD800  }
0x50: {  	[spmem:s17] =	stream.linear.scatter [tilespmem:s23], [sflag:$0x8], $0x2400, $0x38;
	[tilespmem:$0x1BF00] =	vst v63  }
0x51: {  	_ =	swait.ge [sflag:s22], $0x2400  }
0x52: {  	[sflag:s22] =	ssyncset.done $0x0  }
0x53: {  	[sflag:s22] =	ssyncadd.s32 $0xFFFFDC00  }
0x54: {  	[bflag:$0x0] =	sbarrier.arrive $0xFFFF  }
0x55: {  	s12 =	simm.s32 $0x0;
	s13 =	rddreg [dreg:$0xc]  }
0x56: {  	[tilespmem:s24], [sflag:$0x4] =	stream.linear.gather [hbm4b:s13+s12], $0x50, $0x38;
	[tilespmem:$0x1BF00] =	vst v63  }
.Ltmp3:
0x57: {  	_ = 	snop;
	(pc) =	sbr.rel .LBB2_4-.Ltmp3, $4  }
0x58: {  	s18 =	simm.s32 $0x5B00  }
0x59: {  	[tilespmem:s18], [sflag:$0x3] =	stream.linear.gather [hbm4b:s19+s12], $0x2800, $0x38;
	[tilespmem:$0x1BF00] =	vst v63  }
0x5a: {  	_ = 	snop  }
0x5b: {  	[tilespmem:s23], [sflag:$0x1] =	stream.indirect.gather [hbm4b:s1+s26], $0x80, s12, s26, $0xb8;
	[tilespmem:$0x1BF00] =	vst v63  }
.LBB2_11:
0x5c: {  	s13 =	sor.u32 $0x1, s12  }
.LBB2_15:
0x5d: {  	p0 =	sne.s32 s13, $0x1F  }
.Ltmp4:
0x5e: {  	_ = 	snop;
	(pc) =	sbr.rel @!p0 .LBB2_16-.Ltmp4, $2  }
0x5f: {  	_ =	sdelay $0x2  }
0x60: {  	s12 =	smov.u32 s13  }
.LBB2_4:
0x61: {  	s13 =	sand.u32 $0x1, s12  }
0x62: {  	p0 =	seq.s32 s13, $0x1  }
.Ltmp5:
0x63: {  	_ = 	snop;
	(pc) =	sbr.rel @p0 .LBB2_12-.Ltmp5, $1  }
0x64: {  	_ =	sdelay $0x3  }
0x65: {  	p0 =	seq.s32 s12, $0x0  }
0x66: {  	p1 =	seq.s32 @!p0 s12, $0x1E  }
0x67: {  	p1 =	por p0, !p1  }
.Ltmp6:
0x68: {  	_ = 	snop;
	(pc) =	sbr.rel @p1 .LBB2_7-.Ltmp6, $4  }
0x69: {  	s14 =	simm.s32 @!p0 $0x7  }
0x6a: {  	_ =	swait.ge @!p0 [sflag:s14], $0x2800  }
0x6b: {  	[sflag:s14] =	ssyncset.done @!p0 $0x0  }
0x6c: {  	[sflag:s14] =	ssyncadd.s32 @!p0 $0xFFFFD800  }
.Ltmp7:
0x6d: {  	(pc) =	sbr.rel .LBB2_8-.Ltmp7, $2  }
0x6e: {  	_ =	sdelay $0x2  }
0x6f: {  	s14 =	simm.s32 @!p0 $0x9B0;
	p0 =	por @!p0 $0x1, $0x1  }
.LBB2_7:
0x70: {  	s14 =	sor.u32 @!p0 $0x1, s12  }
0x71: {  	s14 =	simm.s32 @p0 $0x1  }
0x72: {  	s14 =	smul.u32 $0x50, s14;
	_ =	sdelay $0x1  }
0x73: {  	[tilespmem:s25], [sflag:$0x2] =	stream.indirect.gather [hbm4b:s1+s26], $0x80, s14, s26, $0xb8;
	[tilespmem:$0x1BF00] =	vst v63  }
0x74: {  	s15 =	sadd.s32 s4, s14  }
0x75: {  	s15 =	sshrl.u32 s15, $0x3  }
0x76: {  	p0 =	por $0x0, $0x0;
	s15 =	sadd.s32 s8, s15  }
0x77: {  	[tilespmem:s2], [sflag:$0x5] =	stream.linear.gather [hbm4b:s15+s5], $0x50, $0x38;
	[tilespmem:$0x1BF00] =	vst v63  }
.LBB2_8:
0x78: {  	_ =	swait.ge [sflag:s0], $0x2800  }
0x79: {  	[sflag:s0] =	ssyncset.done $0x0  }
0x7a: {  	[sflag:s0] =	ssyncadd.s32 $0xFFFFD800  }
0x7b: {  	_ =	swait.ge [sflag:s30], $0x2800  }
0x7c: {  	[sflag:s30] =	ssyncset.done $0x0  }
0x7d: {  	s15 =	simm.s32 $0xC00;
	[sflag:s30] =	ssyncadd.s32 $0xFFFFD800  }
0x7e: {  	s16 =	simm.s32 $0x5C00;
	v1 =	vld [tilespmem:s15+$0x80]  }
0x7f: {  	v2 =	vld [tilespmem:s16+$0x80]  }
0x80: {  	v3 =	vld [tilespmem:s15+$0xFFFFFF80]  }
0x81: {  	v4 =	vld [tilespmem:s16+$0xFFFFFF80]  }
0x82: {  	v5 =	vld [tilespmem:s15+$0x0]  }
0x83: {  	v6 =	vld [tilespmem:s16+$0x0]  }
0x84: {  	v7 =	vld [tilespmem:s15+$0xFFFFFF00];
	v1 =	vmul.f32 v2, v1  }
0x85: {  	v2 =	vld [tilespmem:s16+$0xFFFFFF00]  }
0x86: {  	[tilespmem:s15+$0x80] =	vst v1;
	v1 =	vld [tilespmem:s15+$0x90]  }
0x87: {  	v3 =	vmul.f32 v4, v3;
	v4 =	vld [tilespmem:s16+$0x90]  }
0x88: {  	v8 =	vld [tilespmem:s15+$0xFFFFFF10]  }
0x89: {  	[tilespmem:s15+$0xFFFFFF80] =	vst v3;
	v3 =	vmul.f32 v6, v5;
	v5 =	vld [tilespmem:s15+$0xFFFFFF90]  }
0x8a: {  	v6 =	vld [tilespmem:s16+$0xFFFFFF90];
	v2 =	vmul.f32 v2, v7  }
0x8b: {  	[tilespmem:s15+$0x0] =	vst v3;
	v3 =	vld [tilespmem:s15+$0x10]  }
0x8c: {  	v7 =	vld [tilespmem:s16+$0x10];
	[tilespmem:s15+$0xFFFFFF00] =	vst v2;
	v1 =	vmul.f32 v4, v1  }
0x8d: {  	v2 =	vld [tilespmem:s16+$0xFFFFFF10]  }
0x8e: {  	[tilespmem:s15+$0x90] =	vst v1;
	v1 =	vld [tilespmem:s15+$0xA0]  }
0x8f: {  	v4 =	vmul.f32 v6, v5;
	v5 =	vld [tilespmem:s16+$0xA0]  }
0x90: {  	v6 =	vld [tilespmem:s15+$0xFFFFFF20]  }
0x91: {  	[tilespmem:s15+$0xFFFFFF90] =	vst v4;
	v3 =	vmul.f32 v7, v3;
	v4 =	vld [tilespmem:s15+$0xFFFFFFA0]  }
0x92: {  	v7 =	vld [tilespmem:s16+$0xFFFFFFA0];
	v2 =	vmul.f32 v2, v8  }
0x93: {  	[tilespmem:s15+$0x10] =	vst v3;
	v3 =	vld [tilespmem:s15+$0x20]  }
0x94: {  	v8 =	vld [tilespmem:s16+$0x20];
	[tilespmem:s15+$0xFFFFFF10] =	vst v2;
	v1 =	vmul.f32 v5, v1  }
0x95: {  	v2 =	vld [tilespmem:s16+$0xFFFFFF20]  }
0x96: {  	[tilespmem:s15+$0xA0] =	vst v1;
	v1 =	vld [tilespmem:s15+$0xB0]  }
0x97: {  	v4 =	vmul.f32 v7, v4;
	v5 =	vld [tilespmem:s16+$0xB0]  }
0x98: {  	v7 =	vld [tilespmem:s15+$0xFFFFFF30]  }
0x99: {  	[tilespmem:s15+$0xFFFFFFA0] =	vst v4;
	v3 =	vmul.f32 v8, v3;
	v4 =	vld [tilespmem:s15+$0xFFFFFFB0]  }
0x9a: {  	v8 =	vld [tilespmem:s16+$0xFFFFFFB0];
	v2 =	vmul.f32 v2, v6  }
0x9b: {  	[tilespmem:s15+$0x20] =	vst v3;
	v3 =	vld [tilespmem:s15+$0x30]  }
0x9c: {  	v6 =	vld [tilespmem:s16+$0x30];
	[tilespmem:s15+$0xFFFFFF20] =	vst v2;
	v1 =	vmul.f32 v5, v1  }
0x9d: {  	v2 =	vld [tilespmem:s16+$0xFFFFFF30]  }
0x9e: {  	[tilespmem:s15+$0xB0] =	vst v1;
	v1 =	vld [tilespmem:s15+$0xC0]  }
0x9f: {  	v4 =	vmul.f32 v8, v4;
	v5 =	vld [tilespmem:s16+$0xC0]  }
0xa0: {  	v8 =	vld [tilespmem:s15+$0xFFFFFF40]  }
0xa1: {  	[tilespmem:s15+$0xFFFFFFB0] =	vst v4;
	v3 =	vmul.f32 v6, v3;
	v4 =	vld [tilespmem:s15+$0xFFFFFFC0]  }
0xa2: {  	v6 =	vld [tilespmem:s16+$0xFFFFFFC0];
	v2 =	vmul.f32 v2, v7  }
0xa3: {  	[tilespmem:s15+$0x30] =	vst v3;
	v3 =	vld [tilespmem:s15+$0x40]  }
0xa4: {  	v7 =	vld [tilespmem:s16+$0x40];
	[tilespmem:s15+$0xFFFFFF30] =	vst v2;
	v1 =	vmul.f32 v5, v1  }
0xa5: {  	v2 =	vld [tilespmem:s16+$0xFFFFFF40]  }
0xa6: {  	[tilespmem:s15+$0xC0] =	vst v1;
	v1 =	vld [tilespmem:s15+$0xD0]  }
0xa7: {  	v4 =	vmul.f32 v6, v4;
	v5 =	vld [tilespmem:s16+$0xD0]  }
0xa8: {  	v6 =	vld [tilespmem:s15+$0xFFFFFF50]  }
0xa9: {  	[tilespmem:s15+$0xFFFFFFC0] =	vst v4;
	v3 =	vmul.f32 v7, v3;
	v4 =	vld [tilespmem:s15+$0xFFFFFFD0]  }
0xaa: {  	v7 =	vld [tilespmem:s16+$0xFFFFFFD0];
	v2 =	vmul.f32 v2, v8  }
0xab: {  	[tilespmem:s15+$0x40] =	vst v3;
	v3 =	vld [tilespmem:s15+$0x50]  }
0xac: {  	v8 =	vld [tilespmem:s16+$0x50];
	[tilespmem:s15+$0xFFFFFF40] =	vst v2;
	v1 =	vmul.f32 v5, v1  }
0xad: {  	v2 =	vld [tilespmem:s16+$0xFFFFFF50]  }
0xae: {  	[tilespmem:s15+$0xD0] =	vst v1;
	v1 =	vld [tilespmem:s15+$0xE0]  }
0xaf: {  	v4 =	vmul.f32 v7, v4;
	v5 =	vld [tilespmem:s16+$0xE0]  }
0xb0: {  	v7 =	vld [tilespmem:s15+$0xFFFFFF60]  }
0xb1: {  	[tilespmem:s15+$0xFFFFFFD0] =	vst v4;
	v3 =	vmul.f32 v8, v3;
	v4 =	vld [tilespmem:s15+$0xFFFFFFE0]  }
0xb2: {  	v8 =	vld [tilespmem:s16+$0xFFFFFFE0];
	v2 =	vmul.f32 v2, v6  }
0xb3: {  	[tilespmem:s15+$0x50] =	vst v3;
	v3 =	vld [tilespmem:s15+$0x60]  }
0xb4: {  	v6 =	vld [tilespmem:s16+$0x60];
	[tilespmem:s15+$0xFFFFFF50] =	vst v2;
	v1 =	vmul.f32 v5, v1  }
0xb5: {  	v5 =	vld [tilespmem:s16+$0xFFFFFF60]  }
0xb6: {  	v9 =	vld [tilespmem:s15+$0xF0];
	[tilespmem:s15+$0xE0] =	vst v1  }
0xb7: {  	v2 =	vmul.f32 v8, v4;
	v8 =	vld [tilespmem:s16+$0xF0]  }
0xb8: {  	v1 =	vld [tilespmem:s15+$0xFFFFFF70]  }
0xb9: {  	[tilespmem:s15+$0xFFFFFFE0] =	vst v2;
	v3 =	vmul.f32 v6, v3;
	v2 =	vld [tilespmem:s15+$0xFFFFFFF0]  }
0xba: {  	v4 =	vld [tilespmem:s16+$0xFFFFFFF0];
	v5 =	vmul.f32 v5, v7  }
0xbb: {  	[tilespmem:s15+$0x60] =	vst v3;
	v3 =	vld [tilespmem:s15+$0x70]  }
0xbc: {  	[tilespmem:s15+$0xFFFFFF60] =	vst v5;
	v5 =	vld [tilespmem:s16+$0x70];
	v7 =	vmul.f32 v8, v9  }
0xbd: {  	s17 =	simm.s32 $0x0;
	s18 =	simm.s32 $0xE00;
	v6 =	vld [tilespmem:s16+$0xFFFFFF70]  }
.LBB2_9:
0xbe: {  	v8 =	vld [tilespmem:s18+$0x80];
	[tilespmem:s15+$0xF0] =	vst v7;
	s16 =	sadd.s32 $0x200, s16  }
0xbf: {  	s17 =	sadd.s32 $0x4, s17;
	v7 =	vld [tilespmem:s16+$0x80];
	v2 =	vmul.f32 v4, v2  }
0xc0: {  	p1 =	slt.u32 s17, $0x4C;
	v4 =	vld [tilespmem:s16+$0xFFFFFF00]  }
0xc1: {  	v9 =	vld [tilespmem:s18+$0xFFFFFF80];
	[tilespmem:s15+$0xFFFFFFF0] =	vst v2;
	v2 =	vmul.f32 v5, v3  }
0xc2: {  	v3 =	vld [tilespmem:s16+$0xFFFFFF80];
	v1 =	vmul.f32 v6, v1  }
0xc3: {  	v5 =	vld [tilespmem:s18+$0x0];
	[tilespmem:s15+$0x70] =	vst v2  }
0xc4: {  	v2 =	vld [tilespmem:s16+$0x0];
	v6 =	vmul.f32 v7, v8;
	[tilespmem:s15+$0xFFFFFF70] =	vst v1;
	s15 =	smov.u32 s18  }
0xc5: {  	v1 =	vld [tilespmem:s18+$0xFFFFFF00]  }
0xc6: {  	[tilespmem:s18+$0x80] =	vst v6;
	v6 =	vld [tilespmem:s18+$0x90]  }
0xc7: {  	v3 =	vmul.f32 v3, v9;
	v7 =	vld [tilespmem:s16+$0x90]  }
0xc8: {  	v8 =	vld [tilespmem:s18+$0xFFFFFF10]  }
0xc9: {  	[tilespmem:s18+$0xFFFFFF80] =	vst v3;
	v3 =	vld [tilespmem:s18+$0xFFFFFF90];
	v2 =	vmul.f32 v2, v5  }
0xca: {  	v1 =	vmul.f32 v4, v1;
	v4 =	vld [tilespmem:s16+$0xFFFFFF90]  }
0xcb: {  	[tilespmem:s18+$0x0] =	vst v2;
	v2 =	vld [tilespmem:s18+$0x10]  }
0xcc: {  	[tilespmem:s18+$0xFFFFFF00] =	vst v1;
	v1 =	vld [tilespmem:s16+$0x10];
	v5 =	vmul.f32 v7, v6  }
0xcd: {  	v6 =	vld [tilespmem:s16+$0xFFFFFF10]  }
0xce: {  	[tilespmem:s18+$0x90] =	vst v5;
	v5 =	vld [tilespmem:s18+$0xA0]  }
0xcf: {  	v3 =	vmul.f32 v4, v3;
	v4 =	vld [tilespmem:s16+$0xA0]  }
0xd0: {  	v7 =	vld [tilespmem:s18+$0xFFFFFF20]  }
0xd1: {  	[tilespmem:s18+$0xFFFFFF90] =	vst v3;
	v3 =	vld [tilespmem:s18+$0xFFFFFFA0];
	v1 =	vmul.f32 v1, v2  }
0xd2: {  	v2 =	vmul.f32 v6, v8;
	v6 =	vld [tilespmem:s16+$0xFFFFFFA0]  }
0xd3: {  	[tilespmem:s18+$0x10] =	vst v1;
	v1 =	vld [tilespmem:s18+$0x20]  }
0xd4: {  	[tilespmem:s18+$0xFFFFFF10] =	vst v2;
	v2 =	vld [tilespmem:s16+$0x20];
	v4 =	vmul.f32 v4, v5  }
0xd5: {  	v5 =	vld [tilespmem:s16+$0xFFFFFF20]  }
0xd6: {  	[tilespmem:s18+$0xA0] =	vst v4;
	v4 =	vld [tilespmem:s18+$0xB0]  }
0xd7: {  	v3 =	vmul.f32 v6, v3;
	v6 =	vld [tilespmem:s16+$0xB0]  }
0xd8: {  	v8 =	vld [tilespmem:s18+$0xFFFFFF30]  }
0xd9: {  	[tilespmem:s18+$0xFFFFFFA0] =	vst v3;
	v3 =	vld [tilespmem:s18+$0xFFFFFFB0];
	v1 =	vmul.f32 v2, v1  }
0xda: {  	v2 =	vmul.f32 v5, v7;
	v5 =	vld [tilespmem:s16+$0xFFFFFFB0]  }
0xdb: {  	[tilespmem:s18+$0x20] =	vst v1;
	v1 =	vld [tilespmem:s18+$0x30]  }
0xdc: {  	[tilespmem:s18+$0xFFFFFF20] =	vst v2;
	v2 =	vld [tilespmem:s16+$0x30];
	v4 =	vmul.f32 v6, v4  }
0xdd: {  	v6 =	vld [tilespmem:s16+$0xFFFFFF30]  }
0xde: {  	[tilespmem:s18+$0xB0] =	vst v4;
	v4 =	vld [tilespmem:s18+$0xC0]  }
0xdf: {  	v3 =	vmul.f32 v5, v3;
	v5 =	vld [tilespmem:s16+$0xC0]  }
0xe0: {  	v7 =	vld [tilespmem:s18+$0xFFFFFF40]  }
0xe1: {  	[tilespmem:s18+$0xFFFFFFB0] =	vst v3;
	v3 =	vld [tilespmem:s18+$0xFFFFFFC0];
	v1 =	vmul.f32 v2, v1  }
0xe2: {  	v2 =	vmul.f32 v6, v8;
	v6 =	vld [tilespmem:s16+$0xFFFFFFC0]  }
0xe3: {  	[tilespmem:s18+$0x30] =	vst v1;
	v1 =	vld [tilespmem:s18+$0x40]  }
0xe4: {  	[tilespmem:s18+$0xFFFFFF30] =	vst v2;
	v2 =	vld [tilespmem:s16+$0x40];
	v4 =	vmul.f32 v5, v4  }
0xe5: {  	v5 =	vld [tilespmem:s16+$0xFFFFFF40]  }
0xe6: {  	[tilespmem:s18+$0xC0] =	vst v4;
	v4 =	vld [tilespmem:s18+$0xD0]  }
0xe7: {  	v3 =	vmul.f32 v6, v3;
	v6 =	vld [tilespmem:s16+$0xD0]  }
0xe8: {  	v8 =	vld [tilespmem:s18+$0xFFFFFF50]  }
0xe9: {  	[tilespmem:s18+$0xFFFFFFC0] =	vst v3;
	v3 =	vld [tilespmem:s18+$0xFFFFFFD0];
	v1 =	vmul.f32 v2, v1  }
0xea: {  	v2 =	vmul.f32 v5, v7;
	v5 =	vld [tilespmem:s16+$0xFFFFFFD0]  }
0xeb: {  	[tilespmem:s18+$0x40] =	vst v1;
	v1 =	vld [tilespmem:s18+$0x50]  }
0xec: {  	[tilespmem:s18+$0xFFFFFF40] =	vst v2;
	v2 =	vld [tilespmem:s16+$0x50];
	v4 =	vmul.f32 v6, v4  }
0xed: {  	v6 =	vld [tilespmem:s16+$0xFFFFFF50]  }
0xee: {  	[tilespmem:s18+$0xD0] =	vst v4;
	v4 =	vld [tilespmem:s18+$0xE0]  }
0xef: {  	v3 =	vmul.f32 v5, v3;
	v5 =	vld [tilespmem:s16+$0xE0]  }
0xf0: {  	v7 =	vld [tilespmem:s18+$0xFFFFFF60]  }
0xf1: {  	[tilespmem:s18+$0xFFFFFFD0] =	vst v3;
	v3 =	vld [tilespmem:s18+$0xFFFFFFE0];
	v1 =	vmul.f32 v2, v1  }
0xf2: {  	v2 =	vmul.f32 v6, v8;
	v6 =	vld [tilespmem:s16+$0xFFFFFFE0]  }
0xf3: {  	[tilespmem:s18+$0x50] =	vst v1;
	v8 =	vld [tilespmem:s18+$0x60]  }
0xf4: {  	[tilespmem:s18+$0xFFFFFF50] =	vst v2;
	v9 =	vld [tilespmem:s16+$0x60];
	v1 =	vmul.f32 v5, v4  }
0xf5: {  	v4 =	vld [tilespmem:s16+$0xFFFFFF60]  }
0xf6: {  	[tilespmem:s18+$0xE0] =	vst v1;
	v10 =	vld [tilespmem:s18+$0xF0]  }
0xf7: {  	v2 =	vmul.f32 v6, v3;
	v6 =	vld [tilespmem:s16+$0xF0]  }
0xf8: {  	v1 =	vld [tilespmem:s18+$0xFFFFFF70]  }
.Ltmp8:
0xf9: {  	[tilespmem:s18+$0xFFFFFFE0] =	vst v2;
	v2 =	vld [tilespmem:s18+$0xFFFFFFF0];
	v3 =	vmul.f32 v9, v8;
	(pc) =	sbr.rel @p1 .LBB2_9-.Ltmp8, $4  }
0xfa: {  	v5 =	vmul.f32 v4, v7;
	v4 =	vld [tilespmem:s16+$0xFFFFFFF0]  }
0xfb: {  	[tilespmem:s18+$0x60] =	vst v3;
	v3 =	vld [tilespmem:s18+$0x70]  }
0xfc: {  	[tilespmem:s18+$0xFFFFFF60] =	vst v5;
	v5 =	vld [tilespmem:s16+$0x70];
	v7 =	vmul.f32 v6, v10  }
0xfd: {  	s18 =	sadd.s32 $0x200, s18;
	v6 =	vld [tilespmem:s16+$0xFFFFFF70]  }
0xfe: {  	_ =	sdelay $0x1  }
0xff: {  	v2 =	vmul.f32 v4, v2  }
0x100: {  	[tilespmem:s15+$0xF0] =	vst v7;
	v3 =	vmul.f32 v5, v3  }
0x101: {  	s14 =	sadd.s32 @!p0 s6, s14;
	[tilespmem:s15+$0xFFFFFFF0] =	vst v2;
	v1 =	vmul.f32 v6, v1  }
0x102: {  	s14 =	sshll.u32 @!p0 s14, $0x4;
	[tilespmem:s15+$0x70] =	vst v3  }
0x103: {  	s16 =	simm.s32 @!p0 $0x5B00;
	s14 =	sadd.s32 @!p0 s7, s14;
	[tilespmem:s15+$0xFFFFFF70] =	vst v1;
	s15 =	simm.s32 @!p0 $0x0  }
0x104: {  	[tilespmem:s16], [sflag:$0x3] =	stream.linear.gather @!p0 [hbm4b:s14+s15], $0x2800, $0x38;
	[tilespmem:$0x1BF00] =	vst v63  }
0x105: {  	p0 =	sne.s32 s13, $0x0  }
.Ltmp9:
0x106: {  	_ = 	snop;
	(pc) =	sbr.rel @!p0 .LBB2_11-.Ltmp9, $4  }
0x107: {  	_ =	swait.ge [sflag:s9], $0x50  }
0x108: {  	[sflag:s9] =	ssyncset.done $0x0  }
0x109: {  	[sflag:s9] =	ssyncadd.s32 $0xFFFFFFB0  }
0x10a: {  	[spmem:s3] =	stream.indirect.scatter.add.f32 [tilespmem:s23], [sflag:$0x6], $0x80, s24, s26, $0xb8;
	[tilespmem:$0x1BF00] =	vst v63  }
.LBB2_12:
0x10b: {  	_ =	swait.ge [sflag:s28], $0x2800;
	s13 =	sadd.s32 $0x1, s12;
	p0 =	seq.s32 s12, $0x1E  }
0x10c: {  	[sflag:s28] =	ssyncset.done $0x0;
	s12 =	smul.u32 @!p0 $0x50, s13  }
0x10d: {  	s14 =	simm.s32 @!p0 $0x50;
	s15 =	simm.s32 @!p0 $0xB00;
	[sflag:s28] =	ssyncadd.s32 $0xFFFFD800  }
0x10e: {  	[tilespmem:s15], [sflag:$0x1] =	stream.indirect.gather @!p0 [hbm4b:s1+s14], $0x80, s12, s14, $0xb8;
	[tilespmem:$0x1BF00] =	vst v63  }
0x10f: {  	s14 =	sadd.s32 @!p0 s4, s12  }
0x110: {  	s14 =	sshrl.u32 @!p0 s14, $0x3  }
0x111: {  	s16 =	simm.s32 @!p0 $0xA00;
	s15 =	simm.s32 @!p0 $0x0;
	s14 =	sadd.s32 @!p0 s8, s14  }
0x112: {  	[tilespmem:s16], [sflag:$0x4] =	stream.linear.gather @!p0 [hbm4b:s14+s15], $0x50, $0x38;
	[tilespmem:$0x1BF00] =	vst v63  }
0x113: {  	_ =	swait.ge [sflag:s29], $0x2800  }
0x114: {  	[sflag:s29] =	ssyncset.done $0x0  }
0x115: {  	[sflag:s29] =	ssyncadd.s32 $0xFFFFD800  }
0x116: {  	_ =	swait.ge [sflag:s30], $0x2800  }
0x117: {  	[sflag:s30] =	ssyncset.done $0x0  }
0x118: {  	s14 =	simm.s32 $0x3400;
	[sflag:s30] =	ssyncadd.s32 $0xFFFFD800  }
0x119: {  	s15 =	simm.s32 $0x5C00;
	v1 =	vld [tilespmem:s14+$0x80]  }
0x11a: {  	v2 =	vld [tilespmem:s15+$0x80]  }
0x11b: {  	v3 =	vld [tilespmem:s14+$0xFFFFFF80]  }
0x11c: {  	v4 =	vld [tilespmem:s15+$0xFFFFFF80]  }
0x11d: {  	v5 =	vld [tilespmem:s14+$0x0]  }
0x11e: {  	v6 =	vld [tilespmem:s15+$0x0]  }
0x11f: {  	v7 =	vld [tilespmem:s14+$0xFFFFFF00];
	v1 =	vmul.f32 v2, v1  }
0x120: {  	v2 =	vld [tilespmem:s15+$0xFFFFFF00]  }
0x121: {  	[tilespmem:s14+$0x80] =	vst v1;
	v1 =	vld [tilespmem:s14+$0x90]  }
0x122: {  	v3 =	vmul.f32 v4, v3;
	v4 =	vld [tilespmem:s15+$0x90]  }
0x123: {  	v8 =	vld [tilespmem:s14+$0xFFFFFF10]  }
0x124: {  	[tilespmem:s14+$0xFFFFFF80] =	vst v3;
	v3 =	vmul.f32 v6, v5;
	v5 =	vld [tilespmem:s14+$0xFFFFFF90]  }
0x125: {  	v6 =	vld [tilespmem:s15+$0xFFFFFF90];
	v2 =	vmul.f32 v2, v7  }
0x126: {  	[tilespmem:s14+$0x0] =	vst v3;
	v3 =	vld [tilespmem:s14+$0x10]  }
0x127: {  	v7 =	vld [tilespmem:s15+$0x10];
	[tilespmem:s14+$0xFFFFFF00] =	vst v2;
	v1 =	vmul.f32 v4, v1  }
0x128: {  	v2 =	vld [tilespmem:s15+$0xFFFFFF10]  }
0x129: {  	[tilespmem:s14+$0x90] =	vst v1;
	v1 =	vld [tilespmem:s14+$0xA0]  }
0x12a: {  	v4 =	vmul.f32 v6, v5;
	v5 =	vld [tilespmem:s15+$0xA0]  }
0x12b: {  	v6 =	vld [tilespmem:s14+$0xFFFFFF20]  }
0x12c: {  	[tilespmem:s14+$0xFFFFFF90] =	vst v4;
	v3 =	vmul.f32 v7, v3;
	v4 =	vld [tilespmem:s14+$0xFFFFFFA0]  }
0x12d: {  	v7 =	vld [tilespmem:s15+$0xFFFFFFA0];
	v2 =	vmul.f32 v2, v8  }
0x12e: {  	[tilespmem:s14+$0x10] =	vst v3;
	v3 =	vld [tilespmem:s14+$0x20]  }
0x12f: {  	v8 =	vld [tilespmem:s15+$0x20];
	[tilespmem:s14+$0xFFFFFF10] =	vst v2;
	v1 =	vmul.f32 v5, v1  }
0x130: {  	v2 =	vld [tilespmem:s15+$0xFFFFFF20]  }
0x131: {  	[tilespmem:s14+$0xA0] =	vst v1;
	v1 =	vld [tilespmem:s14+$0xB0]  }
0x132: {  	v4 =	vmul.f32 v7, v4;
	v5 =	vld [tilespmem:s15+$0xB0]  }
0x133: {  	v7 =	vld [tilespmem:s14+$0xFFFFFF30]  }
0x134: {  	[tilespmem:s14+$0xFFFFFFA0] =	vst v4;
	v3 =	vmul.f32 v8, v3;
	v4 =	vld [tilespmem:s14+$0xFFFFFFB0]  }
0x135: {  	v8 =	vld [tilespmem:s15+$0xFFFFFFB0];
	v2 =	vmul.f32 v2, v6  }
0x136: {  	[tilespmem:s14+$0x20] =	vst v3;
	v3 =	vld [tilespmem:s14+$0x30]  }
0x137: {  	v6 =	vld [tilespmem:s15+$0x30];
	[tilespmem:s14+$0xFFFFFF20] =	vst v2;
	v1 =	vmul.f32 v5, v1  }
0x138: {  	v2 =	vld [tilespmem:s15+$0xFFFFFF30]  }
0x139: {  	[tilespmem:s14+$0xB0] =	vst v1;
	v1 =	vld [tilespmem:s14+$0xC0]  }
0x13a: {  	v4 =	vmul.f32 v8, v4;
	v5 =	vld [tilespmem:s15+$0xC0]  }
0x13b: {  	v8 =	vld [tilespmem:s14+$0xFFFFFF40]  }
0x13c: {  	[tilespmem:s14+$0xFFFFFFB0] =	vst v4;
	v3 =	vmul.f32 v6, v3;
	v4 =	vld [tilespmem:s14+$0xFFFFFFC0]  }
0x13d: {  	v6 =	vld [tilespmem:s15+$0xFFFFFFC0];
	v2 =	vmul.f32 v2, v7  }
0x13e: {  	[tilespmem:s14+$0x30] =	vst v3;
	v3 =	vld [tilespmem:s14+$0x40]  }
0x13f: {  	v7 =	vld [tilespmem:s15+$0x40];
	[tilespmem:s14+$0xFFFFFF30] =	vst v2;
	v1 =	vmul.f32 v5, v1  }
0x140: {  	v2 =	vld [tilespmem:s15+$0xFFFFFF40]  }
0x141: {  	[tilespmem:s14+$0xC0] =	vst v1;
	v1 =	vld [tilespmem:s14+$0xD0]  }
0x142: {  	v4 =	vmul.f32 v6, v4;
	v5 =	vld [tilespmem:s15+$0xD0]  }
0x143: {  	v6 =	vld [tilespmem:s14+$0xFFFFFF50]  }
0x144: {  	[tilespmem:s14+$0xFFFFFFC0] =	vst v4;
	v3 =	vmul.f32 v7, v3;
	v4 =	vld [tilespmem:s14+$0xFFFFFFD0]  }
0x145: {  	v7 =	vld [tilespmem:s15+$0xFFFFFFD0];
	v2 =	vmul.f32 v2, v8  }
0x146: {  	[tilespmem:s14+$0x40] =	vst v3;
	v3 =	vld [tilespmem:s14+$0x50]  }
0x147: {  	v8 =	vld [tilespmem:s15+$0x50];
	[tilespmem:s14+$0xFFFFFF40] =	vst v2;
	v1 =	vmul.f32 v5, v1  }
0x148: {  	v2 =	vld [tilespmem:s15+$0xFFFFFF50]  }
0x149: {  	[tilespmem:s14+$0xD0] =	vst v1;
	v1 =	vld [tilespmem:s14+$0xE0]  }
0x14a: {  	v4 =	vmul.f32 v7, v4;
	v5 =	vld [tilespmem:s15+$0xE0]  }
0x14b: {  	v7 =	vld [tilespmem:s14+$0xFFFFFF60]  }
0x14c: {  	[tilespmem:s14+$0xFFFFFFD0] =	vst v4;
	v3 =	vmul.f32 v8, v3;
	v4 =	vld [tilespmem:s14+$0xFFFFFFE0]  }
0x14d: {  	v8 =	vld [tilespmem:s15+$0xFFFFFFE0];
	v2 =	vmul.f32 v2, v6  }
0x14e: {  	[tilespmem:s14+$0x50] =	vst v3;
	v3 =	vld [tilespmem:s14+$0x60]  }
0x14f: {  	v6 =	vld [tilespmem:s15+$0x60];
	[tilespmem:s14+$0xFFFFFF50] =	vst v2;
	v1 =	vmul.f32 v5, v1  }
0x150: {  	v5 =	vld [tilespmem:s15+$0xFFFFFF60]  }
0x151: {  	v9 =	vld [tilespmem:s14+$0xF0];
	[tilespmem:s14+$0xE0] =	vst v1  }
0x152: {  	v2 =	vmul.f32 v8, v4;
	v8 =	vld [tilespmem:s15+$0xF0]  }
0x153: {  	v1 =	vld [tilespmem:s14+$0xFFFFFF70]  }
0x154: {  	[tilespmem:s14+$0xFFFFFFE0] =	vst v2;
	v3 =	vmul.f32 v6, v3;
	v2 =	vld [tilespmem:s14+$0xFFFFFFF0]  }
0x155: {  	v4 =	vld [tilespmem:s15+$0xFFFFFFF0];
	v5 =	vmul.f32 v5, v7  }
0x156: {  	[tilespmem:s14+$0x60] =	vst v3;
	v3 =	vld [tilespmem:s14+$0x70]  }
0x157: {  	[tilespmem:s14+$0xFFFFFF60] =	vst v5;
	v5 =	vld [tilespmem:s15+$0x70];
	v7 =	vmul.f32 v8, v9  }
0x158: {  	s17 =	simm.s32 $0x3600;
	s16 =	simm.s32 $0x0;
	v6 =	vld [tilespmem:s15+$0xFFFFFF70]  }
.LBB2_13:
0x159: {  	v8 =	vld [tilespmem:s17+$0x80];
	[tilespmem:s14+$0xF0] =	vst v7;
	s15 =	sadd.s32 $0x200, s15  }
0x15a: {  	s16 =	sadd.s32 $0x4, s16;
	v7 =	vld [tilespmem:s15+$0x80];
	v2 =	vmul.f32 v4, v2  }
0x15b: {  	p1 =	slt.u32 s16, $0x4C;
	v4 =	vld [tilespmem:s15+$0xFFFFFF00]  }
0x15c: {  	v9 =	vld [tilespmem:s17+$0xFFFFFF80];
	[tilespmem:s14+$0xFFFFFFF0] =	vst v2;
	v2 =	vmul.f32 v5, v3  }
0x15d: {  	v3 =	vld [tilespmem:s15+$0xFFFFFF80];
	v1 =	vmul.f32 v6, v1  }
0x15e: {  	v5 =	vld [tilespmem:s17+$0x0];
	[tilespmem:s14+$0x70] =	vst v2  }
0x15f: {  	v2 =	vld [tilespmem:s15+$0x0];
	v6 =	vmul.f32 v7, v8;
	[tilespmem:s14+$0xFFFFFF70] =	vst v1;
	s14 =	smov.u32 s17  }
0x160: {  	v1 =	vld [tilespmem:s17+$0xFFFFFF00]  }
0x161: {  	[tilespmem:s17+$0x80] =	vst v6;
	v6 =	vld [tilespmem:s17+$0x90]  }
0x162: {  	v3 =	vmul.f32 v3, v9;
	v7 =	vld [tilespmem:s15+$0x90]  }
0x163: {  	v8 =	vld [tilespmem:s17+$0xFFFFFF10]  }
0x164: {  	[tilespmem:s17+$0xFFFFFF80] =	vst v3;
	v3 =	vld [tilespmem:s17+$0xFFFFFF90];
	v2 =	vmul.f32 v2, v5  }
0x165: {  	v1 =	vmul.f32 v4, v1;
	v4 =	vld [tilespmem:s15+$0xFFFFFF90]  }
0x166: {  	[tilespmem:s17+$0x0] =	vst v2;
	v2 =	vld [tilespmem:s17+$0x10]  }
0x167: {  	[tilespmem:s17+$0xFFFFFF00] =	vst v1;
	v1 =	vld [tilespmem:s15+$0x10];
	v5 =	vmul.f32 v7, v6  }
0x168: {  	v6 =	vld [tilespmem:s15+$0xFFFFFF10]  }
0x169: {  	[tilespmem:s17+$0x90] =	vst v5;
	v5 =	vld [tilespmem:s17+$0xA0]  }
0x16a: {  	v3 =	vmul.f32 v4, v3;
	v4 =	vld [tilespmem:s15+$0xA0]  }
0x16b: {  	v7 =	vld [tilespmem:s17+$0xFFFFFF20]  }
0x16c: {  	[tilespmem:s17+$0xFFFFFF90] =	vst v3;
	v3 =	vld [tilespmem:s17+$0xFFFFFFA0];
	v1 =	vmul.f32 v1, v2  }
0x16d: {  	v2 =	vmul.f32 v6, v8;
	v6 =	vld [tilespmem:s15+$0xFFFFFFA0]  }
0x16e: {  	[tilespmem:s17+$0x10] =	vst v1;
	v1 =	vld [tilespmem:s17+$0x20]  }
0x16f: {  	[tilespmem:s17+$0xFFFFFF10] =	vst v2;
	v2 =	vld [tilespmem:s15+$0x20];
	v4 =	vmul.f32 v4, v5  }
0x170: {  	v5 =	vld [tilespmem:s15+$0xFFFFFF20]  }
0x171: {  	[tilespmem:s17+$0xA0] =	vst v4;
	v4 =	vld [tilespmem:s17+$0xB0]  }
0x172: {  	v3 =	vmul.f32 v6, v3;
	v6 =	vld [tilespmem:s15+$0xB0]  }
0x173: {  	v8 =	vld [tilespmem:s17+$0xFFFFFF30]  }
0x174: {  	[tilespmem:s17+$0xFFFFFFA0] =	vst v3;
	v3 =	vld [tilespmem:s17+$0xFFFFFFB0];
	v1 =	vmul.f32 v2, v1  }
0x175: {  	v2 =	vmul.f32 v5, v7;
	v5 =	vld [tilespmem:s15+$0xFFFFFFB0]  }
0x176: {  	[tilespmem:s17+$0x20] =	vst v1;
	v1 =	vld [tilespmem:s17+$0x30]  }
0x177: {  	[tilespmem:s17+$0xFFFFFF20] =	vst v2;
	v2 =	vld [tilespmem:s15+$0x30];
	v4 =	vmul.f32 v6, v4  }
0x178: {  	v6 =	vld [tilespmem:s15+$0xFFFFFF30]  }
0x179: {  	[tilespmem:s17+$0xB0] =	vst v4;
	v4 =	vld [tilespmem:s17+$0xC0]  }
0x17a: {  	v3 =	vmul.f32 v5, v3;
	v5 =	vld [tilespmem:s15+$0xC0]  }
0x17b: {  	v7 =	vld [tilespmem:s17+$0xFFFFFF40]  }
0x17c: {  	[tilespmem:s17+$0xFFFFFFB0] =	vst v3;
	v3 =	vld [tilespmem:s17+$0xFFFFFFC0];
	v1 =	vmul.f32 v2, v1  }
0x17d: {  	v2 =	vmul.f32 v6, v8;
	v6 =	vld [tilespmem:s15+$0xFFFFFFC0]  }
0x17e: {  	[tilespmem:s17+$0x30] =	vst v1;
	v1 =	vld [tilespmem:s17+$0x40]  }
0x17f: {  	[tilespmem:s17+$0xFFFFFF30] =	vst v2;
	v2 =	vld [tilespmem:s15+$0x40];
	v4 =	vmul.f32 v5, v4  }
0x180: {  	v5 =	vld [tilespmem:s15+$0xFFFFFF40]  }
0x181: {  	[tilespmem:s17+$0xC0] =	vst v4;
	v4 =	vld [tilespmem:s17+$0xD0]  }
0x182: {  	v3 =	vmul.f32 v6, v3;
	v6 =	vld [tilespmem:s15+$0xD0]  }
0x183: {  	v8 =	vld [tilespmem:s17+$0xFFFFFF50]  }
0x184: {  	[tilespmem:s17+$0xFFFFFFC0] =	vst v3;
	v3 =	vld [tilespmem:s17+$0xFFFFFFD0];
	v1 =	vmul.f32 v2, v1  }
0x185: {  	v2 =	vmul.f32 v5, v7;
	v5 =	vld [tilespmem:s15+$0xFFFFFFD0]  }
0x186: {  	[tilespmem:s17+$0x40] =	vst v1;
	v1 =	vld [tilespmem:s17+$0x50]  }
0x187: {  	[tilespmem:s17+$0xFFFFFF40] =	vst v2;
	v2 =	vld [tilespmem:s15+$0x50];
	v4 =	vmul.f32 v6, v4  }
0x188: {  	v6 =	vld [tilespmem:s15+$0xFFFFFF50]  }
0x189: {  	[tilespmem:s17+$0xD0] =	vst v4;
	v4 =	vld [tilespmem:s17+$0xE0]  }
0x18a: {  	v3 =	vmul.f32 v5, v3;
	v5 =	vld [tilespmem:s15+$0xE0]  }
0x18b: {  	v7 =	vld [tilespmem:s17+$0xFFFFFF60]  }
0x18c: {  	[tilespmem:s17+$0xFFFFFFD0] =	vst v3;
	v3 =	vld [tilespmem:s17+$0xFFFFFFE0];
	v1 =	vmul.f32 v2, v1  }
0x18d: {  	v2 =	vmul.f32 v6, v8;
	v6 =	vld [tilespmem:s15+$0xFFFFFFE0]  }
0x18e: {  	[tilespmem:s17+$0x50] =	vst v1;
	v8 =	vld [tilespmem:s17+$0x60]  }
0x18f: {  	[tilespmem:s17+$0xFFFFFF50] =	vst v2;
	v9 =	vld [tilespmem:s15+$0x60];
	v1 =	vmul.f32 v5, v4  }
0x190: {  	v4 =	vld [tilespmem:s15+$0xFFFFFF60]  }
0x191: {  	[tilespmem:s17+$0xE0] =	vst v1;
	v10 =	vld [tilespmem:s17+$0xF0]  }
0x192: {  	v2 =	vmul.f32 v6, v3;
	v6 =	vld [tilespmem:s15+$0xF0]  }
0x193: {  	v1 =	vld [tilespmem:s17+$0xFFFFFF70]  }
.Ltmp10:
0x194: {  	[tilespmem:s17+$0xFFFFFFE0] =	vst v2;
	v2 =	vld [tilespmem:s17+$0xFFFFFFF0];
	v3 =	vmul.f32 v9, v8;
	(pc) =	sbr.rel @p1 .LBB2_13-.Ltmp10, $4  }
0x195: {  	v5 =	vmul.f32 v4, v7;
	v4 =	vld [tilespmem:s15+$0xFFFFFFF0]  }
0x196: {  	[tilespmem:s17+$0x60] =	vst v3;
	v3 =	vld [tilespmem:s17+$0x70]  }
0x197: {  	[tilespmem:s17+$0xFFFFFF60] =	vst v5;
	v5 =	vld [tilespmem:s15+$0x70];
	v7 =	vmul.f32 v6, v10  }
0x198: {  	s17 =	sadd.s32 $0x200, s17;
	v6 =	vld [tilespmem:s15+$0xFFFFFF70]  }
0x199: {  	_ =	sdelay $0x1  }
0x19a: {  	v2 =	vmul.f32 v4, v2  }
0x19b: {  	[tilespmem:s14+$0xF0] =	vst v7;
	v3 =	vmul.f32 v5, v3  }
0x19c: {  	s12 =	sadd.s32 @!p0 s6, s12;
	[tilespmem:s14+$0xFFFFFFF0] =	vst v2;
	v1 =	vmul.f32 v6, v1  }
0x19d: {  	s12 =	sshll.u32 @!p0 s12, $0x4;
	[tilespmem:s14+$0x70] =	vst v3  }
0x19e: {  	s15 =	simm.s32 @!p0 $0x5B00;
	s12 =	sadd.s32 @!p0 s7, s12;
	[tilespmem:s14+$0xFFFFFF70] =	vst v1;
	s14 =	simm.s32 @!p0 $0x0  }
0x19f: {  	[tilespmem:s15], [sflag:$0x3] =	stream.linear.gather @!p0 [hbm4b:s12+s14], $0x2800, $0x38;
	[tilespmem:$0x1BF00] =	vst v63  }
.Ltmp11:
0x1a0: {  	_ = 	snop;
	(pc) =	sbr.rel .LBB2_15-.Ltmp11, $4  }
0x1a1: {  	_ =	swait.ge [sflag:s31], $0x50  }
0x1a2: {  	[sflag:s31] =	ssyncset.done $0x0  }
0x1a3: {  	[sflag:s31] =	ssyncadd.s32 $0xFFFFFFB0  }
0x1a4: {  	[spmem:s3] =	stream.indirect.scatter.add.f32 [tilespmem:s25], [sflag:$0x7], $0x80, s2, s26, $0xb8;
	[tilespmem:$0x1BF00] =	vst v63  }
.LBB2_17:
0x1a5: {  	_ =	sfence.sel $0x180000  }
0x1a6: {  	[bflag:$0x0] =	sbarrier.arrive $0xFFFF  }
0x1a7: {  	_ =	strace $0x9000004D  }
0x1a8: {  	s0 =	stileid.u32;
	[bflag:$0x2] =	sbarrier.arrive $0xFFFF  }
0x1a9: {  	p0 =	sne.s32 s0, $0x0;
	s0 =	rddreg [dreg:$0x3]  }
0x1aa: {  	s0 =	sadd.s32 @!p0 $0x100000, s0  }
0x1ab: {  	[sflag:s0] =	ssyncadd.tile.s32 @!p0 $0x1;
	_ =	shalt  }
.Lfunc_end2:
_tile_overlayer_lowered:
.L_overlay_start_2:
0x1ac: {  	(tag) =	ssettag $0x2  }
0x1ad: {  	s0 =	rddreg [dreg:$0x0];
	s2 =	stileid.u32  }
0x1ae: {  	s1 =	rddreg [dreg:$0x1];
	p0 =	sne.s32 s2, $0x0  }
0x1af: {  	s3 =	rddreg [dreg:$0x2];
	[bflag:$0x3] =	sbarrier.arrive $0xFFFF;
	s2 =	simm.s32 @!p0 $0x1C08  }
0x1b0: {  	[timem:s3], [sflag:s2] =	dma.local @!p0 [hbm:s0], s1  }
0x1b1: {  	s0 =	simm.s32 @!p0 $0x8  }
0x1b2: {  	_ =	swait.ge @!p0 [sflag:s0], s1  }
0x1b3: {  	s1 =	ssub.s32 @!p0 $0x0, s1;
	[sflag:s0] =	ssyncset.done @!p0 $0x0  }
0x1b4: {  	[sflag:s0] =	ssyncadd.s32 @!p0 s1  }
0x1b5: {  	[bflag:$0x3] =	sbarrier.arrive $0xFFFF  }
0x1b6: {  	_ =	shalt  }

// kernel: kernel.21.cloned.1.call-start
scs
__scs_entry_jumppad:
0x0: {  	(pc) =	sbr.rel $0x88, $3  }
0x1: {  	(tag) =	ssettag $0x0;
	lr =	simm.s32 $0x1  }
0x2: {  	[smem:$0x3F94] =	sst lr;
	_ =	strace $0xD0000000  }
0x3: {  	_ = 	snop  }
0x4: {  	_ = 	snop  }
0x5: {  	_ = 	snop  }
0x6: {  	_ = 	snop  }
0x7: {  	_ = 	snop  }
__scs_overlays_trampoline_lowered:
0x8: {  	[smem:$0x3FA3] =	sst s0  }
0x9: {  	[smem:$0x3FA4] =	sst s1  }
0xa: {  	[smem:$0x3FA5] =	sst s2  }
0xb: {  	[smem:$0x3FA6] =	sst s3  }
0xc: {  	[smem:$0x3FA7] =	sst s4  }
0xd: {  	[smem:$0x3FA8] =	sst s5  }
0xe: {  	[smem:$0x3FA9] =	sst s6  }
0xf: {  	[smem:$0x3FAA] =	sst s7  }
0x10: {  	[smem:$0x3FAB] =	sst s8  }
0x11: {  	[smem:$0x3FAC] =	sst s9;
	s0 =	simm.s32 @!p0 $0x0  }
0x12: {  	s1 =	sld [smem:$0x3F92];
	s0 =	simm.s32 @p0 $0x1  }
0x13: {  	[smem:$0x3FAD] =	sst s0;
	s0 =	simm.s32 @!p1 $0x0  }
0x14: {  	s2 =	sld [smem:$0x3F91];
	s0 =	simm.s32 @p1 $0x1  }
0x15: {  	[smem:$0x3FAE] =	sst s0;
	s0 =	simm.s32 @!p2 $0x0  }
0x16: {  	s3 =	sld [smem:$0x3FDB];
	s0 =	simm.s32 @p2 $0x1  }
0x17: {  	s4 =	simm.s32 $0x1BF5;
	[smem:$0x3FB0] =	sst s0  }
0x18: {  	s0 =	sld [smem:$0x3F93];
	_ =	swait.ge [sflag:s4], $0x0  }
0x19: {  	s7 =	sld [smem:$0x3F94]  }
0x1a: {  	s8 =	sadd.s32 $0xFFFFE003, lr  }
0x1b: {  	s9 =	sadd.s32 $0xFFFFFEF7, lr;
	s5 =	simm.s32 $0xFFFFFFFF;
	p2 =	slt.u32 s8, $0xFFFFF086  }
0x1c: {  	p1 =	slt.u32 s9, $0xF7A;
	s5 =	simm.s32 @!p2 $0x0  }
0x1d: {  	s5 =	simm.s32 @p1 $0x1;
	p0 =	seq.s32 s7, s2  }
0x1e: {  	s7 =	smul.u32 @!p0 $0xF7A, s2;
	p2 =	seq.s32 @!p0 s5, $0x0  }
0x1f: {  	s9 =	smul.u32 $0xF7A, s1;
	s8 =	simm.s32 @!p0 $0x1BF5;
	p2 =	por !p2, p0  }
0x20: {  	[sflag:s8] =	ssyncset.s32 @!p0 $0xFFFFF086;
	s6 =	sadd.s32 @!p0 s3, s7;
	s7 =	simm.s32 @!p0 $0x108  }
0x21: {  	s3 =	sadd.s32 s3, s9;
	s6 =	sadd.s32 @!p0 $0x88, s6;
	s7 =	simm.s32 @p2 $0x1082  }
0x22: {  	[simem:s7], [sflag:s8] =	dma.local @!p0 [hbm:s6], $0xF7A  }
0x23: {  	s9 =	sor.u32 $0xD0000000, s2;
	s6 =	simm.s32 $0x108;
	_ =	swait.ge @!p0 [sflag:s8], $0x0  }
0x24: {  	s3 =	sadd.s32 $0x88, s3;
	s6 =	simm.s32 @!p1 $0x1082;
	[sflag:s4] =	ssyncset.s32 $0xFFFFF086  }
0x25: {  	[simem:s6], [sflag:s4] =	dma.local [hbm:s3], $0xF7A  }
0x26: {  	[smem:$0x3F94] =	sst s1;
	(tag) =	ssettag s2;
	_ =	strace s9  }
0x27: {  	s1 =	sld [smem:$0x3FA4]  }
0x28: {  	s2 =	sld [smem:$0x3FA5]  }
0x29: {  	s4 =	sld [smem:$0x3FA7]  }
0x2a: {  	p0 =	seq.s32 s5, $0x0;
	s5 =	sld [smem:$0x3FA8]  }
0x2b: {  	s6 =	sld [smem:$0x3FA9]  }
0x2c: {  	s7 =	sld [smem:$0x3FAA]  }
0x2d: {  	s3 =	simm.s32 $0x108;
	s8 =	sld [smem:$0x3FAB]  }
0x2e: {  	s3 =	simm.s32 @!p0 $0x1082;
	s9 =	sld [smem:$0x3FAC]  }
0x2f: {  	lr =	sadd.s32 s0, s3;
	s0 =	sld [smem:$0x3FA3]  }
0x30: {  	s3 =	sld [smem:$0x3FA6]  }
0x31: {  	[smem:$0x3FAF] =	sst s10  }
0x32: {  	s10 =	sld [smem:$0x3FAD];
	_ =	sdelay $0x3  }
0x33: {  	p0 =	seq.s32 s10, $0x1;
	s10 =	sld [smem:$0x3FAF];
	_ =	sdelay $0x3  }
0x34: {  	[smem:$0x3FAF] =	sst s10  }
0x35: {  	s10 =	sld [smem:$0x3FAE];
	_ =	sdelay $0x3  }
0x36: {  	p1 =	seq.s32 s10, $0x1;
	s10 =	sld [smem:$0x3FAF];
	_ =	sdelay $0x3  }
0x37: {  	[smem:$0x3FAF] =	sst s10  }
0x38: {  	s10 =	sld [smem:$0x3FB0]  }
0x39: {  	_ = 	snop;
	(pc) =	sbr.ind lr, $3  }
0x3a: {  	_ = 	snop  }
0x3b: {  	_ = 	snop  }
0x3c: {  	p2 =	seq.s32 s10, $0x1;
	s10 =	sld [smem:$0x3FAF]  }
0x3d: {  	_ =	shalt  }
0x3e: {  	_ =	shalt  }
0x3f: {  	_ =	shalt  }
0x40: {  	_ =	shalt  }
0x41: {  	_ =	shalt  }
0x42: {  	_ =	shalt  }
0x43: {  	_ =	shalt  }
0x44: {  	_ =	shalt  }
0x45: {  	_ =	shalt  }
0x46: {  	_ =	shalt  }
0x47: {  	_ =	shalt  }
0x48: {  	_ =	shalt  }
0x49: {  	_ =	shalt  }
0x4a: {  	_ =	shalt  }
0x4b: {  	_ =	shalt  }
0x4c: {  	_ =	shalt  }
0x4d: {  	_ =	shalt  }
0x4e: {  	_ =	shalt  }
0x4f: {  	_ =	shalt  }
0x50: {  	_ =	shalt  }
0x51: {  	_ =	shalt  }
0x52: {  	_ =	shalt  }
0x53: {  	_ =	shalt  }
0x54: {  	_ =	shalt  }
0x55: {  	_ =	shalt  }
0x56: {  	_ =	shalt  }
0x57: {  	_ =	shalt  }
0x58: {  	_ =	shalt  }
0x59: {  	_ =	shalt  }
0x5a: {  	_ =	shalt  }
0x5b: {  	_ =	shalt  }
0x5c: {  	_ =	shalt  }
0x5d: {  	_ =	shalt  }
0x5e: {  	_ =	shalt  }
0x5f: {  	_ =	shalt  }
0x60: {  	_ =	shalt  }
0x61: {  	_ =	shalt  }
0x62: {  	_ =	shalt  }
0x63: {  	_ =	shalt  }
0x64: {  	_ =	shalt  }
0x65: {  	_ =	shalt  }
0x66: {  	_ =	shalt  }
0x67: {  	_ =	shalt  }
0x68: {  	_ =	shalt  }
0x69: {  	_ =	shalt  }
0x6a: {  	_ =	shalt  }
0x6b: {  	_ =	shalt  }
0x6c: {  	_ =	shalt  }
0x6d: {  	_ =	shalt  }
0x6e: {  	_ =	shalt  }
0x6f: {  	_ =	shalt  }
0x70: {  	_ =	shalt  }
0x71: {  	_ =	shalt  }
0x72: {  	_ =	shalt  }
0x73: {  	_ =	shalt  }
0x74: {  	_ =	shalt  }
0x75: {  	_ =	shalt  }
0x76: {  	_ =	shalt  }
0x77: {  	_ =	shalt  }
0x78: {  	_ =	shalt  }
0x79: {  	_ =	shalt  }
0x7a: {  	_ =	shalt  }
0x7b: {  	_ =	shalt  }
0x7c: {  	_ =	shalt  }
0x7d: {  	_ =	shalt  }
0x7e: {  	_ =	shalt  }
0x7f: {  	_ =	shalt  }
0x80: {  	_ =	shalt  }
0x81: {  	_ =	shalt  }
0x82: {  	_ =	shalt  }
0x83: {  	_ =	shalt  }
0x84: {  	_ =	shalt  }
0x85: {  	_ =	shalt  }
0x86: {  	_ =	shalt  }
0x87: {  	_ =	shalt  }
.Lfunc_end0:
.L_simem_size_0:
called_computation.3_lowered:
.L_overlay_start_0:
0x88: {  	s2 =	sld [smem:$0x3FD9]  }
0x89: {  	s3 =	sld [smem:$0x3FFE];
	_ =	sdelay $0x1  }
0x8a: {  	s1 =	srdreg.scid  }
0x8b: {  	s0 =	sand.u32 $0x1, s1  }
0x8c: {  	s17 =	sshll.u32 s0, $0xA;
	s2 =	sadd.s32 s3, s2  }
0x8d: {  	s2 =	sadd.s32 s2, s17  }
0x8e: {  	[smem:$0x3FBB] =	sst s2  }
0x8f: {  	_ = 	snop  }
0x90: {  	s18 =	sld [smem:$0x3FD0];
	(tm) =	ssettm $0x1  }
0x91: {  	s19 =	sld [smem:$0x3FFB];
	_ =	sdelay $0x3  }
0x92: {  	_ =	strace s19  }
0x93: {  	s2 =	sld [smem:$0x3FFC];
	_ =	sdelay $0x3  }
0x94: {  	_ =	strace s2  }
0x95: {  	s2 =	sld [smem:$0x3FFD];
	_ =	sdelay $0x3  }
0x96: {  	_ =	strace s2  }
0x97: {  	_ =	strace $0x8FFFFFFF  }
0x98: {  	s20 =	sld [smem:$0x3FDB];
	_ =	sdelay $0x1  }
0x99: {  	s4 =	simm.s32 $_scs_section_size  }
0x9a: {  	s5 =	simm.s32 $_size__tile_overlayer_lowered;
	s6 =	simm.s32 $_tile_overlayer_lowered  }
0x9b: {  	s7 =	simm.s32 $0x1BFF;
	s21 =	sshll.u32 s6, $0x1;
	s4 =	sadd.s32 s4, s20  }
0x9c: {  	s22 =	simm.s32 $0x0;
	s5 =	sshll.u32 s5, $0x1;
	s6 =	sadd.s32 s21, s4  }
0x9d: {  	[timem:s22], [sflag:s7] =	dma.local [hbm:s6], s5  }
0x9e: {  	_ =	swait.ge [sflag:s7], s5  }
0x9f: {  	s5 =	ssub.s32 $0x0, s5;
	[sflag:s7] =	ssyncset.done $0x0  }
0xa0: {  	[sflag:s7] =	ssyncadd.s32 s5;
	_ =	sdelay $0x1  }
0xa1: {  	s23 =	simm.s32 $0x1B8B  }
0xa2: {  	_ =	swait.ge [sflag:s23], $0x1  }
0xa3: {  	[sflag:s23] =	ssyncset.done $0x0  }
0xa4: {  	[sflag:s23] =	ssyncadd.s32 $0xFFFFFFFF  }
0xa5: {  	s5 =	sld [smem:$0x0]  }
0xa6: {  	s6 =	sand.u32 $0xFFFFFFFE, s1  }
0xa7: {  	p0 =	sne.s32 s1, s6  }
0xa8: {  	s6 =	sshll.u32 @p0 s6, $0xE  }
0xa9: {  	s6 =	sadd.s32 @p0 $0x11B8D, s6;
	s7 =	sshll.u32 @p0 s5, $0x11  }
0xaa: {  	s6 =	sor.u32 @p0 s7, s6  }
0xab: {  	[sflag:s6] =	ssyncadd.remote.s32 @p0 $0x1;
	_ =	sdelay $0x1  }
0xac: {  	s6 =	simm.s32 @p0 $0x1B8D  }
0xad: {  	_ =	swait.eq @p0 [sflag:s6], $0x1  }
0xae: {  	[sflag:s6] =	ssyncadd.s32 @p0 $0xFFFFFFFF  }
0xaf: {  	s7 =	sshll.u32 @!p0 s1, $0xE  }
0xb0: {  	s7 =	sor.u32 @!p0 $0x4000, s7;
	s6 =	simm.s32 @!p0 $0x1B8D  }
0xb1: {  	s5 =	sshll.u32 @!p0 s5, $0x11;
	s7 =	sadd.s32 @!p0 $0x11B8D, s7;
	_ =	swait.eq @!p0 [sflag:s6], $0x1  }
0xb2: {  	s5 =	sor.u32 @!p0 s5, s7;
	[sflag:s6] =	ssyncadd.s32 @!p0 $0xFFFFFFFF  }
0xb3: {  	s25 =	simm.s32 $0x1B8E;
	s24 =	sld [smem:$0x3FFE];
	[sflag:s5] =	ssyncadd.remote.s32 @!p0 $0x1  }
0xb4: {  	s26 =	simm.s32 $execute0_lowered;
	[smem:$0x3FD2] =	sst s25  }
0xb5: {  	s6 =	sshll.u32 s26, $0x1;
	_ =	strace $0x8000004F;
	[dreg:$0x1] =	wrdreg $0xFFFFFFFF  }
0xb6: {  	s28 =	simm.s32 $_size_execute0_lowered;
	s4 =	sadd.s32 s4, s6;
	[dreg:$0x0] =	wrdreg $0x0  }
0xb7: {  	s6 =	sshll.u32 s28, $0x1;
	[dreg:$0x2] =	wrdreg s4  }
0xb8: {  	[dreg:$0x3] =	wrdreg s6  }
0xb9: {  	[dreg:$0x4] =	wrdreg $0xC0  }
0xba: {  	_ =	task [dreg:s22], $0x5FFFF  }
0xbb: {  	[dreg:$0x1] =	wrdreg $0xFFFFFFFF  }
0xbc: {  	[dreg:$0x0] =	wrdreg $0x60  }
0xbd: {  	[dreg:$0x2] =	wrdreg s18  }
0xbe: {  	[dreg:$0x3] =	wrdreg s24  }
0xbf: {  	[dreg:$0x4] =	wrdreg $0x83000  }
0xc0: {  	[dreg:$0x5] =	wrdreg $0xC  }
0xc1: {  	_ =	task.clear_ibuf [dreg:s22], $0x6FFFF;
	_ =	strace $0x9000004F  }
0xc2: {  	s29 =	simm.s32 $0xC;
	_ =	strace $0x80000051  }
0xc3: {  	_ =	swait.ge [sflag:s29], $0x1  }
0xc4: {  	[sflag:s29] =	ssyncadd.s32 $0xFFFFFFFF  }
0xc5: {  	_ =	strace $0x90000051  }
0xc6: {  	_ =	sfence  }
0xc7: {  	s30 =	sld [smem:$0x0];
	_ =	sdelay $0x2  }
0xc8: {  	s31 =	sshll.u32 s1, $0xD;
	s1 =	sshrl.u32 s1, $0x2  }
0xc9: {  	s4 =	sand.u32 $0x4000, s31;
	s1 =	sadd.s32 s1, s30  }
0xca: {  	s0 =	sor.u32 s4, s0;
	s1 =	sshll.u32 s1, $0x11  }
0xcb: {  	s0 =	sor.u32 s1, s0  }
0xcc: {  	s0 =	sadd.s32 $0x8F2B, s0  }
0xcd: {  	[sflag:s0] =	ssyncadd.remote.s32 $0x1  }
0xce: {  	_ =	sfence.sel $0xFFFF  }
0xcf: {  	[dreg:$0x0] =	wrdreg $0xFFFFFFFF;
	(pc) =	sbr.abs _section_cstart, $3  }
0xd0: {  	[dreg:$0x1] =	wrdreg $0xFFFFFFFF  }
0xd1: {  	_ =	task.clear_ibuf [dreg:s22], $0x2FFFF;
	_ =	strace $0x9FFFFFFF  }
0xd2: {  	(tm) =	ssettm $0x7FFFFFFF  }
0xd3: {  	_ =	shalt  }
tec
execute0_lowered:
.L_overlay_start_1:
0x0: {  	(tag) =	ssettag $0x1  }
0x1: {  	s1 =	rddreg [dreg:$0x0];
	s0 =	srdreg.scid  }
0x2: {  	s2 =	rddreg [dreg:$0x1];
	s12 =	stileid.u32  }
0x3: {  	s3 =	rddreg [dreg:$0x2];
	s4 =	smul.u32 $0x9B0, s12  }
0x4: {  	s5 =	simm.s32 $0x0;
	s28 =	simm.s32 $0x6;
	s9 =	smul.u32 $0x2780, s12  }
0x5: {  	s29 =	simm.s32 $0x2;
	s0 =	sand.u32 $0x1, s0;
	s12 =	smul.u32 $0x4F000, s12  }
0x6: {  	s30 =	simm.s32 $0x3;
	s31 =	simm.s32 $0x5;
	s6 =	smul.u32 $0x9B00, s0  }
0x7: {  	[smem:$0x7FF] =	sst s5;
	s7 =	sadd.s32 $0x4AA400, s2;
	s10 =	smul.u32 $0x27800, s0  }
0x8: {  	_ =	strace $0x80000050;
	s0 =	ssub.s32 $0x2, s0;
	s16 =	sshrl.u32 s12, $0x2  }
0x9: {  	s15 =	sshrl.u32 s0, $0x1;
	s9 =	sadd.s32 s9, s10;
	s10 =	sadd.s32 s16, s3  }
0xa: {  	s25 =	sshrl.u32 s4, $0x3;
	s6 =	sadd.s32 s4, s6;
	s18 =	sadd.s32 $0x2800, s10  }
0xb: {  	s0 =	ssub.s32 s0, s15;
	s19 =	sadd.s32 $0x5000, s10;
	[dreg:$0x5] =	wrdreg s18  }
0xc: {  	s8 =	sshrl.u32 s6, $0x3;
	s20 =	sadd.s32 $0x7800, s10;
	[dreg:$0x6] =	wrdreg s19  }
0xd: {  	s21 =	sadd.s32 $0xA000, s10;
	s22 =	sadd.s32 $0xC800, s10;
	[dreg:$0x7] =	wrdreg s20  }
0xe: {  	s23 =	sadd.s32 $0xF000, s10;
	s24 =	sadd.s32 $0x11800, s10;
	[dreg:$0x8] =	wrdreg s21  }
0xf: {  	s26 =	sshll.u32 s6, $0x4;
	s11 =	sadd.s32 s8, s2;
	[dreg:$0x9] =	wrdreg s22  }
0x10: {  	s8 =	sadd.s32 $0x2D0000, s2;
	s2 =	sadd.s32 s9, s2;
	[dreg:$0xa] =	wrdreg s23  }
0x11: {  	[dreg:$0xb] =	wrdreg s24;
	s19 =	sadd.s32 s7, s26;
	s21 =	smax.u32 s0, $0x1  }
.Ltmp0:
0x12: {  	s22 =	simm.s32 $0x8;
	s23 =	simm.s32 $0xB00;
	(pc) =	sbr.rel .LBB2_1-.Ltmp0, $4  }
0x13: {  	s24 =	simm.s32 $0xA00;
	s26 =	simm.s32 $0x50;
	s0 =	simm.s32 $0x1  }
0x14: {  	s17 =	sadd.s32 $0x5E0400, s11;
	s9 =	sadd.s32 s8, s25;
	s20 =	sadd.s32 $0x5E2C00, s2  }
0x15: {  	s2 =	simm.s32 $0xA80;
	s25 =	simm.s32 $0x3300;
	[dreg:$0x4] =	wrdreg s17  }
0x16: {  	v0 =	vimm.f32 $0.0e+00;
	s11 =	simm.s32 $0x0;
	[dreg:$0xc] =	wrdreg s9;
	s9 =	simm.s32 $0x4  }
.LBB2_16:
0x17: {  	_ =	swait.ge [sflag:s28], $0x2800;
	s12 =	stileid.u32  }
0x18: {  	s13 =	sshrl.u32 s10, $0x3;
	s11 =	sadd.s32 $0x1, s11;
	[sflag:s28] =	ssyncset.done $0x0  }
0x19: {  	s12 =	sshll.u32 s12, $0x6;
	p0 =	sne.s32 s11, s21;
	[sflag:s28] =	ssyncadd.s32 $0xFFFFD800  }
.Ltmp1:
0x1a: {  	s12 =	sor.u32 $0x1C08, s12;
	[bflag:$0x0] =	sbarrier.arrive $0xFFFF;
	(pc) =	sbr.rel @!p0 .LBB2_17-.Ltmp1, $4  }
0x1b: {  	[hbm:s20], [sflag:s12] =	dma.local [spmem:s13], $0x2780  }
0x1c: {  	_ =	swait.ge [sflag:s22], $0x2780  }
0x1d: {  	[sflag:s22] =	ssyncset.done $0x0  }
0x1e: {  	[sflag:s22] =	ssyncadd.s32 $0xFFFFD880  }
.LBB2_1:
0x1f: {  	s12 =	rddreg [dreg:$0x4]  }
0x20: {  	[tilespmem:s5], [sflag:$0x8] =	stream.linear.gather [hbm4b:s12+s5], $0x9B0, $0x38;
	[tilespmem:$0x1BF00] =	vst v63  }
0x21: {  	_ =	swait.ge [sflag:s22], $0x9B0  }
0x22: {  	[sflag:s22] =	ssyncset.done $0x0  }
0x23: {  	s13 =	simm.s32 $0x200;
	s12 =	simm.s32 $0x0;
	[sflag:s22] =	ssyncadd.s32 $0xFFFFF650  }
.LBB2_2:
0x24: {  	p0 =	sne.s32 s13, $0x9E00;
	[tilespmem:s12+$0xB70] =	vst v0  }
0x25: {  	[tilespmem:s12+$0xB00] =	vst v0  }
0x26: {  	[tilespmem:s12+$0xB10] =	vst v0  }
.Ltmp2:
0x27: {  	[tilespmem:s12+$0xB20] =	vst v0;
	(pc) =	sbr.rel @p0 .LBB2_2-.Ltmp2, $4  }
0x28: {  	[tilespmem:s12+$0xB30] =	vst v0  }
0x29: {  	[tilespmem:s12+$0xB40] =	vst v0  }
0x2a: {  	[tilespmem:s12+$0xB50] =	vst v0  }
0x2b: {  	[tilespmem:s12+$0xB60] =	vst v0;
	s12 =	sshra.s32 s13, $0x2;
	s13 =	sadd.s32 $0x200, s13  }
0x2c: {  	[tilespmem:s12+$0xB70] =	vst v0  }
0x2d: {  	[tilespmem:s12+$0xB00] =	vst v0  }
0x2e: {  	[tilespmem:s12+$0xB10] =	vst v0  }
0x2f: {  	[tilespmem:s12+$0xB20] =	vst v0  }
0x30: {  	[tilespmem:s12+$0xB30] =	vst v0  }
0x31: {  	[tilespmem:s12+$0xB40] =	vst v0  }
0x32: {  	[tilespmem:s12+$0xB50] =	vst v0  }
0x33: {  	[tilespmem:s12+$0xB60] =	vst v0  }
0x34: {  	[spmem:s10] =	stream.linear.scatter [tilespmem:s23], [sflag:$0x8], $0x2800, $0x38;
	[tilespmem:$0x1BF00] =	vst v63  }
0x35: {  	_ =	swait.ge [sflag:s22], $0x2800  }
0x36: {  	[sflag:s22] =	ssyncset.done $0x0  }
0x37: {  	s17 =	rddreg [dreg:$0x5];
	[sflag:s22] =	ssyncadd.s32 $0xFFFFD800  }
0x38: {  	[spmem:s17] =	stream.linear.scatter [tilespmem:s23], [sflag:$0x8], $0x2800, $0x38;
	[tilespmem:$0x1BF00] =	vst v63  }
0x39: {  	_ =	swait.ge [sflag:s22], $0x2800  }
0x3a: {  	[sflag:s22] =	ssyncset.done $0x0  }
0x3b: {  	s18 =	rddreg [dreg:$0x6];
	[sflag:s22] =	ssyncadd.s32 $0xFFFFD800  }
0x3c: {  	[spmem:s18] =	stream.linear.scatter [tilespmem:s23], [sflag:$0x8], $0x2800, $0x38;
	[tilespmem:$0x1BF00] =	vst v63  }
0x3d: {  	_ =	swait.ge [sflag:s22], $0x2800  }
0x3e: {  	[sflag:s22] =	ssyncset.done $0x0  }
0x3f: {  	s13 =	rddreg [dreg:$0x7];
	[sflag:s22] =	ssyncadd.s32 $0xFFFFD800  }
0x40: {  	[spmem:s13] =	stream.linear.scatter [tilespmem:s23], [sflag:$0x8], $0x2800, $0x38;
	[tilespmem:$0x1BF00] =	vst v63  }
0x41: {  	_ =	swait.ge [sflag:s22], $0x2800  }
0x42: {  	[sflag:s22] =	ssyncset.done $0x0  }
0x43: {  	s14 =	rddreg [dreg:$0x8];
	[sflag:s22] =	ssyncadd.s32 $0xFFFFD800  }
0x44: {  	[spmem:s14] =	stream.linear.scatter [tilespmem:s23], [sflag:$0x8], $0x2800, $0x38;
	[tilespmem:$0x1BF00] =	vst v63  }
0x45: {  	_ =	swait.ge [sflag:s22], $0x2800  }
0x46: {  	[sflag:s22] =	ssyncset.done $0x0  }
0x47: {  	s15 =	rddreg [dreg:$0x9];
	[sflag:s22] =	ssyncadd.s32 $0xFFFFD800  }
0x48: {  	[spmem:s15] =	stream.linear.scatter [tilespmem:s23], [sflag:$0x8], $0x2800, $0x38;
	[tilespmem:$0x1BF00] =	vst v63  }
0x49: {  	_ =	swait.ge [sflag:s22], $0x2800  }
0x4a: {  	[sflag:s22] =	ssyncset.done $0x0  }
0x4b: {  	s16 =	rddreg [dreg:$0xa];
	[sflag:s22] =	ssyncadd.s32 $0xFFFFD800  }
0x4c: {  	[spmem:s16] =	stream.linear.scatter [tilespmem:s23], [sflag:$0x8], $0x2800, $0x38;
	[tilespmem:$0x1BF00] =	vst v63  }
0x4d: {  	_ =	swait.ge [sflag:s22], $0x2800  }
0x4e: {  	[sflag:s22] =	ssyncset.done $0x0  }
0x4f: {  	s17 =	rddreg [dreg:$0xb];
	[sflag:s22] =	ssyncadd.s32 $0xFFFFD800  }
0x50: {  	[spmem:s17] =	stream.linear.scatter [tilespmem:s23], [sflag:$0x8], $0x2400, $0x38;
	[tilespmem:$0x1BF00] =	vst v63  }
0x51: {  	_ =	swait.ge [sflag:s22], $0x2400  }
0x52: {  	[sflag:s22] =	ssyncset.done $0x0  }
0x53: {  	[sflag:s22] =	ssyncadd.s32 $0xFFFFDC00  }
0x54: {  	[bflag:$0x0] =	sbarrier.arrive $0xFFFF  }
0x55: {  	s12 =	simm.s32 $0x0;
	s13 =	rddreg [dreg:$0xc]  }
0x56: {  	[tilespmem:s24], [sflag:$0x4] =	stream.linear.gather [hbm4b:s13+s12], $0x50, $0x38;
	[tilespmem:$0x1BF00] =	vst v63  }
.Ltmp3:
0x57: {  	_ = 	snop;
	(pc) =	sbr.rel .LBB2_4-.Ltmp3, $4  }
0x58: {  	s18 =	simm.s32 $0x5B00  }
0x59: {  	[tilespmem:s18], [sflag:$0x3] =	stream.linear.gather [hbm4b:s19+s12], $0x2800, $0x38;
	[tilespmem:$0x1BF00] =	vst v63  }
0x5a: {  	_ = 	snop  }
0x5b: {  	[tilespmem:s23], [sflag:$0x1] =	stream.indirect.gather [hbm4b:s1+s26], $0x80, s12, s26, $0xb8;
	[tilespmem:$0x1BF00] =	vst v63  }
.LBB2_11:
0x5c: {  	s13 =	sor.u32 $0x1, s12  }
.LBB2_15:
0x5d: {  	p0 =	sne.s32 s13, $0x1F  }
.Ltmp4:
0x5e: {  	_ = 	snop;
	(pc) =	sbr.rel @!p0 .LBB2_16-.Ltmp4, $2  }
0x5f: {  	_ =	sdelay $0x2  }
0x60: {  	s12 =	smov.u32 s13  }
.LBB2_4:
0x61: {  	s13 =	sand.u32 $0x1, s12  }
0x62: {  	p0 =	seq.s32 s13, $0x1  }
.Ltmp5:
0x63: {  	_ = 	snop;
	(pc) =	sbr.rel @p0 .LBB2_12-.Ltmp5, $1  }
0x64: {  	_ =	sdelay $0x3  }
0x65: {  	p0 =	seq.s32 s12, $0x0  }
0x66: {  	p1 =	seq.s32 @!p0 s12, $0x1E  }
0x67: {  	p1 =	por p0, !p1  }
.Ltmp6:
0x68: {  	_ = 	snop;
	(pc) =	sbr.rel @p1 .LBB2_7-.Ltmp6, $4  }
0x69: {  	s14 =	simm.s32 @!p0 $0x7  }
0x6a: {  	_ =	swait.ge @!p0 [sflag:s14], $0x2800  }
0x6b: {  	[sflag:s14] =	ssyncset.done @!p0 $0x0  }
0x6c: {  	[sflag:s14] =	ssyncadd.s32 @!p0 $0xFFFFD800  }
.Ltmp7:
0x6d: {  	(pc) =	sbr.rel .LBB2_8-.Ltmp7, $2  }
0x6e: {  	_ =	sdelay $0x2  }
0x6f: {  	s14 =	simm.s32 @!p0 $0x9B0;
	p0 =	por @!p0 $0x1, $0x1  }
.LBB2_7:
0x70: {  	s14 =	sor.u32 @!p0 $0x1, s12  }
0x71: {  	s14 =	simm.s32 @p0 $0x1  }
0x72: {  	s14 =	smul.u32 $0x50, s14;
	_ =	sdelay $0x1  }
0x73: {  	[tilespmem:s25], [sflag:$0x2] =	stream.indirect.gather [hbm4b:s1+s26], $0x80, s14, s26, $0xb8;
	[tilespmem:$0x1BF00] =	vst v63  }
0x74: {  	s15 =	sadd.s32 s4, s14  }
0x75: {  	s15 =	sshrl.u32 s15, $0x3  }
0x76: {  	p0 =	por $0x0, $0x0;
	s15 =	sadd.s32 s8, s15  }
0x77: {  	[tilespmem:s2], [sflag:$0x5] =	stream.linear.gather [hbm4b:s15+s5], $0x50, $0x38;
	[tilespmem:$0x1BF00] =	vst v63  }
.LBB2_8:
0x78: {  	_ =	swait.ge [sflag:s0], $0x2800  }
0x79: {  	[sflag:s0] =	ssyncset.done $0x0  }
0x7a: {  	[sflag:s0] =	ssyncadd.s32 $0xFFFFD800  }
0x7b: {  	_ =	swait.ge [sflag:s30], $0x2800  }
0x7c: {  	[sflag:s30] =	ssyncset.done $0x0  }
0x7d: {  	s15 =	simm.s32 $0xC00;
	[sflag:s30] =	ssyncadd.s32 $0xFFFFD800  }
0x7e: {  	s16 =	simm.s32 $0x5C00;
	v1 =	vld [tilespmem:s15+$0x80]  }
0x7f: {  	v2 =	vld [tilespmem:s16+$0x80]  }
0x80: {  	v3 =	vld [tilespmem:s15+$0xFFFFFF80]  }
0x81: {  	v4 =	vld [tilespmem:s16+$0xFFFFFF80]  }
0x82: {  	v5 =	vld [tilespmem:s15+$0x0]  }
0x83: {  	v6 =	vld [tilespmem:s16+$0x0]  }
0x84: {  	v7 =	vld [tilespmem:s15+$0xFFFFFF00];
	v1 =	vmul.f32 v2, v1  }
0x85: {  	v2 =	vld [tilespmem:s16+$0xFFFFFF00]  }
0x86: {  	[tilespmem:s15+$0x80] =	vst v1;
	v1 =	vld [tilespmem:s15+$0x90]  }
0x87: {  	v3 =	vmul.f32 v4, v3;
	v4 =	vld [tilespmem:s16+$0x90]  }
0x88: {  	v8 =	vld [tilespmem:s15+$0xFFFFFF10]  }
0x89: {  	[tilespmem:s15+$0xFFFFFF80] =	vst v3;
	v3 =	vmul.f32 v6, v5;
	v5 =	vld [tilespmem:s15+$0xFFFFFF90]  }
0x8a: {  	v6 =	vld [tilespmem:s16+$0xFFFFFF90];
	v2 =	vmul.f32 v2, v7  }
0x8b: {  	[tilespmem:s15+$0x0] =	vst v3;
	v3 =	vld [tilespmem:s15+$0x10]  }
0x8c: {  	v7 =	vld [tilespmem:s16+$0x10];
	[tilespmem:s15+$0xFFFFFF00] =	vst v2;
	v1 =	vmul.f32 v4, v1  }
0x8d: {  	v2 =	vld [tilespmem:s16+$0xFFFFFF10]  }
0x8e: {  	[tilespmem:s15+$0x90] =	vst v1;
	v1 =	vld [tilespmem:s15+$0xA0]  }
0x8f: {  	v4 =	vmul.f32 v6, v5;
	v5 =	vld [tilespmem:s16+$0xA0]  }
0x90: {  	v6 =	vld [tilespmem:s15+$0xFFFFFF20]  }
0x91: {  	[tilespmem:s15+$0xFFFFFF90] =	vst v4;
	v3 =	vmul.f32 v7, v3;
	v4 =	vld [tilespmem:s15+$0xFFFFFFA0]  }
0x92: {  	v7 =	vld [tilespmem:s16+$0xFFFFFFA0];
	v2 =	vmul.f32 v2, v8  }
0x93: {  	[tilespmem:s15+$0x10] =	vst v3;
	v3 =	vld [tilespmem:s15+$0x20]  }
0x94: {  	v8 =	vld [tilespmem:s16+$0x20];
	[tilespmem:s15+$0xFFFFFF10] =	vst v2;
	v1 =	vmul.f32 v5, v1  }
0x95: {  	v2 =	vld [tilespmem:s16+$0xFFFFFF20]  }
0x96: {  	[tilespmem:s15+$0xA0] =	vst v1;
	v1 =	vld [tilespmem:s15+$0xB0]  }
0x97: {  	v4 =	vmul.f32 v7, v4;
	v5 =	vld [tilespmem:s16+$0xB0]  }
0x98: {  	v7 =	vld [tilespmem:s15+$0xFFFFFF30]  }
0x99: {  	[tilespmem:s15+$0xFFFFFFA0] =	vst v4;
	v3 =	vmul.f32 v8, v3;
	v4 =	vld [tilespmem:s15+$0xFFFFFFB0]  }
0x9a: {  	v8 =	vld [tilespmem:s16+$0xFFFFFFB0];
	v2 =	vmul.f32 v2, v6  }
0x9b: {  	[tilespmem:s15+$0x20] =	vst v3;
	v3 =	vld [tilespmem:s15+$0x30]  }
0x9c: {  	v6 =	vld [tilespmem:s16+$0x30];
	[tilespmem:s15+$0xFFFFFF20] =	vst v2;
	v1 =	vmul.f32 v5, v1  }
0x9d: {  	v2 =	vld [tilespmem:s16+$0xFFFFFF30]  }
0x9e: {  	[tilespmem:s15+$0xB0] =	vst v1;
	v1 =	vld [tilespmem:s15+$0xC0]  }
0x9f: {  	v4 =	vmul.f32 v8, v4;
	v5 =	vld [tilespmem:s16+$0xC0]  }
0xa0: {  	v8 =	vld [tilespmem:s15+$0xFFFFFF40]  }
0xa1: {  	[tilespmem:s15+$0xFFFFFFB0] =	vst v4;
	v3 =	vmul.f32 v6, v3;
	v4 =	vld [tilespmem:s15+$0xFFFFFFC0]  }
0xa2: {  	v6 =	vld [tilespmem:s16+$0xFFFFFFC0];
	v2 =	vmul.f32 v2, v7  }
0xa3: {  	[tilespmem:s15+$0x30] =	vst v3;
	v3 =	vld [tilespmem:s15+$0x40]  }
0xa4: {  	v7 =	vld [tilespmem:s16+$0x40];
	[tilespmem:s15+$0xFFFFFF30] =	vst v2;
	v1 =	vmul.f32 v5, v1  }
0xa5: {  	v2 =	vld [tilespmem:s16+$0xFFFFFF40]  }
0xa6: {  	[tilespmem:s15+$0xC0] =	vst v1;
	v1 =	vld [tilespmem:s15+$0xD0]  }
0xa7: {  	v4 =	vmul.f32 v6, v4;
	v5 =	vld [tilespmem:s16+$0xD0]  }
0xa8: {  	v6 =	vld [tilespmem:s15+$0xFFFFFF50]  }
0xa9: {  	[tilespmem:s15+$0xFFFFFFC0] =	vst v4;
	v3 =	vmul.f32 v7, v3;
	v4 =	vld [tilespmem:s15+$0xFFFFFFD0]  }
0xaa: {  	v7 =	vld [tilespmem:s16+$0xFFFFFFD0];
	v2 =	vmul.f32 v2, v8  }
0xab: {  	[tilespmem:s15+$0x40] =	vst v3;
	v3 =	vld [tilespmem:s15+$0x50]  }
0xac: {  	v8 =	vld [tilespmem:s16+$0x50];
	[tilespmem:s15+$0xFFFFFF40] =	vst v2;
	v1 =	vmul.f32 v5, v1  }
0xad: {  	v2 =	vld [tilespmem:s16+$0xFFFFFF50]  }
0xae: {  	[tilespmem:s15+$0xD0] =	vst v1;
	v1 =	vld [tilespmem:s15+$0xE0]  }
0xaf: {  	v4 =	vmul.f32 v7, v4;
	v5 =	vld [tilespmem:s16+$0xE0]  }
0xb0: {  	v7 =	vld [tilespmem:s15+$0xFFFFFF60]  }
0xb1: {  	[tilespmem:s15+$0xFFFFFFD0] =	vst v4;
	v3 =	vmul.f32 v8, v3;
	v4 =	vld [tilespmem:s15+$0xFFFFFFE0]  }
0xb2: {  	v8 =	vld [tilespmem:s16+$0xFFFFFFE0];
	v2 =	vmul.f32 v2, v6  }
0xb3: {  	[tilespmem:s15+$0x50] =	vst v3;
	v3 =	vld [tilespmem:s15+$0x60]  }
0xb4: {  	v6 =	vld [tilespmem:s16+$0x60];
	[tilespmem:s15+$0xFFFFFF50] =	vst v2;
	v1 =	vmul.f32 v5, v1  }
0xb5: {  	v5 =	vld [tilespmem:s16+$0xFFFFFF60]  }
0xb6: {  	v9 =	vld [tilespmem:s15+$0xF0];
	[tilespmem:s15+$0xE0] =	vst v1  }
0xb7: {  	v2 =	vmul.f32 v8, v4;
	v8 =	vld [tilespmem:s16+$0xF0]  }
0xb8: {  	v1 =	vld [tilespmem:s15+$0xFFFFFF70]  }
0xb9: {  	[tilespmem:s15+$0xFFFFFFE0] =	vst v2;
	v3 =	vmul.f32 v6, v3;
	v2 =	vld [tilespmem:s15+$0xFFFFFFF0]  }
0xba: {  	v4 =	vld [tilespmem:s16+$0xFFFFFFF0];
	v5 =	vmul.f32 v5, v7  }
0xbb: {  	[tilespmem:s15+$0x60] =	vst v3;
	v3 =	vld [tilespmem:s15+$0x70]  }
0xbc: {  	[tilespmem:s15+$0xFFFFFF60] =	vst v5;
	v5 =	vld [tilespmem:s16+$0x70];
	v7 =	vmul.f32 v8, v9  }
0xbd: {  	s17 =	simm.s32 $0x0;
	s18 =	simm.s32 $0xE00;
	v6 =	vld [tilespmem:s16+$0xFFFFFF70]  }
.LBB2_9:
0xbe: {  	v8 =	vld [tilespmem:s18+$0x80];
	[tilespmem:s15+$0xF0] =	vst v7;
	s16 =	sadd.s32 $0x200, s16  }
0xbf: {  	s17 =	sadd.s32 $0x4, s17;
	v7 =	vld [tilespmem:s16+$0x80];
	v2 =	vmul.f32 v4, v2  }
0xc0: {  	p1 =	slt.u32 s17, $0x4C;
	v4 =	vld [tilespmem:s16+$0xFFFFFF00]  }
0xc1: {  	v9 =	vld [tilespmem:s18+$0xFFFFFF80];
	[tilespmem:s15+$0xFFFFFFF0] =	vst v2;
	v2 =	vmul.f32 v5, v3  }
0xc2: {  	v3 =	vld [tilespmem:s16+$0xFFFFFF80];
	v1 =	vmul.f32 v6, v1  }
0xc3: {  	v5 =	vld [tilespmem:s18+$0x0];
	[tilespmem:s15+$0x70] =	vst v2  }
0xc4: {  	v2 =	vld [tilespmem:s16+$0x0];
	v6 =	vmul.f32 v7, v8;
	[tilespmem:s15+$0xFFFFFF70] =	vst v1;
	s15 =	smov.u32 s18  }
0xc5: {  	v1 =	vld [tilespmem:s18+$0xFFFFFF00]  }
0xc6: {  	[tilespmem:s18+$0x80] =	vst v6;
	v6 =	vld [tilespmem:s18+$0x90]  }
0xc7: {  	v3 =	vmul.f32 v3, v9;
	v7 =	vld [tilespmem:s16+$0x90]  }
0xc8: {  	v8 =	vld [tilespmem:s18+$0xFFFFFF10]  }
0xc9: {  	[tilespmem:s18+$0xFFFFFF80] =	vst v3;
	v3 =	vld [tilespmem:s18+$0xFFFFFF90];
	v2 =	vmul.f32 v2, v5  }
0xca: {  	v1 =	vmul.f32 v4, v1;
	v4 =	vld [tilespmem:s16+$0xFFFFFF90]  }
0xcb: {  	[tilespmem:s18+$0x0] =	vst v2;
	v2 =	vld [tilespmem:s18+$0x10]  }
0xcc: {  	[tilespmem:s18+$0xFFFFFF00] =	vst v1;
	v1 =	vld [tilespmem:s16+$0x10];
	v5 =	vmul.f32 v7, v6  }
0xcd: {  	v6 =	vld [tilespmem:s16+$0xFFFFFF10]  }
0xce: {  	[tilespmem:s18+$0x90] =	vst v5;
	v5 =	vld [tilespmem:s18+$0xA0]  }
0xcf: {  	v3 =	vmul.f32 v4, v3;
	v4 =	vld [tilespmem:s16+$0xA0]  }
0xd0: {  	v7 =	vld [tilespmem:s18+$0xFFFFFF20]  }
0xd1: {  	[tilespmem:s18+$0xFFFFFF90] =	vst v3;
	v3 =	vld [tilespmem:s18+$0xFFFFFFA0];
	v1 =	vmul.f32 v1, v2  }
0xd2: {  	v2 =	vmul.f32 v6, v8;
	v6 =	vld [tilespmem:s16+$0xFFFFFFA0]  }
0xd3: {  	[tilespmem:s18+$0x10] =	vst v1;
	v1 =	vld [tilespmem:s18+$0x20]  }
0xd4: {  	[tilespmem:s18+$0xFFFFFF10] =	vst v2;
	v2 =	vld [tilespmem:s16+$0x20];
	v4 =	vmul.f32 v4, v5  }
0xd5: {  	v5 =	vld [tilespmem:s16+$0xFFFFFF20]  }
0xd6: {  	[tilespmem:s18+$0xA0] =	vst v4;
	v4 =	vld [tilespmem:s18+$0xB0]  }
0xd7: {  	v3 =	vmul.f32 v6, v3;
	v6 =	vld [tilespmem:s16+$0xB0]  }
0xd8: {  	v8 =	vld [tilespmem:s18+$0xFFFFFF30]  }
0xd9: {  	[tilespmem:s18+$0xFFFFFFA0] =	vst v3;
	v3 =	vld [tilespmem:s18+$0xFFFFFFB0];
	v1 =	vmul.f32 v2, v1  }
0xda: {  	v2 =	vmul.f32 v5, v7;
	v5 =	vld [tilespmem:s16+$0xFFFFFFB0]  }
0xdb: {  	[tilespmem:s18+$0x20] =	vst v1;
	v1 =	vld [tilespmem:s18+$0x30]  }
0xdc: {  	[tilespmem:s18+$0xFFFFFF20] =	vst v2;
	v2 =	vld [tilespmem:s16+$0x30];
	v4 =	vmul.f32 v6, v4  }
0xdd: {  	v6 =	vld [tilespmem:s16+$0xFFFFFF30]  }
0xde: {  	[tilespmem:s18+$0xB0] =	vst v4;
	v4 =	vld [tilespmem:s18+$0xC0]  }
0xdf: {  	v3 =	vmul.f32 v5, v3;
	v5 =	vld [tilespmem:s16+$0xC0]  }
0xe0: {  	v7 =	vld [tilespmem:s18+$0xFFFFFF40]  }
0xe1: {  	[tilespmem:s18+$0xFFFFFFB0] =	vst v3;
	v3 =	vld [tilespmem:s18+$0xFFFFFFC0];
	v1 =	vmul.f32 v2, v1  }
0xe2: {  	v2 =	vmul.f32 v6, v8;
	v6 =	vld [tilespmem:s16+$0xFFFFFFC0]  }
0xe3: {  	[tilespmem:s18+$0x30] =	vst v1;
	v1 =	vld [tilespmem:s18+$0x40]  }
0xe4: {  	[tilespmem:s18+$0xFFFFFF30] =	vst v2;
	v2 =	vld [tilespmem:s16+$0x40];
	v4 =	vmul.f32 v5, v4  }
0xe5: {  	v5 =	vld [tilespmem:s16+$0xFFFFFF40]  }
0xe6: {  	[tilespmem:s18+$0xC0] =	vst v4;
	v4 =	vld [tilespmem:s18+$0xD0]  }
0xe7: {  	v3 =	vmul.f32 v6, v3;
	v6 =	vld [tilespmem:s16+$0xD0]  }
0xe8: {  	v8 =	vld [tilespmem:s18+$0xFFFFFF50]  }
0xe9: {  	[tilespmem:s18+$0xFFFFFFC0] =	vst v3;
	v3 =	vld [tilespmem:s18+$0xFFFFFFD0];
	v1 =	vmul.f32 v2, v1  }
0xea: {  	v2 =	vmul.f32 v5, v7;
	v5 =	vld [tilespmem:s16+$0xFFFFFFD0]  }
0xeb: {  	[tilespmem:s18+$0x40] =	vst v1;
	v1 =	vld [tilespmem:s18+$0x50]  }
0xec: {  	[tilespmem:s18+$0xFFFFFF40] =	vst v2;
	v2 =	vld [tilespmem:s16+$0x50];
	v4 =	vmul.f32 v6, v4  }
0xed: {  	v6 =	vld [tilespmem:s16+$0xFFFFFF50]  }
0xee: {  	[tilespmem:s18+$0xD0] =	vst v4;
	v4 =	vld [tilespmem:s18+$0xE0]  }
0xef: {  	v3 =	vmul.f32 v5, v3;
	v5 =	vld [tilespmem:s16+$0xE0]  }
0xf0: {  	v7 =	vld [tilespmem:s18+$0xFFFFFF60]  }
0xf1: {  	[tilespmem:s18+$0xFFFFFFD0] =	vst v3;
	v3 =	vld [tilespmem:s18+$0xFFFFFFE0];
	v1 =	vmul.f32 v2, v1  }
0xf2: {  	v2 =	vmul.f32 v6, v8;
	v6 =	vld [tilespmem:s16+$0xFFFFFFE0]  }
0xf3: {  	[tilespmem:s18+$0x50] =	vst v1;
	v8 =	vld [tilespmem:s18+$0x60]  }
0xf4: {  	[tilespmem:s18+$0xFFFFFF50] =	vst v2;
	v9 =	vld [tilespmem:s16+$0x60];
	v1 =	vmul.f32 v5, v4  }
0xf5: {  	v4 =	vld [tilespmem:s16+$0xFFFFFF60]  }
0xf6: {  	[tilespmem:s18+$0xE0] =	vst v1;
	v10 =	vld [tilespmem:s18+$0xF0]  }
0xf7: {  	v2 =	vmul.f32 v6, v3;
	v6 =	vld [tilespmem:s16+$0xF0]  }
0xf8: {  	v1 =	vld [tilespmem:s18+$0xFFFFFF70]  }
.Ltmp8:
0xf9: {  	[tilespmem:s18+$0xFFFFFFE0] =	vst v2;
	v2 =	vld [tilespmem:s18+$0xFFFFFFF0];
	v3 =	vmul.f32 v9, v8;
	(pc) =	sbr.rel @p1 .LBB2_9-.Ltmp8, $4  }
0xfa: {  	v5 =	vmul.f32 v4, v7;
	v4 =	vld [tilespmem:s16+$0xFFFFFFF0]  }
0xfb: {  	[tilespmem:s18+$0x60] =	vst v3;
	v3 =	vld [tilespmem:s18+$0x70]  }
0xfc: {  	[tilespmem:s18+$0xFFFFFF60] =	vst v5;
	v5 =	vld [tilespmem:s16+$0x70];
	v7 =	vmul.f32 v6, v10  }
0xfd: {  	s18 =	sadd.s32 $0x200, s18;
	v6 =	vld [tilespmem:s16+$0xFFFFFF70]  }
0xfe: {  	_ =	sdelay $0x1  }
0xff: {  	v2 =	vmul.f32 v4, v2  }
0x100: {  	[tilespmem:s15+$0xF0] =	vst v7;
	v3 =	vmul.f32 v5, v3  }
0x101: {  	s14 =	sadd.s32 @!p0 s6, s14;
	[tilespmem:s15+$0xFFFFFFF0] =	vst v2;
	v1 =	vmul.f32 v6, v1  }
0x102: {  	s14 =	sshll.u32 @!p0 s14, $0x4;
	[tilespmem:s15+$0x70] =	vst v3  }
0x103: {  	s16 =	simm.s32 @!p0 $0x5B00;
	s14 =	sadd.s32 @!p0 s7, s14;
	[tilespmem:s15+$0xFFFFFF70] =	vst v1;
	s15 =	simm.s32 @!p0 $0x0  }
0x104: {  	[tilespmem:s16], [sflag:$0x3] =	stream.linear.gather @!p0 [hbm4b:s14+s15], $0x2800, $0x38;
	[tilespmem:$0x1BF00] =	vst v63  }
0x105: {  	p0 =	sne.s32 s13, $0x0  }
.Ltmp9:
0x106: {  	_ = 	snop;
	(pc) =	sbr.rel @!p0 .LBB2_11-.Ltmp9, $4  }
0x107: {  	_ =	swait.ge [sflag:s9], $0x50  }
0x108: {  	[sflag:s9] =	ssyncset.done $0x0  }
0x109: {  	[sflag:s9] =	ssyncadd.s32 $0xFFFFFFB0  }
0x10a: {  	[spmem:s3] =	stream.indirect.scatter.add.f32 [tilespmem:s23], [sflag:$0x6], $0x80, s24, s26, $0xb8;
	[tilespmem:$0x1BF00] =	vst v63  }
.LBB2_12:
0x10b: {  	_ =	swait.ge [sflag:s28], $0x2800;
	s13 =	sadd.s32 $0x1, s12;
	p0 =	seq.s32 s12, $0x1E  }
0x10c: {  	[sflag:s28] =	ssyncset.done $0x0;
	s12 =	smul.u32 @!p0 $0x50, s13  }
0x10d: {  	s14 =	simm.s32 @!p0 $0x50;
	s15 =	simm.s32 @!p0 $0xB00;
	[sflag:s28] =	ssyncadd.s32 $0xFFFFD800  }
0x10e: {  	[tilespmem:s15], [sflag:$0x1] =	stream.indirect.gather @!p0 [hbm4b:s1+s14], $0x80, s12, s14, $0xb8;
	[tilespmem:$0x1BF00] =	vst v63  }
0x10f: {  	s14 =	sadd.s32 @!p0 s4, s12  }
0x110: {  	s14 =	sshrl.u32 @!p0 s14, $0x3  }
0x111: {  	s16 =	simm.s32 @!p0 $0xA00;
	s15 =	simm.s32 @!p0 $0x0;
	s14 =	sadd.s32 @!p0 s8, s14  }
0x112: {  	[tilespmem:s16], [sflag:$0x4] =	stream.linear.gather @!p0 [hbm4b:s14+s15], $0x50, $0x38;
	[tilespmem:$0x1BF00] =	vst v63  }
0x113: {  	_ =	swait.ge [sflag:s29], $0x2800  }
0x114: {  	[sflag:s29] =	ssyncset.done $0x0  }
0x115: {  	[sflag:s29] =	ssyncadd.s32 $0xFFFFD800  }
0x116: {  	_ =	swait.ge [sflag:s30], $0x2800  }
0x117: {  	[sflag:s30] =	ssyncset.done $0x0  }
0x118: {  	s14 =	simm.s32 $0x3400;
	[sflag:s30] =	ssyncadd.s32 $0xFFFFD800  }
0x119: {  	s15 =	simm.s32 $0x5C00;
	v1 =	vld [tilespmem:s14+$0x80]  }
0x11a: {  	v2 =	vld [tilespmem:s15+$0x80]  }
0x11b: {  	v3 =	vld [tilespmem:s14+$0xFFFFFF80]  }
0x11c: {  	v4 =	vld [tilespmem:s15+$0xFFFFFF80]  }
0x11d: {  	v5 =	vld [tilespmem:s14+$0x0]  }
0x11e: {  	v6 =	vld [tilespmem:s15+$0x0]  }
0x11f: {  	v7 =	vld [tilespmem:s14+$0xFFFFFF00];
	v1 =	vmul.f32 v2, v1  }
0x120: {  	v2 =	vld [tilespmem:s15+$0xFFFFFF00]  }
0x121: {  	[tilespmem:s14+$0x80] =	vst v1;
	v1 =	vld [tilespmem:s14+$0x90]  }
0x122: {  	v3 =	vmul.f32 v4, v3;
	v4 =	vld [tilespmem:s15+$0x90]  }
0x123: {  	v8 =	vld [tilespmem:s14+$0xFFFFFF10]  }
0x124: {  	[tilespmem:s14+$0xFFFFFF80] =	vst v3;
	v3 =	vmul.f32 v6, v5;
	v5 =	vld [tilespmem:s14+$0xFFFFFF90]  }
0x125: {  	v6 =	vld [tilespmem:s15+$0xFFFFFF90];
	v2 =	vmul.f32 v2, v7  }
0x126: {  	[tilespmem:s14+$0x0] =	vst v3;
	v3 =	vld [tilespmem:s14+$0x10]  }
0x127: {  	v7 =	vld [tilespmem:s15+$0x10];
	[tilespmem:s14+$0xFFFFFF00] =	vst v2;
	v1 =	vmul.f32 v4, v1  }
0x128: {  	v2 =	vld [tilespmem:s15+$0xFFFFFF10]  }
0x129: {  	[tilespmem:s14+$0x90] =	vst v1;
	v1 =	vld [tilespmem:s14+$0xA0]  }
0x12a: {  	v4 =	vmul.f32 v6, v5;
	v5 =	vld [tilespmem:s15+$0xA0]  }
0x12b: {  	v6 =	vld [tilespmem:s14+$0xFFFFFF20]  }
0x12c: {  	[tilespmem:s14+$0xFFFFFF90] =	vst v4;
	v3 =	vmul.f32 v7, v3;
	v4 =	vld [tilespmem:s14+$0xFFFFFFA0]  }
0x12d: {  	v7 =	vld [tilespmem:s15+$0xFFFFFFA0];
	v2 =	vmul.f32 v2, v8  }
0x12e: {  	[tilespmem:s14+$0x10] =	vst v3;
	v3 =	vld [tilespmem:s14+$0x20]  }
0x12f: {  	v8 =	vld [tilespmem:s15+$0x20];
	[tilespmem:s14+$0xFFFFFF10] =	vst v2;
	v1 =	vmul.f32 v5, v1  }
0x130: {  	v2 =	vld [tilespmem:s15+$0xFFFFFF20]  }
0x131: {  	[tilespmem:s14+$0xA0] =	vst v1;
	v1 =	vld [tilespmem:s14+$0xB0]  }
0x132: {  	v4 =	vmul.f32 v7, v4;
	v5 =	vld [tilespmem:s15+$0xB0]  }
0x133: {  	v7 =	vld [tilespmem:s14+$0xFFFFFF30]  }
0x134: {  	[tilespmem:s14+$0xFFFFFFA0] =	vst v4;
	v3 =	vmul.f32 v8, v3;
	v4 =	vld [tilespmem:s14+$0xFFFFFFB0]  }
0x135: {  	v8 =	vld [tilespmem:s15+$0xFFFFFFB0];
	v2 =	vmul.f32 v2, v6  }
0x136: {  	[tilespmem:s14+$0x20] =	vst v3;
	v3 =	vld [tilespmem:s14+$0x30]  }
0x137: {  	v6 =	vld [tilespmem:s15+$0x30];
	[tilespmem:s14+$0xFFFFFF20] =	vst v2;
	v1 =	vmul.f32 v5, v1  }
0x138: {  	v2 =	vld [tilespmem:s15+$0xFFFFFF30]  }
0x139: {  	[tilespmem:s14+$0xB0] =	vst v1;
	v1 =	vld [tilespmem:s14+$0xC0]  }
0x13a: {  	v4 =	vmul.f32 v8, v4;
	v5 =	vld [tilespmem:s15+$0xC0]  }
0x13b: {  	v8 =	vld [tilespmem:s14+$0xFFFFFF40]  }
0x13c: {  	[tilespmem:s14+$0xFFFFFFB0] =	vst v4;
	v3 =	vmul.f32 v6, v3;
	v4 =	vld [tilespmem:s14+$0xFFFFFFC0]  }
0x13d: {  	v6 =	vld [tilespmem:s15+$0xFFFFFFC0];
	v2 =	vmul.f32 v2, v7  }
0x13e: {  	[tilespmem:s14+$0x30] =	vst v3;
	v3 =	vld [tilespmem:s14+$0x40]  }
0x13f: {  	v7 =	vld [tilespmem:s15+$0x40];
	[tilespmem:s14+$0xFFFFFF30] =	vst v2;
	v1 =	vmul.f32 v5, v1  }
0x140: {  	v2 =	vld [tilespmem:s15+$0xFFFFFF40]  }
0x141: {  	[tilespmem:s14+$0xC0] =	vst v1;
	v1 =	vld [tilespmem:s14+$0xD0]  }
0x142: {  	v4 =	vmul.f32 v6, v4;
	v5 =	vld [tilespmem:s15+$0xD0]  }
0x143: {  	v6 =	vld [tilespmem:s14+$0xFFFFFF50]  }
0x144: {  	[tilespmem:s14+$0xFFFFFFC0] =	vst v4;
	v3 =	vmul.f32 v7, v3;
	v4 =	vld [tilespmem:s14+$0xFFFFFFD0]  }
0x145: {  	v7 =	vld [tilespmem:s15+$0xFFFFFFD0];
	v2 =	vmul.f32 v2, v8  }
0x146: {  	[tilespmem:s14+$0x40] =	vst v3;
	v3 =	vld [tilespmem:s14+$0x50]  }
0x147: {  	v8 =	vld [tilespmem:s15+$0x50];
	[tilespmem:s14+$0xFFFFFF40] =	vst v2;
	v1 =	vmul.f32 v5, v1  }
0x148: {  	v2 =	vld [tilespmem:s15+$0xFFFFFF50]  }
0x149: {  	[tilespmem:s14+$0xD0] =	vst v1;
	v1 =	vld [tilespmem:s14+$0xE0]  }
0x14a: {  	v4 =	vmul.f32 v7, v4;
	v5 =	vld [tilespmem:s15+$0xE0]  }
0x14b: {  	v7 =	vld [tilespmem:s14+$0xFFFFFF60]  }
0x14c: {  	[tilespmem:s14+$0xFFFFFFD0] =	vst v4;
	v3 =	vmul.f32 v8, v3;
	v4 =	vld [tilespmem:s14+$0xFFFFFFE0]  }
0x14d: {  	v8 =	vld [tilespmem:s15+$0xFFFFFFE0];
	v2 =	vmul.f32 v2, v6  }
0x14e: {  	[tilespmem:s14+$0x50] =	vst v3;
	v3 =	vld [tilespmem:s14+$0x60]  }
0x14f: {  	v6 =	vld [tilespmem:s15+$0x60];
	[tilespmem:s14+$0xFFFFFF50] =	vst v2;
	v1 =	vmul.f32 v5, v1  }
0x150: {  	v5 =	vld [tilespmem:s15+$0xFFFFFF60]  }
0x151: {  	v9 =	vld [tilespmem:s14+$0xF0];
	[tilespmem:s14+$0xE0] =	vst v1  }
0x152: {  	v2 =	vmul.f32 v8, v4;
	v8 =	vld [tilespmem:s15+$0xF0]  }
0x153: {  	v1 =	vld [tilespmem:s14+$0xFFFFFF70]  }
0x154: {  	[tilespmem:s14+$0xFFFFFFE0] =	vst v2;
	v3 =	vmul.f32 v6, v3;
	v2 =	vld [tilespmem:s14+$0xFFFFFFF0]  }
0x155: {  	v4 =	vld [tilespmem:s15+$0xFFFFFFF0];
	v5 =	vmul.f32 v5, v7  }
0x156: {  	[tilespmem:s14+$0x60] =	vst v3;
	v3 =	vld [tilespmem:s14+$0x70]  }
0x157: {  	[tilespmem:s14+$0xFFFFFF60] =	vst v5;
	v5 =	vld [tilespmem:s15+$0x70];
	v7 =	vmul.f32 v8, v9  }
0x158: {  	s17 =	simm.s32 $0x3600;
	s16 =	simm.s32 $0x0;
	v6 =	vld [tilespmem:s15+$0xFFFFFF70]  }
.LBB2_13:
0x159: {  	v8 =	vld [tilespmem:s17+$0x80];
	[tilespmem:s14+$0xF0] =	vst v7;
	s15 =	sadd.s32 $0x200, s15  }
0x15a: {  	s16 =	sadd.s32 $0x4, s16;
	v7 =	vld [tilespmem:s15+$0x80];
	v2 =	vmul.f32 v4, v2  }
0x15b: {  	p1 =	slt.u32 s16, $0x4C;
	v4 =	vld [tilespmem:s15+$0xFFFFFF00]  }
0x15c: {  	v9 =	vld [tilespmem:s17+$0xFFFFFF80];
	[tilespmem:s14+$0xFFFFFFF0] =	vst v2;
	v2 =	vmul.f32 v5, v3  }
0x15d: {  	v3 =	vld [tilespmem:s15+$0xFFFFFF80];
	v1 =	vmul.f32 v6, v1  }
0x15e: {  	v5 =	vld [tilespmem:s17+$0x0];
	[tilespmem:s14+$0x70] =	vst v2  }
0x15f: {  	v2 =	vld [tilespmem:s15+$0x0];
	v6 =	vmul.f32 v7, v8;
	[tilespmem:s14+$0xFFFFFF70] =	vst v1;
	s14 =	smov.u32 s17  }
0x160: {  	v1 =	vld [tilespmem:s17+$0xFFFFFF00]  }
0x161: {  	[tilespmem:s17+$0x80] =	vst v6;
	v6 =	vld [tilespmem:s17+$0x90]  }
0x162: {  	v3 =	vmul.f32 v3, v9;
	v7 =	vld [tilespmem:s15+$0x90]  }
0x163: {  	v8 =	vld [tilespmem:s17+$0xFFFFFF10]  }
0x164: {  	[tilespmem:s17+$0xFFFFFF80] =	vst v3;
	v3 =	vld [tilespmem:s17+$0xFFFFFF90];
	v2 =	vmul.f32 v2, v5  }
0x165: {  	v1 =	vmul.f32 v4, v1;
	v4 =	vld [tilespmem:s15+$0xFFFFFF90]  }
0x166: {  	[tilespmem:s17+$0x0] =	vst v2;
	v2 =	vld [tilespmem:s17+$0x10]  }
0x167: {  	[tilespmem:s17+$0xFFFFFF00] =	vst v1;
	v1 =	vld [tilespmem:s15+$0x10];
	v5 =	vmul.f32 v7, v6  }
0x168: {  	v6 =	vld [tilespmem:s15+$0xFFFFFF10]  }
0x169: {  	[tilespmem:s17+$0x90] =	vst v5;
	v5 =	vld [tilespmem:s17+$0xA0]  }
0x16a: {  	v3 =	vmul.f32 v4, v3;
	v4 =	vld [tilespmem:s15+$0xA0]  }
0x16b: {  	v7 =	vld [tilespmem:s17+$0xFFFFFF20]  }
0x16c: {  	[tilespmem:s17+$0xFFFFFF90] =	vst v3;
	v3 =	vld [tilespmem:s17+$0xFFFFFFA0];
	v1 =	vmul.f32 v1, v2  }
0x16d: {  	v2 =	vmul.f32 v6, v8;
	v6 =	vld [tilespmem:s15+$0xFFFFFFA0]  }
0x16e: {  	[tilespmem:s17+$0x10] =	vst v1;
	v1 =	vld [tilespmem:s17+$0x20]  }
0x16f: {  	[tilespmem:s17+$0xFFFFFF10] =	vst v2;
	v2 =	vld [tilespmem:s15+$0x20];
	v4 =	vmul.f32 v4, v5  }
0x170: {  	v5 =	vld [tilespmem:s15+$0xFFFFFF20]  }
0x171: {  	[tilespmem:s17+$0xA0] =	vst v4;
	v4 =	vld [tilespmem:s17+$0xB0]  }
0x172: {  	v3 =	vmul.f32 v6, v3;
	v6 =	vld [tilespmem:s15+$0xB0]  }
0x173: {  	v8 =	vld [tilespmem:s17+$0xFFFFFF30]  }
0x174: {  	[tilespmem:s17+$0xFFFFFFA0] =	vst v3;
	v3 =	vld [tilespmem:s17+$0xFFFFFFB0];
	v1 =	vmul.f32 v2, v1  }
0x175: {  	v2 =	vmul.f32 v5, v7;
	v5 =	vld [tilespmem:s15+$0xFFFFFFB0]  }
0x176: {  	[tilespmem:s17+$0x20] =	vst v1;
	v1 =	vld [tilespmem:s17+$0x30]  }
0x177: {  	[tilespmem:s17+$0xFFFFFF20] =	vst v2;
	v2 =	vld [tilespmem:s15+$0x30];
	v4 =	vmul.f32 v6, v4  }
0x178: {  	v6 =	vld [tilespmem:s15+$0xFFFFFF30]  }
0x179: {  	[tilespmem:s17+$0xB0] =	vst v4;
	v4 =	vld [tilespmem:s17+$0xC0]  }
0x17a: {  	v3 =	vmul.f32 v5, v3;
	v5 =	vld [tilespmem:s15+$0xC0]  }
0x17b: {  	v7 =	vld [tilespmem:s17+$0xFFFFFF40]  }
0x17c: {  	[tilespmem:s17+$0xFFFFFFB0] =	vst v3;
	v3 =	vld [tilespmem:s17+$0xFFFFFFC0];
	v1 =	vmul.f32 v2, v1  }
0x17d: {  	v2 =	vmul.f32 v6, v8;
	v6 =	vld [tilespmem:s15+$0xFFFFFFC0]  }
0x17e: {  	[tilespmem:s17+$0x30] =	vst v1;
	v1 =	vld [tilespmem:s17+$0x40]  }
0x17f: {  	[tilespmem:s17+$0xFFFFFF30] =	vst v2;
	v2 =	vld [tilespmem:s15+$0x40];
	v4 =	vmul.f32 v5, v4  }
0x180: {  	v5 =	vld [tilespmem:s15+$0xFFFFFF40]  }
0x181: {  	[tilespmem:s17+$0xC0] =	vst v4;
	v4 =	vld [tilespmem:s17+$0xD0]  }
0x182: {  	v3 =	vmul.f32 v6, v3;
	v6 =	vld [tilespmem:s15+$0xD0]  }
0x183: {  	v8 =	vld [tilespmem:s17+$0xFFFFFF50]  }
0x184: {  	[tilespmem:s17+$0xFFFFFFC0] =	vst v3;
	v3 =	vld [tilespmem:s17+$0xFFFFFFD0];
	v1 =	vmul.f32 v2, v1  }
0x185: {  	v2 =	vmul.f32 v5, v7;
	v5 =	vld [tilespmem:s15+$0xFFFFFFD0]  }
0x186: {  	[tilespmem:s17+$0x40] =	vst v1;
	v1 =	vld [tilespmem:s17+$0x50]  }
0x187: {  	[tilespmem:s17+$0xFFFFFF40] =	vst v2;
	v2 =	vld [tilespmem:s15+$0x50];
	v4 =	vmul.f32 v6, v4  }
0x188: {  	v6 =	vld [tilespmem:s15+$0xFFFFFF50]  }
0x189: {  	[tilespmem:s17+$0xD0] =	vst v4;
	v4 =	vld [tilespmem:s17+$0xE0]  }
0x18a: {  	v3 =	vmul.f32 v5, v3;
	v5 =	vld [tilespmem:s15+$0xE0]  }
0x18b: {  	v7 =	vld [tilespmem:s17+$0xFFFFFF60]  }
0x18c: {  	[tilespmem:s17+$0xFFFFFFD0] =	vst v3;
	v3 =	vld [tilespmem:s17+$0xFFFFFFE0];
	v1 =	vmul.f32 v2, v1  }
0x18d: {  	v2 =	vmul.f32 v6, v8;
	v6 =	vld [tilespmem:s15+$0xFFFFFFE0]  }
0x18e: {  	[tilespmem:s17+$0x50] =	vst v1;
	v8 =	vld [tilespmem:s17+$0x60]  }
0x18f: {  	[tilespmem:s17+$0xFFFFFF50] =	vst v2;
	v9 =	vld [tilespmem:s15+$0x60];
	v1 =	vmul.f32 v5, v4  }
0x190: {  	v4 =	vld [tilespmem:s15+$0xFFFFFF60]  }
0x191: {  	[tilespmem:s17+$0xE0] =	vst v1;
	v10 =	vld [tilespmem:s17+$0xF0]  }
0x192: {  	v2 =	vmul.f32 v6, v3;
	v6 =	vld [tilespmem:s15+$0xF0]  }
0x193: {  	v1 =	vld [tilespmem:s17+$0xFFFFFF70]  }
.Ltmp10:
0x194: {  	[tilespmem:s17+$0xFFFFFFE0] =	vst v2;
	v2 =	vld [tilespmem:s17+$0xFFFFFFF0];
	v3 =	vmul.f32 v9, v8;
	(pc) =	sbr.rel @p1 .LBB2_13-.Ltmp10, $4  }
0x195: {  	v5 =	vmul.f32 v4, v7;
	v4 =	vld [tilespmem:s15+$0xFFFFFFF0]  }
0x196: {  	[tilespmem:s17+$0x60] =	vst v3;
	v3 =	vld [tilespmem:s17+$0x70]  }
0x197: {  	[tilespmem:s17+$0xFFFFFF60] =	vst v5;
	v5 =	vld [tilespmem:s15+$0x70];
	v7 =	vmul.f32 v6, v10  }
0x198: {  	s17 =	sadd.s32 $0x200, s17;
	v6 =	vld [tilespmem:s15+$0xFFFFFF70]  }
0x199: {  	_ =	sdelay $0x1  }
0x19a: {  	v2 =	vmul.f32 v4, v2  }
0x19b: {  	[tilespmem:s14+$0xF0] =	vst v7;
	v3 =	vmul.f32 v5, v3  }
0x19c: {  	s12 =	sadd.s32 @!p0 s6, s12;
	[tilespmem:s14+$0xFFFFFFF0] =	vst v2;
	v1 =	vmul.f32 v6, v1  }
0x19d: {  	s12 =	sshll.u32 @!p0 s12, $0x4;
	[tilespmem:s14+$0x70] =	vst v3  }
0x19e: {  	s15 =	simm.s32 @!p0 $0x5B00;
	s12 =	sadd.s32 @!p0 s7, s12;
	[tilespmem:s14+$0xFFFFFF70] =	vst v1;
	s14 =	simm.s32 @!p0 $0x0  }
0x19f: {  	[tilespmem:s15], [sflag:$0x3] =	stream.linear.gather @!p0 [hbm4b:s12+s14], $0x2800, $0x38;
	[tilespmem:$0x1BF00] =	vst v63  }
.Ltmp11:
0x1a0: {  	_ = 	snop;
	(pc) =	sbr.rel .LBB2_15-.Ltmp11, $4  }
0x1a1: {  	_ =	swait.ge [sflag:s31], $0x50  }
0x1a2: {  	[sflag:s31] =	ssyncset.done $0x0  }
0x1a3: {  	[sflag:s31] =	ssyncadd.s32 $0xFFFFFFB0  }
0x1a4: {  	[spmem:s3] =	stream.indirect.scatter.add.f32 [tilespmem:s25], [sflag:$0x7], $0x80, s2, s26, $0xb8;
	[tilespmem:$0x1BF00] =	vst v63  }
.LBB2_17:
0x1a5: {  	_ =	sfence.sel $0x180000  }
0x1a6: {  	[bflag:$0x0] =	sbarrier.arrive $0xFFFF  }
0x1a7: {  	_ =	strace $0x90000050  }
0x1a8: {  	s0 =	stileid.u32;
	[bflag:$0x2] =	sbarrier.arrive $0xFFFF  }
0x1a9: {  	p0 =	sne.s32 s0, $0x0;
	s0 =	rddreg [dreg:$0x3]  }
0x1aa: {  	s0 =	sadd.s32 @!p0 $0x100000, s0  }
0x1ab: {  	[sflag:s0] =	ssyncadd.tile.s32 @!p0 $0x1;
	_ =	shalt  }
.Lfunc_end2:
_tile_overlayer_lowered:
.L_overlay_start_2:
0x1ac: {  	(tag) =	ssettag $0x2  }
0x1ad: {  	s0 =	rddreg [dreg:$0x0];
	s2 =	stileid.u32  }
0x1ae: {  	s1 =	rddreg [dreg:$0x1];
	p0 =	sne.s32 s2, $0x0  }
0x1af: {  	s3 =	rddreg [dreg:$0x2];
	[bflag:$0x3] =	sbarrier.arrive $0xFFFF;
	s2 =	simm.s32 @!p0 $0x1C08  }
0x1b0: {  	[timem:s3], [sflag:s2] =	dma.local @!p0 [hbm:s0], s1  }
0x1b1: {  	s0 =	simm.s32 @!p0 $0x8  }
0x1b2: {  	_ =	swait.ge @!p0 [sflag:s0], s1  }
0x1b3: {  	s1 =	ssub.s32 @!p0 $0x0, s1;
	[sflag:s0] =	ssyncset.done @!p0 $0x0  }
0x1b4: {  	[sflag:s0] =	ssyncadd.s32 @!p0 s1  }
0x1b5: {  	[bflag:$0x3] =	sbarrier.arrive $0xFFFF  }
0x1b6: {  	_ =	shalt  }

</sc_bundles>
